<compile_context>
chip_gen: v7x
topology: tpu7x:2x2x1
jax: 0.10.2.dev20260603
libtpu: 0.0.44.dev20260713+nightly
codegen_flags: <defaults>
</compile_context>

<pallas_src>
import functools

import jax
import jax.numpy as jnp
from jax import lax
from jax.experimental import pallas as pl
from jax.experimental.pallas import tpu as pltpu
from jax.experimental.pallas import tpu_sc as plsc

N = 10000
E = 320000
D = 128
NC = 2
NS = 16
NW = NC * NS
CHUNK = 128
NCHUNKS = E // CHUNK
CPW = 80
LASTW = NW - 1
REAL_LAST = NCHUNKS - CPW * LASTW
PH = 40
N_PAD = 10112
BRC = N_PAD // CHUNK
ZJ = -(-BRC // NS)
RING = 8
TC_ROWS = 1000
TC_GRID = N // TC_ROWS

_sc_mesh = plsc.VectorSubcoreMesh(
    core_axis_name="c", subcore_axis_name="s", num_cores=NC, num_subcores=NS
)


def _stage_rows(est_hbm, last_hbm, vref, w, base, nrows, col, sem):

    def _src(j):
        return est_hbm.at[base + j, col]

    def _lsrc(j):
        return last_hbm.at[pl.ds((base - LASTW * CPW + j) * CHUNK, CHUNK)]

    @pl.when(w < LASTW)
    def _():
        for j in range(RING):
            pltpu.async_copy(_src(j), vref.at[j], sem)

        @pl.loop(0, nrows)
        def _(j):
            pltpu.make_async_copy(_src(j), vref.at[j], sem).wait()

            @pl.when(j + RING < nrows)
            def _():
                pltpu.async_copy(_src(j + RING), vref.at[j + RING], sem)

    @pl.when(w == LASTW)
    def _():
        for j in range(RING):
            pltpu.async_copy(_lsrc(j), vref.at[j], sem)

        @pl.loop(0, nrows)
        def _(j):
            pltpu.make_async_copy(_lsrc(j), vref.at[j], sem).wait()

            @pl.when(j + RING < nrows)
            def _():
                pltpu.async_copy(_lsrc(j + RING), vref.at[j + RING], sem)


@functools.partial(
    pl.kernel,
    out_type=(
        jax.ShapeDtypeStruct((N_PAD, 16), jnp.float32),
        jax.ShapeDtypeStruct((N_PAD, 16), jnp.float32),
    ),
    mesh=_sc_mesh,
    scratch_types=[
        pltpu.VMEM((CPW, CHUNK), jnp.int32),
        pltpu.VMEM((CHUNK, 16), jnp.float32),
        pltpu.VMEM((CHUNK, 16), jnp.float32),
        pltpu.VMEM_SHARED((N_PAD, 16), jnp.float32),
        pltpu.SemaphoreType.DMA,
        pltpu.SemaphoreType.DMA,
    ],
)
def _deg_pass(est_hbm, ldst_hbm, consts_hbm, deg0_hbm, deg1_hbm,
              dst_v, ones_v, zero_v, deg_sh, dsem, ssem):
    c = lax.axis_index("c")
    s = lax.axis_index("s")
    w = c * NS + s
    _stage_rows(est_hbm, ldst_hbm, dst_v, w, w * CPW, CPW, 1, ssem)
    pltpu.sync_copy(consts_hbm.at[0], ones_v)
    pltpu.sync_copy(consts_hbm.at[1], zero_v)
    for jj in range(ZJ):
        j = jj * NS + s

        @pl.when(j < BRC)
        def _():
            pltpu.sync_copy(zero_v, deg_sh.at[pl.ds(j * CHUNK, CHUNK)])

    plsc.subcore_barrier()

    for j in range(RING):
        pltpu.async_copy(ones_v, deg_sh.at[dst_v.at[j]], dsem, add=True)

    @pl.loop(0, CPW)
    def _(j):
        pltpu.make_async_copy(ones_v, deg_sh.at[dst_v.at[j]], dsem).wait()

        @pl.when(j + RING < CPW)
        def _():
            pltpu.async_copy(
                ones_v, deg_sh.at[dst_v.at[j + RING]], dsem, add=True
            )

    plsc.subcore_barrier()
    for jj in range(ZJ):
        j = jj * NS + s

        @pl.when(j < BRC)
        def _():
            sl = pl.ds(j * CHUNK, CHUNK)

            @pl.when(c == 0)
            def _():
                pltpu.sync_copy(deg_sh.at[sl], deg0_hbm.at[sl])

            @pl.when(c == 1)
            def _():
                pltpu.sync_copy(deg_sh.at[sl], deg1_hbm.at[sl])


@functools.partial(
    pl.kernel,
    out_type=(
        jax.ShapeDtypeStruct((N_PAD, D), jnp.float32),
        jax.ShapeDtypeStruct((N_PAD, D), jnp.float32),
    ),
    mesh=_sc_mesh,
    scratch_types=[
        pltpu.VMEM((PH, CHUNK), jnp.int32),
        pltpu.VMEM((PH, CHUNK), jnp.int32),
        pltpu.VMEM((2, CHUNK, D), jnp.float32),
        pltpu.VMEM_SHARED((N_PAD, D), jnp.float32),
        pltpu.SemaphoreType.DMA,
        pltpu.SemaphoreType.DMA,
    ],
)
def _edge_pass(g_hbm, est_hbm, lsrc_hbm, ldst_hbm,
               zrow_hbm, out0_hbm, out1_hbm,
               src_v, dst_v, rbuf_v, out_sh,
               gsem0, gsem1):
    c = lax.axis_index("c")
    s = lax.axis_index("s")
    w = c * NS + s
    pltpu.sync_copy(zrow_hbm, rbuf_v.at[0])
    for jj in range(ZJ):
        j = jj * NS + s

        @pl.when(j < BRC)
        def _():
            pltpu.sync_copy(rbuf_v.at[0], out_sh.at[pl.ds(j * CHUNK, CHUNK)])

    plsc.subcore_barrier()

    for p in range(2):
        base = w * CPW + p * PH
        _stage_rows(est_hbm, lsrc_hbm, src_v, w, base, PH, 0, gsem0)
        _stage_rows(est_hbm, ldst_hbm, dst_v, w, base, PH, 1, gsem1)
        pltpu.async_copy(g_hbm.at[src_v.at[0]], rbuf_v.at[0], gsem0)

        @pl.loop(0, PH, step=2)
        def _(j):
            for b in range(2):
                jj = j + b
                sem_b = gsem0 if b == 0 else gsem1
                sem_o = gsem1 if b == 0 else gsem0
                pltpu.make_async_copy(
                    g_hbm.at[src_v.at[jj]], rbuf_v.at[b], sem_b
                ).wait()

                @pl.when(jj + 1 < PH)
                def _():
                    pltpu.async_copy(
                        g_hbm.at[src_v.at[jj + 1]], rbuf_v.at[1 - b], sem_o
                    )

                pltpu.sync_copy(
                    rbuf_v.at[b], out_sh.at[dst_v.at[jj]], add=True
                )

    plsc.subcore_barrier()
    for jj in range(ZJ):
        j = jj * NS + s

        @pl.when(j < BRC)
        def _():
            sl = pl.ds(j * CHUNK, CHUNK)

            @pl.when(c == 0)
            def _():
                pltpu.sync_copy(out_sh.at[sl], out0_hbm.at[sl])

            @pl.when(c == 1)
            def _():
                pltpu.sync_copy(out_sh.at[sl], out1_hbm.at[sl])


def _mm_body(x_ref, w_ref, b_ref, d0_ref, d1_ref, g_ref):
    deg = d0_ref[...][:, :1] + d1_ref[...][:, :1] + 1.0
    dinv = lax.rsqrt(deg)
    h = lax.dot_general(
        x_ref[...], w_ref[...], (((1,), (1,)), ((), ())),
        preferred_element_type=jnp.float32,
    )
    g_ref[...] = (h + b_ref[...]) * dinv


def _fin_body(p0_ref, p1_ref, g_ref, d0_ref, d1_ref, o_ref):
    dinv = lax.rsqrt(d0_ref[...][:, :1] + d1_ref[...][:, :1] + 1.0)
    acc = (p0_ref[...] + p1_ref[...] + g_ref[...]) * dinv
    o_ref[...] = jnp.maximum(acc, 0.0)


def kernel(X, edge_index, W, b):
    ei = edge_index.astype(jnp.int32)
    est = ei.reshape(2, NCHUNKS, CHUNK).transpose(1, 0, 2)
    nfill = (CPW - REAL_LAST) * CHUNK
    fill = jnp.arange(nfill, dtype=jnp.int32)
    tail = lax.slice(est, (LASTW * CPW, 0, 0), (NCHUNKS, 2, CHUNK))
    lsrc = jnp.concatenate([tail[:, 0, :].reshape(-1), fill % N])
    ldst = jnp.concatenate([tail[:, 1, :].reshape(-1),
                            (fill % (N_PAD - N)) + N])
    consts = jnp.stack(
        [jnp.ones((CHUNK, 16), jnp.float32), jnp.zeros((CHUNK, 16), jnp.float32)]
    )
    zrow = jnp.zeros((CHUNK, D), jnp.float32)

    deg0, deg1 = _deg_pass(est, ldst, consts)

    g = pl.pallas_call(
        _mm_body,
        grid=(TC_GRID,),
        in_specs=[
            pl.BlockSpec((TC_ROWS, D), lambda i: (i, 0)),
            pl.BlockSpec((D, D), lambda i: (0, 0)),
            pl.BlockSpec((1, D), lambda i: (0, 0)),
            pl.BlockSpec((TC_ROWS, 16), lambda i: (i, 0)),
            pl.BlockSpec((TC_ROWS, 16), lambda i: (i, 0)),
        ],
        out_specs=pl.BlockSpec((TC_ROWS, D), lambda i: (i, 0)),
        out_shape=jax.ShapeDtypeStruct((N, D), jnp.float32),
    )(X, W, b.reshape(1, D), deg0, deg1)

    p0, p1 = _edge_pass(g, est, lsrc, ldst, zrow)

    out = pl.pallas_call(
        _fin_body,
        grid=(TC_GRID,),
        in_specs=[
            pl.BlockSpec((TC_ROWS, D), lambda i: (i, 0)),
            pl.BlockSpec((TC_ROWS, D), lambda i: (i, 0)),
            pl.BlockSpec((TC_ROWS, D), lambda i: (i, 0)),
            pl.BlockSpec((TC_ROWS, 16), lambda i: (i, 0)),
            pl.BlockSpec((TC_ROWS, 16), lambda i: (i, 0)),
        ],
        out_specs=pl.BlockSpec((TC_ROWS, D), lambda i: (i, 0)),
        out_shape=jax.ShapeDtypeStruct((N, D), jnp.float32),
    )(p0, p1, g, deg0, deg1)

    return out

# --- scband reference (transcript-rebuilt; emitter-appended) ---
"""Pipeline reference for scband-gcnconv-78048145703100 (READ-ONLY COPY).

The authoritative reference and input builder live on the scoring server;
editing this copy changes nothing except your own understanding.
"""

import jax, jax.numpy as jnp
import numpy as np

N_NODES = 10000
N_EDGES = 320000
D_IN = 128
D_OUT = 128

def setup_inputs(seed: int = 0) -> dict:
    key = jax.random.key(seed)
    k1, k2, k3, k4 = jax.random.split(key, 4)
    X = jax.random.normal(k1, (N_NODES, D_IN), dtype=jnp.float32)
    edge_index = jax.random.randint(k2, (2, N_EDGES), 0, N_NODES, dtype=jnp.int64)
    # Linear layer params (theta): kaiming-normal-ish weight, zero bias
    W = jax.random.normal(k3, (D_OUT, D_IN), dtype=jnp.float32) * jnp.sqrt(2.0 / D_IN)
    b = jnp.zeros((D_OUT,), dtype=jnp.float32)
    return {"X": X, "edge_index": edge_index, "W": W, "b": b}


def reference(X, edge_index, W, b):
    # theta (Linear)
    h = X @ W.T + b
    N = X.shape[0]
    src = edge_index[0]
    dst = edge_index[1]
    # GCN smoothing: D^{-1/2} (A + I) D^{-1/2} h  (with self-loops)
    self_idx = jnp.arange(N, dtype=src.dtype)
    src_a = jnp.concatenate([src, self_idx])
    dst_a = jnp.concatenate([dst, self_idx])
    deg = jnp.zeros((N,), dtype=h.dtype).at[dst_a].add(1.0)
    dinv = 1.0 / jnp.sqrt(jnp.clip(deg, 1.0, None))
    norm = dinv[src_a] * dinv[dst_a]
    msgs = h[src_a] * norm[:, None]
    out = jnp.zeros((N, h.shape[1]), dtype=h.dtype).at[dst_a].add(msgs)
    # is_last=False: ReLU; bn is None; dropout(p=0.0) is identity in eval
    out = jax.nn.relu(out)
    return out

if __name__ == "__main__":
    import jax
    _d = setup_inputs()
    print(jax.jit(kernel)(*tuple(_d.values())))

</pallas_src>

<mosaic_0001>
#map = affine_map<(d0, d1) -> (0, 0, 0)>
#map1 = affine_map<(d0, d1) -> (0)>
#map2 = affine_map<(d0, d1) -> (0, 0)>
module attributes {stable_mosaic.version = 14 : i64} {
  func.func @_deg_pass(%arg0: i32, %arg1: i32, %arg2: memref<2500x2x128xi32, #tpu.memory_space<hbm>>, %arg3: memref<10240xi32, #tpu.memory_space<hbm>>, %arg4: memref<2x128x16xf32, #tpu.memory_space<hbm>>, %arg5: memref<10112x16xf32, #tpu.memory_space<hbm>>, %arg6: memref<10112x16xf32, #tpu.memory_space<hbm>>, %arg7: memref<80x128xi32, #tpu.memory_space<vmem>>, %arg8: memref<128x16xf32, #tpu.memory_space<vmem>>, %arg9: memref<128x16xf32, #tpu.memory_space<vmem>>, %arg10: memref<10112x16xf32, #tpu.memory_space<vmem_shared>>, %arg11: memref<!tpu.dma_semaphore, #tpu.memory_space<semaphore_mem>>, %arg12: memref<!tpu.dma_semaphore, #tpu.memory_space<semaphore_mem>>) attributes {dimension_semantics = [#tpu.dimension_semantics<core_parallel>, #tpu.dimension_semantics<subcore_parallel>], iteration_bounds = array<i64: 2, 16>, scalar_prefetch = 0 : i64, scratch_operands = 6 : i64, tpu.core_type = #tpu.core_type<sc_vector_subcore>, window_params = [{transform_indices = #map}, {transform_indices = #map1}, {transform_indices = #map}, {transform_indices = #map2}, {transform_indices = #map2}]} {
    %mul3A = arith.constant 16 : i32
    %mul3A_0 = arith.muli %arg0, %mul3A : i32
    %add3A = arith.addi %mul3A_0, %arg1 : i32
    %mul3A_1 = arith.constant 80 : i32
    %mul3A_2 = arith.muli %add3A, %mul3A_1 : i32
    %lt3A = arith.constant 31 : i32
    %lt3A_3 = arith.cmpi slt, %add3A, %lt3A : i32
    %convert_element_type3A = arith.extui %lt3A_3 : i1 to i32
    %cond3A = arith.constant 0 : i32
    %cond3A_4 = arith.cmpi ne, %convert_element_type3A, %cond3A : i32
    scf.if %cond3A_4 {
      %add3A_140 = arith.constant 0 : i32
      %add3A_141 = arith.addi %mul3A_2, %add3A_140 : i32
      %dma_start3A_142 = arith.constant 1 : i32
      %dma_start3A_143 = arith.constant 0 : i32
      %dma_start3A_144 = arith.constant 0 : i32
      %dma_start3A_145 = tpu.memref_slice %arg7[%dma_start3A_143, %dma_start3A_144] : memref<80x128xi32, #tpu.memory_space<vmem>> -> memref<1x128xi32, #tpu.memory_space<vmem>>
      %dma_start3A_146 = tpu.memref_squeeze %dma_start3A_145 : memref<1x128xi32, #tpu.memory_space<vmem>> -> memref<128xi32, #tpu.memory_space<vmem>>
      %dma_start3A_147 = arith.constant 0 : i32
      %dma_start3A_148 = tpu.memref_slice %arg2[%add3A_141, %dma_start3A_142, %dma_start3A_147] : memref<2500x2x128xi32, #tpu.memory_space<hbm>> -> memref<1x1x128xi32, #tpu.memory_space<hbm>>
      %dma_start3A_149 = tpu.memref_squeeze %dma_start3A_148 : memref<1x1x128xi32, #tpu.memory_space<hbm>> -> memref<128xi32, #tpu.memory_space<hbm>>
      %dma_start3A_150 = arith.constant 0 : i32
      %dma_start3A_151 = tpu.memref_slice %arg7[%dma_start3A_143, %dma_start3A_150] : memref<80x128xi32, #tpu.memory_space<vmem>> -> memref<1x128xi32, #tpu.memory_space<vmem>>
      %dma_start3A_152 = tpu.memref_squeeze %dma_start3A_151 : memref<1x128xi32, #tpu.memory_space<vmem>> -> memref<128xi32, #tpu.memory_space<vmem>>
      %dma_start3A_153 = arith.constant 0 : i32
      %dma_start3A_154 = tpu.memref_slice %arg2[%add3A_141, %dma_start3A_142, %dma_start3A_153] : memref<2500x2x128xi32, #tpu.memory_space<hbm>> -> memref<1x1x128xi32, #tpu.memory_space<hbm>>
      %dma_start3A_155 = tpu.memref_squeeze %dma_start3A_154 : memref<1x1x128xi32, #tpu.memory_space<hbm>> -> memref<128xi32, #tpu.memory_space<hbm>>
      tpu.enqueue_dma source(%dma_start3A_155 : memref<128xi32, #tpu.memory_space<hbm>>) target(%dma_start3A_152 : memref<128xi32, #tpu.memory_space<vmem>>) target_semaphore(%arg12 : memref<!tpu.dma_semaphore, #tpu.memory_space<semaphore_mem>>)
      %add3A_156 = arith.constant 1 : i32
      %add3A_157 = arith.addi %mul3A_2, %add3A_156 : i32
      %dma_start3A_158 = arith.constant 1 : i32
      %dma_start3A_159 = arith.constant 1 : i32
      %dma_start3A_160 = arith.constant 0 : i32
      %dma_start3A_161 = tpu.memref_slice %arg7[%dma_start3A_159, %dma_start3A_160] : memref<80x128xi32, #tpu.memory_space<vmem>> -> memref<1x128xi32, #tpu.memory_space<vmem>>
      %dma_start3A_162 = tpu.memref_squeeze %dma_start3A_161 : memref<1x128xi32, #tpu.memory_space<vmem>> -> memref<128xi32, #tpu.memory_space<vmem>>
      %dma_start3A_163 = arith.constant 0 : i32
      %dma_start3A_164 = tpu.memref_slice %arg2[%add3A_157, %dma_start3A_158, %dma_start3A_163] : memref<2500x2x128xi32, #tpu.memory_space<hbm>> -> memref<1x1x128xi32, #tpu.memory_space<hbm>>
      %dma_start3A_165 = tpu.memref_squeeze %dma_start3A_164 : memref<1x1x128xi32, #tpu.memory_space<hbm>> -> memref<128xi32, #tpu.memory_space<hbm>>
      %dma_start3A_166 = arith.constant 0 : i32
      %dma_start3A_167 = tpu.memref_slice %arg7[%dma_start3A_159, %dma_start3A_166] : memref<80x128xi32, #tpu.memory_space<vmem>> -> memref<1x128xi32, #tpu.memory_space<vmem>>
      %dma_start3A_168 = tpu.memref_squeeze %dma_start3A_167 : memref<1x128xi32, #tpu.memory_space<vmem>> -> memref<128xi32, #tpu.memory_space<vmem>>
      %dma_start3A_169 = arith.constant 0 : i32
      %dma_start3A_170 = tpu.memref_slice %arg2[%add3A_157, %dma_start3A_158, %dma_start3A_169] : memref<2500x2x128xi32, #tpu.memory_space<hbm>> -> memref<1x1x128xi32, #tpu.memory_space<hbm>>
      %dma_start3A_171 = tpu.memref_squeeze %dma_start3A_170 : memref<1x1x128xi32, #tpu.memory_space<hbm>> -> memref<128xi32, #tpu.memory_space<hbm>>
      tpu.enqueue_dma source(%dma_start3A_171 : memref<128xi32, #tpu.memory_space<hbm>>) target(%dma_start3A_168 : memref<128xi32, #tpu.memory_space<vmem>>) target_semaphore(%arg12 : memref<!tpu.dma_semaphore, #tpu.memory_space<semaphore_mem>>)
      %add3A_172 = arith.constant 2 : i32
      %add3A_173 = arith.addi %mul3A_2, %add3A_172 : i32
      %dma_start3A_174 = arith.constant 1 : i32
      %dma_start3A_175 = arith.constant 2 : i32
      %dma_start3A_176 = arith.constant 0 : i32
      %dma_start3A_177 = tpu.memref_slice %arg7[%dma_start3A_175, %dma_start3A_176] : memref<80x128xi32, #tpu.memory_space<vmem>> -> memref<1x128xi32, #tpu.memory_space<vmem>>
      %dma_start3A_178 = tpu.memref_squeeze %dma_start3A_177 : memref<1x128xi32, #tpu.memory_space<vmem>> -> memref<128xi32, #tpu.memory_space<vmem>>
      %dma_start3A_179 = arith.constant 0 : i32
      %dma_start3A_180 = tpu.memref_slice %arg2[%add3A_173, %dma_start3A_174, %dma_start3A_179] : memref<2500x2x128xi32, #tpu.memory_space<hbm>> -> memref<1x1x128xi32, #tpu.memory_space<hbm>>
      %dma_start3A_181 = tpu.memref_squeeze %dma_start3A_180 : memref<1x1x128xi32, #tpu.memory_space<hbm>> -> memref<128xi32, #tpu.memory_space<hbm>>
      %dma_start3A_182 = arith.constant 0 : i32
      %dma_start3A_183 = tpu.memref_slice %arg7[%dma_start3A_175, %dma_start3A_182] : memref<80x128xi32, #tpu.memory_space<vmem>> -> memref<1x128xi32, #tpu.memory_space<vmem>>
      %dma_start3A_184 = tpu.memref_squeeze %dma_start3A_183 : memref<1x128xi32, #tpu.memory_space<vmem>> -> memref<128xi32, #tpu.memory_space<vmem>>
      %dma_start3A_185 = arith.constant 0 : i32
      %dma_start3A_186 = tpu.memref_slice %arg2[%add3A_173, %dma_start3A_174, %dma_start3A_185] : memref<2500x2x128xi32, #tpu.memory_space<hbm>> -> memref<1x1x128xi32, #tpu.memory_space<hbm>>
      %dma_start3A_187 = tpu.memref_squeeze %dma_start3A_186 : memref<1x1x128xi32, #tpu.memory_space<hbm>> -> memref<128xi32, #tpu.memory_space<hbm>>
      tpu.enqueue_dma source(%dma_start3A_187 : memref<128xi32, #tpu.memory_space<hbm>>) target(%dma_start3A_184 : memref<128xi32, #tpu.memory_space<vmem>>) target_semaphore(%arg12 : memref<!tpu.dma_semaphore, #tpu.memory_space<semaphore_mem>>)
      %add3A_188 = arith.constant 3 : i32
      %add3A_189 = arith.addi %mul3A_2, %add3A_188 : i32
      %dma_start3A_190 = arith.constant 1 : i32
      %dma_start3A_191 = arith.constant 3 : i32
      %dma_start3A_192 = arith.constant 0 : i32
      %dma_start3A_193 = tpu.memref_slice %arg7[%dma_start3A_191, %dma_start3A_192] : memref<80x128xi32, #tpu.memory_space<vmem>> -> memref<1x128xi32, #tpu.memory_space<vmem>>
      %dma_start3A_194 = tpu.memref_squeeze %dma_start3A_193 : memref<1x128xi32, #tpu.memory_space<vmem>> -> memref<128xi32, #tpu.memory_space<vmem>>
      %dma_start3A_195 = arith.constant 0 : i32
      %dma_start3A_196 = tpu.memref_slice %arg2[%add3A_189, %dma_start3A_190, %dma_start3A_195] : memref<2500x2x128xi32, #tpu.memory_space<hbm>> -> memref<1x1x128xi32, #tpu.memory_space<hbm>>
      %dma_start3A_197 = tpu.memref_squeeze %dma_start3A_196 : memref<1x1x128xi32, #tpu.memory_space<hbm>> -> memref<128xi32, #tpu.memory_space<hbm>>
      %dma_start3A_198 = arith.constant 0 : i32
      %dma_start3A_199 = tpu.memref_slice %arg7[%dma_start3A_191, %dma_start3A_198] : memref<80x128xi32, #tpu.memory_space<vmem>> -> memref<1x128xi32, #tpu.memory_space<vmem>>
      %dma_start3A_200 = tpu.memref_squeeze %dma_start3A_199 : memref<1x128xi32, #tpu.memory_space<vmem>> -> memref<128xi32, #tpu.memory_space<vmem>>
      %dma_start3A_201 = arith.constant 0 : i32
      %dma_start3A_202 = tpu.memref_slice %arg2[%add3A_189, %dma_start3A_190, %dma_start3A_201] : memref<2500x2x128xi32, #tpu.memory_space<hbm>> -> memref<1x1x128xi32, #tpu.memory_space<hbm>>
      %dma_start3A_203 = tpu.memref_squeeze %dma_start3A_202 : memref<1x1x128xi32, #tpu.memory_space<hbm>> -> memref<128xi32, #tpu.memory_space<hbm>>
      tpu.enqueue_dma source(%dma_start3A_203 : memref<128xi32, #tpu.memory_space<hbm>>) target(%dma_start3A_200 : memref<128xi32, #tpu.memory_space<vmem>>) target_semaphore(%arg12 : memref<!tpu.dma_semaphore, #tpu.memory_space<semaphore_mem>>)
      %add3A_204 = arith.constant 4 : i32
      %add3A_205 = arith.addi %mul3A_2, %add3A_204 : i32
      %dma_start3A_206 = arith.constant 1 : i32
      %dma_start3A_207 = arith.constant 4 : i32
      %dma_start3A_208 = arith.constant 0 : i32
      %dma_start3A_209 = tpu.memref_slice %arg7[%dma_start3A_207, %dma_start3A_208] : memref<80x128xi32, #tpu.memory_space<vmem>> -> memref<1x128xi32, #tpu.memory_space<vmem>>
      %dma_start3A_210 = tpu.memref_squeeze %dma_start3A_209 : memref<1x128xi32, #tpu.memory_space<vmem>> -> memref<128xi32, #tpu.memory_space<vmem>>
      %dma_start3A_211 = arith.constant 0 : i32
      %dma_start3A_212 = tpu.memref_slice %arg2[%add3A_205, %dma_start3A_206, %dma_start3A_211] : memref<2500x2x128xi32, #tpu.memory_space<hbm>> -> memref<1x1x128xi32, #tpu.memory_space<hbm>>
      %dma_start3A_213 = tpu.memref_squeeze %dma_start3A_212 : memref<1x1x128xi32, #tpu.memory_space<hbm>> -> memref<128xi32, #tpu.memory_space<hbm>>
      %dma_start3A_214 = arith.constant 0 : i32
      %dma_start3A_215 = tpu.memref_slice %arg7[%dma_start3A_207, %dma_start3A_214] : memref<80x128xi32, #tpu.memory_space<vmem>> -> memref<1x128xi32, #tpu.memory_space<vmem>>
      %dma_start3A_216 = tpu.memref_squeeze %dma_start3A_215 : memref<1x128xi32, #tpu.memory_space<vmem>> -> memref<128xi32, #tpu.memory_space<vmem>>
      %dma_start3A_217 = arith.constant 0 : i32
      %dma_start3A_218 = tpu.memref_slice %arg2[%add3A_205, %dma_start3A_206, %dma_start3A_217] : memref<2500x2x128xi32, #tpu.memory_space<hbm>> -> memref<1x1x128xi32, #tpu.memory_space<hbm>>
      %dma_start3A_219 = tpu.memref_squeeze %dma_start3A_218 : memref<1x1x128xi32, #tpu.memory_space<hbm>> -> memref<128xi32, #tpu.memory_space<hbm>>
      tpu.enqueue_dma source(%dma_start3A_219 : memref<128xi32, #tpu.memory_space<hbm>>) target(%dma_start3A_216 : memref<128xi32, #tpu.memory_space<vmem>>) target_semaphore(%arg12 : memref<!tpu.dma_semaphore, #tpu.memory_space<semaphore_mem>>)
      %add3A_220 = arith.constant 5 : i32
      %add3A_221 = arith.addi %mul3A_2, %add3A_220 : i32
      %dma_start3A_222 = arith.constant 1 : i32
      %dma_start3A_223 = arith.constant 5 : i32
      %dma_start3A_224 = arith.constant 0 : i32
      %dma_start3A_225 = tpu.memref_slice %arg7[%dma_start3A_223, %dma_start3A_224] : memref<80x128xi32, #tpu.memory_space<vmem>> -> memref<1x128xi32, #tpu.memory_space<vmem>>
      %dma_start3A_226 = tpu.memref_squeeze %dma_start3A_225 : memref<1x128xi32, #tpu.memory_space<vmem>> -> memref<128xi32, #tpu.memory_space<vmem>>
      %dma_start3A_227 = arith.constant 0 : i32
      %dma_start3A_228 = tpu.memref_slice %arg2[%add3A_221, %dma_start3A_222, %dma_start3A_227] : memref<2500x2x128xi32, #tpu.memory_space<hbm>> -> memref<1x1x128xi32, #tpu.memory_space<hbm>>
      %dma_start3A_229 = tpu.memref_squeeze %dma_start3A_228 : memref<1x1x128xi32, #tpu.memory_space<hbm>> -> memref<128xi32, #tpu.memory_space<hbm>>
      %dma_start3A_230 = arith.constant 0 : i32
      %dma_start3A_231 = tpu.memref_slice %arg7[%dma_start3A_223, %dma_start3A_230] : memref<80x128xi32, #tpu.memory_space<vmem>> -> memref<1x128xi32, #tpu.memory_space<vmem>>
      %dma_start3A_232 = tpu.memref_squeeze %dma_start3A_231 : memref<1x128xi32, #tpu.memory_space<vmem>> -> memref<128xi32, #tpu.memory_space<vmem>>
      %dma_start3A_233 = arith.constant 0 : i32
      %dma_start3A_234 = tpu.memref_slice %arg2[%add3A_221, %dma_start3A_222, %dma_start3A_233] : memref<2500x2x128xi32, #tpu.memory_space<hbm>> -> memref<1x1x128xi32, #tpu.memory_space<hbm>>
      %dma_start3A_235 = tpu.memref_squeeze %dma_start3A_234 : memref<1x1x128xi32, #tpu.memory_space<hbm>> -> memref<128xi32, #tpu.memory_space<hbm>>
      tpu.enqueue_dma source(%dma_start3A_235 : memref<128xi32, #tpu.memory_space<hbm>>) target(%dma_start3A_232 : memref<128xi32, #tpu.memory_space<vmem>>) target_semaphore(%arg12 : memref<!tpu.dma_semaphore, #tpu.memory_space<semaphore_mem>>)
      %add3A_236 = arith.constant 6 : i32
      %add3A_237 = arith.addi %mul3A_2, %add3A_236 : i32
      %dma_start3A_238 = arith.constant 1 : i32
      %dma_start3A_239 = arith.constant 6 : i32
      %dma_start3A_240 = arith.constant 0 : i32
      %dma_start3A_241 = tpu.memref_slice %arg7[%dma_start3A_239, %dma_start3A_240] : memref<80x128xi32, #tpu.memory_space<vmem>> -> memref<1x128xi32, #tpu.memory_space<vmem>>
      %dma_start3A_242 = tpu.memref_squeeze %dma_start3A_241 : memref<1x128xi32, #tpu.memory_space<vmem>> -> memref<128xi32, #tpu.memory_space<vmem>>
      %dma_start3A_243 = arith.constant 0 : i32
      %dma_start3A_244 = tpu.memref_slice %arg2[%add3A_237, %dma_start3A_238, %dma_start3A_243] : memref<2500x2x128xi32, #tpu.memory_space<hbm>> -> memref<1x1x128xi32, #tpu.memory_space<hbm>>
      %dma_start3A_245 = tpu.memref_squeeze %dma_start3A_244 : memref<1x1x128xi32, #tpu.memory_space<hbm>> -> memref<128xi32, #tpu.memory_space<hbm>>
      %dma_start3A_246 = arith.constant 0 : i32
      %dma_start3A_247 = tpu.memref_slice %arg7[%dma_start3A_239, %dma_start3A_246] : memref<80x128xi32, #tpu.memory_space<vmem>> -> memref<1x128xi32, #tpu.memory_space<vmem>>
      %dma_start3A_248 = tpu.memref_squeeze %dma_start3A_247 : memref<1x128xi32, #tpu.memory_space<vmem>> -> memref<128xi32, #tpu.memory_space<vmem>>
      %dma_start3A_249 = arith.constant 0 : i32
      %dma_start3A_250 = tpu.memref_slice %arg2[%add3A_237, %dma_start3A_238, %dma_start3A_249] : memref<2500x2x128xi32, #tpu.memory_space<hbm>> -> memref<1x1x128xi32, #tpu.memory_space<hbm>>
      %dma_start3A_251 = tpu.memref_squeeze %dma_start3A_250 : memref<1x1x128xi32, #tpu.memory_space<hbm>> -> memref<128xi32, #tpu.memory_space<hbm>>
      tpu.enqueue_dma source(%dma_start3A_251 : memref<128xi32, #tpu.memory_space<hbm>>) target(%dma_start3A_248 : memref<128xi32, #tpu.memory_space<vmem>>) target_semaphore(%arg12 : memref<!tpu.dma_semaphore, #tpu.memory_space<semaphore_mem>>)
      %add3A_252 = arith.constant 7 : i32
      %add3A_253 = arith.addi %mul3A_2, %add3A_252 : i32
      %dma_start3A_254 = arith.constant 1 : i32
      %dma_start3A_255 = arith.constant 7 : i32
      %dma_start3A_256 = arith.constant 0 : i32
      %dma_start3A_257 = tpu.memref_slice %arg7[%dma_start3A_255, %dma_start3A_256] : memref<80x128xi32, #tpu.memory_space<vmem>> -> memref<1x128xi32, #tpu.memory_space<vmem>>
      %dma_start3A_258 = tpu.memref_squeeze %dma_start3A_257 : memref<1x128xi32, #tpu.memory_space<vmem>> -> memref<128xi32, #tpu.memory_space<vmem>>
      %dma_start3A_259 = arith.constant 0 : i32
      %dma_start3A_260 = tpu.memref_slice %arg2[%add3A_253, %dma_start3A_254, %dma_start3A_259] : memref<2500x2x128xi32, #tpu.memory_space<hbm>> -> memref<1x1x128xi32, #tpu.memory_space<hbm>>
      %dma_start3A_261 = tpu.memref_squeeze %dma_start3A_260 : memref<1x1x128xi32, #tpu.memory_space<hbm>> -> memref<128xi32, #tpu.memory_space<hbm>>
      %dma_start3A_262 = arith.constant 0 : i32
      %dma_start3A_263 = tpu.memref_slice %arg7[%dma_start3A_255, %dma_start3A_262] : memref<80x128xi32, #tpu.memory_space<vmem>> -> memref<1x128xi32, #tpu.memory_space<vmem>>
      %dma_start3A_264 = tpu.memref_squeeze %dma_start3A_263 : memref<1x128xi32, #tpu.memory_space<vmem>> -> memref<128xi32, #tpu.memory_space<vmem>>
      %dma_start3A_265 = arith.constant 0 : i32
      %dma_start3A_266 = tpu.memref_slice %arg2[%add3A_253, %dma_start3A_254, %dma_start3A_265] : memref<2500x2x128xi32, #tpu.memory_space<hbm>> -> memref<1x1x128xi32, #tpu.memory_space<hbm>>
      %dma_start3A_267 = tpu.memref_squeeze %dma_start3A_266 : memref<1x1x128xi32, #tpu.memory_space<hbm>> -> memref<128xi32, #tpu.memory_space<hbm>>
      tpu.enqueue_dma source(%dma_start3A_267 : memref<128xi32, #tpu.memory_space<hbm>>) target(%dma_start3A_264 : memref<128xi32, #tpu.memory_space<vmem>>) target_semaphore(%arg12 : memref<!tpu.dma_semaphore, #tpu.memory_space<semaphore_mem>>)
      %scan3A_268 = arith.constant 0 : i32
      %scan3A_269 = arith.constant 80 : i32
      %scan3A_270 = arith.addi %scan3A_268, %scan3A_269 : i32
      %scan3A_271 = arith.constant 1 : i32
      scf.for %scan3A_273 = %scan3A_268 to %scan3A_270 step %scan3A_271  : i32 {
        %mul3A_274 = arith.constant 1 : i32
        %mul3A_275 = arith.muli %scan3A_273, %mul3A_274 : i32
        %add3A_276 = arith.constant 0 : i32
        %add3A_277 = arith.addi %add3A_276, %mul3A_275 : i32
        %add3A_278 = arith.addi %mul3A_2, %add3A_277 : i32
        %dma_wait3A = arith.constant 1 : i32
        %dma_wait3A_279 = arith.constant 0 : i32
        %dma_wait3A_280 = tpu.memref_slice %arg7[%add3A_277, %dma_wait3A_279] : memref<80x128xi32, #tpu.memory_space<vmem>> -> memref<1x128xi32, #tpu.memory_space<vmem>>
        %dma_wait3A_281 = tpu.memref_squeeze %dma_wait3A_280 : memref<1x128xi32, #tpu.memory_space<vmem>> -> memref<128xi32, #tpu.memory_space<vmem>>
        %dma_wait3A_282 = arith.constant 0 : i32
        %dma_wait3A_283 = tpu.memref_slice %arg2[%add3A_278, %dma_wait3A, %dma_wait3A_282] : memref<2500x2x128xi32, #tpu.memory_space<hbm>> -> memref<1x1x128xi32, #tpu.memory_space<hbm>>
        %dma_wait3A_284 = tpu.memref_squeeze %dma_wait3A_283 : memref<1x1x128xi32, #tpu.memory_space<hbm>> -> memref<128xi32, #tpu.memory_space<hbm>>
        %dma_wait3A_285 = arith.constant 0 : i32
        %dma_wait3A_286 = tpu.memref_slice %arg7[%add3A_277, %dma_wait3A_285] : memref<80x128xi32, #tpu.memory_space<vmem>> -> memref<1x128xi32, #tpu.memory_space<vmem>>
        %dma_wait3A_287 = tpu.memref_squeeze %dma_wait3A_286 : memref<1x128xi32, #tpu.memory_space<vmem>> -> memref<128xi32, #tpu.memory_space<vmem>>
        %dma_wait3A_288 = arith.constant 0 : i32
        %dma_wait3A_289 = tpu.memref_slice %arg2[%add3A_278, %dma_wait3A, %dma_wait3A_288] : memref<2500x2x128xi32, #tpu.memory_space<hbm>> -> memref<1x1x128xi32, #tpu.memory_space<hbm>>
        %dma_wait3A_290 = tpu.memref_squeeze %dma_wait3A_289 : memref<1x1x128xi32, #tpu.memory_space<hbm>> -> memref<128xi32, #tpu.memory_space<hbm>>
        tpu.wait_dma2 semaphore(%arg12 : memref<!tpu.dma_semaphore, #tpu.memory_space<semaphore_mem>>) src(%dma_wait3A_290 : memref<128xi32, #tpu.memory_space<hbm>>) dst(%dma_wait3A_287 : memref<128xi32, #tpu.memory_space<vmem>>)
        %add3A_291 = arith.constant 8 : i32
        %add3A_292 = arith.addi %add3A_277, %add3A_291 : i32
        %lt3A_293 = arith.constant 80 : i32
        %lt3A_294 = arith.cmpi slt, %add3A_292, %lt3A_293 : i32
        %convert_element_type3A_295 = arith.extui %lt3A_294 : i1 to i32
        %cond3A_296 = arith.constant 0 : i32
        %cond3A_297 = arith.cmpi ne, %convert_element_type3A_295, %cond3A_296 : i32
        scf.if %cond3A_297 {
          %add3A_298 = arith.constant 8 : i32
          %add3A_299 = arith.addi %add3A_277, %add3A_298 : i32
          %add3A_300 = arith.addi %mul3A_2, %add3A_299 : i32
          %add3A_301 = arith.constant 8 : i32
          %add3A_302 = arith.addi %add3A_277, %add3A_301 : i32
          %dma_start3A_303 = arith.constant 1 : i32
          %dma_start3A_304 = arith.constant 0 : i32
          %dma_start3A_305 = tpu.memref_slice %arg7[%add3A_302, %dma_start3A_304] : memref<80x128xi32, #tpu.memory_space<vmem>> -> memref<1x128xi32, #tpu.memory_space<vmem>>
          %dma_start3A_306 = tpu.memref_squeeze %dma_start3A_305 : memref<1x128xi32, #tpu.memory_space<vmem>> -> memref<128xi32, #tpu.memory_space<vmem>>
          %dma_start3A_307 = arith.constant 0 : i32
          %dma_start3A_308 = tpu.memref_slice %arg2[%add3A_300, %dma_start3A_303, %dma_start3A_307] : memref<2500x2x128xi32, #tpu.memory_space<hbm>> -> memref<1x1x128xi32, #tpu.memory_space<hbm>>
          %dma_start3A_309 = tpu.memref_squeeze %dma_start3A_308 : memref<1x1x128xi32, #tpu.memory_space<hbm>> -> memref<128xi32, #tpu.memory_space<hbm>>
          %dma_start3A_310 = arith.constant 0 : i32
          %dma_start3A_311 = tpu.memref_slice %arg7[%add3A_302, %dma_start3A_310] : memref<80x128xi32, #tpu.memory_space<vmem>> -> memref<1x128xi32, #tpu.memory_space<vmem>>
          %dma_start3A_312 = tpu.memref_squeeze %dma_start3A_311 : memref<1x128xi32, #tpu.memory_space<vmem>> -> memref<128xi32, #tpu.memory_space<vmem>>
          %dma_start3A_313 = arith.constant 0 : i32
          %dma_start3A_314 = tpu.memref_slice %arg2[%add3A_300, %dma_start3A_303, %dma_start3A_313] : memref<2500x2x128xi32, #tpu.memory_space<hbm>> -> memref<1x1x128xi32, #tpu.memory_space<hbm>>
          %dma_start3A_315 = tpu.memref_squeeze %dma_start3A_314 : memref<1x1x128xi32, #tpu.memory_space<hbm>> -> memref<128xi32, #tpu.memory_space<hbm>>
          tpu.enqueue_dma source(%dma_start3A_315 : memref<128xi32, #tpu.memory_space<hbm>>) target(%dma_start3A_312 : memref<128xi32, #tpu.memory_space<vmem>>) target_semaphore(%arg12 : memref<!tpu.dma_semaphore, #tpu.memory_space<semaphore_mem>>)
        } else {
        }
      }
      %scan3A_272 = arith.constant 80 : i32
    } else {
    }
    %eq3A = arith.constant 31 : i32
    %eq3A_5 = arith.cmpi eq, %add3A, %eq3A : i32
    %convert_element_type3A_6 = arith.extui %eq3A_5 : i1 to i32
    %cond3A_7 = arith.constant 0 : i32
    %cond3A_8 = arith.cmpi ne, %convert_element_type3A_6, %cond3A_7 : i32
    scf.if %cond3A_8 {
      %sub3A = arith.constant 2480 : i32
      %sub3A_140 = arith.subi %mul3A_2, %sub3A : i32
      %add3A_141 = arith.constant 0 : i32
      %add3A_142 = arith.addi %sub3A_140, %add3A_141 : i32
      %mul3A_143 = arith.constant 128 : i32
      %mul3A_144 = arith.muli %add3A_142, %mul3A_143 : i32
      %dma_start3A_145 = arith.constant 0 : i32
      %dma_start3A_146 = arith.constant 0 : i32
      %dma_start3A_147 = tpu.memref_slice %arg7[%dma_start3A_145, %dma_start3A_146] : memref<80x128xi32, #tpu.memory_space<vmem>> -> memref<1x128xi32, #tpu.memory_space<vmem>>
      %dma_start3A_148 = tpu.memref_squeeze %dma_start3A_147 : memref<1x128xi32, #tpu.memory_space<vmem>> -> memref<128xi32, #tpu.memory_space<vmem>>
      %dma_start3A_149 = tpu.memref_slice %arg3[%mul3A_144] : memref<10240xi32, #tpu.memory_space<hbm>> -> memref<128xi32, #tpu.memory_space<hbm>>
      %dma_start3A_150 = arith.constant 0 : i32
      %dma_start3A_151 = tpu.memref_slice %arg7[%dma_start3A_145, %dma_start3A_150] : memref<80x128xi32, #tpu.memory_space<vmem>> -> memref<1x128xi32, #tpu.memory_space<vmem>>
      %dma_start3A_152 = tpu.memref_squeeze %dma_start3A_151 : memref<1x128xi32, #tpu.memory_space<vmem>> -> memref<128xi32, #tpu.memory_space<vmem>>
      %dma_start3A_153 = tpu.memref_slice %arg3[%mul3A_144] : memref<10240xi32, #tpu.memory_space<hbm>> -> memref<128xi32, #tpu.memory_space<hbm>>
      tpu.enqueue_dma source(%dma_start3A_153 : memref<128xi32, #tpu.memory_space<hbm>>) target(%dma_start3A_152 : memref<128xi32, #tpu.memory_space<vmem>>) target_semaphore(%arg12 : memref<!tpu.dma_semaphore, #tpu.memory_space<semaphore_mem>>)
      %sub3A_154 = arith.constant 2480 : i32
      %sub3A_155 = arith.subi %mul3A_2, %sub3A_154 : i32
      %add3A_156 = arith.constant 1 : i32
      %add3A_157 = arith.addi %sub3A_155, %add3A_156 : i32
      %mul3A_158 = arith.constant 128 : i32
      %mul3A_159 = arith.muli %add3A_157, %mul3A_158 : i32
      %dma_start3A_160 = arith.constant 1 : i32
      %dma_start3A_161 = arith.constant 0 : i32
      %dma_start3A_162 = tpu.memref_slice %arg7[%dma_start3A_160, %dma_start3A_161] : memref<80x128xi32, #tpu.memory_space<vmem>> -> memref<1x128xi32, #tpu.memory_space<vmem>>
      %dma_start3A_163 = tpu.memref_squeeze %dma_start3A_162 : memref<1x128xi32, #tpu.memory_space<vmem>> -> memref<128xi32, #tpu.memory_space<vmem>>
      %dma_start3A_164 = tpu.memref_slice %arg3[%mul3A_159] : memref<10240xi32, #tpu.memory_space<hbm>> -> memref<128xi32, #tpu.memory_space<hbm>>
      %dma_start3A_165 = arith.constant 0 : i32
      %dma_start3A_166 = tpu.memref_slice %arg7[%dma_start3A_160, %dma_start3A_165] : memref<80x128xi32, #tpu.memory_space<vmem>> -> memref<1x128xi32, #tpu.memory_space<vmem>>
      %dma_start3A_167 = tpu.memref_squeeze %dma_start3A_166 : memref<1x128xi32, #tpu.memory_space<vmem>> -> memref<128xi32, #tpu.memory_space<vmem>>
      %dma_start3A_168 = tpu.memref_slice %arg3[%mul3A_159] : memref<10240xi32, #tpu.memory_space<hbm>> -> memref<128xi32, #tpu.memory_space<hbm>>
      tpu.enqueue_dma source(%dma_start3A_168 : memref<128xi32, #tpu.memory_space<hbm>>) target(%dma_start3A_167 : memref<128xi32, #tpu.memory_space<vmem>>) target_semaphore(%arg12 : memref<!tpu.dma_semaphore, #tpu.memory_space<semaphore_mem>>)
      %sub3A_169 = arith.constant 2480 : i32
      %sub3A_170 = arith.subi %mul3A_2, %sub3A_169 : i32
      %add3A_171 = arith.constant 2 : i32
      %add3A_172 = arith.addi %sub3A_170, %add3A_171 : i32
      %mul3A_173 = arith.constant 128 : i32
      %mul3A_174 = arith.muli %add3A_172, %mul3A_173 : i32
      %dma_start3A_175 = arith.constant 2 : i32
      %dma_start3A_176 = arith.constant 0 : i32
      %dma_start3A_177 = tpu.memref_slice %arg7[%dma_start3A_175, %dma_start3A_176] : memref<80x128xi32, #tpu.memory_space<vmem>> -> memref<1x128xi32, #tpu.memory_space<vmem>>
      %dma_start3A_178 = tpu.memref_squeeze %dma_start3A_177 : memref<1x128xi32, #tpu.memory_space<vmem>> -> memref<128xi32, #tpu.memory_space<vmem>>
      %dma_start3A_179 = tpu.memref_slice %arg3[%mul3A_174] : memref<10240xi32, #tpu.memory_space<hbm>> -> memref<128xi32, #tpu.memory_space<hbm>>
      %dma_start3A_180 = arith.constant 0 : i32
      %dma_start3A_181 = tpu.memref_slice %arg7[%dma_start3A_175, %dma_start3A_180] : memref<80x128xi32, #tpu.memory_space<vmem>> -> memref<1x128xi32, #tpu.memory_space<vmem>>
      %dma_start3A_182 = tpu.memref_squeeze %dma_start3A_181 : memref<1x128xi32, #tpu.memory_space<vmem>> -> memref<128xi32, #tpu.memory_space<vmem>>
      %dma_start3A_183 = tpu.memref_slice %arg3[%mul3A_174] : memref<10240xi32, #tpu.memory_space<hbm>> -> memref<128xi32, #tpu.memory_space<hbm>>
      tpu.enqueue_dma source(%dma_start3A_183 : memref<128xi32, #tpu.memory_space<hbm>>) target(%dma_start3A_182 : memref<128xi32, #tpu.memory_space<vmem>>) target_semaphore(%arg12 : memref<!tpu.dma_semaphore, #tpu.memory_space<semaphore_mem>>)
      %sub3A_184 = arith.constant 2480 : i32
      %sub3A_185 = arith.subi %mul3A_2, %sub3A_184 : i32
      %add3A_186 = arith.constant 3 : i32
      %add3A_187 = arith.addi %sub3A_185, %add3A_186 : i32
      %mul3A_188 = arith.constant 128 : i32
      %mul3A_189 = arith.muli %add3A_187, %mul3A_188 : i32
      %dma_start3A_190 = arith.constant 3 : i32
      %dma_start3A_191 = arith.constant 0 : i32
      %dma_start3A_192 = tpu.memref_slice %arg7[%dma_start3A_190, %dma_start3A_191] : memref<80x128xi32, #tpu.memory_space<vmem>> -> memref<1x128xi32, #tpu.memory_space<vmem>>
      %dma_start3A_193 = tpu.memref_squeeze %dma_start3A_192 : memref<1x128xi32, #tpu.memory_space<vmem>> -> memref<128xi32, #tpu.memory_space<vmem>>
      %dma_start3A_194 = tpu.memref_slice %arg3[%mul3A_189] : memref<10240xi32, #tpu.memory_space<hbm>> -> memref<128xi32, #tpu.memory_space<hbm>>
      %dma_start3A_195 = arith.constant 0 : i32
      %dma_start3A_196 = tpu.memref_slice %arg7[%dma_start3A_190, %dma_start3A_195] : memref<80x128xi32, #tpu.memory_space<vmem>> -> memref<1x128xi32, #tpu.memory_space<vmem>>
      %dma_start3A_197 = tpu.memref_squeeze %dma_start3A_196 : memref<1x128xi32, #tpu.memory_space<vmem>> -> memref<128xi32, #tpu.memory_space<vmem>>
      %dma_start3A_198 = tpu.memref_slice %arg3[%mul3A_189] : memref<10240xi32, #tpu.memory_space<hbm>> -> memref<128xi32, #tpu.memory_space<hbm>>
      tpu.enqueue_dma source(%dma_start3A_198 : memref<128xi32, #tpu.memory_space<hbm>>) target(%dma_start3A_197 : memref<128xi32, #tpu.memory_space<vmem>>) target_semaphore(%arg12 : memref<!tpu.dma_semaphore, #tpu.memory_space<semaphore_mem>>)
      %sub3A_199 = arith.constant 2480 : i32
      %sub3A_200 = arith.subi %mul3A_2, %sub3A_199 : i32
      %add3A_201 = arith.constant 4 : i32
      %add3A_202 = arith.addi %sub3A_200, %add3A_201 : i32
      %mul3A_203 = arith.constant 128 : i32
      %mul3A_204 = arith.muli %add3A_202, %mul3A_203 : i32
      %dma_start3A_205 = arith.constant 4 : i32
      %dma_start3A_206 = arith.constant 0 : i32
      %dma_start3A_207 = tpu.memref_slice %arg7[%dma_start3A_205, %dma_start3A_206] : memref<80x128xi32, #tpu.memory_space<vmem>> -> memref<1x128xi32, #tpu.memory_space<vmem>>
      %dma_start3A_208 = tpu.memref_squeeze %dma_start3A_207 : memref<1x128xi32, #tpu.memory_space<vmem>> -> memref<128xi32, #tpu.memory_space<vmem>>
      %dma_start3A_209 = tpu.memref_slice %arg3[%mul3A_204] : memref<10240xi32, #tpu.memory_space<hbm>> -> memref<128xi32, #tpu.memory_space<hbm>>
      %dma_start3A_210 = arith.constant 0 : i32
      %dma_start3A_211 = tpu.memref_slice %arg7[%dma_start3A_205, %dma_start3A_210] : memref<80x128xi32, #tpu.memory_space<vmem>> -> memref<1x128xi32, #tpu.memory_space<vmem>>
      %dma_start3A_212 = tpu.memref_squeeze %dma_start3A_211 : memref<1x128xi32, #tpu.memory_space<vmem>> -> memref<128xi32, #tpu.memory_space<vmem>>
      %dma_start3A_213 = tpu.memref_slice %arg3[%mul3A_204] : memref<10240xi32, #tpu.memory_space<hbm>> -> memref<128xi32, #tpu.memory_space<hbm>>
      tpu.enqueue_dma source(%dma_start3A_213 : memref<128xi32, #tpu.memory_space<hbm>>) target(%dma_start3A_212 : memref<128xi32, #tpu.memory_space<vmem>>) target_semaphore(%arg12 : memref<!tpu.dma_semaphore, #tpu.memory_space<semaphore_mem>>)
      %sub3A_214 = arith.constant 2480 : i32
      %sub3A_215 = arith.subi %mul3A_2, %sub3A_214 : i32
      %add3A_216 = arith.constant 5 : i32
      %add3A_217 = arith.addi %sub3A_215, %add3A_216 : i32
      %mul3A_218 = arith.constant 128 : i32
      %mul3A_219 = arith.muli %add3A_217, %mul3A_218 : i32
      %dma_start3A_220 = arith.constant 5 : i32
      %dma_start3A_221 = arith.constant 0 : i32
      %dma_start3A_222 = tpu.memref_slice %arg7[%dma_start3A_220, %dma_start3A_221] : memref<80x128xi32, #tpu.memory_space<vmem>> -> memref<1x128xi32, #tpu.memory_space<vmem>>
      %dma_start3A_223 = tpu.memref_squeeze %dma_start3A_222 : memref<1x128xi32, #tpu.memory_space<vmem>> -> memref<128xi32, #tpu.memory_space<vmem>>
      %dma_start3A_224 = tpu.memref_slice %arg3[%mul3A_219] : memref<10240xi32, #tpu.memory_space<hbm>> -> memref<128xi32, #tpu.memory_space<hbm>>
      %dma_start3A_225 = arith.constant 0 : i32
      %dma_start3A_226 = tpu.memref_slice %arg7[%dma_start3A_220, %dma_start3A_225] : memref<80x128xi32, #tpu.memory_space<vmem>> -> memref<1x128xi32, #tpu.memory_space<vmem>>
      %dma_start3A_227 = tpu.memref_squeeze %dma_start3A_226 : memref<1x128xi32, #tpu.memory_space<vmem>> -> memref<128xi32, #tpu.memory_space<vmem>>
      %dma_start3A_228 = tpu.memref_slice %arg3[%mul3A_219] : memref<10240xi32, #tpu.memory_space<hbm>> -> memref<128xi32, #tpu.memory_space<hbm>>
      tpu.enqueue_dma source(%dma_start3A_228 : memref<128xi32, #tpu.memory_space<hbm>>) target(%dma_start3A_227 : memref<128xi32, #tpu.memory_space<vmem>>) target_semaphore(%arg12 : memref<!tpu.dma_semaphore, #tpu.memory_space<semaphore_mem>>)
      %sub3A_229 = arith.constant 2480 : i32
      %sub3A_230 = arith.subi %mul3A_2, %sub3A_229 : i32
      %add3A_231 = arith.constant 6 : i32
      %add3A_232 = arith.addi %sub3A_230, %add3A_231 : i32
      %mul3A_233 = arith.constant 128 : i32
      %mul3A_234 = arith.muli %add3A_232, %mul3A_233 : i32
      %dma_start3A_235 = arith.constant 6 : i32
      %dma_start3A_236 = arith.constant 0 : i32
      %dma_start3A_237 = tpu.memref_slice %arg7[%dma_start3A_235, %dma_start3A_236] : memref<80x128xi32, #tpu.memory_space<vmem>> -> memref<1x128xi32, #tpu.memory_space<vmem>>
      %dma_start3A_238 = tpu.memref_squeeze %dma_start3A_237 : memref<1x128xi32, #tpu.memory_space<vmem>> -> memref<128xi32, #tpu.memory_space<vmem>>
      %dma_start3A_239 = tpu.memref_slice %arg3[%mul3A_234] : memref<10240xi32, #tpu.memory_space<hbm>> -> memref<128xi32, #tpu.memory_space<hbm>>
      %dma_start3A_240 = arith.constant 0 : i32
      %dma_start3A_241 = tpu.memref_slice %arg7[%dma_start3A_235, %dma_start3A_240] : memref<80x128xi32, #tpu.memory_space<vmem>> -> memref<1x128xi32, #tpu.memory_space<vmem>>
      %dma_start3A_242 = tpu.memref_squeeze %dma_start3A_241 : memref<1x128xi32, #tpu.memory_space<vmem>> -> memref<128xi32, #tpu.memory_space<vmem>>
      %dma_start3A_243 = tpu.memref_slice %arg3[%mul3A_234] : memref<10240xi32, #tpu.memory_space<hbm>> -> memref<128xi32, #tpu.memory_space<hbm>>
      tpu.enqueue_dma source(%dma_start3A_243 : memref<128xi32, #tpu.memory_space<hbm>>) target(%dma_start3A_242 : memref<128xi32, #tpu.memory_space<vmem>>) target_semaphore(%arg12 : memref<!tpu.dma_semaphore, #tpu.memory_space<semaphore_mem>>)
      %sub3A_244 = arith.constant 2480 : i32
      %sub3A_245 = arith.subi %mul3A_2, %sub3A_244 : i32
      %add3A_246 = arith.constant 7 : i32
      %add3A_247 = arith.addi %sub3A_245, %add3A_246 : i32
      %mul3A_248 = arith.constant 128 : i32
      %mul3A_249 = arith.muli %add3A_247, %mul3A_248 : i32
      %dma_start3A_250 = arith.constant 7 : i32
      %dma_start3A_251 = arith.constant 0 : i32
      %dma_start3A_252 = tpu.memref_slice %arg7[%dma_start3A_250, %dma_start3A_251] : memref<80x128xi32, #tpu.memory_space<vmem>> -> memref<1x128xi32, #tpu.memory_space<vmem>>
      %dma_start3A_253 = tpu.memref_squeeze %dma_start3A_252 : memref<1x128xi32, #tpu.memory_space<vmem>> -> memref<128xi32, #tpu.memory_space<vmem>>
      %dma_start3A_254 = tpu.memref_slice %arg3[%mul3A_249] : memref<10240xi32, #tpu.memory_space<hbm>> -> memref<128xi32, #tpu.memory_space<hbm>>
      %dma_start3A_255 = arith.constant 0 : i32
      %dma_start3A_256 = tpu.memref_slice %arg7[%dma_start3A_250, %dma_start3A_255] : memref<80x128xi32, #tpu.memory_space<vmem>> -> memref<1x128xi32, #tpu.memory_space<vmem>>
      %dma_start3A_257 = tpu.memref_squeeze %dma_start3A_256 : memref<1x128xi32, #tpu.memory_space<vmem>> -> memref<128xi32, #tpu.memory_space<vmem>>
      %dma_start3A_258 = tpu.memref_slice %arg3[%mul3A_249] : memref<10240xi32, #tpu.memory_space<hbm>> -> memref<128xi32, #tpu.memory_space<hbm>>
      tpu.enqueue_dma source(%dma_start3A_258 : memref<128xi32, #tpu.memory_space<hbm>>) target(%dma_start3A_257 : memref<128xi32, #tpu.memory_space<vmem>>) target_semaphore(%arg12 : memref<!tpu.dma_semaphore, #tpu.memory_space<semaphore_mem>>)
      %scan3A_259 = arith.constant 0 : i32
      %scan3A_260 = arith.constant 80 : i32
      %scan3A_261 = arith.addi %scan3A_259, %scan3A_260 : i32
      %scan3A_262 = arith.constant 1 : i32
      scf.for %scan3A_264 = %scan3A_259 to %scan3A_261 step %scan3A_262  : i32 {
        %mul3A_265 = arith.constant 1 : i32
        %mul3A_266 = arith.muli %scan3A_264, %mul3A_265 : i32
        %add3A_267 = arith.constant 0 : i32
        %add3A_268 = arith.addi %add3A_267, %mul3A_266 : i32
        %sub3A_269 = arith.constant 2480 : i32
        %sub3A_270 = arith.subi %mul3A_2, %sub3A_269 : i32
        %add3A_271 = arith.addi %sub3A_270, %add3A_268 : i32
        %mul3A_272 = arith.constant 128 : i32
        %mul3A_273 = arith.muli %add3A_271, %mul3A_272 : i32
        %dma_wait3A = arith.constant 0 : i32
        %dma_wait3A_274 = tpu.memref_slice %arg7[%add3A_268, %dma_wait3A] : memref<80x128xi32, #tpu.memory_space<vmem>> -> memref<1x128xi32, #tpu.memory_space<vmem>>
        %dma_wait3A_275 = tpu.memref_squeeze %dma_wait3A_274 : memref<1x128xi32, #tpu.memory_space<vmem>> -> memref<128xi32, #tpu.memory_space<vmem>>
        %dma_wait3A_276 = tpu.memref_slice %arg3[%mul3A_273] : memref<10240xi32, #tpu.memory_space<hbm>> -> memref<128xi32, #tpu.memory_space<hbm>>
        %dma_wait3A_277 = arith.constant 0 : i32
        %dma_wait3A_278 = tpu.memref_slice %arg7[%add3A_268, %dma_wait3A_277] : memref<80x128xi32, #tpu.memory_space<vmem>> -> memref<1x128xi32, #tpu.memory_space<vmem>>
        %dma_wait3A_279 = tpu.memref_squeeze %dma_wait3A_278 : memref<1x128xi32, #tpu.memory_space<vmem>> -> memref<128xi32, #tpu.memory_space<vmem>>
        %dma_wait3A_280 = tpu.memref_slice %arg3[%mul3A_273] : memref<10240xi32, #tpu.memory_space<hbm>> -> memref<128xi32, #tpu.memory_space<hbm>>
        tpu.wait_dma2 semaphore(%arg12 : memref<!tpu.dma_semaphore, #tpu.memory_space<semaphore_mem>>) src(%dma_wait3A_280 : memref<128xi32, #tpu.memory_space<hbm>>) dst(%dma_wait3A_279 : memref<128xi32, #tpu.memory_space<vmem>>)
        %add3A_281 = arith.constant 8 : i32
        %add3A_282 = arith.addi %add3A_268, %add3A_281 : i32
        %lt3A_283 = arith.constant 80 : i32
        %lt3A_284 = arith.cmpi slt, %add3A_282, %lt3A_283 : i32
        %convert_element_type3A_285 = arith.extui %lt3A_284 : i1 to i32
        %cond3A_286 = arith.constant 0 : i32
        %cond3A_287 = arith.cmpi ne, %convert_element_type3A_285, %cond3A_286 : i32
        scf.if %cond3A_287 {
          %add3A_288 = arith.constant 8 : i32
          %add3A_289 = arith.addi %add3A_268, %add3A_288 : i32
          %sub3A_290 = arith.constant 2480 : i32
          %sub3A_291 = arith.subi %mul3A_2, %sub3A_290 : i32
          %add3A_292 = arith.addi %sub3A_291, %add3A_289 : i32
          %mul3A_293 = arith.constant 128 : i32
          %mul3A_294 = arith.muli %add3A_292, %mul3A_293 : i32
          %add3A_295 = arith.constant 8 : i32
          %add3A_296 = arith.addi %add3A_268, %add3A_295 : i32
          %dma_start3A_297 = arith.constant 0 : i32
          %dma_start3A_298 = tpu.memref_slice %arg7[%add3A_296, %dma_start3A_297] : memref<80x128xi32, #tpu.memory_space<vmem>> -> memref<1x128xi32, #tpu.memory_space<vmem>>
          %dma_start3A_299 = tpu.memref_squeeze %dma_start3A_298 : memref<1x128xi32, #tpu.memory_space<vmem>> -> memref<128xi32, #tpu.memory_space<vmem>>
          %dma_start3A_300 = tpu.memref_slice %arg3[%mul3A_294] : memref<10240xi32, #tpu.memory_space<hbm>> -> memref<128xi32, #tpu.memory_space<hbm>>
          %dma_start3A_301 = arith.constant 0 : i32
          %dma_start3A_302 = tpu.memref_slice %arg7[%add3A_296, %dma_start3A_301] : memref<80x128xi32, #tpu.memory_space<vmem>> -> memref<1x128xi32, #tpu.memory_space<vmem>>
          %dma_start3A_303 = tpu.memref_squeeze %dma_start3A_302 : memref<1x128xi32, #tpu.memory_space<vmem>> -> memref<128xi32, #tpu.memory_space<vmem>>
          %dma_start3A_304 = tpu.memref_slice %arg3[%mul3A_294] : memref<10240xi32, #tpu.memory_space<hbm>> -> memref<128xi32, #tpu.memory_space<hbm>>
          tpu.enqueue_dma source(%dma_start3A_304 : memref<128xi32, #tpu.memory_space<hbm>>) target(%dma_start3A_303 : memref<128xi32, #tpu.memory_space<vmem>>) target_semaphore(%arg12 : memref<!tpu.dma_semaphore, #tpu.memory_space<semaphore_mem>>)
        } else {
        }
      }
      %scan3A_263 = arith.constant 80 : i32
    } else {
    }
    %run_scoped3A = arith.constant 0 : i32
    "tpu.region"() ({
      %run_scoped3A_140 = tpu.sem_alloc : memref<!tpu.dma_semaphore, #tpu.memory_space<semaphore_mem>>
      %dma_start3A_141 = arith.constant 0 : i32
      %dma_start3A_142 = arith.constant 0 : i32
      %dma_start3A_143 = tpu.memref_slice %arg4[%run_scoped3A, %dma_start3A_141, %dma_start3A_142] : memref<2x128x16xf32, #tpu.memory_space<hbm>> -> memref<1x128x16xf32, #tpu.memory_space<hbm>>
      %dma_start3A_144 = tpu.memref_squeeze %dma_start3A_143 : memref<1x128x16xf32, #tpu.memory_space<hbm>> -> memref<128x16xf32, #tpu.memory_space<hbm>>
      %dma_start3A_145 = arith.constant 0 : i32
      %dma_start3A_146 = arith.constant 0 : i32
      %dma_start3A_147 = tpu.memref_slice %arg4[%run_scoped3A, %dma_start3A_145, %dma_start3A_146] : memref<2x128x16xf32, #tpu.memory_space<hbm>> -> memref<1x128x16xf32, #tpu.memory_space<hbm>>
      %dma_start3A_148 = tpu.memref_squeeze %dma_start3A_147 : memref<1x128x16xf32, #tpu.memory_space<hbm>> -> memref<128x16xf32, #tpu.memory_space<hbm>>
      tpu.enqueue_dma source(%dma_start3A_148 : memref<128x16xf32, #tpu.memory_space<hbm>>) target(%arg8 : memref<128x16xf32, #tpu.memory_space<vmem>>) target_semaphore(%run_scoped3A_140 : memref<!tpu.dma_semaphore, #tpu.memory_space<semaphore_mem>>)
      %dma_wait3A = arith.constant 0 : i32
      %dma_wait3A_149 = arith.constant 0 : i32
      %dma_wait3A_150 = tpu.memref_slice %arg4[%run_scoped3A, %dma_wait3A, %dma_wait3A_149] : memref<2x128x16xf32, #tpu.memory_space<hbm>> -> memref<1x128x16xf32, #tpu.memory_space<hbm>>
      %dma_wait3A_151 = tpu.memref_squeeze %dma_wait3A_150 : memref<1x128x16xf32, #tpu.memory_space<hbm>> -> memref<128x16xf32, #tpu.memory_space<hbm>>
      %dma_wait3A_152 = arith.constant 0 : i32
      %dma_wait3A_153 = arith.constant 0 : i32
      %dma_wait3A_154 = tpu.memref_slice %arg4[%run_scoped3A, %dma_wait3A_152, %dma_wait3A_153] : memref<2x128x16xf32, #tpu.memory_space<hbm>> -> memref<1x128x16xf32, #tpu.memory_space<hbm>>
      %dma_wait3A_155 = tpu.memref_squeeze %dma_wait3A_154 : memref<1x128x16xf32, #tpu.memory_space<hbm>> -> memref<128x16xf32, #tpu.memory_space<hbm>>
      tpu.wait_dma2 semaphore(%run_scoped3A_140 : memref<!tpu.dma_semaphore, #tpu.memory_space<semaphore_mem>>) src(%dma_wait3A_155 : memref<128x16xf32, #tpu.memory_space<hbm>>) dst(%arg8 : memref<128x16xf32, #tpu.memory_space<vmem>>)
      tpu.yield
    }) : () -> ()
    %run_scoped3A_9 = arith.constant 1 : i32
    "tpu.region"() ({
      %run_scoped3A_140 = tpu.sem_alloc : memref<!tpu.dma_semaphore, #tpu.memory_space<semaphore_mem>>
      %dma_start3A_141 = arith.constant 0 : i32
      %dma_start3A_142 = arith.constant 0 : i32
      %dma_start3A_143 = tpu.memref_slice %arg4[%run_scoped3A_9, %dma_start3A_141, %dma_start3A_142] : memref<2x128x16xf32, #tpu.memory_space<hbm>> -> memref<1x128x16xf32, #tpu.memory_space<hbm>>
      %dma_start3A_144 = tpu.memref_squeeze %dma_start3A_143 : memref<1x128x16xf32, #tpu.memory_space<hbm>> -> memref<128x16xf32, #tpu.memory_space<hbm>>
      %dma_start3A_145 = arith.constant 0 : i32
      %dma_start3A_146 = arith.constant 0 : i32
      %dma_start3A_147 = tpu.memref_slice %arg4[%run_scoped3A_9, %dma_start3A_145, %dma_start3A_146] : memref<2x128x16xf32, #tpu.memory_space<hbm>> -> memref<1x128x16xf32, #tpu.memory_space<hbm>>
      %dma_start3A_148 = tpu.memref_squeeze %dma_start3A_147 : memref<1x128x16xf32, #tpu.memory_space<hbm>> -> memref<128x16xf32, #tpu.memory_space<hbm>>
      tpu.enqueue_dma source(%dma_start3A_148 : memref<128x16xf32, #tpu.memory_space<hbm>>) target(%arg9 : memref<128x16xf32, #tpu.memory_space<vmem>>) target_semaphore(%run_scoped3A_140 : memref<!tpu.dma_semaphore, #tpu.memory_space<semaphore_mem>>)
      %dma_wait3A = arith.constant 0 : i32
      %dma_wait3A_149 = arith.constant 0 : i32
      %dma_wait3A_150 = tpu.memref_slice %arg4[%run_scoped3A_9, %dma_wait3A, %dma_wait3A_149] : memref<2x128x16xf32, #tpu.memory_space<hbm>> -> memref<1x128x16xf32, #tpu.memory_space<hbm>>
      %dma_wait3A_151 = tpu.memref_squeeze %dma_wait3A_150 : memref<1x128x16xf32, #tpu.memory_space<hbm>> -> memref<128x16xf32, #tpu.memory_space<hbm>>
      %dma_wait3A_152 = arith.constant 0 : i32
      %dma_wait3A_153 = arith.constant 0 : i32
      %dma_wait3A_154 = tpu.memref_slice %arg4[%run_scoped3A_9, %dma_wait3A_152, %dma_wait3A_153] : memref<2x128x16xf32, #tpu.memory_space<hbm>> -> memref<1x128x16xf32, #tpu.memory_space<hbm>>
      %dma_wait3A_155 = tpu.memref_squeeze %dma_wait3A_154 : memref<1x128x16xf32, #tpu.memory_space<hbm>> -> memref<128x16xf32, #tpu.memory_space<hbm>>
      tpu.wait_dma2 semaphore(%run_scoped3A_140 : memref<!tpu.dma_semaphore, #tpu.memory_space<semaphore_mem>>) src(%dma_wait3A_155 : memref<128x16xf32, #tpu.memory_space<hbm>>) dst(%arg9 : memref<128x16xf32, #tpu.memory_space<vmem>>)
      tpu.yield
    }) : () -> ()
    %add3A_10 = arith.constant 0 : i32
    %add3A_11 = arith.addi %add3A_10, %arg1 : i32
    %lt3A_12 = arith.constant 79 : i32
    %lt3A_13 = arith.cmpi slt, %add3A_11, %lt3A_12 : i32
    %convert_element_type3A_14 = arith.extui %lt3A_13 : i1 to i32
    %cond3A_15 = arith.constant 0 : i32
    %cond3A_16 = arith.cmpi ne, %convert_element_type3A_14, %cond3A_15 : i32
    scf.if %cond3A_16 {
      %mul3A_140 = arith.constant 128 : i32
      %mul3A_141 = arith.muli %add3A_11, %mul3A_140 : i32
      "tpu.region"() ({
        %run_scoped3A_142 = tpu.sem_alloc : memref<!tpu.dma_semaphore, #tpu.memory_space<semaphore_mem>>
        %dma_start3A_143 = arith.constant 0 : i32
        %dma_start3A_144 = tpu.memref_slice %arg10[%mul3A_141, %dma_start3A_143] : memref<10112x16xf32, #tpu.memory_space<vmem_shared>> -> memref<128x16xf32, #tpu.memory_space<vmem_shared>>
        %dma_start3A_145 = arith.constant 0 : i32
        %dma_start3A_146 = tpu.memref_slice %arg10[%mul3A_141, %dma_start3A_145] : memref<10112x16xf32, #tpu.memory_space<vmem_shared>> -> memref<128x16xf32, #tpu.memory_space<vmem_shared>>
        tpu.enqueue_dma source(%arg9 : memref<128x16xf32, #tpu.memory_space<vmem>>) target(%dma_start3A_146 : memref<128x16xf32, #tpu.memory_space<vmem_shared>>) target_semaphore(%run_scoped3A_142 : memref<!tpu.dma_semaphore, #tpu.memory_space<semaphore_mem>>)
        %dma_wait3A = arith.constant 0 : i32
        %dma_wait3A_147 = tpu.memref_slice %arg10[%mul3A_141, %dma_wait3A] : memref<10112x16xf32, #tpu.memory_space<vmem_shared>> -> memref<128x16xf32, #tpu.memory_space<vmem_shared>>
        %dma_wait3A_148 = arith.constant 0 : i32
        %dma_wait3A_149 = tpu.memref_slice %arg10[%mul3A_141, %dma_wait3A_148] : memref<10112x16xf32, #tpu.memory_space<vmem_shared>> -> memref<128x16xf32, #tpu.memory_space<vmem_shared>>
        tpu.wait_dma2 semaphore(%run_scoped3A_142 : memref<!tpu.dma_semaphore, #tpu.memory_space<semaphore_mem>>) src(%arg9 : memref<128x16xf32, #tpu.memory_space<vmem>>) dst(%dma_wait3A_149 : memref<128x16xf32, #tpu.memory_space<vmem_shared>>)
        tpu.yield
      }) : () -> ()
    } else {
    }
    %add3A_17 = arith.constant 16 : i32
    %add3A_18 = arith.addi %add3A_17, %arg1 : i32
    %lt3A_19 = arith.constant 79 : i32
    %lt3A_20 = arith.cmpi slt, %add3A_18, %lt3A_19 : i32
    %convert_element_type3A_21 = arith.extui %lt3A_20 : i1 to i32
    %cond3A_22 = arith.constant 0 : i32
    %cond3A_23 = arith.cmpi ne, %convert_element_type3A_21, %cond3A_22 : i32
    scf.if %cond3A_23 {
      %mul3A_140 = arith.constant 128 : i32
      %mul3A_141 = arith.muli %add3A_18, %mul3A_140 : i32
      "tpu.region"() ({
        %run_scoped3A_142 = tpu.sem_alloc : memref<!tpu.dma_semaphore, #tpu.memory_space<semaphore_mem>>
        %dma_start3A_143 = arith.constant 0 : i32
        %dma_start3A_144 = tpu.memref_slice %arg10[%mul3A_141, %dma_start3A_143] : memref<10112x16xf32, #tpu.memory_space<vmem_shared>> -> memref<128x16xf32, #tpu.memory_space<vmem_shared>>
        %dma_start3A_145 = arith.constant 0 : i32
        %dma_start3A_146 = tpu.memref_slice %arg10[%mul3A_141, %dma_start3A_145] : memref<10112x16xf32, #tpu.memory_space<vmem_shared>> -> memref<128x16xf32, #tpu.memory_space<vmem_shared>>
        tpu.enqueue_dma source(%arg9 : memref<128x16xf32, #tpu.memory_space<vmem>>) target(%dma_start3A_146 : memref<128x16xf32, #tpu.memory_space<vmem_shared>>) target_semaphore(%run_scoped3A_142 : memref<!tpu.dma_semaphore, #tpu.memory_space<semaphore_mem>>)
        %dma_wait3A = arith.constant 0 : i32
        %dma_wait3A_147 = tpu.memref_slice %arg10[%mul3A_141, %dma_wait3A] : memref<10112x16xf32, #tpu.memory_space<vmem_shared>> -> memref<128x16xf32, #tpu.memory_space<vmem_shared>>
        %dma_wait3A_148 = arith.constant 0 : i32
        %dma_wait3A_149 = tpu.memref_slice %arg10[%mul3A_141, %dma_wait3A_148] : memref<10112x16xf32, #tpu.memory_space<vmem_shared>> -> memref<128x16xf32, #tpu.memory_space<vmem_shared>>
        tpu.wait_dma2 semaphore(%run_scoped3A_142 : memref<!tpu.dma_semaphore, #tpu.memory_space<semaphore_mem>>) src(%arg9 : memref<128x16xf32, #tpu.memory_space<vmem>>) dst(%dma_wait3A_149 : memref<128x16xf32, #tpu.memory_space<vmem_shared>>)
        tpu.yield
      }) : () -> ()
    } else {
    }
    %add3A_24 = arith.constant 32 : i32
    %add3A_25 = arith.addi %add3A_24, %arg1 : i32
    %lt3A_26 = arith.constant 79 : i32
    %lt3A_27 = arith.cmpi slt, %add3A_25, %lt3A_26 : i32
    %convert_element_type3A_28 = arith.extui %lt3A_27 : i1 to i32
    %cond3A_29 = arith.constant 0 : i32
    %cond3A_30 = arith.cmpi ne, %convert_element_type3A_28, %cond3A_29 : i32
    scf.if %cond3A_30 {
      %mul3A_140 = arith.constant 128 : i32
      %mul3A_141 = arith.muli %add3A_25, %mul3A_140 : i32
      "tpu.region"() ({
        %run_scoped3A_142 = tpu.sem_alloc : memref<!tpu.dma_semaphore, #tpu.memory_space<semaphore_mem>>
        %dma_start3A_143 = arith.constant 0 : i32
        %dma_start3A_144 = tpu.memref_slice %arg10[%mul3A_141, %dma_start3A_143] : memref<10112x16xf32, #tpu.memory_space<vmem_shared>> -> memref<128x16xf32, #tpu.memory_space<vmem_shared>>
        %dma_start3A_145 = arith.constant 0 : i32
        %dma_start3A_146 = tpu.memref_slice %arg10[%mul3A_141, %dma_start3A_145] : memref<10112x16xf32, #tpu.memory_space<vmem_shared>> -> memref<128x16xf32, #tpu.memory_space<vmem_shared>>
        tpu.enqueue_dma source(%arg9 : memref<128x16xf32, #tpu.memory_space<vmem>>) target(%dma_start3A_146 : memref<128x16xf32, #tpu.memory_space<vmem_shared>>) target_semaphore(%run_scoped3A_142 : memref<!tpu.dma_semaphore, #tpu.memory_space<semaphore_mem>>)
        %dma_wait3A = arith.constant 0 : i32
        %dma_wait3A_147 = tpu.memref_slice %arg10[%mul3A_141, %dma_wait3A] : memref<10112x16xf32, #tpu.memory_space<vmem_shared>> -> memref<128x16xf32, #tpu.memory_space<vmem_shared>>
        %dma_wait3A_148 = arith.constant 0 : i32
        %dma_wait3A_149 = tpu.memref_slice %arg10[%mul3A_141, %dma_wait3A_148] : memref<10112x16xf32, #tpu.memory_space<vmem_shared>> -> memref<128x16xf32, #tpu.memory_space<vmem_shared>>
        tpu.wait_dma2 semaphore(%run_scoped3A_142 : memref<!tpu.dma_semaphore, #tpu.memory_space<semaphore_mem>>) src(%arg9 : memref<128x16xf32, #tpu.memory_space<vmem>>) dst(%dma_wait3A_149 : memref<128x16xf32, #tpu.memory_space<vmem_shared>>)
        tpu.yield
      }) : () -> ()
    } else {
    }
    %add3A_31 = arith.constant 48 : i32
    %add3A_32 = arith.addi %add3A_31, %arg1 : i32
    %lt3A_33 = arith.constant 79 : i32
    %lt3A_34 = arith.cmpi slt, %add3A_32, %lt3A_33 : i32
    %convert_element_type3A_35 = arith.extui %lt3A_34 : i1 to i32
    %cond3A_36 = arith.constant 0 : i32
    %cond3A_37 = arith.cmpi ne, %convert_element_type3A_35, %cond3A_36 : i32
    scf.if %cond3A_37 {
      %mul3A_140 = arith.constant 128 : i32
      %mul3A_141 = arith.muli %add3A_32, %mul3A_140 : i32
      "tpu.region"() ({
        %run_scoped3A_142 = tpu.sem_alloc : memref<!tpu.dma_semaphore, #tpu.memory_space<semaphore_mem>>
        %dma_start3A_143 = arith.constant 0 : i32
        %dma_start3A_144 = tpu.memref_slice %arg10[%mul3A_141, %dma_start3A_143] : memref<10112x16xf32, #tpu.memory_space<vmem_shared>> -> memref<128x16xf32, #tpu.memory_space<vmem_shared>>
        %dma_start3A_145 = arith.constant 0 : i32
        %dma_start3A_146 = tpu.memref_slice %arg10[%mul3A_141, %dma_start3A_145] : memref<10112x16xf32, #tpu.memory_space<vmem_shared>> -> memref<128x16xf32, #tpu.memory_space<vmem_shared>>
        tpu.enqueue_dma source(%arg9 : memref<128x16xf32, #tpu.memory_space<vmem>>) target(%dma_start3A_146 : memref<128x16xf32, #tpu.memory_space<vmem_shared>>) target_semaphore(%run_scoped3A_142 : memref<!tpu.dma_semaphore, #tpu.memory_space<semaphore_mem>>)
        %dma_wait3A = arith.constant 0 : i32
        %dma_wait3A_147 = tpu.memref_slice %arg10[%mul3A_141, %dma_wait3A] : memref<10112x16xf32, #tpu.memory_space<vmem_shared>> -> memref<128x16xf32, #tpu.memory_space<vmem_shared>>
        %dma_wait3A_148 = arith.constant 0 : i32
        %dma_wait3A_149 = tpu.memref_slice %arg10[%mul3A_141, %dma_wait3A_148] : memref<10112x16xf32, #tpu.memory_space<vmem_shared>> -> memref<128x16xf32, #tpu.memory_space<vmem_shared>>
        tpu.wait_dma2 semaphore(%run_scoped3A_142 : memref<!tpu.dma_semaphore, #tpu.memory_space<semaphore_mem>>) src(%arg9 : memref<128x16xf32, #tpu.memory_space<vmem>>) dst(%dma_wait3A_149 : memref<128x16xf32, #tpu.memory_space<vmem_shared>>)
        tpu.yield
      }) : () -> ()
    } else {
    }
    %add3A_38 = arith.constant 64 : i32
    %add3A_39 = arith.addi %add3A_38, %arg1 : i32
    %lt3A_40 = arith.constant 79 : i32
    %lt3A_41 = arith.cmpi slt, %add3A_39, %lt3A_40 : i32
    %convert_element_type3A_42 = arith.extui %lt3A_41 : i1 to i32
    %cond3A_43 = arith.constant 0 : i32
    %cond3A_44 = arith.cmpi ne, %convert_element_type3A_42, %cond3A_43 : i32
    scf.if %cond3A_44 {
      %mul3A_140 = arith.constant 128 : i32
      %mul3A_141 = arith.muli %add3A_39, %mul3A_140 : i32
      "tpu.region"() ({
        %run_scoped3A_142 = tpu.sem_alloc : memref<!tpu.dma_semaphore, #tpu.memory_space<semaphore_mem>>
        %dma_start3A_143 = arith.constant 0 : i32
        %dma_start3A_144 = tpu.memref_slice %arg10[%mul3A_141, %dma_start3A_143] : memref<10112x16xf32, #tpu.memory_space<vmem_shared>> -> memref<128x16xf32, #tpu.memory_space<vmem_shared>>
        %dma_start3A_145 = arith.constant 0 : i32
        %dma_start3A_146 = tpu.memref_slice %arg10[%mul3A_141, %dma_start3A_145] : memref<10112x16xf32, #tpu.memory_space<vmem_shared>> -> memref<128x16xf32, #tpu.memory_space<vmem_shared>>
        tpu.enqueue_dma source(%arg9 : memref<128x16xf32, #tpu.memory_space<vmem>>) target(%dma_start3A_146 : memref<128x16xf32, #tpu.memory_space<vmem_shared>>) target_semaphore(%run_scoped3A_142 : memref<!tpu.dma_semaphore, #tpu.memory_space<semaphore_mem>>)
        %dma_wait3A = arith.constant 0 : i32
        %dma_wait3A_147 = tpu.memref_slice %arg10[%mul3A_141, %dma_wait3A] : memref<10112x16xf32, #tpu.memory_space<vmem_shared>> -> memref<128x16xf32, #tpu.memory_space<vmem_shared>>
        %dma_wait3A_148 = arith.constant 0 : i32
        %dma_wait3A_149 = tpu.memref_slice %arg10[%mul3A_141, %dma_wait3A_148] : memref<10112x16xf32, #tpu.memory_space<vmem_shared>> -> memref<128x16xf32, #tpu.memory_space<vmem_shared>>
        tpu.wait_dma2 semaphore(%run_scoped3A_142 : memref<!tpu.dma_semaphore, #tpu.memory_space<semaphore_mem>>) src(%arg9 : memref<128x16xf32, #tpu.memory_space<vmem>>) dst(%dma_wait3A_149 : memref<128x16xf32, #tpu.memory_space<vmem_shared>>)
        tpu.yield
      }) : () -> ()
    } else {
    }
    %barrier3A = arith.constant 0 : index
    tpu.barrier barrier_id(%barrier3A)
    %dma_start3A = arith.constant 0 : i32
    %dma_start3A_45 = arith.constant 0 : i32
    %dma_start3A_46 = tpu.memref_slice %arg7[%dma_start3A, %dma_start3A_45] : memref<80x128xi32, #tpu.memory_space<vmem>> -> memref<1x128xi32, #tpu.memory_space<vmem>>
    %dma_start3A_47 = tpu.memref_squeeze %dma_start3A_46 : memref<1x128xi32, #tpu.memory_space<vmem>> -> memref<128xi32, #tpu.memory_space<vmem>>
    %dma_start3A_48 = arith.constant 0 : i32
    %dma_start3A_49 = arith.constant 0 : i32
    %dma_start3A_50 = tpu.memref_slice %arg10[%dma_start3A_48, %dma_start3A_49] : memref<10112x16xf32, #tpu.memory_space<vmem_shared>> -> memref<10112x16xf32, #tpu.memory_space<vmem_shared>>
    tpu.enqueue_indirect_dma source(%arg8 : memref<128x16xf32, #tpu.memory_space<vmem>>) target(%dma_start3A_50 : memref<10112x16xf32, #tpu.memory_space<vmem_shared>>) offsets(%dma_start3A_47 : memref<128xi32, #tpu.memory_space<vmem>>) semaphore(%arg11 : memref<!tpu.dma_semaphore, #tpu.memory_space<semaphore_mem>>) {add = true}
    %dma_start3A_51 = arith.constant 1 : i32
    %dma_start3A_52 = arith.constant 0 : i32
    %dma_start3A_53 = tpu.memref_slice %arg7[%dma_start3A_51, %dma_start3A_52] : memref<80x128xi32, #tpu.memory_space<vmem>> -> memref<1x128xi32, #tpu.memory_space<vmem>>
    %dma_start3A_54 = tpu.memref_squeeze %dma_start3A_53 : memref<1x128xi32, #tpu.memory_space<vmem>> -> memref<128xi32, #tpu.memory_space<vmem>>
    %dma_start3A_55 = arith.constant 0 : i32
    %dma_start3A_56 = arith.constant 0 : i32
    %dma_start3A_57 = tpu.memref_slice %arg10[%dma_start3A_55, %dma_start3A_56] : memref<10112x16xf32, #tpu.memory_space<vmem_shared>> -> memref<10112x16xf32, #tpu.memory_space<vmem_shared>>
    tpu.enqueue_indirect_dma source(%arg8 : memref<128x16xf32, #tpu.memory_space<vmem>>) target(%dma_start3A_57 : memref<10112x16xf32, #tpu.memory_space<vmem_shared>>) offsets(%dma_start3A_54 : memref<128xi32, #tpu.memory_space<vmem>>) semaphore(%arg11 : memref<!tpu.dma_semaphore, #tpu.memory_space<semaphore_mem>>) {add = true}
    %dma_start3A_58 = arith.constant 2 : i32
    %dma_start3A_59 = arith.constant 0 : i32
    %dma_start3A_60 = tpu.memref_slice %arg7[%dma_start3A_58, %dma_start3A_59] : memref<80x128xi32, #tpu.memory_space<vmem>> -> memref<1x128xi32, #tpu.memory_space<vmem>>
    %dma_start3A_61 = tpu.memref_squeeze %dma_start3A_60 : memref<1x128xi32, #tpu.memory_space<vmem>> -> memref<128xi32, #tpu.memory_space<vmem>>
    %dma_start3A_62 = arith.constant 0 : i32
    %dma_start3A_63 = arith.constant 0 : i32
    %dma_start3A_64 = tpu.memref_slice %arg10[%dma_start3A_62, %dma_start3A_63] : memref<10112x16xf32, #tpu.memory_space<vmem_shared>> -> memref<10112x16xf32, #tpu.memory_space<vmem_shared>>
    tpu.enqueue_indirect_dma source(%arg8 : memref<128x16xf32, #tpu.memory_space<vmem>>) target(%dma_start3A_64 : memref<10112x16xf32, #tpu.memory_space<vmem_shared>>) offsets(%dma_start3A_61 : memref<128xi32, #tpu.memory_space<vmem>>) semaphore(%arg11 : memref<!tpu.dma_semaphore, #tpu.memory_space<semaphore_mem>>) {add = true}
    %dma_start3A_65 = arith.constant 3 : i32
    %dma_start3A_66 = arith.constant 0 : i32
    %dma_start3A_67 = tpu.memref_slice %arg7[%dma_start3A_65, %dma_start3A_66] : memref<80x128xi32, #tpu.memory_space<vmem>> -> memref<1x128xi32, #tpu.memory_space<vmem>>
    %dma_start3A_68 = tpu.memref_squeeze %dma_start3A_67 : memref<1x128xi32, #tpu.memory_space<vmem>> -> memref<128xi32, #tpu.memory_space<vmem>>
    %dma_start3A_69 = arith.constant 0 : i32
    %dma_start3A_70 = arith.constant 0 : i32
    %dma_start3A_71 = tpu.memref_slice %arg10[%dma_start3A_69, %dma_start3A_70] : memref<10112x16xf32, #tpu.memory_space<vmem_shared>> -> memref<10112x16xf32, #tpu.memory_space<vmem_shared>>
    tpu.enqueue_indirect_dma source(%arg8 : memref<128x16xf32, #tpu.memory_space<vmem>>) target(%dma_start3A_71 : memref<10112x16xf32, #tpu.memory_space<vmem_shared>>) offsets(%dma_start3A_68 : memref<128xi32, #tpu.memory_space<vmem>>) semaphore(%arg11 : memref<!tpu.dma_semaphore, #tpu.memory_space<semaphore_mem>>) {add = true}
    %dma_start3A_72 = arith.constant 4 : i32
    %dma_start3A_73 = arith.constant 0 : i32
    %dma_start3A_74 = tpu.memref_slice %arg7[%dma_start3A_72, %dma_start3A_73] : memref<80x128xi32, #tpu.memory_space<vmem>> -> memref<1x128xi32, #tpu.memory_space<vmem>>
    %dma_start3A_75 = tpu.memref_squeeze %dma_start3A_74 : memref<1x128xi32, #tpu.memory_space<vmem>> -> memref<128xi32, #tpu.memory_space<vmem>>
    %dma_start3A_76 = arith.constant 0 : i32
    %dma_start3A_77 = arith.constant 0 : i32
    %dma_start3A_78 = tpu.memref_slice %arg10[%dma_start3A_76, %dma_start3A_77] : memref<10112x16xf32, #tpu.memory_space<vmem_shared>> -> memref<10112x16xf32, #tpu.memory_space<vmem_shared>>
    tpu.enqueue_indirect_dma source(%arg8 : memref<128x16xf32, #tpu.memory_space<vmem>>) target(%dma_start3A_78 : memref<10112x16xf32, #tpu.memory_space<vmem_shared>>) offsets(%dma_start3A_75 : memref<128xi32, #tpu.memory_space<vmem>>) semaphore(%arg11 : memref<!tpu.dma_semaphore, #tpu.memory_space<semaphore_mem>>) {add = true}
    %dma_start3A_79 = arith.constant 5 : i32
    %dma_start3A_80 = arith.constant 0 : i32
    %dma_start3A_81 = tpu.memref_slice %arg7[%dma_start3A_79, %dma_start3A_80] : memref<80x128xi32, #tpu.memory_space<vmem>> -> memref<1x128xi32, #tpu.memory_space<vmem>>
    %dma_start3A_82 = tpu.memref_squeeze %dma_start3A_81 : memref<1x128xi32, #tpu.memory_space<vmem>> -> memref<128xi32, #tpu.memory_space<vmem>>
    %dma_start3A_83 = arith.constant 0 : i32
    %dma_start3A_84 = arith.constant 0 : i32
    %dma_start3A_85 = tpu.memref_slice %arg10[%dma_start3A_83, %dma_start3A_84] : memref<10112x16xf32, #tpu.memory_space<vmem_shared>> -> memref<10112x16xf32, #tpu.memory_space<vmem_shared>>
    tpu.enqueue_indirect_dma source(%arg8 : memref<128x16xf32, #tpu.memory_space<vmem>>) target(%dma_start3A_85 : memref<10112x16xf32, #tpu.memory_space<vmem_shared>>) offsets(%dma_start3A_82 : memref<128xi32, #tpu.memory_space<vmem>>) semaphore(%arg11 : memref<!tpu.dma_semaphore, #tpu.memory_space<semaphore_mem>>) {add = true}
    %dma_start3A_86 = arith.constant 6 : i32
    %dma_start3A_87 = arith.constant 0 : i32
    %dma_start3A_88 = tpu.memref_slice %arg7[%dma_start3A_86, %dma_start3A_87] : memref<80x128xi32, #tpu.memory_space<vmem>> -> memref<1x128xi32, #tpu.memory_space<vmem>>
    %dma_start3A_89 = tpu.memref_squeeze %dma_start3A_88 : memref<1x128xi32, #tpu.memory_space<vmem>> -> memref<128xi32, #tpu.memory_space<vmem>>
    %dma_start3A_90 = arith.constant 0 : i32
    %dma_start3A_91 = arith.constant 0 : i32
    %dma_start3A_92 = tpu.memref_slice %arg10[%dma_start3A_90, %dma_start3A_91] : memref<10112x16xf32, #tpu.memory_space<vmem_shared>> -> memref<10112x16xf32, #tpu.memory_space<vmem_shared>>
    tpu.enqueue_indirect_dma source(%arg8 : memref<128x16xf32, #tpu.memory_space<vmem>>) target(%dma_start3A_92 : memref<10112x16xf32, #tpu.memory_space<vmem_shared>>) offsets(%dma_start3A_89 : memref<128xi32, #tpu.memory_space<vmem>>) semaphore(%arg11 : memref<!tpu.dma_semaphore, #tpu.memory_space<semaphore_mem>>) {add = true}
    %dma_start3A_93 = arith.constant 7 : i32
    %dma_start3A_94 = arith.constant 0 : i32
    %dma_start3A_95 = tpu.memref_slice %arg7[%dma_start3A_93, %dma_start3A_94] : memref<80x128xi32, #tpu.memory_space<vmem>> -> memref<1x128xi32, #tpu.memory_space<vmem>>
    %dma_start3A_96 = tpu.memref_squeeze %dma_start3A_95 : memref<1x128xi32, #tpu.memory_space<vmem>> -> memref<128xi32, #tpu.memory_space<vmem>>
    %dma_start3A_97 = arith.constant 0 : i32
    %dma_start3A_98 = arith.constant 0 : i32
    %dma_start3A_99 = tpu.memref_slice %arg10[%dma_start3A_97, %dma_start3A_98] : memref<10112x16xf32, #tpu.memory_space<vmem_shared>> -> memref<10112x16xf32, #tpu.memory_space<vmem_shared>>
    tpu.enqueue_indirect_dma source(%arg8 : memref<128x16xf32, #tpu.memory_space<vmem>>) target(%dma_start3A_99 : memref<10112x16xf32, #tpu.memory_space<vmem_shared>>) offsets(%dma_start3A_96 : memref<128xi32, #tpu.memory_space<vmem>>) semaphore(%arg11 : memref<!tpu.dma_semaphore, #tpu.memory_space<semaphore_mem>>) {add = true}
    %scan3A = arith.constant 0 : i32
    %scan3A_100 = arith.constant 80 : i32
    %scan3A_101 = arith.addi %scan3A, %scan3A_100 : i32
    %scan3A_102 = arith.constant 1 : i32
    scf.for %scan3A_140 = %scan3A to %scan3A_101 step %scan3A_102  : i32 {
      %mul3A_141 = arith.constant 1 : i32
      %mul3A_142 = arith.muli %scan3A_140, %mul3A_141 : i32
      %add3A_143 = arith.constant 0 : i32
      %add3A_144 = arith.addi %add3A_143, %mul3A_142 : i32
      %dma_wait3A = arith.constant 0 : i32
      %dma_wait3A_145 = tpu.memref_slice %arg7[%add3A_144, %dma_wait3A] : memref<80x128xi32, #tpu.memory_space<vmem>> -> memref<1x128xi32, #tpu.memory_space<vmem>>
      %dma_wait3A_146 = tpu.memref_squeeze %dma_wait3A_145 : memref<1x128xi32, #tpu.memory_space<vmem>> -> memref<128xi32, #tpu.memory_space<vmem>>
      %dma_wait3A_147 = arith.constant 0 : i32
      %dma_wait3A_148 = arith.constant 0 : i32
      %dma_wait3A_149 = tpu.memref_slice %arg10[%dma_wait3A_147, %dma_wait3A_148] : memref<10112x16xf32, #tpu.memory_space<vmem_shared>> -> memref<10112x16xf32, #tpu.memory_space<vmem_shared>>
      tpu.wait_indirect_dma semaphore(%arg11 : memref<!tpu.dma_semaphore, #tpu.memory_space<semaphore_mem>>) src(%arg8 : memref<128x16xf32, #tpu.memory_space<vmem>>) dst(%dma_wait3A_149 : memref<10112x16xf32, #tpu.memory_space<vmem_shared>>)
      %add3A_150 = arith.constant 8 : i32
      %add3A_151 = arith.addi %add3A_144, %add3A_150 : i32
      %lt3A_152 = arith.constant 80 : i32
      %lt3A_153 = arith.cmpi slt, %add3A_151, %lt3A_152 : i32
      %convert_element_type3A_154 = arith.extui %lt3A_153 : i1 to i32
      %cond3A_155 = arith.constant 0 : i32
      %cond3A_156 = arith.cmpi ne, %convert_element_type3A_154, %cond3A_155 : i32
      scf.if %cond3A_156 {
        %add3A_157 = arith.constant 8 : i32
        %add3A_158 = arith.addi %add3A_144, %add3A_157 : i32
        %dma_start3A_159 = arith.constant 0 : i32
        %dma_start3A_160 = tpu.memref_slice %arg7[%add3A_158, %dma_start3A_159] : memref<80x128xi32, #tpu.memory_space<vmem>> -> memref<1x128xi32, #tpu.memory_space<vmem>>
        %dma_start3A_161 = tpu.memref_squeeze %dma_start3A_160 : memref<1x128xi32, #tpu.memory_space<vmem>> -> memref<128xi32, #tpu.memory_space<vmem>>
        %dma_start3A_162 = arith.constant 0 : i32
        %dma_start3A_163 = arith.constant 0 : i32
        %dma_start3A_164 = tpu.memref_slice %arg10[%dma_start3A_162, %dma_start3A_163] : memref<10112x16xf32, #tpu.memory_space<vmem_shared>> -> memref<10112x16xf32, #tpu.memory_space<vmem_shared>>
        tpu.enqueue_indirect_dma source(%arg8 : memref<128x16xf32, #tpu.memory_space<vmem>>) target(%dma_start3A_164 : memref<10112x16xf32, #tpu.memory_space<vmem_shared>>) offsets(%dma_start3A_161 : memref<128xi32, #tpu.memory_space<vmem>>) semaphore(%arg11 : memref<!tpu.dma_semaphore, #tpu.memory_space<semaphore_mem>>) {add = true}
      } else {
      }
    }
    %scan3A_103 = arith.constant 80 : i32
    %barrier3A_104 = arith.constant 0 : index
    tpu.barrier barrier_id(%barrier3A_104)
    %add3A_105 = arith.constant 0 : i32
    %add3A_106 = arith.addi %add3A_105, %arg1 : i32
    %lt3A_107 = arith.constant 79 : i32
    %lt3A_108 = arith.cmpi slt, %add3A_106, %lt3A_107 : i32
    %convert_element_type3A_109 = arith.extui %lt3A_108 : i1 to i32
    %cond3A_110 = arith.constant 0 : i32
    %cond3A_111 = arith.cmpi ne, %convert_element_type3A_109, %cond3A_110 : i32
    scf.if %cond3A_111 {
      %mul3A_140 = arith.constant 128 : i32
      %mul3A_141 = arith.muli %add3A_106, %mul3A_140 : i32
      %eq3A_142 = arith.constant 0 : i32
      %eq3A_143 = arith.cmpi eq, %arg0, %eq3A_142 : i32
      %convert_element_type3A_144 = arith.extui %eq3A_143 : i1 to i32
      %cond3A_145 = arith.constant 0 : i32
      %cond3A_146 = arith.cmpi ne, %convert_element_type3A_144, %cond3A_145 : i32
      scf.if %cond3A_146 {
        "tpu.region"() ({
          %run_scoped3A_152 = tpu.sem_alloc : memref<!tpu.dma_semaphore, #tpu.memory_space<semaphore_mem>>
          %dma_start3A_153 = arith.constant 0 : i32
          %dma_start3A_154 = tpu.memref_slice %arg5[%mul3A_141, %dma_start3A_153] : memref<10112x16xf32, #tpu.memory_space<hbm>> -> memref<128x16xf32, #tpu.memory_space<hbm>>
          %dma_start3A_155 = arith.constant 0 : i32
          %dma_start3A_156 = tpu.memref_slice %arg10[%mul3A_141, %dma_start3A_155] : memref<10112x16xf32, #tpu.memory_space<vmem_shared>> -> memref<128x16xf32, #tpu.memory_space<vmem_shared>>
          tpu.enqueue_dma source(%dma_start3A_156 : memref<128x16xf32, #tpu.memory_space<vmem_shared>>) target(%dma_start3A_154 : memref<128x16xf32, #tpu.memory_space<hbm>>) target_semaphore(%run_scoped3A_152 : memref<!tpu.dma_semaphore, #tpu.memory_space<semaphore_mem>>)
          %dma_wait3A = arith.constant 0 : i32
          %dma_wait3A_157 = tpu.memref_slice %arg5[%mul3A_141, %dma_wait3A] : memref<10112x16xf32, #tpu.memory_space<hbm>> -> memref<128x16xf32, #tpu.memory_space<hbm>>
          %dma_wait3A_158 = arith.constant 0 : i32
          %dma_wait3A_159 = tpu.memref_slice %arg10[%mul3A_141, %dma_wait3A_158] : memref<10112x16xf32, #tpu.memory_space<vmem_shared>> -> memref<128x16xf32, #tpu.memory_space<vmem_shared>>
          tpu.wait_dma2 semaphore(%run_scoped3A_152 : memref<!tpu.dma_semaphore, #tpu.memory_space<semaphore_mem>>) src(%dma_wait3A_159 : memref<128x16xf32, #tpu.memory_space<vmem_shared>>) dst(%dma_wait3A_157 : memref<128x16xf32, #tpu.memory_space<hbm>>)
          tpu.yield
        }) : () -> ()
      } else {
      }
      %eq3A_147 = arith.constant 1 : i32
      %eq3A_148 = arith.cmpi eq, %arg0, %eq3A_147 : i32
      %convert_element_type3A_149 = arith.extui %eq3A_148 : i1 to i32
      %cond3A_150 = arith.constant 0 : i32
      %cond3A_151 = arith.cmpi ne, %convert_element_type3A_149, %cond3A_150 : i32
      scf.if %cond3A_151 {
        "tpu.region"() ({
          %run_scoped3A_152 = tpu.sem_alloc : memref<!tpu.dma_semaphore, #tpu.memory_space<semaphore_mem>>
          %dma_start3A_153 = arith.constant 0 : i32
          %dma_start3A_154 = tpu.memref_slice %arg6[%mul3A_141, %dma_start3A_153] : memref<10112x16xf32, #tpu.memory_space<hbm>> -> memref<128x16xf32, #tpu.memory_space<hbm>>
          %dma_start3A_155 = arith.constant 0 : i32
          %dma_start3A_156 = tpu.memref_slice %arg10[%mul3A_141, %dma_start3A_155] : memref<10112x16xf32, #tpu.memory_space<vmem_shared>> -> memref<128x16xf32, #tpu.memory_space<vmem_shared>>
          tpu.enqueue_dma source(%dma_start3A_156 : memref<128x16xf32, #tpu.memory_space<vmem_shared>>) target(%dma_start3A_154 : memref<128x16xf32, #tpu.memory_space<hbm>>) target_semaphore(%run_scoped3A_152 : memref<!tpu.dma_semaphore, #tpu.memory_space<semaphore_mem>>)
          %dma_wait3A = arith.constant 0 : i32
          %dma_wait3A_157 = tpu.memref_slice %arg6[%mul3A_141, %dma_wait3A] : memref<10112x16xf32, #tpu.memory_space<hbm>> -> memref<128x16xf32, #tpu.memory_space<hbm>>
          %dma_wait3A_158 = arith.constant 0 : i32
          %dma_wait3A_159 = tpu.memref_slice %arg10[%mul3A_141, %dma_wait3A_158] : memref<10112x16xf32, #tpu.memory_space<vmem_shared>> -> memref<128x16xf32, #tpu.memory_space<vmem_shared>>
          tpu.wait_dma2 semaphore(%run_scoped3A_152 : memref<!tpu.dma_semaphore, #tpu.memory_space<semaphore_mem>>) src(%dma_wait3A_159 : memref<128x16xf32, #tpu.memory_space<vmem_shared>>) dst(%dma_wait3A_157 : memref<128x16xf32, #tpu.memory_space<hbm>>)
          tpu.yield
        }) : () -> ()
      } else {
      }
    } else {
    }
    %add3A_112 = arith.constant 16 : i32
    %add3A_113 = arith.addi %add3A_112, %arg1 : i32
    %lt3A_114 = arith.constant 79 : i32
    %lt3A_115 = arith.cmpi slt, %add3A_113, %lt3A_114 : i32
    %convert_element_type3A_116 = arith.extui %lt3A_115 : i1 to i32
    %cond3A_117 = arith.constant 0 : i32
    %cond3A_118 = arith.cmpi ne, %convert_element_type3A_116, %cond3A_117 : i32
    scf.if %cond3A_118 {
      %mul3A_140 = arith.constant 128 : i32
      %mul3A_141 = arith.muli %add3A_113, %mul3A_140 : i32
      %eq3A_142 = arith.constant 0 : i32
      %eq3A_143 = arith.cmpi eq, %arg0, %eq3A_142 : i32
      %convert_element_type3A_144 = arith.extui %eq3A_143 : i1 to i32
      %cond3A_145 = arith.constant 0 : i32
      %cond3A_146 = arith.cmpi ne, %convert_element_type3A_144, %cond3A_145 : i32
      scf.if %cond3A_146 {
        "tpu.region"() ({
          %run_scoped3A_152 = tpu.sem_alloc : memref<!tpu.dma_semaphore, #tpu.memory_space<semaphore_mem>>
          %dma_start3A_153 = arith.constant 0 : i32
          %dma_start3A_154 = tpu.memref_slice %arg5[%mul3A_141, %dma_start3A_153] : memref<10112x16xf32, #tpu.memory_space<hbm>> -> memref<128x16xf32, #tpu.memory_space<hbm>>
          %dma_start3A_155 = arith.constant 0 : i32
          %dma_start3A_156 = tpu.memref_slice %arg10[%mul3A_141, %dma_start3A_155] : memref<10112x16xf32, #tpu.memory_space<vmem_shared>> -> memref<128x16xf32, #tpu.memory_space<vmem_shared>>
          tpu.enqueue_dma source(%dma_start3A_156 : memref<128x16xf32, #tpu.memory_space<vmem_shared>>) target(%dma_start3A_154 : memref<128x16xf32, #tpu.memory_space<hbm>>) target_semaphore(%run_scoped3A_152 : memref<!tpu.dma_semaphore, #tpu.memory_space<semaphore_mem>>)
          %dma_wait3A = arith.constant 0 : i32
          %dma_wait3A_157 = tpu.memref_slice %arg5[%mul3A_141, %dma_wait3A] : memref<10112x16xf32, #tpu.memory_space<hbm>> -> memref<128x16xf32, #tpu.memory_space<hbm>>
          %dma_wait3A_158 = arith.constant 0 : i32
          %dma_wait3A_159 = tpu.memref_slice %arg10[%mul3A_141, %dma_wait3A_158] : memref<10112x16xf32, #tpu.memory_space<vmem_shared>> -> memref<128x16xf32, #tpu.memory_space<vmem_shared>>
          tpu.wait_dma2 semaphore(%run_scoped3A_152 : memref<!tpu.dma_semaphore, #tpu.memory_space<semaphore_mem>>) src(%dma_wait3A_159 : memref<128x16xf32, #tpu.memory_space<vmem_shared>>) dst(%dma_wait3A_157 : memref<128x16xf32, #tpu.memory_space<hbm>>)
          tpu.yield
        }) : () -> ()
      } else {
      }
      %eq3A_147 = arith.constant 1 : i32
      %eq3A_148 = arith.cmpi eq, %arg0, %eq3A_147 : i32
      %convert_element_type3A_149 = arith.extui %eq3A_148 : i1 to i32
      %cond3A_150 = arith.constant 0 : i32
      %cond3A_151 = arith.cmpi ne, %convert_element_type3A_149, %cond3A_150 : i32
      scf.if %cond3A_151 {
        "tpu.region"() ({
          %run_scoped3A_152 = tpu.sem_alloc : memref<!tpu.dma_semaphore, #tpu.memory_space<semaphore_mem>>
          %dma_start3A_153 = arith.constant 0 : i32
          %dma_start3A_154 = tpu.memref_slice %arg6[%mul3A_141, %dma_start3A_153] : memref<10112x16xf32, #tpu.memory_space<hbm>> -> memref<128x16xf32, #tpu.memory_space<hbm>>
          %dma_start3A_155 = arith.constant 0 : i32
          %dma_start3A_156 = tpu.memref_slice %arg10[%mul3A_141, %dma_start3A_155] : memref<10112x16xf32, #tpu.memory_space<vmem_shared>> -> memref<128x16xf32, #tpu.memory_space<vmem_shared>>
          tpu.enqueue_dma source(%dma_start3A_156 : memref<128x16xf32, #tpu.memory_space<vmem_shared>>) target(%dma_start3A_154 : memref<128x16xf32, #tpu.memory_space<hbm>>) target_semaphore(%run_scoped3A_152 : memref<!tpu.dma_semaphore, #tpu.memory_space<semaphore_mem>>)
          %dma_wait3A = arith.constant 0 : i32
          %dma_wait3A_157 = tpu.memref_slice %arg6[%mul3A_141, %dma_wait3A] : memref<10112x16xf32, #tpu.memory_space<hbm>> -> memref<128x16xf32, #tpu.memory_space<hbm>>
          %dma_wait3A_158 = arith.constant 0 : i32
          %dma_wait3A_159 = tpu.memref_slice %arg10[%mul3A_141, %dma_wait3A_158] : memref<10112x16xf32, #tpu.memory_space<vmem_shared>> -> memref<128x16xf32, #tpu.memory_space<vmem_shared>>
          tpu.wait_dma2 semaphore(%run_scoped3A_152 : memref<!tpu.dma_semaphore, #tpu.memory_space<semaphore_mem>>) src(%dma_wait3A_159 : memref<128x16xf32, #tpu.memory_space<vmem_shared>>) dst(%dma_wait3A_157 : memref<128x16xf32, #tpu.memory_space<hbm>>)
          tpu.yield
        }) : () -> ()
      } else {
      }
    } else {
    }
    %add3A_119 = arith.constant 32 : i32
    %add3A_120 = arith.addi %add3A_119, %arg1 : i32
    %lt3A_121 = arith.constant 79 : i32
    %lt3A_122 = arith.cmpi slt, %add3A_120, %lt3A_121 : i32
    %convert_element_type3A_123 = arith.extui %lt3A_122 : i1 to i32
    %cond3A_124 = arith.constant 0 : i32
    %cond3A_125 = arith.cmpi ne, %convert_element_type3A_123, %cond3A_124 : i32
    scf.if %cond3A_125 {
      %mul3A_140 = arith.constant 128 : i32
      %mul3A_141 = arith.muli %add3A_120, %mul3A_140 : i32
      %eq3A_142 = arith.constant 0 : i32
      %eq3A_143 = arith.cmpi eq, %arg0, %eq3A_142 : i32
      %convert_element_type3A_144 = arith.extui %eq3A_143 : i1 to i32
      %cond3A_145 = arith.constant 0 : i32
      %cond3A_146 = arith.cmpi ne, %convert_element_type3A_144, %cond3A_145 : i32
      scf.if %cond3A_146 {
        "tpu.region"() ({
          %run_scoped3A_152 = tpu.sem_alloc : memref<!tpu.dma_semaphore, #tpu.memory_space<semaphore_mem>>
          %dma_start3A_153 = arith.constant 0 : i32
          %dma_start3A_154 = tpu.memref_slice %arg5[%mul3A_141, %dma_start3A_153] : memref<10112x16xf32, #tpu.memory_space<hbm>> -> memref<128x16xf32, #tpu.memory_space<hbm>>
          %dma_start3A_155 = arith.constant 0 : i32
          %dma_start3A_156 = tpu.memref_slice %arg10[%mul3A_141, %dma_start3A_155] : memref<10112x16xf32, #tpu.memory_space<vmem_shared>> -> memref<128x16xf32, #tpu.memory_space<vmem_shared>>
          tpu.enqueue_dma source(%dma_start3A_156 : memref<128x16xf32, #tpu.memory_space<vmem_shared>>) target(%dma_start3A_154 : memref<128x16xf32, #tpu.memory_space<hbm>>) target_semaphore(%run_scoped3A_152 : memref<!tpu.dma_semaphore, #tpu.memory_space<semaphore_mem>>)
          %dma_wait3A = arith.constant 0 : i32
          %dma_wait3A_157 = tpu.memref_slice %arg5[%mul3A_141, %dma_wait3A] : memref<10112x16xf32, #tpu.memory_space<hbm>> -> memref<128x16xf32, #tpu.memory_space<hbm>>
          %dma_wait3A_158 = arith.constant 0 : i32
          %dma_wait3A_159 = tpu.memref_slice %arg10[%mul3A_141, %dma_wait3A_158] : memref<10112x16xf32, #tpu.memory_space<vmem_shared>> -> memref<128x16xf32, #tpu.memory_space<vmem_shared>>
          tpu.wait_dma2 semaphore(%run_scoped3A_152 : memref<!tpu.dma_semaphore, #tpu.memory_space<semaphore_mem>>) src(%dma_wait3A_159 : memref<128x16xf32, #tpu.memory_space<vmem_shared>>) dst(%dma_wait3A_157 : memref<128x16xf32, #tpu.memory_space<hbm>>)
          tpu.yield
        }) : () -> ()
      } else {
      }
      %eq3A_147 = arith.constant 1 : i32
      %eq3A_148 = arith.cmpi eq, %arg0, %eq3A_147 : i32
      %convert_element_type3A_149 = arith.extui %eq3A_148 : i1 to i32
      %cond3A_150 = arith.constant 0 : i32
      %cond3A_151 = arith.cmpi ne, %convert_element_type3A_149, %cond3A_150 : i32
      scf.if %cond3A_151 {
        "tpu.region"() ({
          %run_scoped3A_152 = tpu.sem_alloc : memref<!tpu.dma_semaphore, #tpu.memory_space<semaphore_mem>>
          %dma_start3A_153 = arith.constant 0 : i32
          %dma_start3A_154 = tpu.memref_slice %arg6[%mul3A_141, %dma_start3A_153] : memref<10112x16xf32, #tpu.memory_space<hbm>> -> memref<128x16xf32, #tpu.memory_space<hbm>>
          %dma_start3A_155 = arith.constant 0 : i32
          %dma_start3A_156 = tpu.memref_slice %arg10[%mul3A_141, %dma_start3A_155] : memref<10112x16xf32, #tpu.memory_space<vmem_shared>> -> memref<128x16xf32, #tpu.memory_space<vmem_shared>>
          tpu.enqueue_dma source(%dma_start3A_156 : memref<128x16xf32, #tpu.memory_space<vmem_shared>>) target(%dma_start3A_154 : memref<128x16xf32, #tpu.memory_space<hbm>>) target_semaphore(%run_scoped3A_152 : memref<!tpu.dma_semaphore, #tpu.memory_space<semaphore_mem>>)
          %dma_wait3A = arith.constant 0 : i32
          %dma_wait3A_157 = tpu.memref_slice %arg6[%mul3A_141, %dma_wait3A] : memref<10112x16xf32, #tpu.memory_space<hbm>> -> memref<128x16xf32, #tpu.memory_space<hbm>>
          %dma_wait3A_158 = arith.constant 0 : i32
          %dma_wait3A_159 = tpu.memref_slice %arg10[%mul3A_141, %dma_wait3A_158] : memref<10112x16xf32, #tpu.memory_space<vmem_shared>> -> memref<128x16xf32, #tpu.memory_space<vmem_shared>>
          tpu.wait_dma2 semaphore(%run_scoped3A_152 : memref<!tpu.dma_semaphore, #tpu.memory_space<semaphore_mem>>) src(%dma_wait3A_159 : memref<128x16xf32, #tpu.memory_space<vmem_shared>>) dst(%dma_wait3A_157 : memref<128x16xf32, #tpu.memory_space<hbm>>)
          tpu.yield
        }) : () -> ()
      } else {
      }
    } else {
    }
    %add3A_126 = arith.constant 48 : i32
    %add3A_127 = arith.addi %add3A_126, %arg1 : i32
    %lt3A_128 = arith.constant 79 : i32
    %lt3A_129 = arith.cmpi slt, %add3A_127, %lt3A_128 : i32
    %convert_element_type3A_130 = arith.extui %lt3A_129 : i1 to i32
    %cond3A_131 = arith.constant 0 : i32
    %cond3A_132 = arith.cmpi ne, %convert_element_type3A_130, %cond3A_131 : i32
    scf.if %cond3A_132 {
      %mul3A_140 = arith.constant 128 : i32
      %mul3A_141 = arith.muli %add3A_127, %mul3A_140 : i32
      %eq3A_142 = arith.constant 0 : i32
      %eq3A_143 = arith.cmpi eq, %arg0, %eq3A_142 : i32
      %convert_element_type3A_144 = arith.extui %eq3A_143 : i1 to i32
      %cond3A_145 = arith.constant 0 : i32
      %cond3A_146 = arith.cmpi ne, %convert_element_type3A_144, %cond3A_145 : i32
      scf.if %cond3A_146 {
        "tpu.region"() ({
          %run_scoped3A_152 = tpu.sem_alloc : memref<!tpu.dma_semaphore, #tpu.memory_space<semaphore_mem>>
          %dma_start3A_153 = arith.constant 0 : i32
          %dma_start3A_154 = tpu.memref_slice %arg5[%mul3A_141, %dma_start3A_153] : memref<10112x16xf32, #tpu.memory_space<hbm>> -> memref<128x16xf32, #tpu.memory_space<hbm>>
          %dma_start3A_155 = arith.constant 0 : i32
          %dma_start3A_156 = tpu.memref_slice %arg10[%mul3A_141, %dma_start3A_155] : memref<10112x16xf32, #tpu.memory_space<vmem_shared>> -> memref<128x16xf32, #tpu.memory_space<vmem_shared>>
          tpu.enqueue_dma source(%dma_start3A_156 : memref<128x16xf32, #tpu.memory_space<vmem_shared>>) target(%dma_start3A_154 : memref<128x16xf32, #tpu.memory_space<hbm>>) target_semaphore(%run_scoped3A_152 : memref<!tpu.dma_semaphore, #tpu.memory_space<semaphore_mem>>)
          %dma_wait3A = arith.constant 0 : i32
          %dma_wait3A_157 = tpu.memref_slice %arg5[%mul3A_141, %dma_wait3A] : memref<10112x16xf32, #tpu.memory_space<hbm>> -> memref<128x16xf32, #tpu.memory_space<hbm>>
          %dma_wait3A_158 = arith.constant 0 : i32
          %dma_wait3A_159 = tpu.memref_slice %arg10[%mul3A_141, %dma_wait3A_158] : memref<10112x16xf32, #tpu.memory_space<vmem_shared>> -> memref<128x16xf32, #tpu.memory_space<vmem_shared>>
          tpu.wait_dma2 semaphore(%run_scoped3A_152 : memref<!tpu.dma_semaphore, #tpu.memory_space<semaphore_mem>>) src(%dma_wait3A_159 : memref<128x16xf32, #tpu.memory_space<vmem_shared>>) dst(%dma_wait3A_157 : memref<128x16xf32, #tpu.memory_space<hbm>>)
          tpu.yield
        }) : () -> ()
      } else {
      }
      %eq3A_147 = arith.constant 1 : i32
      %eq3A_148 = arith.cmpi eq, %arg0, %eq3A_147 : i32
      %convert_element_type3A_149 = arith.extui %eq3A_148 : i1 to i32
      %cond3A_150 = arith.constant 0 : i32
      %cond3A_151 = arith.cmpi ne, %convert_element_type3A_149, %cond3A_150 : i32
      scf.if %cond3A_151 {
        "tpu.region"() ({
          %run_scoped3A_152 = tpu.sem_alloc : memref<!tpu.dma_semaphore, #tpu.memory_space<semaphore_mem>>
          %dma_start3A_153 = arith.constant 0 : i32
          %dma_start3A_154 = tpu.memref_slice %arg6[%mul3A_141, %dma_start3A_153] : memref<10112x16xf32, #tpu.memory_space<hbm>> -> memref<128x16xf32, #tpu.memory_space<hbm>>
          %dma_start3A_155 = arith.constant 0 : i32
          %dma_start3A_156 = tpu.memref_slice %arg10[%mul3A_141, %dma_start3A_155] : memref<10112x16xf32, #tpu.memory_space<vmem_shared>> -> memref<128x16xf32, #tpu.memory_space<vmem_shared>>
          tpu.enqueue_dma source(%dma_start3A_156 : memref<128x16xf32, #tpu.memory_space<vmem_shared>>) target(%dma_start3A_154 : memref<128x16xf32, #tpu.memory_space<hbm>>) target_semaphore(%run_scoped3A_152 : memref<!tpu.dma_semaphore, #tpu.memory_space<semaphore_mem>>)
          %dma_wait3A = arith.constant 0 : i32
          %dma_wait3A_157 = tpu.memref_slice %arg6[%mul3A_141, %dma_wait3A] : memref<10112x16xf32, #tpu.memory_space<hbm>> -> memref<128x16xf32, #tpu.memory_space<hbm>>
          %dma_wait3A_158 = arith.constant 0 : i32
          %dma_wait3A_159 = tpu.memref_slice %arg10[%mul3A_141, %dma_wait3A_158] : memref<10112x16xf32, #tpu.memory_space<vmem_shared>> -> memref<128x16xf32, #tpu.memory_space<vmem_shared>>
          tpu.wait_dma2 semaphore(%run_scoped3A_152 : memref<!tpu.dma_semaphore, #tpu.memory_space<semaphore_mem>>) src(%dma_wait3A_159 : memref<128x16xf32, #tpu.memory_space<vmem_shared>>) dst(%dma_wait3A_157 : memref<128x16xf32, #tpu.memory_space<hbm>>)
          tpu.yield
        }) : () -> ()
      } else {
      }
    } else {
    }
    %add3A_133 = arith.constant 64 : i32
    %add3A_134 = arith.addi %add3A_133, %arg1 : i32
    %lt3A_135 = arith.constant 79 : i32
    %lt3A_136 = arith.cmpi slt, %add3A_134, %lt3A_135 : i32
    %convert_element_type3A_137 = arith.extui %lt3A_136 : i1 to i32
    %cond3A_138 = arith.constant 0 : i32
    %cond3A_139 = arith.cmpi ne, %convert_element_type3A_137, %cond3A_138 : i32
    scf.if %cond3A_139 {
      %mul3A_140 = arith.constant 128 : i32
      %mul3A_141 = arith.muli %add3A_134, %mul3A_140 : i32
      %eq3A_142 = arith.constant 0 : i32
      %eq3A_143 = arith.cmpi eq, %arg0, %eq3A_142 : i32
      %convert_element_type3A_144 = arith.extui %eq3A_143 : i1 to i32
      %cond3A_145 = arith.constant 0 : i32
      %cond3A_146 = arith.cmpi ne, %convert_element_type3A_144, %cond3A_145 : i32
      scf.if %cond3A_146 {
        "tpu.region"() ({
          %run_scoped3A_152 = tpu.sem_alloc : memref<!tpu.dma_semaphore, #tpu.memory_space<semaphore_mem>>
          %dma_start3A_153 = arith.constant 0 : i32
          %dma_start3A_154 = tpu.memref_slice %arg5[%mul3A_141, %dma_start3A_153] : memref<10112x16xf32, #tpu.memory_space<hbm>> -> memref<128x16xf32, #tpu.memory_space<hbm>>
          %dma_start3A_155 = arith.constant 0 : i32
          %dma_start3A_156 = tpu.memref_slice %arg10[%mul3A_141, %dma_start3A_155] : memref<10112x16xf32, #tpu.memory_space<vmem_shared>> -> memref<128x16xf32, #tpu.memory_space<vmem_shared>>
          tpu.enqueue_dma source(%dma_start3A_156 : memref<128x16xf32, #tpu.memory_space<vmem_shared>>) target(%dma_start3A_154 : memref<128x16xf32, #tpu.memory_space<hbm>>) target_semaphore(%run_scoped3A_152 : memref<!tpu.dma_semaphore, #tpu.memory_space<semaphore_mem>>)
          %dma_wait3A = arith.constant 0 : i32
          %dma_wait3A_157 = tpu.memref_slice %arg5[%mul3A_141, %dma_wait3A] : memref<10112x16xf32, #tpu.memory_space<hbm>> -> memref<128x16xf32, #tpu.memory_space<hbm>>
          %dma_wait3A_158 = arith.constant 0 : i32
          %dma_wait3A_159 = tpu.memref_slice %arg10[%mul3A_141, %dma_wait3A_158] : memref<10112x16xf32, #tpu.memory_space<vmem_shared>> -> memref<128x16xf32, #tpu.memory_space<vmem_shared>>
          tpu.wait_dma2 semaphore(%run_scoped3A_152 : memref<!tpu.dma_semaphore, #tpu.memory_space<semaphore_mem>>) src(%dma_wait3A_159 : memref<128x16xf32, #tpu.memory_space<vmem_shared>>) dst(%dma_wait3A_157 : memref<128x16xf32, #tpu.memory_space<hbm>>)
          tpu.yield
        }) : () -> ()
      } else {
      }
      %eq3A_147 = arith.constant 1 : i32
      %eq3A_148 = arith.cmpi eq, %arg0, %eq3A_147 : i32
      %convert_element_type3A_149 = arith.extui %eq3A_148 : i1 to i32
      %cond3A_150 = arith.constant 0 : i32
      %cond3A_151 = arith.cmpi ne, %convert_element_type3A_149, %cond3A_150 : i32
      scf.if %cond3A_151 {
        "tpu.region"() ({
          %run_scoped3A_152 = tpu.sem_alloc : memref<!tpu.dma_semaphore, #tpu.memory_space<semaphore_mem>>
          %dma_start3A_153 = arith.constant 0 : i32
          %dma_start3A_154 = tpu.memref_slice %arg6[%mul3A_141, %dma_start3A_153] : memref<10112x16xf32, #tpu.memory_space<hbm>> -> memref<128x16xf32, #tpu.memory_space<hbm>>
          %dma_start3A_155 = arith.constant 0 : i32
          %dma_start3A_156 = tpu.memref_slice %arg10[%mul3A_141, %dma_start3A_155] : memref<10112x16xf32, #tpu.memory_space<vmem_shared>> -> memref<128x16xf32, #tpu.memory_space<vmem_shared>>
          tpu.enqueue_dma source(%dma_start3A_156 : memref<128x16xf32, #tpu.memory_space<vmem_shared>>) target(%dma_start3A_154 : memref<128x16xf32, #tpu.memory_space<hbm>>) target_semaphore(%run_scoped3A_152 : memref<!tpu.dma_semaphore, #tpu.memory_space<semaphore_mem>>)
          %dma_wait3A = arith.constant 0 : i32
          %dma_wait3A_157 = tpu.memref_slice %arg6[%mul3A_141, %dma_wait3A] : memref<10112x16xf32, #tpu.memory_space<hbm>> -> memref<128x16xf32, #tpu.memory_space<hbm>>
          %dma_wait3A_158 = arith.constant 0 : i32
          %dma_wait3A_159 = tpu.memref_slice %arg10[%mul3A_141, %dma_wait3A_158] : memref<10112x16xf32, #tpu.memory_space<vmem_shared>> -> memref<128x16xf32, #tpu.memory_space<vmem_shared>>
          tpu.wait_dma2 semaphore(%run_scoped3A_152 : memref<!tpu.dma_semaphore, #tpu.memory_space<semaphore_mem>>) src(%dma_wait3A_159 : memref<128x16xf32, #tpu.memory_space<vmem_shared>>) dst(%dma_wait3A_157 : memref<128x16xf32, #tpu.memory_space<hbm>>)
          tpu.yield
        }) : () -> ()
      } else {
      }
    } else {
    }
    return
  }
}

#map = affine_map<(d0, d1) -> (0, 0)>
#map1 = affine_map<(d0, d1) -> (0, 0, 0)>
#map2 = affine_map<(d0, d1) -> (0)>
module attributes {stable_mosaic.version = 14 : i64} {
  func.func @_edge_pass(%arg0: i32, %arg1: i32, %arg2: memref<10000x128xf32, #tpu.memory_space<hbm>>, %arg3: memref<2500x2x128xi32, #tpu.memory_space<hbm>>, %arg4: memref<10240xi32, #tpu.memory_space<hbm>>, %arg5: memref<10240xi32, #tpu.memory_space<hbm>>, %arg6: memref<128x128xf32, #tpu.memory_space<hbm>>, %arg7: memref<10112x128xf32, #tpu.memory_space<hbm>>, %arg8: memref<10112x128xf32, #tpu.memory_space<hbm>>, %arg9: memref<40x128xi32, #tpu.memory_space<vmem>>, %arg10: memref<40x128xi32, #tpu.memory_space<vmem>>, %arg11: memref<2x128x128xf32, #tpu.memory_space<vmem>>, %arg12: memref<10112x128xf32, #tpu.memory_space<vmem_shared>>, %arg13: memref<!tpu.dma_semaphore, #tpu.memory_space<semaphore_mem>>, %arg14: memref<!tpu.dma_semaphore, #tpu.memory_space<semaphore_mem>>) attributes {dimension_semantics = [#tpu.dimension_semantics<core_parallel>, #tpu.dimension_semantics<subcore_parallel>], iteration_bounds = array<i64: 2, 16>, scalar_prefetch = 0 : i64, scratch_operands = 6 : i64, tpu.core_type = #tpu.core_type<sc_vector_subcore>, window_params = [{transform_indices = #map}, {transform_indices = #map1}, {transform_indices = #map2}, {transform_indices = #map2}, {transform_indices = #map}, {transform_indices = #map}, {transform_indices = #map}]} {
    %mul3A = arith.constant 16 : i32
    %mul3A_0 = arith.muli %arg0, %mul3A : i32
    %add3A = arith.addi %mul3A_0, %arg1 : i32
    %run_scoped3A = arith.constant 0 : i32
    "tpu.region"() ({
      %run_scoped3A_148 = tpu.sem_alloc : memref<!tpu.dma_semaphore, #tpu.memory_space<semaphore_mem>>
      %dma_start3A_149 = arith.constant 0 : i32
      %dma_start3A_150 = arith.constant 0 : i32
      %dma_start3A_151 = tpu.memref_slice %arg11[%run_scoped3A, %dma_start3A_149, %dma_start3A_150] : memref<2x128x128xf32, #tpu.memory_space<vmem>> -> memref<1x128x128xf32, #tpu.memory_space<vmem>>
      %dma_start3A_152 = tpu.memref_squeeze %dma_start3A_151 : memref<1x128x128xf32, #tpu.memory_space<vmem>> -> memref<128x128xf32, #tpu.memory_space<vmem>>
      %dma_start3A_153 = arith.constant 0 : i32
      %dma_start3A_154 = arith.constant 0 : i32
      %dma_start3A_155 = tpu.memref_slice %arg11[%run_scoped3A, %dma_start3A_153, %dma_start3A_154] : memref<2x128x128xf32, #tpu.memory_space<vmem>> -> memref<1x128x128xf32, #tpu.memory_space<vmem>>
      %dma_start3A_156 = tpu.memref_squeeze %dma_start3A_155 : memref<1x128x128xf32, #tpu.memory_space<vmem>> -> memref<128x128xf32, #tpu.memory_space<vmem>>
      tpu.enqueue_dma source(%arg6 : memref<128x128xf32, #tpu.memory_space<hbm>>) target(%dma_start3A_156 : memref<128x128xf32, #tpu.memory_space<vmem>>) target_semaphore(%run_scoped3A_148 : memref<!tpu.dma_semaphore, #tpu.memory_space<semaphore_mem>>)
      %dma_wait3A = arith.constant 0 : i32
      %dma_wait3A_157 = arith.constant 0 : i32
      %dma_wait3A_158 = tpu.memref_slice %arg11[%run_scoped3A, %dma_wait3A, %dma_wait3A_157] : memref<2x128x128xf32, #tpu.memory_space<vmem>> -> memref<1x128x128xf32, #tpu.memory_space<vmem>>
      %dma_wait3A_159 = tpu.memref_squeeze %dma_wait3A_158 : memref<1x128x128xf32, #tpu.memory_space<vmem>> -> memref<128x128xf32, #tpu.memory_space<vmem>>
      %dma_wait3A_160 = arith.constant 0 : i32
      %dma_wait3A_161 = arith.constant 0 : i32
      %dma_wait3A_162 = tpu.memref_slice %arg11[%run_scoped3A, %dma_wait3A_160, %dma_wait3A_161] : memref<2x128x128xf32, #tpu.memory_space<vmem>> -> memref<1x128x128xf32, #tpu.memory_space<vmem>>
      %dma_wait3A_163 = tpu.memref_squeeze %dma_wait3A_162 : memref<1x128x128xf32, #tpu.memory_space<vmem>> -> memref<128x128xf32, #tpu.memory_space<vmem>>
      tpu.wait_dma2 semaphore(%run_scoped3A_148 : memref<!tpu.dma_semaphore, #tpu.memory_space<semaphore_mem>>) src(%arg6 : memref<128x128xf32, #tpu.memory_space<hbm>>) dst(%dma_wait3A_163 : memref<128x128xf32, #tpu.memory_space<vmem>>)
      tpu.yield
    }) : () -> ()
    %add3A_1 = arith.constant 0 : i32
    %add3A_2 = arith.addi %add3A_1, %arg1 : i32
    %lt3A = arith.constant 79 : i32
    %lt3A_3 = arith.cmpi slt, %add3A_2, %lt3A : i32
    %convert_element_type3A = arith.extui %lt3A_3 : i1 to i32
    %cond3A = arith.constant 0 : i32
    %cond3A_4 = arith.cmpi ne, %convert_element_type3A, %cond3A : i32
    scf.if %cond3A_4 {
      %mul3A_148 = arith.constant 128 : i32
      %mul3A_149 = arith.muli %add3A_2, %mul3A_148 : i32
      %run_scoped3A_150 = arith.constant 0 : i32
      "tpu.region"() ({
        %run_scoped3A_151 = tpu.sem_alloc : memref<!tpu.dma_semaphore, #tpu.memory_space<semaphore_mem>>
        %dma_start3A_152 = arith.constant 0 : i32
        %dma_start3A_153 = arith.constant 0 : i32
        %dma_start3A_154 = tpu.memref_slice %arg11[%run_scoped3A_150, %dma_start3A_152, %dma_start3A_153] : memref<2x128x128xf32, #tpu.memory_space<vmem>> -> memref<1x128x128xf32, #tpu.memory_space<vmem>>
        %dma_start3A_155 = tpu.memref_squeeze %dma_start3A_154 : memref<1x128x128xf32, #tpu.memory_space<vmem>> -> memref<128x128xf32, #tpu.memory_space<vmem>>
        %dma_start3A_156 = arith.constant 0 : i32
        %dma_start3A_157 = tpu.memref_slice %arg12[%mul3A_149, %dma_start3A_156] : memref<10112x128xf32, #tpu.memory_space<vmem_shared>> -> memref<128x128xf32, #tpu.memory_space<vmem_shared>>
        %dma_start3A_158 = arith.constant 0 : i32
        %dma_start3A_159 = tpu.memref_slice %arg12[%mul3A_149, %dma_start3A_158] : memref<10112x128xf32, #tpu.memory_space<vmem_shared>> -> memref<128x128xf32, #tpu.memory_space<vmem_shared>>
        %dma_start3A_160 = arith.constant 0 : i32
        %dma_start3A_161 = arith.constant 0 : i32
        %dma_start3A_162 = tpu.memref_slice %arg11[%run_scoped3A_150, %dma_start3A_160, %dma_start3A_161] : memref<2x128x128xf32, #tpu.memory_space<vmem>> -> memref<1x128x128xf32, #tpu.memory_space<vmem>>
        %dma_start3A_163 = tpu.memref_squeeze %dma_start3A_162 : memref<1x128x128xf32, #tpu.memory_space<vmem>> -> memref<128x128xf32, #tpu.memory_space<vmem>>
        tpu.enqueue_dma source(%dma_start3A_163 : memref<128x128xf32, #tpu.memory_space<vmem>>) target(%dma_start3A_159 : memref<128x128xf32, #tpu.memory_space<vmem_shared>>) target_semaphore(%run_scoped3A_151 : memref<!tpu.dma_semaphore, #tpu.memory_space<semaphore_mem>>)
        %dma_wait3A = arith.constant 0 : i32
        %dma_wait3A_164 = arith.constant 0 : i32
        %dma_wait3A_165 = tpu.memref_slice %arg11[%run_scoped3A_150, %dma_wait3A, %dma_wait3A_164] : memref<2x128x128xf32, #tpu.memory_space<vmem>> -> memref<1x128x128xf32, #tpu.memory_space<vmem>>
        %dma_wait3A_166 = tpu.memref_squeeze %dma_wait3A_165 : memref<1x128x128xf32, #tpu.memory_space<vmem>> -> memref<128x128xf32, #tpu.memory_space<vmem>>
        %dma_wait3A_167 = arith.constant 0 : i32
        %dma_wait3A_168 = tpu.memref_slice %arg12[%mul3A_149, %dma_wait3A_167] : memref<10112x128xf32, #tpu.memory_space<vmem_shared>> -> memref<128x128xf32, #tpu.memory_space<vmem_shared>>
        %dma_wait3A_169 = arith.constant 0 : i32
        %dma_wait3A_170 = tpu.memref_slice %arg12[%mul3A_149, %dma_wait3A_169] : memref<10112x128xf32, #tpu.memory_space<vmem_shared>> -> memref<128x128xf32, #tpu.memory_space<vmem_shared>>
        %dma_wait3A_171 = arith.constant 0 : i32
        %dma_wait3A_172 = arith.constant 0 : i32
        %dma_wait3A_173 = tpu.memref_slice %arg11[%run_scoped3A_150, %dma_wait3A_171, %dma_wait3A_172] : memref<2x128x128xf32, #tpu.memory_space<vmem>> -> memref<1x128x128xf32, #tpu.memory_space<vmem>>
        %dma_wait3A_174 = tpu.memref_squeeze %dma_wait3A_173 : memref<1x128x128xf32, #tpu.memory_space<vmem>> -> memref<128x128xf32, #tpu.memory_space<vmem>>
        tpu.wait_dma2 semaphore(%run_scoped3A_151 : memref<!tpu.dma_semaphore, #tpu.memory_space<semaphore_mem>>) src(%dma_wait3A_174 : memref<128x128xf32, #tpu.memory_space<vmem>>) dst(%dma_wait3A_170 : memref<128x128xf32, #tpu.memory_space<vmem_shared>>)
        tpu.yield
      }) : () -> ()
    } else {
    }
    %add3A_5 = arith.constant 16 : i32
    %add3A_6 = arith.addi %add3A_5, %arg1 : i32
    %lt3A_7 = arith.constant 79 : i32
    %lt3A_8 = arith.cmpi slt, %add3A_6, %lt3A_7 : i32
    %convert_element_type3A_9 = arith.extui %lt3A_8 : i1 to i32
    %cond3A_10 = arith.constant 0 : i32
    %cond3A_11 = arith.cmpi ne, %convert_element_type3A_9, %cond3A_10 : i32
    scf.if %cond3A_11 {
      %mul3A_148 = arith.constant 128 : i32
      %mul3A_149 = arith.muli %add3A_6, %mul3A_148 : i32
      %run_scoped3A_150 = arith.constant 0 : i32
      "tpu.region"() ({
        %run_scoped3A_151 = tpu.sem_alloc : memref<!tpu.dma_semaphore, #tpu.memory_space<semaphore_mem>>
        %dma_start3A_152 = arith.constant 0 : i32
        %dma_start3A_153 = arith.constant 0 : i32
        %dma_start3A_154 = tpu.memref_slice %arg11[%run_scoped3A_150, %dma_start3A_152, %dma_start3A_153] : memref<2x128x128xf32, #tpu.memory_space<vmem>> -> memref<1x128x128xf32, #tpu.memory_space<vmem>>
        %dma_start3A_155 = tpu.memref_squeeze %dma_start3A_154 : memref<1x128x128xf32, #tpu.memory_space<vmem>> -> memref<128x128xf32, #tpu.memory_space<vmem>>
        %dma_start3A_156 = arith.constant 0 : i32
        %dma_start3A_157 = tpu.memref_slice %arg12[%mul3A_149, %dma_start3A_156] : memref<10112x128xf32, #tpu.memory_space<vmem_shared>> -> memref<128x128xf32, #tpu.memory_space<vmem_shared>>
        %dma_start3A_158 = arith.constant 0 : i32
        %dma_start3A_159 = tpu.memref_slice %arg12[%mul3A_149, %dma_start3A_158] : memref<10112x128xf32, #tpu.memory_space<vmem_shared>> -> memref<128x128xf32, #tpu.memory_space<vmem_shared>>
        %dma_start3A_160 = arith.constant 0 : i32
        %dma_start3A_161 = arith.constant 0 : i32
        %dma_start3A_162 = tpu.memref_slice %arg11[%run_scoped3A_150, %dma_start3A_160, %dma_start3A_161] : memref<2x128x128xf32, #tpu.memory_space<vmem>> -> memref<1x128x128xf32, #tpu.memory_space<vmem>>
        %dma_start3A_163 = tpu.memref_squeeze %dma_start3A_162 : memref<1x128x128xf32, #tpu.memory_space<vmem>> -> memref<128x128xf32, #tpu.memory_space<vmem>>
        tpu.enqueue_dma source(%dma_start3A_163 : memref<128x128xf32, #tpu.memory_space<vmem>>) target(%dma_start3A_159 : memref<128x128xf32, #tpu.memory_space<vmem_shared>>) target_semaphore(%run_scoped3A_151 : memref<!tpu.dma_semaphore, #tpu.memory_space<semaphore_mem>>)
        %dma_wait3A = arith.constant 0 : i32
        %dma_wait3A_164 = arith.constant 0 : i32
        %dma_wait3A_165 = tpu.memref_slice %arg11[%run_scoped3A_150, %dma_wait3A, %dma_wait3A_164] : memref<2x128x128xf32, #tpu.memory_space<vmem>> -> memref<1x128x128xf32, #tpu.memory_space<vmem>>
        %dma_wait3A_166 = tpu.memref_squeeze %dma_wait3A_165 : memref<1x128x128xf32, #tpu.memory_space<vmem>> -> memref<128x128xf32, #tpu.memory_space<vmem>>
        %dma_wait3A_167 = arith.constant 0 : i32
        %dma_wait3A_168 = tpu.memref_slice %arg12[%mul3A_149, %dma_wait3A_167] : memref<10112x128xf32, #tpu.memory_space<vmem_shared>> -> memref<128x128xf32, #tpu.memory_space<vmem_shared>>
        %dma_wait3A_169 = arith.constant 0 : i32
        %dma_wait3A_170 = tpu.memref_slice %arg12[%mul3A_149, %dma_wait3A_169] : memref<10112x128xf32, #tpu.memory_space<vmem_shared>> -> memref<128x128xf32, #tpu.memory_space<vmem_shared>>
        %dma_wait3A_171 = arith.constant 0 : i32
        %dma_wait3A_172 = arith.constant 0 : i32
        %dma_wait3A_173 = tpu.memref_slice %arg11[%run_scoped3A_150, %dma_wait3A_171, %dma_wait3A_172] : memref<2x128x128xf32, #tpu.memory_space<vmem>> -> memref<1x128x128xf32, #tpu.memory_space<vmem>>
        %dma_wait3A_174 = tpu.memref_squeeze %dma_wait3A_173 : memref<1x128x128xf32, #tpu.memory_space<vmem>> -> memref<128x128xf32, #tpu.memory_space<vmem>>
        tpu.wait_dma2 semaphore(%run_scoped3A_151 : memref<!tpu.dma_semaphore, #tpu.memory_space<semaphore_mem>>) src(%dma_wait3A_174 : memref<128x128xf32, #tpu.memory_space<vmem>>) dst(%dma_wait3A_170 : memref<128x128xf32, #tpu.memory_space<vmem_shared>>)
        tpu.yield
      }) : () -> ()
    } else {
    }
    %add3A_12 = arith.constant 32 : i32
    %add3A_13 = arith.addi %add3A_12, %arg1 : i32
    %lt3A_14 = arith.constant 79 : i32
    %lt3A_15 = arith.cmpi slt, %add3A_13, %lt3A_14 : i32
    %convert_element_type3A_16 = arith.extui %lt3A_15 : i1 to i32
    %cond3A_17 = arith.constant 0 : i32
    %cond3A_18 = arith.cmpi ne, %convert_element_type3A_16, %cond3A_17 : i32
    scf.if %cond3A_18 {
      %mul3A_148 = arith.constant 128 : i32
      %mul3A_149 = arith.muli %add3A_13, %mul3A_148 : i32
      %run_scoped3A_150 = arith.constant 0 : i32
      "tpu.region"() ({
        %run_scoped3A_151 = tpu.sem_alloc : memref<!tpu.dma_semaphore, #tpu.memory_space<semaphore_mem>>
        %dma_start3A_152 = arith.constant 0 : i32
        %dma_start3A_153 = arith.constant 0 : i32
        %dma_start3A_154 = tpu.memref_slice %arg11[%run_scoped3A_150, %dma_start3A_152, %dma_start3A_153] : memref<2x128x128xf32, #tpu.memory_space<vmem>> -> memref<1x128x128xf32, #tpu.memory_space<vmem>>
        %dma_start3A_155 = tpu.memref_squeeze %dma_start3A_154 : memref<1x128x128xf32, #tpu.memory_space<vmem>> -> memref<128x128xf32, #tpu.memory_space<vmem>>
        %dma_start3A_156 = arith.constant 0 : i32
        %dma_start3A_157 = tpu.memref_slice %arg12[%mul3A_149, %dma_start3A_156] : memref<10112x128xf32, #tpu.memory_space<vmem_shared>> -> memref<128x128xf32, #tpu.memory_space<vmem_shared>>
        %dma_start3A_158 = arith.constant 0 : i32
        %dma_start3A_159 = tpu.memref_slice %arg12[%mul3A_149, %dma_start3A_158] : memref<10112x128xf32, #tpu.memory_space<vmem_shared>> -> memref<128x128xf32, #tpu.memory_space<vmem_shared>>
        %dma_start3A_160 = arith.constant 0 : i32
        %dma_start3A_161 = arith.constant 0 : i32
        %dma_start3A_162 = tpu.memref_slice %arg11[%run_scoped3A_150, %dma_start3A_160, %dma_start3A_161] : memref<2x128x128xf32, #tpu.memory_space<vmem>> -> memref<1x128x128xf32, #tpu.memory_space<vmem>>
        %dma_start3A_163 = tpu.memref_squeeze %dma_start3A_162 : memref<1x128x128xf32, #tpu.memory_space<vmem>> -> memref<128x128xf32, #tpu.memory_space<vmem>>
        tpu.enqueue_dma source(%dma_start3A_163 : memref<128x128xf32, #tpu.memory_space<vmem>>) target(%dma_start3A_159 : memref<128x128xf32, #tpu.memory_space<vmem_shared>>) target_semaphore(%run_scoped3A_151 : memref<!tpu.dma_semaphore, #tpu.memory_space<semaphore_mem>>)
        %dma_wait3A = arith.constant 0 : i32
        %dma_wait3A_164 = arith.constant 0 : i32
        %dma_wait3A_165 = tpu.memref_slice %arg11[%run_scoped3A_150, %dma_wait3A, %dma_wait3A_164] : memref<2x128x128xf32, #tpu.memory_space<vmem>> -> memref<1x128x128xf32, #tpu.memory_space<vmem>>
        %dma_wait3A_166 = tpu.memref_squeeze %dma_wait3A_165 : memref<1x128x128xf32, #tpu.memory_space<vmem>> -> memref<128x128xf32, #tpu.memory_space<vmem>>
        %dma_wait3A_167 = arith.constant 0 : i32
        %dma_wait3A_168 = tpu.memref_slice %arg12[%mul3A_149, %dma_wait3A_167] : memref<10112x128xf32, #tpu.memory_space<vmem_shared>> -> memref<128x128xf32, #tpu.memory_space<vmem_shared>>
        %dma_wait3A_169 = arith.constant 0 : i32
        %dma_wait3A_170 = tpu.memref_slice %arg12[%mul3A_149, %dma_wait3A_169] : memref<10112x128xf32, #tpu.memory_space<vmem_shared>> -> memref<128x128xf32, #tpu.memory_space<vmem_shared>>
        %dma_wait3A_171 = arith.constant 0 : i32
        %dma_wait3A_172 = arith.constant 0 : i32
        %dma_wait3A_173 = tpu.memref_slice %arg11[%run_scoped3A_150, %dma_wait3A_171, %dma_wait3A_172] : memref<2x128x128xf32, #tpu.memory_space<vmem>> -> memref<1x128x128xf32, #tpu.memory_space<vmem>>
        %dma_wait3A_174 = tpu.memref_squeeze %dma_wait3A_173 : memref<1x128x128xf32, #tpu.memory_space<vmem>> -> memref<128x128xf32, #tpu.memory_space<vmem>>
        tpu.wait_dma2 semaphore(%run_scoped3A_151 : memref<!tpu.dma_semaphore, #tpu.memory_space<semaphore_mem>>) src(%dma_wait3A_174 : memref<128x128xf32, #tpu.memory_space<vmem>>) dst(%dma_wait3A_170 : memref<128x128xf32, #tpu.memory_space<vmem_shared>>)
        tpu.yield
      }) : () -> ()
    } else {
    }
    %add3A_19 = arith.constant 48 : i32
    %add3A_20 = arith.addi %add3A_19, %arg1 : i32
    %lt3A_21 = arith.constant 79 : i32
    %lt3A_22 = arith.cmpi slt, %add3A_20, %lt3A_21 : i32
    %convert_element_type3A_23 = arith.extui %lt3A_22 : i1 to i32
    %cond3A_24 = arith.constant 0 : i32
    %cond3A_25 = arith.cmpi ne, %convert_element_type3A_23, %cond3A_24 : i32
    scf.if %cond3A_25 {
      %mul3A_148 = arith.constant 128 : i32
      %mul3A_149 = arith.muli %add3A_20, %mul3A_148 : i32
      %run_scoped3A_150 = arith.constant 0 : i32
      "tpu.region"() ({
        %run_scoped3A_151 = tpu.sem_alloc : memref<!tpu.dma_semaphore, #tpu.memory_space<semaphore_mem>>
        %dma_start3A_152 = arith.constant 0 : i32
        %dma_start3A_153 = arith.constant 0 : i32
        %dma_start3A_154 = tpu.memref_slice %arg11[%run_scoped3A_150, %dma_start3A_152, %dma_start3A_153] : memref<2x128x128xf32, #tpu.memory_space<vmem>> -> memref<1x128x128xf32, #tpu.memory_space<vmem>>
        %dma_start3A_155 = tpu.memref_squeeze %dma_start3A_154 : memref<1x128x128xf32, #tpu.memory_space<vmem>> -> memref<128x128xf32, #tpu.memory_space<vmem>>
        %dma_start3A_156 = arith.constant 0 : i32
        %dma_start3A_157 = tpu.memref_slice %arg12[%mul3A_149, %dma_start3A_156] : memref<10112x128xf32, #tpu.memory_space<vmem_shared>> -> memref<128x128xf32, #tpu.memory_space<vmem_shared>>
        %dma_start3A_158 = arith.constant 0 : i32
        %dma_start3A_159 = tpu.memref_slice %arg12[%mul3A_149, %dma_start3A_158] : memref<10112x128xf32, #tpu.memory_space<vmem_shared>> -> memref<128x128xf32, #tpu.memory_space<vmem_shared>>
        %dma_start3A_160 = arith.constant 0 : i32
        %dma_start3A_161 = arith.constant 0 : i32
        %dma_start3A_162 = tpu.memref_slice %arg11[%run_scoped3A_150, %dma_start3A_160, %dma_start3A_161] : memref<2x128x128xf32, #tpu.memory_space<vmem>> -> memref<1x128x128xf32, #tpu.memory_space<vmem>>
        %dma_start3A_163 = tpu.memref_squeeze %dma_start3A_162 : memref<1x128x128xf32, #tpu.memory_space<vmem>> -> memref<128x128xf32, #tpu.memory_space<vmem>>
        tpu.enqueue_dma source(%dma_start3A_163 : memref<128x128xf32, #tpu.memory_space<vmem>>) target(%dma_start3A_159 : memref<128x128xf32, #tpu.memory_space<vmem_shared>>) target_semaphore(%run_scoped3A_151 : memref<!tpu.dma_semaphore, #tpu.memory_space<semaphore_mem>>)
        %dma_wait3A = arith.constant 0 : i32
        %dma_wait3A_164 = arith.constant 0 : i32
        %dma_wait3A_165 = tpu.memref_slice %arg11[%run_scoped3A_150, %dma_wait3A, %dma_wait3A_164] : memref<2x128x128xf32, #tpu.memory_space<vmem>> -> memref<1x128x128xf32, #tpu.memory_space<vmem>>
        %dma_wait3A_166 = tpu.memref_squeeze %dma_wait3A_165 : memref<1x128x128xf32, #tpu.memory_space<vmem>> -> memref<128x128xf32, #tpu.memory_space<vmem>>
        %dma_wait3A_167 = arith.constant 0 : i32
        %dma_wait3A_168 = tpu.memref_slice %arg12[%mul3A_149, %dma_wait3A_167] : memref<10112x128xf32, #tpu.memory_space<vmem_shared>> -> memref<128x128xf32, #tpu.memory_space<vmem_shared>>
        %dma_wait3A_169 = arith.constant 0 : i32
        %dma_wait3A_170 = tpu.memref_slice %arg12[%mul3A_149, %dma_wait3A_169] : memref<10112x128xf32, #tpu.memory_space<vmem_shared>> -> memref<128x128xf32, #tpu.memory_space<vmem_shared>>
        %dma_wait3A_171 = arith.constant 0 : i32
        %dma_wait3A_172 = arith.constant 0 : i32
        %dma_wait3A_173 = tpu.memref_slice %arg11[%run_scoped3A_150, %dma_wait3A_171, %dma_wait3A_172] : memref<2x128x128xf32, #tpu.memory_space<vmem>> -> memref<1x128x128xf32, #tpu.memory_space<vmem>>
        %dma_wait3A_174 = tpu.memref_squeeze %dma_wait3A_173 : memref<1x128x128xf32, #tpu.memory_space<vmem>> -> memref<128x128xf32, #tpu.memory_space<vmem>>
        tpu.wait_dma2 semaphore(%run_scoped3A_151 : memref<!tpu.dma_semaphore, #tpu.memory_space<semaphore_mem>>) src(%dma_wait3A_174 : memref<128x128xf32, #tpu.memory_space<vmem>>) dst(%dma_wait3A_170 : memref<128x128xf32, #tpu.memory_space<vmem_shared>>)
        tpu.yield
      }) : () -> ()
    } else {
    }
    %add3A_26 = arith.constant 64 : i32
    %add3A_27 = arith.addi %add3A_26, %arg1 : i32
    %lt3A_28 = arith.constant 79 : i32
    %lt3A_29 = arith.cmpi slt, %add3A_27, %lt3A_28 : i32
    %convert_element_type3A_30 = arith.extui %lt3A_29 : i1 to i32
    %cond3A_31 = arith.constant 0 : i32
    %cond3A_32 = arith.cmpi ne, %convert_element_type3A_30, %cond3A_31 : i32
    scf.if %cond3A_32 {
      %mul3A_148 = arith.constant 128 : i32
      %mul3A_149 = arith.muli %add3A_27, %mul3A_148 : i32
      %run_scoped3A_150 = arith.constant 0 : i32
      "tpu.region"() ({
        %run_scoped3A_151 = tpu.sem_alloc : memref<!tpu.dma_semaphore, #tpu.memory_space<semaphore_mem>>
        %dma_start3A_152 = arith.constant 0 : i32
        %dma_start3A_153 = arith.constant 0 : i32
        %dma_start3A_154 = tpu.memref_slice %arg11[%run_scoped3A_150, %dma_start3A_152, %dma_start3A_153] : memref<2x128x128xf32, #tpu.memory_space<vmem>> -> memref<1x128x128xf32, #tpu.memory_space<vmem>>
        %dma_start3A_155 = tpu.memref_squeeze %dma_start3A_154 : memref<1x128x128xf32, #tpu.memory_space<vmem>> -> memref<128x128xf32, #tpu.memory_space<vmem>>
        %dma_start3A_156 = arith.constant 0 : i32
        %dma_start3A_157 = tpu.memref_slice %arg12[%mul3A_149, %dma_start3A_156] : memref<10112x128xf32, #tpu.memory_space<vmem_shared>> -> memref<128x128xf32, #tpu.memory_space<vmem_shared>>
        %dma_start3A_158 = arith.constant 0 : i32
        %dma_start3A_159 = tpu.memref_slice %arg12[%mul3A_149, %dma_start3A_158] : memref<10112x128xf32, #tpu.memory_space<vmem_shared>> -> memref<128x128xf32, #tpu.memory_space<vmem_shared>>
        %dma_start3A_160 = arith.constant 0 : i32
        %dma_start3A_161 = arith.constant 0 : i32
        %dma_start3A_162 = tpu.memref_slice %arg11[%run_scoped3A_150, %dma_start3A_160, %dma_start3A_161] : memref<2x128x128xf32, #tpu.memory_space<vmem>> -> memref<1x128x128xf32, #tpu.memory_space<vmem>>
        %dma_start3A_163 = tpu.memref_squeeze %dma_start3A_162 : memref<1x128x128xf32, #tpu.memory_space<vmem>> -> memref<128x128xf32, #tpu.memory_space<vmem>>
        tpu.enqueue_dma source(%dma_start3A_163 : memref<128x128xf32, #tpu.memory_space<vmem>>) target(%dma_start3A_159 : memref<128x128xf32, #tpu.memory_space<vmem_shared>>) target_semaphore(%run_scoped3A_151 : memref<!tpu.dma_semaphore, #tpu.memory_space<semaphore_mem>>)
        %dma_wait3A = arith.constant 0 : i32
        %dma_wait3A_164 = arith.constant 0 : i32
        %dma_wait3A_165 = tpu.memref_slice %arg11[%run_scoped3A_150, %dma_wait3A, %dma_wait3A_164] : memref<2x128x128xf32, #tpu.memory_space<vmem>> -> memref<1x128x128xf32, #tpu.memory_space<vmem>>
        %dma_wait3A_166 = tpu.memref_squeeze %dma_wait3A_165 : memref<1x128x128xf32, #tpu.memory_space<vmem>> -> memref<128x128xf32, #tpu.memory_space<vmem>>
        %dma_wait3A_167 = arith.constant 0 : i32
        %dma_wait3A_168 = tpu.memref_slice %arg12[%mul3A_149, %dma_wait3A_167] : memref<10112x128xf32, #tpu.memory_space<vmem_shared>> -> memref<128x128xf32, #tpu.memory_space<vmem_shared>>
        %dma_wait3A_169 = arith.constant 0 : i32
        %dma_wait3A_170 = tpu.memref_slice %arg12[%mul3A_149, %dma_wait3A_169] : memref<10112x128xf32, #tpu.memory_space<vmem_shared>> -> memref<128x128xf32, #tpu.memory_space<vmem_shared>>
        %dma_wait3A_171 = arith.constant 0 : i32
        %dma_wait3A_172 = arith.constant 0 : i32
        %dma_wait3A_173 = tpu.memref_slice %arg11[%run_scoped3A_150, %dma_wait3A_171, %dma_wait3A_172] : memref<2x128x128xf32, #tpu.memory_space<vmem>> -> memref<1x128x128xf32, #tpu.memory_space<vmem>>
        %dma_wait3A_174 = tpu.memref_squeeze %dma_wait3A_173 : memref<1x128x128xf32, #tpu.memory_space<vmem>> -> memref<128x128xf32, #tpu.memory_space<vmem>>
        tpu.wait_dma2 semaphore(%run_scoped3A_151 : memref<!tpu.dma_semaphore, #tpu.memory_space<semaphore_mem>>) src(%dma_wait3A_174 : memref<128x128xf32, #tpu.memory_space<vmem>>) dst(%dma_wait3A_170 : memref<128x128xf32, #tpu.memory_space<vmem_shared>>)
        tpu.yield
      }) : () -> ()
    } else {
    }
    %barrier3A = arith.constant 0 : index
    tpu.barrier barrier_id(%barrier3A)
    %mul3A_33 = arith.constant 80 : i32
    %mul3A_34 = arith.muli %add3A, %mul3A_33 : i32
    %add3A_35 = arith.constant 0 : i32
    %add3A_36 = arith.addi %mul3A_34, %add3A_35 : i32
    %lt3A_37 = arith.constant 31 : i32
    %lt3A_38 = arith.cmpi slt, %add3A, %lt3A_37 : i32
    %convert_element_type3A_39 = arith.extui %lt3A_38 : i1 to i32
    %cond3A_40 = arith.constant 0 : i32
    %cond3A_41 = arith.cmpi ne, %convert_element_type3A_39, %cond3A_40 : i32
    scf.if %cond3A_41 {
      %add3A_148 = arith.constant 0 : i32
      %add3A_149 = arith.addi %add3A_36, %add3A_148 : i32
      %dma_start3A_150 = arith.constant 0 : i32
      %dma_start3A_151 = arith.constant 0 : i32
      %dma_start3A_152 = arith.constant 0 : i32
      %dma_start3A_153 = tpu.memref_slice %arg9[%dma_start3A_151, %dma_start3A_152] : memref<40x128xi32, #tpu.memory_space<vmem>> -> memref<1x128xi32, #tpu.memory_space<vmem>>
      %dma_start3A_154 = tpu.memref_squeeze %dma_start3A_153 : memref<1x128xi32, #tpu.memory_space<vmem>> -> memref<128xi32, #tpu.memory_space<vmem>>
      %dma_start3A_155 = arith.constant 0 : i32
      %dma_start3A_156 = tpu.memref_slice %arg3[%add3A_149, %dma_start3A_150, %dma_start3A_155] : memref<2500x2x128xi32, #tpu.memory_space<hbm>> -> memref<1x1x128xi32, #tpu.memory_space<hbm>>
      %dma_start3A_157 = tpu.memref_squeeze %dma_start3A_156 : memref<1x1x128xi32, #tpu.memory_space<hbm>> -> memref<128xi32, #tpu.memory_space<hbm>>
      %dma_start3A_158 = arith.constant 0 : i32
      %dma_start3A_159 = tpu.memref_slice %arg9[%dma_start3A_151, %dma_start3A_158] : memref<40x128xi32, #tpu.memory_space<vmem>> -> memref<1x128xi32, #tpu.memory_space<vmem>>
      %dma_start3A_160 = tpu.memref_squeeze %dma_start3A_159 : memref<1x128xi32, #tpu.memory_space<vmem>> -> memref<128xi32, #tpu.memory_space<vmem>>
      %dma_start3A_161 = arith.constant 0 : i32
      %dma_start3A_162 = tpu.memref_slice %arg3[%add3A_149, %dma_start3A_150, %dma_start3A_161] : memref<2500x2x128xi32, #tpu.memory_space<hbm>> -> memref<1x1x128xi32, #tpu.memory_space<hbm>>
      %dma_start3A_163 = tpu.memref_squeeze %dma_start3A_162 : memref<1x1x128xi32, #tpu.memory_space<hbm>> -> memref<128xi32, #tpu.memory_space<hbm>>
      tpu.enqueue_dma source(%dma_start3A_163 : memref<128xi32, #tpu.memory_space<hbm>>) target(%dma_start3A_160 : memref<128xi32, #tpu.memory_space<vmem>>) target_semaphore(%arg13 : memref<!tpu.dma_semaphore, #tpu.memory_space<semaphore_mem>>)
      %add3A_164 = arith.constant 1 : i32
      %add3A_165 = arith.addi %add3A_36, %add3A_164 : i32
      %dma_start3A_166 = arith.constant 0 : i32
      %dma_start3A_167 = arith.constant 1 : i32
      %dma_start3A_168 = arith.constant 0 : i32
      %dma_start3A_169 = tpu.memref_slice %arg9[%dma_start3A_167, %dma_start3A_168] : memref<40x128xi32, #tpu.memory_space<vmem>> -> memref<1x128xi32, #tpu.memory_space<vmem>>
      %dma_start3A_170 = tpu.memref_squeeze %dma_start3A_169 : memref<1x128xi32, #tpu.memory_space<vmem>> -> memref<128xi32, #tpu.memory_space<vmem>>
      %dma_start3A_171 = arith.constant 0 : i32
      %dma_start3A_172 = tpu.memref_slice %arg3[%add3A_165, %dma_start3A_166, %dma_start3A_171] : memref<2500x2x128xi32, #tpu.memory_space<hbm>> -> memref<1x1x128xi32, #tpu.memory_space<hbm>>
      %dma_start3A_173 = tpu.memref_squeeze %dma_start3A_172 : memref<1x1x128xi32, #tpu.memory_space<hbm>> -> memref<128xi32, #tpu.memory_space<hbm>>
      %dma_start3A_174 = arith.constant 0 : i32
      %dma_start3A_175 = tpu.memref_slice %arg9[%dma_start3A_167, %dma_start3A_174] : memref<40x128xi32, #tpu.memory_space<vmem>> -> memref<1x128xi32, #tpu.memory_space<vmem>>
      %dma_start3A_176 = tpu.memref_squeeze %dma_start3A_175 : memref<1x128xi32, #tpu.memory_space<vmem>> -> memref<128xi32, #tpu.memory_space<vmem>>
      %dma_start3A_177 = arith.constant 0 : i32
      %dma_start3A_178 = tpu.memref_slice %arg3[%add3A_165, %dma_start3A_166, %dma_start3A_177] : memref<2500x2x128xi32, #tpu.memory_space<hbm>> -> memref<1x1x128xi32, #tpu.memory_space<hbm>>
      %dma_start3A_179 = tpu.memref_squeeze %dma_start3A_178 : memref<1x1x128xi32, #tpu.memory_space<hbm>> -> memref<128xi32, #tpu.memory_space<hbm>>
      tpu.enqueue_dma source(%dma_start3A_179 : memref<128xi32, #tpu.memory_space<hbm>>) target(%dma_start3A_176 : memref<128xi32, #tpu.memory_space<vmem>>) target_semaphore(%arg13 : memref<!tpu.dma_semaphore, #tpu.memory_space<semaphore_mem>>)
      %add3A_180 = arith.constant 2 : i32
      %add3A_181 = arith.addi %add3A_36, %add3A_180 : i32
      %dma_start3A_182 = arith.constant 0 : i32
      %dma_start3A_183 = arith.constant 2 : i32
      %dma_start3A_184 = arith.constant 0 : i32
      %dma_start3A_185 = tpu.memref_slice %arg9[%dma_start3A_183, %dma_start3A_184] : memref<40x128xi32, #tpu.memory_space<vmem>> -> memref<1x128xi32, #tpu.memory_space<vmem>>
      %dma_start3A_186 = tpu.memref_squeeze %dma_start3A_185 : memref<1x128xi32, #tpu.memory_space<vmem>> -> memref<128xi32, #tpu.memory_space<vmem>>
      %dma_start3A_187 = arith.constant 0 : i32
      %dma_start3A_188 = tpu.memref_slice %arg3[%add3A_181, %dma_start3A_182, %dma_start3A_187] : memref<2500x2x128xi32, #tpu.memory_space<hbm>> -> memref<1x1x128xi32, #tpu.memory_space<hbm>>
      %dma_start3A_189 = tpu.memref_squeeze %dma_start3A_188 : memref<1x1x128xi32, #tpu.memory_space<hbm>> -> memref<128xi32, #tpu.memory_space<hbm>>
      %dma_start3A_190 = arith.constant 0 : i32
      %dma_start3A_191 = tpu.memref_slice %arg9[%dma_start3A_183, %dma_start3A_190] : memref<40x128xi32, #tpu.memory_space<vmem>> -> memref<1x128xi32, #tpu.memory_space<vmem>>
      %dma_start3A_192 = tpu.memref_squeeze %dma_start3A_191 : memref<1x128xi32, #tpu.memory_space<vmem>> -> memref<128xi32, #tpu.memory_space<vmem>>
      %dma_start3A_193 = arith.constant 0 : i32
      %dma_start3A_194 = tpu.memref_slice %arg3[%add3A_181, %dma_start3A_182, %dma_start3A_193] : memref<2500x2x128xi32, #tpu.memory_space<hbm>> -> memref<1x1x128xi32, #tpu.memory_space<hbm>>
      %dma_start3A_195 = tpu.memref_squeeze %dma_start3A_194 : memref<1x1x128xi32, #tpu.memory_space<hbm>> -> memref<128xi32, #tpu.memory_space<hbm>>
      tpu.enqueue_dma source(%dma_start3A_195 : memref<128xi32, #tpu.memory_space<hbm>>) target(%dma_start3A_192 : memref<128xi32, #tpu.memory_space<vmem>>) target_semaphore(%arg13 : memref<!tpu.dma_semaphore, #tpu.memory_space<semaphore_mem>>)
      %add3A_196 = arith.constant 3 : i32
      %add3A_197 = arith.addi %add3A_36, %add3A_196 : i32
      %dma_start3A_198 = arith.constant 0 : i32
      %dma_start3A_199 = arith.constant 3 : i32
      %dma_start3A_200 = arith.constant 0 : i32
      %dma_start3A_201 = tpu.memref_slice %arg9[%dma_start3A_199, %dma_start3A_200] : memref<40x128xi32, #tpu.memory_space<vmem>> -> memref<1x128xi32, #tpu.memory_space<vmem>>
      %dma_start3A_202 = tpu.memref_squeeze %dma_start3A_201 : memref<1x128xi32, #tpu.memory_space<vmem>> -> memref<128xi32, #tpu.memory_space<vmem>>
      %dma_start3A_203 = arith.constant 0 : i32
      %dma_start3A_204 = tpu.memref_slice %arg3[%add3A_197, %dma_start3A_198, %dma_start3A_203] : memref<2500x2x128xi32, #tpu.memory_space<hbm>> -> memref<1x1x128xi32, #tpu.memory_space<hbm>>
      %dma_start3A_205 = tpu.memref_squeeze %dma_start3A_204 : memref<1x1x128xi32, #tpu.memory_space<hbm>> -> memref<128xi32, #tpu.memory_space<hbm>>
      %dma_start3A_206 = arith.constant 0 : i32
      %dma_start3A_207 = tpu.memref_slice %arg9[%dma_start3A_199, %dma_start3A_206] : memref<40x128xi32, #tpu.memory_space<vmem>> -> memref<1x128xi32, #tpu.memory_space<vmem>>
      %dma_start3A_208 = tpu.memref_squeeze %dma_start3A_207 : memref<1x128xi32, #tpu.memory_space<vmem>> -> memref<128xi32, #tpu.memory_space<vmem>>
      %dma_start3A_209 = arith.constant 0 : i32
      %dma_start3A_210 = tpu.memref_slice %arg3[%add3A_197, %dma_start3A_198, %dma_start3A_209] : memref<2500x2x128xi32, #tpu.memory_space<hbm>> -> memref<1x1x128xi32, #tpu.memory_space<hbm>>
      %dma_start3A_211 = tpu.memref_squeeze %dma_start3A_210 : memref<1x1x128xi32, #tpu.memory_space<hbm>> -> memref<128xi32, #tpu.memory_space<hbm>>
      tpu.enqueue_dma source(%dma_start3A_211 : memref<128xi32, #tpu.memory_space<hbm>>) target(%dma_start3A_208 : memref<128xi32, #tpu.memory_space<vmem>>) target_semaphore(%arg13 : memref<!tpu.dma_semaphore, #tpu.memory_space<semaphore_mem>>)
      %add3A_212 = arith.constant 4 : i32
      %add3A_213 = arith.addi %add3A_36, %add3A_212 : i32
      %dma_start3A_214 = arith.constant 0 : i32
      %dma_start3A_215 = arith.constant 4 : i32
      %dma_start3A_216 = arith.constant 0 : i32
      %dma_start3A_217 = tpu.memref_slice %arg9[%dma_start3A_215, %dma_start3A_216] : memref<40x128xi32, #tpu.memory_space<vmem>> -> memref<1x128xi32, #tpu.memory_space<vmem>>
      %dma_start3A_218 = tpu.memref_squeeze %dma_start3A_217 : memref<1x128xi32, #tpu.memory_space<vmem>> -> memref<128xi32, #tpu.memory_space<vmem>>
      %dma_start3A_219 = arith.constant 0 : i32
      %dma_start3A_220 = tpu.memref_slice %arg3[%add3A_213, %dma_start3A_214, %dma_start3A_219] : memref<2500x2x128xi32, #tpu.memory_space<hbm>> -> memref<1x1x128xi32, #tpu.memory_space<hbm>>
      %dma_start3A_221 = tpu.memref_squeeze %dma_start3A_220 : memref<1x1x128xi32, #tpu.memory_space<hbm>> -> memref<128xi32, #tpu.memory_space<hbm>>
      %dma_start3A_222 = arith.constant 0 : i32
      %dma_start3A_223 = tpu.memref_slice %arg9[%dma_start3A_215, %dma_start3A_222] : memref<40x128xi32, #tpu.memory_space<vmem>> -> memref<1x128xi32, #tpu.memory_space<vmem>>
      %dma_start3A_224 = tpu.memref_squeeze %dma_start3A_223 : memref<1x128xi32, #tpu.memory_space<vmem>> -> memref<128xi32, #tpu.memory_space<vmem>>
      %dma_start3A_225 = arith.constant 0 : i32
      %dma_start3A_226 = tpu.memref_slice %arg3[%add3A_213, %dma_start3A_214, %dma_start3A_225] : memref<2500x2x128xi32, #tpu.memory_space<hbm>> -> memref<1x1x128xi32, #tpu.memory_space<hbm>>
      %dma_start3A_227 = tpu.memref_squeeze %dma_start3A_226 : memref<1x1x128xi32, #tpu.memory_space<hbm>> -> memref<128xi32, #tpu.memory_space<hbm>>
      tpu.enqueue_dma source(%dma_start3A_227 : memref<128xi32, #tpu.memory_space<hbm>>) target(%dma_start3A_224 : memref<128xi32, #tpu.memory_space<vmem>>) target_semaphore(%arg13 : memref<!tpu.dma_semaphore, #tpu.memory_space<semaphore_mem>>)
      %add3A_228 = arith.constant 5 : i32
      %add3A_229 = arith.addi %add3A_36, %add3A_228 : i32
      %dma_start3A_230 = arith.constant 0 : i32
      %dma_start3A_231 = arith.constant 5 : i32
      %dma_start3A_232 = arith.constant 0 : i32
      %dma_start3A_233 = tpu.memref_slice %arg9[%dma_start3A_231, %dma_start3A_232] : memref<40x128xi32, #tpu.memory_space<vmem>> -> memref<1x128xi32, #tpu.memory_space<vmem>>
      %dma_start3A_234 = tpu.memref_squeeze %dma_start3A_233 : memref<1x128xi32, #tpu.memory_space<vmem>> -> memref<128xi32, #tpu.memory_space<vmem>>
      %dma_start3A_235 = arith.constant 0 : i32
      %dma_start3A_236 = tpu.memref_slice %arg3[%add3A_229, %dma_start3A_230, %dma_start3A_235] : memref<2500x2x128xi32, #tpu.memory_space<hbm>> -> memref<1x1x128xi32, #tpu.memory_space<hbm>>
      %dma_start3A_237 = tpu.memref_squeeze %dma_start3A_236 : memref<1x1x128xi32, #tpu.memory_space<hbm>> -> memref<128xi32, #tpu.memory_space<hbm>>
      %dma_start3A_238 = arith.constant 0 : i32
      %dma_start3A_239 = tpu.memref_slice %arg9[%dma_start3A_231, %dma_start3A_238] : memref<40x128xi32, #tpu.memory_space<vmem>> -> memref<1x128xi32, #tpu.memory_space<vmem>>
      %dma_start3A_240 = tpu.memref_squeeze %dma_start3A_239 : memref<1x128xi32, #tpu.memory_space<vmem>> -> memref<128xi32, #tpu.memory_space<vmem>>
      %dma_start3A_241 = arith.constant 0 : i32
      %dma_start3A_242 = tpu.memref_slice %arg3[%add3A_229, %dma_start3A_230, %dma_start3A_241] : memref<2500x2x128xi32, #tpu.memory_space<hbm>> -> memref<1x1x128xi32, #tpu.memory_space<hbm>>
      %dma_start3A_243 = tpu.memref_squeeze %dma_start3A_242 : memref<1x1x128xi32, #tpu.memory_space<hbm>> -> memref<128xi32, #tpu.memory_space<hbm>>
      tpu.enqueue_dma source(%dma_start3A_243 : memref<128xi32, #tpu.memory_space<hbm>>) target(%dma_start3A_240 : memref<128xi32, #tpu.memory_space<vmem>>) target_semaphore(%arg13 : memref<!tpu.dma_semaphore, #tpu.memory_space<semaphore_mem>>)
      %add3A_244 = arith.constant 6 : i32
      %add3A_245 = arith.addi %add3A_36, %add3A_244 : i32
      %dma_start3A_246 = arith.constant 0 : i32
      %dma_start3A_247 = arith.constant 6 : i32
      %dma_start3A_248 = arith.constant 0 : i32
      %dma_start3A_249 = tpu.memref_slice %arg9[%dma_start3A_247, %dma_start3A_248] : memref<40x128xi32, #tpu.memory_space<vmem>> -> memref<1x128xi32, #tpu.memory_space<vmem>>
      %dma_start3A_250 = tpu.memref_squeeze %dma_start3A_249 : memref<1x128xi32, #tpu.memory_space<vmem>> -> memref<128xi32, #tpu.memory_space<vmem>>
      %dma_start3A_251 = arith.constant 0 : i32
      %dma_start3A_252 = tpu.memref_slice %arg3[%add3A_245, %dma_start3A_246, %dma_start3A_251] : memref<2500x2x128xi32, #tpu.memory_space<hbm>> -> memref<1x1x128xi32, #tpu.memory_space<hbm>>
      %dma_start3A_253 = tpu.memref_squeeze %dma_start3A_252 : memref<1x1x128xi32, #tpu.memory_space<hbm>> -> memref<128xi32, #tpu.memory_space<hbm>>
      %dma_start3A_254 = arith.constant 0 : i32
      %dma_start3A_255 = tpu.memref_slice %arg9[%dma_start3A_247, %dma_start3A_254] : memref<40x128xi32, #tpu.memory_space<vmem>> -> memref<1x128xi32, #tpu.memory_space<vmem>>
      %dma_start3A_256 = tpu.memref_squeeze %dma_start3A_255 : memref<1x128xi32, #tpu.memory_space<vmem>> -> memref<128xi32, #tpu.memory_space<vmem>>
      %dma_start3A_257 = arith.constant 0 : i32
      %dma_start3A_258 = tpu.memref_slice %arg3[%add3A_245, %dma_start3A_246, %dma_start3A_257] : memref<2500x2x128xi32, #tpu.memory_space<hbm>> -> memref<1x1x128xi32, #tpu.memory_space<hbm>>
      %dma_start3A_259 = tpu.memref_squeeze %dma_start3A_258 : memref<1x1x128xi32, #tpu.memory_space<hbm>> -> memref<128xi32, #tpu.memory_space<hbm>>
      tpu.enqueue_dma source(%dma_start3A_259 : memref<128xi32, #tpu.memory_space<hbm>>) target(%dma_start3A_256 : memref<128xi32, #tpu.memory_space<vmem>>) target_semaphore(%arg13 : memref<!tpu.dma_semaphore, #tpu.memory_space<semaphore_mem>>)
      %add3A_260 = arith.constant 7 : i32
      %add3A_261 = arith.addi %add3A_36, %add3A_260 : i32
      %dma_start3A_262 = arith.constant 0 : i32
      %dma_start3A_263 = arith.constant 7 : i32
      %dma_start3A_264 = arith.constant 0 : i32
      %dma_start3A_265 = tpu.memref_slice %arg9[%dma_start3A_263, %dma_start3A_264] : memref<40x128xi32, #tpu.memory_space<vmem>> -> memref<1x128xi32, #tpu.memory_space<vmem>>
      %dma_start3A_266 = tpu.memref_squeeze %dma_start3A_265 : memref<1x128xi32, #tpu.memory_space<vmem>> -> memref<128xi32, #tpu.memory_space<vmem>>
      %dma_start3A_267 = arith.constant 0 : i32
      %dma_start3A_268 = tpu.memref_slice %arg3[%add3A_261, %dma_start3A_262, %dma_start3A_267] : memref<2500x2x128xi32, #tpu.memory_space<hbm>> -> memref<1x1x128xi32, #tpu.memory_space<hbm>>
      %dma_start3A_269 = tpu.memref_squeeze %dma_start3A_268 : memref<1x1x128xi32, #tpu.memory_space<hbm>> -> memref<128xi32, #tpu.memory_space<hbm>>
      %dma_start3A_270 = arith.constant 0 : i32
      %dma_start3A_271 = tpu.memref_slice %arg9[%dma_start3A_263, %dma_start3A_270] : memref<40x128xi32, #tpu.memory_space<vmem>> -> memref<1x128xi32, #tpu.memory_space<vmem>>
      %dma_start3A_272 = tpu.memref_squeeze %dma_start3A_271 : memref<1x128xi32, #tpu.memory_space<vmem>> -> memref<128xi32, #tpu.memory_space<vmem>>
      %dma_start3A_273 = arith.constant 0 : i32
      %dma_start3A_274 = tpu.memref_slice %arg3[%add3A_261, %dma_start3A_262, %dma_start3A_273] : memref<2500x2x128xi32, #tpu.memory_space<hbm>> -> memref<1x1x128xi32, #tpu.memory_space<hbm>>
      %dma_start3A_275 = tpu.memref_squeeze %dma_start3A_274 : memref<1x1x128xi32, #tpu.memory_space<hbm>> -> memref<128xi32, #tpu.memory_space<hbm>>
      tpu.enqueue_dma source(%dma_start3A_275 : memref<128xi32, #tpu.memory_space<hbm>>) target(%dma_start3A_272 : memref<128xi32, #tpu.memory_space<vmem>>) target_semaphore(%arg13 : memref<!tpu.dma_semaphore, #tpu.memory_space<semaphore_mem>>)
      %scan3A_276 = arith.constant 0 : i32
      %scan3A_277 = arith.constant 40 : i32
      %scan3A_278 = arith.addi %scan3A_276, %scan3A_277 : i32
      %scan3A_279 = arith.constant 1 : i32
      scf.for %scan3A_281 = %scan3A_276 to %scan3A_278 step %scan3A_279  : i32 {
        %mul3A_282 = arith.constant 1 : i32
        %mul3A_283 = arith.muli %scan3A_281, %mul3A_282 : i32
        %add3A_284 = arith.constant 0 : i32
        %add3A_285 = arith.addi %add3A_284, %mul3A_283 : i32
        %add3A_286 = arith.addi %add3A_36, %add3A_285 : i32
        %dma_wait3A = arith.constant 0 : i32
        %dma_wait3A_287 = arith.constant 0 : i32
        %dma_wait3A_288 = tpu.memref_slice %arg9[%add3A_285, %dma_wait3A_287] : memref<40x128xi32, #tpu.memory_space<vmem>> -> memref<1x128xi32, #tpu.memory_space<vmem>>
        %dma_wait3A_289 = tpu.memref_squeeze %dma_wait3A_288 : memref<1x128xi32, #tpu.memory_space<vmem>> -> memref<128xi32, #tpu.memory_space<vmem>>
        %dma_wait3A_290 = arith.constant 0 : i32
        %dma_wait3A_291 = tpu.memref_slice %arg3[%add3A_286, %dma_wait3A, %dma_wait3A_290] : memref<2500x2x128xi32, #tpu.memory_space<hbm>> -> memref<1x1x128xi32, #tpu.memory_space<hbm>>
        %dma_wait3A_292 = tpu.memref_squeeze %dma_wait3A_291 : memref<1x1x128xi32, #tpu.memory_space<hbm>> -> memref<128xi32, #tpu.memory_space<hbm>>
        %dma_wait3A_293 = arith.constant 0 : i32
        %dma_wait3A_294 = tpu.memref_slice %arg9[%add3A_285, %dma_wait3A_293] : memref<40x128xi32, #tpu.memory_space<vmem>> -> memref<1x128xi32, #tpu.memory_space<vmem>>
        %dma_wait3A_295 = tpu.memref_squeeze %dma_wait3A_294 : memref<1x128xi32, #tpu.memory_space<vmem>> -> memref<128xi32, #tpu.memory_space<vmem>>
        %dma_wait3A_296 = arith.constant 0 : i32
        %dma_wait3A_297 = tpu.memref_slice %arg3[%add3A_286, %dma_wait3A, %dma_wait3A_296] : memref<2500x2x128xi32, #tpu.memory_space<hbm>> -> memref<1x1x128xi32, #tpu.memory_space<hbm>>
        %dma_wait3A_298 = tpu.memref_squeeze %dma_wait3A_297 : memref<1x1x128xi32, #tpu.memory_space<hbm>> -> memref<128xi32, #tpu.memory_space<hbm>>
        tpu.wait_dma2 semaphore(%arg13 : memref<!tpu.dma_semaphore, #tpu.memory_space<semaphore_mem>>) src(%dma_wait3A_298 : memref<128xi32, #tpu.memory_space<hbm>>) dst(%dma_wait3A_295 : memref<128xi32, #tpu.memory_space<vmem>>)
        %add3A_299 = arith.constant 8 : i32
        %add3A_300 = arith.addi %add3A_285, %add3A_299 : i32
        %lt3A_301 = arith.constant 40 : i32
        %lt3A_302 = arith.cmpi slt, %add3A_300, %lt3A_301 : i32
        %convert_element_type3A_303 = arith.extui %lt3A_302 : i1 to i32
        %cond3A_304 = arith.constant 0 : i32
        %cond3A_305 = arith.cmpi ne, %convert_element_type3A_303, %cond3A_304 : i32
        scf.if %cond3A_305 {
          %add3A_306 = arith.constant 8 : i32
          %add3A_307 = arith.addi %add3A_285, %add3A_306 : i32
          %add3A_308 = arith.addi %add3A_36, %add3A_307 : i32
          %add3A_309 = arith.constant 8 : i32
          %add3A_310 = arith.addi %add3A_285, %add3A_309 : i32
          %dma_start3A_311 = arith.constant 0 : i32
          %dma_start3A_312 = arith.constant 0 : i32
          %dma_start3A_313 = tpu.memref_slice %arg9[%add3A_310, %dma_start3A_312] : memref<40x128xi32, #tpu.memory_space<vmem>> -> memref<1x128xi32, #tpu.memory_space<vmem>>
          %dma_start3A_314 = tpu.memref_squeeze %dma_start3A_313 : memref<1x128xi32, #tpu.memory_space<vmem>> -> memref<128xi32, #tpu.memory_space<vmem>>
          %dma_start3A_315 = arith.constant 0 : i32
          %dma_start3A_316 = tpu.memref_slice %arg3[%add3A_308, %dma_start3A_311, %dma_start3A_315] : memref<2500x2x128xi32, #tpu.memory_space<hbm>> -> memref<1x1x128xi32, #tpu.memory_space<hbm>>
          %dma_start3A_317 = tpu.memref_squeeze %dma_start3A_316 : memref<1x1x128xi32, #tpu.memory_space<hbm>> -> memref<128xi32, #tpu.memory_space<hbm>>
          %dma_start3A_318 = arith.constant 0 : i32
          %dma_start3A_319 = tpu.memref_slice %arg9[%add3A_310, %dma_start3A_318] : memref<40x128xi32, #tpu.memory_space<vmem>> -> memref<1x128xi32, #tpu.memory_space<vmem>>
          %dma_start3A_320 = tpu.memref_squeeze %dma_start3A_319 : memref<1x128xi32, #tpu.memory_space<vmem>> -> memref<128xi32, #tpu.memory_space<vmem>>
          %dma_start3A_321 = arith.constant 0 : i32
          %dma_start3A_322 = tpu.memref_slice %arg3[%add3A_308, %dma_start3A_311, %dma_start3A_321] : memref<2500x2x128xi32, #tpu.memory_space<hbm>> -> memref<1x1x128xi32, #tpu.memory_space<hbm>>
          %dma_start3A_323 = tpu.memref_squeeze %dma_start3A_322 : memref<1x1x128xi32, #tpu.memory_space<hbm>> -> memref<128xi32, #tpu.memory_space<hbm>>
          tpu.enqueue_dma source(%dma_start3A_323 : memref<128xi32, #tpu.memory_space<hbm>>) target(%dma_start3A_320 : memref<128xi32, #tpu.memory_space<vmem>>) target_semaphore(%arg13 : memref<!tpu.dma_semaphore, #tpu.memory_space<semaphore_mem>>)
        } else {
        }
      }
      %scan3A_280 = arith.constant 40 : i32
    } else {
    }
    %eq3A = arith.constant 31 : i32
    %eq3A_42 = arith.cmpi eq, %add3A, %eq3A : i32
    %convert_element_type3A_43 = arith.extui %eq3A_42 : i1 to i32
    %cond3A_44 = arith.constant 0 : i32
    %cond3A_45 = arith.cmpi ne, %convert_element_type3A_43, %cond3A_44 : i32
    scf.if %cond3A_45 {
      %sub3A = arith.constant 2480 : i32
      %sub3A_148 = arith.subi %add3A_36, %sub3A : i32
      %add3A_149 = arith.constant 0 : i32
      %add3A_150 = arith.addi %sub3A_148, %add3A_149 : i32
      %mul3A_151 = arith.constant 128 : i32
      %mul3A_152 = arith.muli %add3A_150, %mul3A_151 : i32
      %dma_start3A_153 = arith.constant 0 : i32
      %dma_start3A_154 = arith.constant 0 : i32
      %dma_start3A_155 = tpu.memref_slice %arg9[%dma_start3A_153, %dma_start3A_154] : memref<40x128xi32, #tpu.memory_space<vmem>> -> memref<1x128xi32, #tpu.memory_space<vmem>>
      %dma_start3A_156 = tpu.memref_squeeze %dma_start3A_155 : memref<1x128xi32, #tpu.memory_space<vmem>> -> memref<128xi32, #tpu.memory_space<vmem>>
      %dma_start3A_157 = tpu.memref_slice %arg4[%mul3A_152] : memref<10240xi32, #tpu.memory_space<hbm>> -> memref<128xi32, #tpu.memory_space<hbm>>
      %dma_start3A_158 = arith.constant 0 : i32
      %dma_start3A_159 = tpu.memref_slice %arg9[%dma_start3A_153, %dma_start3A_158] : memref<40x128xi32, #tpu.memory_space<vmem>> -> memref<1x128xi32, #tpu.memory_space<vmem>>
      %dma_start3A_160 = tpu.memref_squeeze %dma_start3A_159 : memref<1x128xi32, #tpu.memory_space<vmem>> -> memref<128xi32, #tpu.memory_space<vmem>>
      %dma_start3A_161 = tpu.memref_slice %arg4[%mul3A_152] : memref<10240xi32, #tpu.memory_space<hbm>> -> memref<128xi32, #tpu.memory_space<hbm>>
      tpu.enqueue_dma source(%dma_start3A_161 : memref<128xi32, #tpu.memory_space<hbm>>) target(%dma_start3A_160 : memref<128xi32, #tpu.memory_space<vmem>>) target_semaphore(%arg13 : memref<!tpu.dma_semaphore, #tpu.memory_space<semaphore_mem>>)
      %sub3A_162 = arith.constant 2480 : i32
      %sub3A_163 = arith.subi %add3A_36, %sub3A_162 : i32
      %add3A_164 = arith.constant 1 : i32
      %add3A_165 = arith.addi %sub3A_163, %add3A_164 : i32
      %mul3A_166 = arith.constant 128 : i32
      %mul3A_167 = arith.muli %add3A_165, %mul3A_166 : i32
      %dma_start3A_168 = arith.constant 1 : i32
      %dma_start3A_169 = arith.constant 0 : i32
      %dma_start3A_170 = tpu.memref_slice %arg9[%dma_start3A_168, %dma_start3A_169] : memref<40x128xi32, #tpu.memory_space<vmem>> -> memref<1x128xi32, #tpu.memory_space<vmem>>
      %dma_start3A_171 = tpu.memref_squeeze %dma_start3A_170 : memref<1x128xi32, #tpu.memory_space<vmem>> -> memref<128xi32, #tpu.memory_space<vmem>>
      %dma_start3A_172 = tpu.memref_slice %arg4[%mul3A_167] : memref<10240xi32, #tpu.memory_space<hbm>> -> memref<128xi32, #tpu.memory_space<hbm>>
      %dma_start3A_173 = arith.constant 0 : i32
      %dma_start3A_174 = tpu.memref_slice %arg9[%dma_start3A_168, %dma_start3A_173] : memref<40x128xi32, #tpu.memory_space<vmem>> -> memref<1x128xi32, #tpu.memory_space<vmem>>
      %dma_start3A_175 = tpu.memref_squeeze %dma_start3A_174 : memref<1x128xi32, #tpu.memory_space<vmem>> -> memref<128xi32, #tpu.memory_space<vmem>>
      %dma_start3A_176 = tpu.memref_slice %arg4[%mul3A_167] : memref<10240xi32, #tpu.memory_space<hbm>> -> memref<128xi32, #tpu.memory_space<hbm>>
      tpu.enqueue_dma source(%dma_start3A_176 : memref<128xi32, #tpu.memory_space<hbm>>) target(%dma_start3A_175 : memref<128xi32, #tpu.memory_space<vmem>>) target_semaphore(%arg13 : memref<!tpu.dma_semaphore, #tpu.memory_space<semaphore_mem>>)
      %sub3A_177 = arith.constant 2480 : i32
      %sub3A_178 = arith.subi %add3A_36, %sub3A_177 : i32
      %add3A_179 = arith.constant 2 : i32
      %add3A_180 = arith.addi %sub3A_178, %add3A_179 : i32
      %mul3A_181 = arith.constant 128 : i32
      %mul3A_182 = arith.muli %add3A_180, %mul3A_181 : i32
      %dma_start3A_183 = arith.constant 2 : i32
      %dma_start3A_184 = arith.constant 0 : i32
      %dma_start3A_185 = tpu.memref_slice %arg9[%dma_start3A_183, %dma_start3A_184] : memref<40x128xi32, #tpu.memory_space<vmem>> -> memref<1x128xi32, #tpu.memory_space<vmem>>
      %dma_start3A_186 = tpu.memref_squeeze %dma_start3A_185 : memref<1x128xi32, #tpu.memory_space<vmem>> -> memref<128xi32, #tpu.memory_space<vmem>>
      %dma_start3A_187 = tpu.memref_slice %arg4[%mul3A_182] : memref<10240xi32, #tpu.memory_space<hbm>> -> memref<128xi32, #tpu.memory_space<hbm>>
      %dma_start3A_188 = arith.constant 0 : i32
      %dma_start3A_189 = tpu.memref_slice %arg9[%dma_start3A_183, %dma_start3A_188] : memref<40x128xi32, #tpu.memory_space<vmem>> -> memref<1x128xi32, #tpu.memory_space<vmem>>
      %dma_start3A_190 = tpu.memref_squeeze %dma_start3A_189 : memref<1x128xi32, #tpu.memory_space<vmem>> -> memref<128xi32, #tpu.memory_space<vmem>>
      %dma_start3A_191 = tpu.memref_slice %arg4[%mul3A_182] : memref<10240xi32, #tpu.memory_space<hbm>> -> memref<128xi32, #tpu.memory_space<hbm>>
      tpu.enqueue_dma source(%dma_start3A_191 : memref<128xi32, #tpu.memory_space<hbm>>) target(%dma_start3A_190 : memref<128xi32, #tpu.memory_space<vmem>>) target_semaphore(%arg13 : memref<!tpu.dma_semaphore, #tpu.memory_space<semaphore_mem>>)
      %sub3A_192 = arith.constant 2480 : i32
      %sub3A_193 = arith.subi %add3A_36, %sub3A_192 : i32
      %add3A_194 = arith.constant 3 : i32
      %add3A_195 = arith.addi %sub3A_193, %add3A_194 : i32
      %mul3A_196 = arith.constant 128 : i32
      %mul3A_197 = arith.muli %add3A_195, %mul3A_196 : i32
      %dma_start3A_198 = arith.constant 3 : i32
      %dma_start3A_199 = arith.constant 0 : i32
      %dma_start3A_200 = tpu.memref_slice %arg9[%dma_start3A_198, %dma_start3A_199] : memref<40x128xi32, #tpu.memory_space<vmem>> -> memref<1x128xi32, #tpu.memory_space<vmem>>
      %dma_start3A_201 = tpu.memref_squeeze %dma_start3A_200 : memref<1x128xi32, #tpu.memory_space<vmem>> -> memref<128xi32, #tpu.memory_space<vmem>>
      %dma_start3A_202 = tpu.memref_slice %arg4[%mul3A_197] : memref<10240xi32, #tpu.memory_space<hbm>> -> memref<128xi32, #tpu.memory_space<hbm>>
      %dma_start3A_203 = arith.constant 0 : i32
      %dma_start3A_204 = tpu.memref_slice %arg9[%dma_start3A_198, %dma_start3A_203] : memref<40x128xi32, #tpu.memory_space<vmem>> -> memref<1x128xi32, #tpu.memory_space<vmem>>
      %dma_start3A_205 = tpu.memref_squeeze %dma_start3A_204 : memref<1x128xi32, #tpu.memory_space<vmem>> -> memref<128xi32, #tpu.memory_space<vmem>>
      %dma_start3A_206 = tpu.memref_slice %arg4[%mul3A_197] : memref<10240xi32, #tpu.memory_space<hbm>> -> memref<128xi32, #tpu.memory_space<hbm>>
      tpu.enqueue_dma source(%dma_start3A_206 : memref<128xi32, #tpu.memory_space<hbm>>) target(%dma_start3A_205 : memref<128xi32, #tpu.memory_space<vmem>>) target_semaphore(%arg13 : memref<!tpu.dma_semaphore, #tpu.memory_space<semaphore_mem>>)
      %sub3A_207 = arith.constant 2480 : i32
      %sub3A_208 = arith.subi %add3A_36, %sub3A_207 : i32
      %add3A_209 = arith.constant 4 : i32
      %add3A_210 = arith.addi %sub3A_208, %add3A_209 : i32
      %mul3A_211 = arith.constant 128 : i32
      %mul3A_212 = arith.muli %add3A_210, %mul3A_211 : i32
      %dma_start3A_213 = arith.constant 4 : i32
      %dma_start3A_214 = arith.constant 0 : i32
      %dma_start3A_215 = tpu.memref_slice %arg9[%dma_start3A_213, %dma_start3A_214] : memref<40x128xi32, #tpu.memory_space<vmem>> -> memref<1x128xi32, #tpu.memory_space<vmem>>
      %dma_start3A_216 = tpu.memref_squeeze %dma_start3A_215 : memref<1x128xi32, #tpu.memory_space<vmem>> -> memref<128xi32, #tpu.memory_space<vmem>>
      %dma_start3A_217 = tpu.memref_slice %arg4[%mul3A_212] : memref<10240xi32, #tpu.memory_space<hbm>> -> memref<128xi32, #tpu.memory_space<hbm>>
      %dma_start3A_218 = arith.constant 0 : i32
      %dma_start3A_219 = tpu.memref_slice %arg9[%dma_start3A_213, %dma_start3A_218] : memref<40x128xi32, #tpu.memory_space<vmem>> -> memref<1x128xi32, #tpu.memory_space<vmem>>
      %dma_start3A_220 = tpu.memref_squeeze %dma_start3A_219 : memref<1x128xi32, #tpu.memory_space<vmem>> -> memref<128xi32, #tpu.memory_space<vmem>>
      %dma_start3A_221 = tpu.memref_slice %arg4[%mul3A_212] : memref<10240xi32, #tpu.memory_space<hbm>> -> memref<128xi32, #tpu.memory_space<hbm>>
      tpu.enqueue_dma source(%dma_start3A_221 : memref<128xi32, #tpu.memory_space<hbm>>) target(%dma_start3A_220 : memref<128xi32, #tpu.memory_space<vmem>>) target_semaphore(%arg13 : memref<!tpu.dma_semaphore, #tpu.memory_space<semaphore_mem>>)
      %sub3A_222 = arith.constant 2480 : i32
      %sub3A_223 = arith.subi %add3A_36, %sub3A_222 : i32
      %add3A_224 = arith.constant 5 : i32
      %add3A_225 = arith.addi %sub3A_223, %add3A_224 : i32
      %mul3A_226 = arith.constant 128 : i32
      %mul3A_227 = arith.muli %add3A_225, %mul3A_226 : i32
      %dma_start3A_228 = arith.constant 5 : i32
      %dma_start3A_229 = arith.constant 0 : i32
      %dma_start3A_230 = tpu.memref_slice %arg9[%dma_start3A_228, %dma_start3A_229] : memref<40x128xi32, #tpu.memory_space<vmem>> -> memref<1x128xi32, #tpu.memory_space<vmem>>
      %dma_start3A_231 = tpu.memref_squeeze %dma_start3A_230 : memref<1x128xi32, #tpu.memory_space<vmem>> -> memref<128xi32, #tpu.memory_space<vmem>>
      %dma_start3A_232 = tpu.memref_slice %arg4[%mul3A_227] : memref<10240xi32, #tpu.memory_space<hbm>> -> memref<128xi32, #tpu.memory_space<hbm>>
      %dma_start3A_233 = arith.constant 0 : i32
      %dma_start3A_234 = tpu.memref_slice %arg9[%dma_start3A_228, %dma_start3A_233] : memref<40x128xi32, #tpu.memory_space<vmem>> -> memref<1x128xi32, #tpu.memory_space<vmem>>
      %dma_start3A_235 = tpu.memref_squeeze %dma_start3A_234 : memref<1x128xi32, #tpu.memory_space<vmem>> -> memref<128xi32, #tpu.memory_space<vmem>>
      %dma_start3A_236 = tpu.memref_slice %arg4[%mul3A_227] : memref<10240xi32, #tpu.memory_space<hbm>> -> memref<128xi32, #tpu.memory_space<hbm>>
      tpu.enqueue_dma source(%dma_start3A_236 : memref<128xi32, #tpu.memory_space<hbm>>) target(%dma_start3A_235 : memref<128xi32, #tpu.memory_space<vmem>>) target_semaphore(%arg13 : memref<!tpu.dma_semaphore, #tpu.memory_space<semaphore_mem>>)
      %sub3A_237 = arith.constant 2480 : i32
      %sub3A_238 = arith.subi %add3A_36, %sub3A_237 : i32
      %add3A_239 = arith.constant 6 : i32
      %add3A_240 = arith.addi %sub3A_238, %add3A_239 : i32
      %mul3A_241 = arith.constant 128 : i32
      %mul3A_242 = arith.muli %add3A_240, %mul3A_241 : i32
      %dma_start3A_243 = arith.constant 6 : i32
      %dma_start3A_244 = arith.constant 0 : i32
      %dma_start3A_245 = tpu.memref_slice %arg9[%dma_start3A_243, %dma_start3A_244] : memref<40x128xi32, #tpu.memory_space<vmem>> -> memref<1x128xi32, #tpu.memory_space<vmem>>
      %dma_start3A_246 = tpu.memref_squeeze %dma_start3A_245 : memref<1x128xi32, #tpu.memory_space<vmem>> -> memref<128xi32, #tpu.memory_space<vmem>>
      %dma_start3A_247 = tpu.memref_slice %arg4[%mul3A_242] : memref<10240xi32, #tpu.memory_space<hbm>> -> memref<128xi32, #tpu.memory_space<hbm>>
      %dma_start3A_248 = arith.constant 0 : i32
      %dma_start3A_249 = tpu.memref_slice %arg9[%dma_start3A_243, %dma_start3A_248] : memref<40x128xi32, #tpu.memory_space<vmem>> -> memref<1x128xi32, #tpu.memory_space<vmem>>
      %dma_start3A_250 = tpu.memref_squeeze %dma_start3A_249 : memref<1x128xi32, #tpu.memory_space<vmem>> -> memref<128xi32, #tpu.memory_space<vmem>>
      %dma_start3A_251 = tpu.memref_slice %arg4[%mul3A_242] : memref<10240xi32, #tpu.memory_space<hbm>> -> memref<128xi32, #tpu.memory_space<hbm>>
      tpu.enqueue_dma source(%dma_start3A_251 : memref<128xi32, #tpu.memory_space<hbm>>) target(%dma_start3A_250 : memref<128xi32, #tpu.memory_space<vmem>>) target_semaphore(%arg13 : memref<!tpu.dma_semaphore, #tpu.memory_space<semaphore_mem>>)
      %sub3A_252 = arith.constant 2480 : i32
      %sub3A_253 = arith.subi %add3A_36, %sub3A_252 : i32
      %add3A_254 = arith.constant 7 : i32
      %add3A_255 = arith.addi %sub3A_253, %add3A_254 : i32
      %mul3A_256 = arith.constant 128 : i32
      %mul3A_257 = arith.muli %add3A_255, %mul3A_256 : i32
      %dma_start3A_258 = arith.constant 7 : i32
      %dma_start3A_259 = arith.constant 0 : i32
      %dma_start3A_260 = tpu.memref_slice %arg9[%dma_start3A_258, %dma_start3A_259] : memref<40x128xi32, #tpu.memory_space<vmem>> -> memref<1x128xi32, #tpu.memory_space<vmem>>
      %dma_start3A_261 = tpu.memref_squeeze %dma_start3A_260 : memref<1x128xi32, #tpu.memory_space<vmem>> -> memref<128xi32, #tpu.memory_space<vmem>>
      %dma_start3A_262 = tpu.memref_slice %arg4[%mul3A_257] : memref<10240xi32, #tpu.memory_space<hbm>> -> memref<128xi32, #tpu.memory_space<hbm>>
      %dma_start3A_263 = arith.constant 0 : i32
      %dma_start3A_264 = tpu.memref_slice %arg9[%dma_start3A_258, %dma_start3A_263] : memref<40x128xi32, #tpu.memory_space<vmem>> -> memref<1x128xi32, #tpu.memory_space<vmem>>
      %dma_start3A_265 = tpu.memref_squeeze %dma_start3A_264 : memref<1x128xi32, #tpu.memory_space<vmem>> -> memref<128xi32, #tpu.memory_space<vmem>>
      %dma_start3A_266 = tpu.memref_slice %arg4[%mul3A_257] : memref<10240xi32, #tpu.memory_space<hbm>> -> memref<128xi32, #tpu.memory_space<hbm>>
      tpu.enqueue_dma source(%dma_start3A_266 : memref<128xi32, #tpu.memory_space<hbm>>) target(%dma_start3A_265 : memref<128xi32, #tpu.memory_space<vmem>>) target_semaphore(%arg13 : memref<!tpu.dma_semaphore, #tpu.memory_space<semaphore_mem>>)
      %scan3A_267 = arith.constant 0 : i32
      %scan3A_268 = arith.constant 40 : i32
      %scan3A_269 = arith.addi %scan3A_267, %scan3A_268 : i32
      %scan3A_270 = arith.constant 1 : i32
      scf.for %scan3A_272 = %scan3A_267 to %scan3A_269 step %scan3A_270  : i32 {
        %mul3A_273 = arith.constant 1 : i32
        %mul3A_274 = arith.muli %scan3A_272, %mul3A_273 : i32
        %add3A_275 = arith.constant 0 : i32
        %add3A_276 = arith.addi %add3A_275, %mul3A_274 : i32
        %sub3A_277 = arith.constant 2480 : i32
        %sub3A_278 = arith.subi %add3A_36, %sub3A_277 : i32
        %add3A_279 = arith.addi %sub3A_278, %add3A_276 : i32
        %mul3A_280 = arith.constant 128 : i32
        %mul3A_281 = arith.muli %add3A_279, %mul3A_280 : i32
        %dma_wait3A = arith.constant 0 : i32
        %dma_wait3A_282 = tpu.memref_slice %arg9[%add3A_276, %dma_wait3A] : memref<40x128xi32, #tpu.memory_space<vmem>> -> memref<1x128xi32, #tpu.memory_space<vmem>>
        %dma_wait3A_283 = tpu.memref_squeeze %dma_wait3A_282 : memref<1x128xi32, #tpu.memory_space<vmem>> -> memref<128xi32, #tpu.memory_space<vmem>>
        %dma_wait3A_284 = tpu.memref_slice %arg4[%mul3A_281] : memref<10240xi32, #tpu.memory_space<hbm>> -> memref<128xi32, #tpu.memory_space<hbm>>
        %dma_wait3A_285 = arith.constant 0 : i32
        %dma_wait3A_286 = tpu.memref_slice %arg9[%add3A_276, %dma_wait3A_285] : memref<40x128xi32, #tpu.memory_space<vmem>> -> memref<1x128xi32, #tpu.memory_space<vmem>>
        %dma_wait3A_287 = tpu.memref_squeeze %dma_wait3A_286 : memref<1x128xi32, #tpu.memory_space<vmem>> -> memref<128xi32, #tpu.memory_space<vmem>>
        %dma_wait3A_288 = tpu.memref_slice %arg4[%mul3A_281] : memref<10240xi32, #tpu.memory_space<hbm>> -> memref<128xi32, #tpu.memory_space<hbm>>
        tpu.wait_dma2 semaphore(%arg13 : memref<!tpu.dma_semaphore, #tpu.memory_space<semaphore_mem>>) src(%dma_wait3A_288 : memref<128xi32, #tpu.memory_space<hbm>>) dst(%dma_wait3A_287 : memref<128xi32, #tpu.memory_space<vmem>>)
        %add3A_289 = arith.constant 8 : i32
        %add3A_290 = arith.addi %add3A_276, %add3A_289 : i32
        %lt3A_291 = arith.constant 40 : i32
        %lt3A_292 = arith.cmpi slt, %add3A_290, %lt3A_291 : i32
        %convert_element_type3A_293 = arith.extui %lt3A_292 : i1 to i32
        %cond3A_294 = arith.constant 0 : i32
        %cond3A_295 = arith.cmpi ne, %convert_element_type3A_293, %cond3A_294 : i32
        scf.if %cond3A_295 {
          %add3A_296 = arith.constant 8 : i32
          %add3A_297 = arith.addi %add3A_276, %add3A_296 : i32
          %sub3A_298 = arith.constant 2480 : i32
          %sub3A_299 = arith.subi %add3A_36, %sub3A_298 : i32
          %add3A_300 = arith.addi %sub3A_299, %add3A_297 : i32
          %mul3A_301 = arith.constant 128 : i32
          %mul3A_302 = arith.muli %add3A_300, %mul3A_301 : i32
          %add3A_303 = arith.constant 8 : i32
          %add3A_304 = arith.addi %add3A_276, %add3A_303 : i32
          %dma_start3A_305 = arith.constant 0 : i32
          %dma_start3A_306 = tpu.memref_slice %arg9[%add3A_304, %dma_start3A_305] : memref<40x128xi32, #tpu.memory_space<vmem>> -> memref<1x128xi32, #tpu.memory_space<vmem>>
          %dma_start3A_307 = tpu.memref_squeeze %dma_start3A_306 : memref<1x128xi32, #tpu.memory_space<vmem>> -> memref<128xi32, #tpu.memory_space<vmem>>
          %dma_start3A_308 = tpu.memref_slice %arg4[%mul3A_302] : memref<10240xi32, #tpu.memory_space<hbm>> -> memref<128xi32, #tpu.memory_space<hbm>>
          %dma_start3A_309 = arith.constant 0 : i32
          %dma_start3A_310 = tpu.memref_slice %arg9[%add3A_304, %dma_start3A_309] : memref<40x128xi32, #tpu.memory_space<vmem>> -> memref<1x128xi32, #tpu.memory_space<vmem>>
          %dma_start3A_311 = tpu.memref_squeeze %dma_start3A_310 : memref<1x128xi32, #tpu.memory_space<vmem>> -> memref<128xi32, #tpu.memory_space<vmem>>
          %dma_start3A_312 = tpu.memref_slice %arg4[%mul3A_302] : memref<10240xi32, #tpu.memory_space<hbm>> -> memref<128xi32, #tpu.memory_space<hbm>>
          tpu.enqueue_dma source(%dma_start3A_312 : memref<128xi32, #tpu.memory_space<hbm>>) target(%dma_start3A_311 : memref<128xi32, #tpu.memory_space<vmem>>) target_semaphore(%arg13 : memref<!tpu.dma_semaphore, #tpu.memory_space<semaphore_mem>>)
        } else {
        }
      }
      %scan3A_271 = arith.constant 40 : i32
    } else {
    }
    %lt3A_46 = arith.constant 31 : i32
    %lt3A_47 = arith.cmpi slt, %add3A, %lt3A_46 : i32
    %convert_element_type3A_48 = arith.extui %lt3A_47 : i1 to i32
    %cond3A_49 = arith.constant 0 : i32
    %cond3A_50 = arith.cmpi ne, %convert_element_type3A_48, %cond3A_49 : i32
    scf.if %cond3A_50 {
      %add3A_148 = arith.constant 0 : i32
      %add3A_149 = arith.addi %add3A_36, %add3A_148 : i32
      %dma_start3A_150 = arith.constant 1 : i32
      %dma_start3A_151 = arith.constant 0 : i32
      %dma_start3A_152 = arith.constant 0 : i32
      %dma_start3A_153 = tpu.memref_slice %arg10[%dma_start3A_151, %dma_start3A_152] : memref<40x128xi32, #tpu.memory_space<vmem>> -> memref<1x128xi32, #tpu.memory_space<vmem>>
      %dma_start3A_154 = tpu.memref_squeeze %dma_start3A_153 : memref<1x128xi32, #tpu.memory_space<vmem>> -> memref<128xi32, #tpu.memory_space<vmem>>
      %dma_start3A_155 = arith.constant 0 : i32
      %dma_start3A_156 = tpu.memref_slice %arg3[%add3A_149, %dma_start3A_150, %dma_start3A_155] : memref<2500x2x128xi32, #tpu.memory_space<hbm>> -> memref<1x1x128xi32, #tpu.memory_space<hbm>>
      %dma_start3A_157 = tpu.memref_squeeze %dma_start3A_156 : memref<1x1x128xi32, #tpu.memory_space<hbm>> -> memref<128xi32, #tpu.memory_space<hbm>>
      %dma_start3A_158 = arith.constant 0 : i32
      %dma_start3A_159 = tpu.memref_slice %arg10[%dma_start3A_151, %dma_start3A_158] : memref<40x128xi32, #tpu.memory_space<vmem>> -> memref<1x128xi32, #tpu.memory_space<vmem>>
      %dma_start3A_160 = tpu.memref_squeeze %dma_start3A_159 : memref<1x128xi32, #tpu.memory_space<vmem>> -> memref<128xi32, #tpu.memory_space<vmem>>
      %dma_start3A_161 = arith.constant 0 : i32
      %dma_start3A_162 = tpu.memref_slice %arg3[%add3A_149, %dma_start3A_150, %dma_start3A_161] : memref<2500x2x128xi32, #tpu.memory_space<hbm>> -> memref<1x1x128xi32, #tpu.memory_space<hbm>>
      %dma_start3A_163 = tpu.memref_squeeze %dma_start3A_162 : memref<1x1x128xi32, #tpu.memory_space<hbm>> -> memref<128xi32, #tpu.memory_space<hbm>>
      tpu.enqueue_dma source(%dma_start3A_163 : memref<128xi32, #tpu.memory_space<hbm>>) target(%dma_start3A_160 : memref<128xi32, #tpu.memory_space<vmem>>) target_semaphore(%arg14 : memref<!tpu.dma_semaphore, #tpu.memory_space<semaphore_mem>>)
      %add3A_164 = arith.constant 1 : i32
      %add3A_165 = arith.addi %add3A_36, %add3A_164 : i32
      %dma_start3A_166 = arith.constant 1 : i32
      %dma_start3A_167 = arith.constant 1 : i32
      %dma_start3A_168 = arith.constant 0 : i32
      %dma_start3A_169 = tpu.memref_slice %arg10[%dma_start3A_167, %dma_start3A_168] : memref<40x128xi32, #tpu.memory_space<vmem>> -> memref<1x128xi32, #tpu.memory_space<vmem>>
      %dma_start3A_170 = tpu.memref_squeeze %dma_start3A_169 : memref<1x128xi32, #tpu.memory_space<vmem>> -> memref<128xi32, #tpu.memory_space<vmem>>
      %dma_start3A_171 = arith.constant 0 : i32
      %dma_start3A_172 = tpu.memref_slice %arg3[%add3A_165, %dma_start3A_166, %dma_start3A_171] : memref<2500x2x128xi32, #tpu.memory_space<hbm>> -> memref<1x1x128xi32, #tpu.memory_space<hbm>>
      %dma_start3A_173 = tpu.memref_squeeze %dma_start3A_172 : memref<1x1x128xi32, #tpu.memory_space<hbm>> -> memref<128xi32, #tpu.memory_space<hbm>>
      %dma_start3A_174 = arith.constant 0 : i32
      %dma_start3A_175 = tpu.memref_slice %arg10[%dma_start3A_167, %dma_start3A_174] : memref<40x128xi32, #tpu.memory_space<vmem>> -> memref<1x128xi32, #tpu.memory_space<vmem>>
      %dma_start3A_176 = tpu.memref_squeeze %dma_start3A_175 : memref<1x128xi32, #tpu.memory_space<vmem>> -> memref<128xi32, #tpu.memory_space<vmem>>
      %dma_start3A_177 = arith.constant 0 : i32
      %dma_start3A_178 = tpu.memref_slice %arg3[%add3A_165, %dma_start3A_166, %dma_start3A_177] : memref<2500x2x128xi32, #tpu.memory_space<hbm>> -> memref<1x1x128xi32, #tpu.memory_space<hbm>>
      %dma_start3A_179 = tpu.memref_squeeze %dma_start3A_178 : memref<1x1x128xi32, #tpu.memory_space<hbm>> -> memref<128xi32, #tpu.memory_space<hbm>>
      tpu.enqueue_dma source(%dma_start3A_179 : memref<128xi32, #tpu.memory_space<hbm>>) target(%dma_start3A_176 : memref<128xi32, #tpu.memory_space<vmem>>) target_semaphore(%arg14 : memref<!tpu.dma_semaphore, #tpu.memory_space<semaphore_mem>>)
      %add3A_180 = arith.constant 2 : i32
      %add3A_181 = arith.addi %add3A_36, %add3A_180 : i32
      %dma_start3A_182 = arith.constant 1 : i32
      %dma_start3A_183 = arith.constant 2 : i32
      %dma_start3A_184 = arith.constant 0 : i32
      %dma_start3A_185 = tpu.memref_slice %arg10[%dma_start3A_183, %dma_start3A_184] : memref<40x128xi32, #tpu.memory_space<vmem>> -> memref<1x128xi32, #tpu.memory_space<vmem>>
      %dma_start3A_186 = tpu.memref_squeeze %dma_start3A_185 : memref<1x128xi32, #tpu.memory_space<vmem>> -> memref<128xi32, #tpu.memory_space<vmem>>
      %dma_start3A_187 = arith.constant 0 : i32
      %dma_start3A_188 = tpu.memref_slice %arg3[%add3A_181, %dma_start3A_182, %dma_start3A_187] : memref<2500x2x128xi32, #tpu.memory_space<hbm>> -> memref<1x1x128xi32, #tpu.memory_space<hbm>>
      %dma_start3A_189 = tpu.memref_squeeze %dma_start3A_188 : memref<1x1x128xi32, #tpu.memory_space<hbm>> -> memref<128xi32, #tpu.memory_space<hbm>>
      %dma_start3A_190 = arith.constant 0 : i32
      %dma_start3A_191 = tpu.memref_slice %arg10[%dma_start3A_183, %dma_start3A_190] : memref<40x128xi32, #tpu.memory_space<vmem>> -> memref<1x128xi32, #tpu.memory_space<vmem>>
      %dma_start3A_192 = tpu.memref_squeeze %dma_start3A_191 : memref<1x128xi32, #tpu.memory_space<vmem>> -> memref<128xi32, #tpu.memory_space<vmem>>
      %dma_start3A_193 = arith.constant 0 : i32
      %dma_start3A_194 = tpu.memref_slice %arg3[%add3A_181, %dma_start3A_182, %dma_start3A_193] : memref<2500x2x128xi32, #tpu.memory_space<hbm>> -> memref<1x1x128xi32, #tpu.memory_space<hbm>>
      %dma_start3A_195 = tpu.memref_squeeze %dma_start3A_194 : memref<1x1x128xi32, #tpu.memory_space<hbm>> -> memref<128xi32, #tpu.memory_space<hbm>>
      tpu.enqueue_dma source(%dma_start3A_195 : memref<128xi32, #tpu.memory_space<hbm>>) target(%dma_start3A_192 : memref<128xi32, #tpu.memory_space<vmem>>) target_semaphore(%arg14 : memref<!tpu.dma_semaphore, #tpu.memory_space<semaphore_mem>>)
      %add3A_196 = arith.constant 3 : i32
      %add3A_197 = arith.addi %add3A_36, %add3A_196 : i32
      %dma_start3A_198 = arith.constant 1 : i32
      %dma_start3A_199 = arith.constant 3 : i32
      %dma_start3A_200 = arith.constant 0 : i32
      %dma_start3A_201 = tpu.memref_slice %arg10[%dma_start3A_199, %dma_start3A_200] : memref<40x128xi32, #tpu.memory_space<vmem>> -> memref<1x128xi32, #tpu.memory_space<vmem>>
      %dma_start3A_202 = tpu.memref_squeeze %dma_start3A_201 : memref<1x128xi32, #tpu.memory_space<vmem>> -> memref<128xi32, #tpu.memory_space<vmem>>
      %dma_start3A_203 = arith.constant 0 : i32
      %dma_start3A_204 = tpu.memref_slice %arg3[%add3A_197, %dma_start3A_198, %dma_start3A_203] : memref<2500x2x128xi32, #tpu.memory_space<hbm>> -> memref<1x1x128xi32, #tpu.memory_space<hbm>>
      %dma_start3A_205 = tpu.memref_squeeze %dma_start3A_204 : memref<1x1x128xi32, #tpu.memory_space<hbm>> -> memref<128xi32, #tpu.memory_space<hbm>>
      %dma_start3A_206 = arith.constant 0 : i32
      %dma_start3A_207 = tpu.memref_slice %arg10[%dma_start3A_199, %dma_start3A_206] : memref<40x128xi32, #tpu.memory_space<vmem>> -> memref<1x128xi32, #tpu.memory_space<vmem>>
      %dma_start3A_208 = tpu.memref_squeeze %dma_start3A_207 : memref<1x128xi32, #tpu.memory_space<vmem>> -> memref<128xi32, #tpu.memory_space<vmem>>
      %dma_start3A_209 = arith.constant 0 : i32
      %dma_start3A_210 = tpu.memref_slice %arg3[%add3A_197, %dma_start3A_198, %dma_start3A_209] : memref<2500x2x128xi32, #tpu.memory_space<hbm>> -> memref<1x1x128xi32, #tpu.memory_space<hbm>>
      %dma_start3A_211 = tpu.memref_squeeze %dma_start3A_210 : memref<1x1x128xi32, #tpu.memory_space<hbm>> -> memref<128xi32, #tpu.memory_space<hbm>>
      tpu.enqueue_dma source(%dma_start3A_211 : memref<128xi32, #tpu.memory_space<hbm>>) target(%dma_start3A_208 : memref<128xi32, #tpu.memory_space<vmem>>) target_semaphore(%arg14 : memref<!tpu.dma_semaphore, #tpu.memory_space<semaphore_mem>>)
      %add3A_212 = arith.constant 4 : i32
      %add3A_213 = arith.addi %add3A_36, %add3A_212 : i32
      %dma_start3A_214 = arith.constant 1 : i32
      %dma_start3A_215 = arith.constant 4 : i32
      %dma_start3A_216 = arith.constant 0 : i32
      %dma_start3A_217 = tpu.memref_slice %arg10[%dma_start3A_215, %dma_start3A_216] : memref<40x128xi32, #tpu.memory_space<vmem>> -> memref<1x128xi32, #tpu.memory_space<vmem>>
      %dma_start3A_218 = tpu.memref_squeeze %dma_start3A_217 : memref<1x128xi32, #tpu.memory_space<vmem>> -> memref<128xi32, #tpu.memory_space<vmem>>
      %dma_start3A_219 = arith.constant 0 : i32
      %dma_start3A_220 = tpu.memref_slice %arg3[%add3A_213, %dma_start3A_214, %dma_start3A_219] : memref<2500x2x128xi32, #tpu.memory_space<hbm>> -> memref<1x1x128xi32, #tpu.memory_space<hbm>>
      %dma_start3A_221 = tpu.memref_squeeze %dma_start3A_220 : memref<1x1x128xi32, #tpu.memory_space<hbm>> -> memref<128xi32, #tpu.memory_space<hbm>>
      %dma_start3A_222 = arith.constant 0 : i32
      %dma_start3A_223 = tpu.memref_slice %arg10[%dma_start3A_215, %dma_start3A_222] : memref<40x128xi32, #tpu.memory_space<vmem>> -> memref<1x128xi32, #tpu.memory_space<vmem>>
      %dma_start3A_224 = tpu.memref_squeeze %dma_start3A_223 : memref<1x128xi32, #tpu.memory_space<vmem>> -> memref<128xi32, #tpu.memory_space<vmem>>
      %dma_start3A_225 = arith.constant 0 : i32
      %dma_start3A_226 = tpu.memref_slice %arg3[%add3A_213, %dma_start3A_214, %dma_start3A_225] : memref<2500x2x128xi32, #tpu.memory_space<hbm>> -> memref<1x1x128xi32, #tpu.memory_space<hbm>>
      %dma_start3A_227 = tpu.memref_squeeze %dma_start3A_226 : memref<1x1x128xi32, #tpu.memory_space<hbm>> -> memref<128xi32, #tpu.memory_space<hbm>>
      tpu.enqueue_dma source(%dma_start3A_227 : memref<128xi32, #tpu.memory_space<hbm>>) target(%dma_start3A_224 : memref<128xi32, #tpu.memory_space<vmem>>) target_semaphore(%arg14 : memref<!tpu.dma_semaphore, #tpu.memory_space<semaphore_mem>>)
      %add3A_228 = arith.constant 5 : i32
      %add3A_229 = arith.addi %add3A_36, %add3A_228 : i32
      %dma_start3A_230 = arith.constant 1 : i32
      %dma_start3A_231 = arith.constant 5 : i32
      %dma_start3A_232 = arith.constant 0 : i32
      %dma_start3A_233 = tpu.memref_slice %arg10[%dma_start3A_231, %dma_start3A_232] : memref<40x128xi32, #tpu.memory_space<vmem>> -> memref<1x128xi32, #tpu.memory_space<vmem>>
      %dma_start3A_234 = tpu.memref_squeeze %dma_start3A_233 : memref<1x128xi32, #tpu.memory_space<vmem>> -> memref<128xi32, #tpu.memory_space<vmem>>
      %dma_start3A_235 = arith.constant 0 : i32
      %dma_start3A_236 = tpu.memref_slice %arg3[%add3A_229, %dma_start3A_230, %dma_start3A_235] : memref<2500x2x128xi32, #tpu.memory_space<hbm>> -> memref<1x1x128xi32, #tpu.memory_space<hbm>>
      %dma_start3A_237 = tpu.memref_squeeze %dma_start3A_236 : memref<1x1x128xi32, #tpu.memory_space<hbm>> -> memref<128xi32, #tpu.memory_space<hbm>>
      %dma_start3A_238 = arith.constant 0 : i32
      %dma_start3A_239 = tpu.memref_slice %arg10[%dma_start3A_231, %dma_start3A_238] : memref<40x128xi32, #tpu.memory_space<vmem>> -> memref<1x128xi32, #tpu.memory_space<vmem>>
      %dma_start3A_240 = tpu.memref_squeeze %dma_start3A_239 : memref<1x128xi32, #tpu.memory_space<vmem>> -> memref<128xi32, #tpu.memory_space<vmem>>
      %dma_start3A_241 = arith.constant 0 : i32
      %dma_start3A_242 = tpu.memref_slice %arg3[%add3A_229, %dma_start3A_230, %dma_start3A_241] : memref<2500x2x128xi32, #tpu.memory_space<hbm>> -> memref<1x1x128xi32, #tpu.memory_space<hbm>>
      %dma_start3A_243 = tpu.memref_squeeze %dma_start3A_242 : memref<1x1x128xi32, #tpu.memory_space<hbm>> -> memref<128xi32, #tpu.memory_space<hbm>>
      tpu.enqueue_dma source(%dma_start3A_243 : memref<128xi32, #tpu.memory_space<hbm>>) target(%dma_start3A_240 : memref<128xi32, #tpu.memory_space<vmem>>) target_semaphore(%arg14 : memref<!tpu.dma_semaphore, #tpu.memory_space<semaphore_mem>>)
      %add3A_244 = arith.constant 6 : i32
      %add3A_245 = arith.addi %add3A_36, %add3A_244 : i32
      %dma_start3A_246 = arith.constant 1 : i32
      %dma_start3A_247 = arith.constant 6 : i32
      %dma_start3A_248 = arith.constant 0 : i32
      %dma_start3A_249 = tpu.memref_slice %arg10[%dma_start3A_247, %dma_start3A_248] : memref<40x128xi32, #tpu.memory_space<vmem>> -> memref<1x128xi32, #tpu.memory_space<vmem>>
      %dma_start3A_250 = tpu.memref_squeeze %dma_start3A_249 : memref<1x128xi32, #tpu.memory_space<vmem>> -> memref<128xi32, #tpu.memory_space<vmem>>
      %dma_start3A_251 = arith.constant 0 : i32
      %dma_start3A_252 = tpu.memref_slice %arg3[%add3A_245, %dma_start3A_246, %dma_start3A_251] : memref<2500x2x128xi32, #tpu.memory_space<hbm>> -> memref<1x1x128xi32, #tpu.memory_space<hbm>>
      %dma_start3A_253 = tpu.memref_squeeze %dma_start3A_252 : memref<1x1x128xi32, #tpu.memory_space<hbm>> -> memref<128xi32, #tpu.memory_space<hbm>>
      %dma_start3A_254 = arith.constant 0 : i32
      %dma_start3A_255 = tpu.memref_slice %arg10[%dma_start3A_247, %dma_start3A_254] : memref<40x128xi32, #tpu.memory_space<vmem>> -> memref<1x128xi32, #tpu.memory_space<vmem>>
      %dma_start3A_256 = tpu.memref_squeeze %dma_start3A_255 : memref<1x128xi32, #tpu.memory_space<vmem>> -> memref<128xi32, #tpu.memory_space<vmem>>
      %dma_start3A_257 = arith.constant 0 : i32
      %dma_start3A_258 = tpu.memref_slice %arg3[%add3A_245, %dma_start3A_246, %dma_start3A_257] : memref<2500x2x128xi32, #tpu.memory_space<hbm>> -> memref<1x1x128xi32, #tpu.memory_space<hbm>>
      %dma_start3A_259 = tpu.memref_squeeze %dma_start3A_258 : memref<1x1x128xi32, #tpu.memory_space<hbm>> -> memref<128xi32, #tpu.memory_space<hbm>>
      tpu.enqueue_dma source(%dma_start3A_259 : memref<128xi32, #tpu.memory_space<hbm>>) target(%dma_start3A_256 : memref<128xi32, #tpu.memory_space<vmem>>) target_semaphore(%arg14 : memref<!tpu.dma_semaphore, #tpu.memory_space<semaphore_mem>>)
      %add3A_260 = arith.constant 7 : i32
      %add3A_261 = arith.addi %add3A_36, %add3A_260 : i32
      %dma_start3A_262 = arith.constant 1 : i32
      %dma_start3A_263 = arith.constant 7 : i32
      %dma_start3A_264 = arith.constant 0 : i32
      %dma_start3A_265 = tpu.memref_slice %arg10[%dma_start3A_263, %dma_start3A_264] : memref<40x128xi32, #tpu.memory_space<vmem>> -> memref<1x128xi32, #tpu.memory_space<vmem>>
      %dma_start3A_266 = tpu.memref_squeeze %dma_start3A_265 : memref<1x128xi32, #tpu.memory_space<vmem>> -> memref<128xi32, #tpu.memory_space<vmem>>
      %dma_start3A_267 = arith.constant 0 : i32
      %dma_start3A_268 = tpu.memref_slice %arg3[%add3A_261, %dma_start3A_262, %dma_start3A_267] : memref<2500x2x128xi32, #tpu.memory_space<hbm>> -> memref<1x1x128xi32, #tpu.memory_space<hbm>>
      %dma_start3A_269 = tpu.memref_squeeze %dma_start3A_268 : memref<1x1x128xi32, #tpu.memory_space<hbm>> -> memref<128xi32, #tpu.memory_space<hbm>>
      %dma_start3A_270 = arith.constant 0 : i32
      %dma_start3A_271 = tpu.memref_slice %arg10[%dma_start3A_263, %dma_start3A_270] : memref<40x128xi32, #tpu.memory_space<vmem>> -> memref<1x128xi32, #tpu.memory_space<vmem>>
      %dma_start3A_272 = tpu.memref_squeeze %dma_start3A_271 : memref<1x128xi32, #tpu.memory_space<vmem>> -> memref<128xi32, #tpu.memory_space<vmem>>
      %dma_start3A_273 = arith.constant 0 : i32
      %dma_start3A_274 = tpu.memref_slice %arg3[%add3A_261, %dma_start3A_262, %dma_start3A_273] : memref<2500x2x128xi32, #tpu.memory_space<hbm>> -> memref<1x1x128xi32, #tpu.memory_space<hbm>>
      %dma_start3A_275 = tpu.memref_squeeze %dma_start3A_274 : memref<1x1x128xi32, #tpu.memory_space<hbm>> -> memref<128xi32, #tpu.memory_space<hbm>>
      tpu.enqueue_dma source(%dma_start3A_275 : memref<128xi32, #tpu.memory_space<hbm>>) target(%dma_start3A_272 : memref<128xi32, #tpu.memory_space<vmem>>) target_semaphore(%arg14 : memref<!tpu.dma_semaphore, #tpu.memory_space<semaphore_mem>>)
      %scan3A_276 = arith.constant 0 : i32
      %scan3A_277 = arith.constant 40 : i32
      %scan3A_278 = arith.addi %scan3A_276, %scan3A_277 : i32
      %scan3A_279 = arith.constant 1 : i32
      scf.for %scan3A_281 = %scan3A_276 to %scan3A_278 step %scan3A_279  : i32 {
        %mul3A_282 = arith.constant 1 : i32
        %mul3A_283 = arith.muli %scan3A_281, %mul3A_282 : i32
        %add3A_284 = arith.constant 0 : i32
        %add3A_285 = arith.addi %add3A_284, %mul3A_283 : i32
        %add3A_286 = arith.addi %add3A_36, %add3A_285 : i32
        %dma_wait3A = arith.constant 1 : i32
        %dma_wait3A_287 = arith.constant 0 : i32
        %dma_wait3A_288 = tpu.memref_slice %arg10[%add3A_285, %dma_wait3A_287] : memref<40x128xi32, #tpu.memory_space<vmem>> -> memref<1x128xi32, #tpu.memory_space<vmem>>
        %dma_wait3A_289 = tpu.memref_squeeze %dma_wait3A_288 : memref<1x128xi32, #tpu.memory_space<vmem>> -> memref<128xi32, #tpu.memory_space<vmem>>
        %dma_wait3A_290 = arith.constant 0 : i32
        %dma_wait3A_291 = tpu.memref_slice %arg3[%add3A_286, %dma_wait3A, %dma_wait3A_290] : memref<2500x2x128xi32, #tpu.memory_space<hbm>> -> memref<1x1x128xi32, #tpu.memory_space<hbm>>
        %dma_wait3A_292 = tpu.memref_squeeze %dma_wait3A_291 : memref<1x1x128xi32, #tpu.memory_space<hbm>> -> memref<128xi32, #tpu.memory_space<hbm>>
        %dma_wait3A_293 = arith.constant 0 : i32
        %dma_wait3A_294 = tpu.memref_slice %arg10[%add3A_285, %dma_wait3A_293] : memref<40x128xi32, #tpu.memory_space<vmem>> -> memref<1x128xi32, #tpu.memory_space<vmem>>
        %dma_wait3A_295 = tpu.memref_squeeze %dma_wait3A_294 : memref<1x128xi32, #tpu.memory_space<vmem>> -> memref<128xi32, #tpu.memory_space<vmem>>
        %dma_wait3A_296 = arith.constant 0 : i32
        %dma_wait3A_297 = tpu.memref_slice %arg3[%add3A_286, %dma_wait3A, %dma_wait3A_296] : memref<2500x2x128xi32, #tpu.memory_space<hbm>> -> memref<1x1x128xi32, #tpu.memory_space<hbm>>
        %dma_wait3A_298 = tpu.memref_squeeze %dma_wait3A_297 : memref<1x1x128xi32, #tpu.memory_space<hbm>> -> memref<128xi32, #tpu.memory_space<hbm>>
        tpu.wait_dma2 semaphore(%arg14 : memref<!tpu.dma_semaphore, #tpu.memory_space<semaphore_mem>>) src(%dma_wait3A_298 : memref<128xi32, #tpu.memory_space<hbm>>) dst(%dma_wait3A_295 : memref<128xi32, #tpu.memory_space<vmem>>)
        %add3A_299 = arith.constant 8 : i32
        %add3A_300 = arith.addi %add3A_285, %add3A_299 : i32
        %lt3A_301 = arith.constant 40 : i32
        %lt3A_302 = arith.cmpi slt, %add3A_300, %lt3A_301 : i32
        %convert_element_type3A_303 = arith.extui %lt3A_302 : i1 to i32
        %cond3A_304 = arith.constant 0 : i32
        %cond3A_305 = arith.cmpi ne, %convert_element_type3A_303, %cond3A_304 : i32
        scf.if %cond3A_305 {
          %add3A_306 = arith.constant 8 : i32
          %add3A_307 = arith.addi %add3A_285, %add3A_306 : i32
          %add3A_308 = arith.addi %add3A_36, %add3A_307 : i32
          %add3A_309 = arith.constant 8 : i32
          %add3A_310 = arith.addi %add3A_285, %add3A_309 : i32
          %dma_start3A_311 = arith.constant 1 : i32
          %dma_start3A_312 = arith.constant 0 : i32
          %dma_start3A_313 = tpu.memref_slice %arg10[%add3A_310, %dma_start3A_312] : memref<40x128xi32, #tpu.memory_space<vmem>> -> memref<1x128xi32, #tpu.memory_space<vmem>>
          %dma_start3A_314 = tpu.memref_squeeze %dma_start3A_313 : memref<1x128xi32, #tpu.memory_space<vmem>> -> memref<128xi32, #tpu.memory_space<vmem>>
          %dma_start3A_315 = arith.constant 0 : i32
          %dma_start3A_316 = tpu.memref_slice %arg3[%add3A_308, %dma_start3A_311, %dma_start3A_315] : memref<2500x2x128xi32, #tpu.memory_space<hbm>> -> memref<1x1x128xi32, #tpu.memory_space<hbm>>
          %dma_start3A_317 = tpu.memref_squeeze %dma_start3A_316 : memref<1x1x128xi32, #tpu.memory_space<hbm>> -> memref<128xi32, #tpu.memory_space<hbm>>
          %dma_start3A_318 = arith.constant 0 : i32
          %dma_start3A_319 = tpu.memref_slice %arg10[%add3A_310, %dma_start3A_318] : memref<40x128xi32, #tpu.memory_space<vmem>> -> memref<1x128xi32, #tpu.memory_space<vmem>>
          %dma_start3A_320 = tpu.memref_squeeze %dma_start3A_319 : memref<1x128xi32, #tpu.memory_space<vmem>> -> memref<128xi32, #tpu.memory_space<vmem>>
          %dma_start3A_321 = arith.constant 0 : i32
          %dma_start3A_322 = tpu.memref_slice %arg3[%add3A_308, %dma_start3A_311, %dma_start3A_321] : memref<2500x2x128xi32, #tpu.memory_space<hbm>> -> memref<1x1x128xi32, #tpu.memory_space<hbm>>
          %dma_start3A_323 = tpu.memref_squeeze %dma_start3A_322 : memref<1x1x128xi32, #tpu.memory_space<hbm>> -> memref<128xi32, #tpu.memory_space<hbm>>
          tpu.enqueue_dma source(%dma_start3A_323 : memref<128xi32, #tpu.memory_space<hbm>>) target(%dma_start3A_320 : memref<128xi32, #tpu.memory_space<vmem>>) target_semaphore(%arg14 : memref<!tpu.dma_semaphore, #tpu.memory_space<semaphore_mem>>)
        } else {
        }
      }
      %scan3A_280 = arith.constant 40 : i32
    } else {
    }
    %eq3A_51 = arith.constant 31 : i32
    %eq3A_52 = arith.cmpi eq, %add3A, %eq3A_51 : i32
    %convert_element_type3A_53 = arith.extui %eq3A_52 : i1 to i32
    %cond3A_54 = arith.constant 0 : i32
    %cond3A_55 = arith.cmpi ne, %convert_element_type3A_53, %cond3A_54 : i32
    scf.if %cond3A_55 {
      %sub3A = arith.constant 2480 : i32
      %sub3A_148 = arith.subi %add3A_36, %sub3A : i32
      %add3A_149 = arith.constant 0 : i32
      %add3A_150 = arith.addi %sub3A_148, %add3A_149 : i32
      %mul3A_151 = arith.constant 128 : i32
      %mul3A_152 = arith.muli %add3A_150, %mul3A_151 : i32
      %dma_start3A_153 = arith.constant 0 : i32
      %dma_start3A_154 = arith.constant 0 : i32
      %dma_start3A_155 = tpu.memref_slice %arg10[%dma_start3A_153, %dma_start3A_154] : memref<40x128xi32, #tpu.memory_space<vmem>> -> memref<1x128xi32, #tpu.memory_space<vmem>>
      %dma_start3A_156 = tpu.memref_squeeze %dma_start3A_155 : memref<1x128xi32, #tpu.memory_space<vmem>> -> memref<128xi32, #tpu.memory_space<vmem>>
      %dma_start3A_157 = tpu.memref_slice %arg5[%mul3A_152] : memref<10240xi32, #tpu.memory_space<hbm>> -> memref<128xi32, #tpu.memory_space<hbm>>
      %dma_start3A_158 = arith.constant 0 : i32
      %dma_start3A_159 = tpu.memref_slice %arg10[%dma_start3A_153, %dma_start3A_158] : memref<40x128xi32, #tpu.memory_space<vmem>> -> memref<1x128xi32, #tpu.memory_space<vmem>>
      %dma_start3A_160 = tpu.memref_squeeze %dma_start3A_159 : memref<1x128xi32, #tpu.memory_space<vmem>> -> memref<128xi32, #tpu.memory_space<vmem>>
      %dma_start3A_161 = tpu.memref_slice %arg5[%mul3A_152] : memref<10240xi32, #tpu.memory_space<hbm>> -> memref<128xi32, #tpu.memory_space<hbm>>
      tpu.enqueue_dma source(%dma_start3A_161 : memref<128xi32, #tpu.memory_space<hbm>>) target(%dma_start3A_160 : memref<128xi32, #tpu.memory_space<vmem>>) target_semaphore(%arg14 : memref<!tpu.dma_semaphore, #tpu.memory_space<semaphore_mem>>)
      %sub3A_162 = arith.constant 2480 : i32
      %sub3A_163 = arith.subi %add3A_36, %sub3A_162 : i32
      %add3A_164 = arith.constant 1 : i32
      %add3A_165 = arith.addi %sub3A_163, %add3A_164 : i32
      %mul3A_166 = arith.constant 128 : i32
      %mul3A_167 = arith.muli %add3A_165, %mul3A_166 : i32
      %dma_start3A_168 = arith.constant 1 : i32
      %dma_start3A_169 = arith.constant 0 : i32
      %dma_start3A_170 = tpu.memref_slice %arg10[%dma_start3A_168, %dma_start3A_169] : memref<40x128xi32, #tpu.memory_space<vmem>> -> memref<1x128xi32, #tpu.memory_space<vmem>>
      %dma_start3A_171 = tpu.memref_squeeze %dma_start3A_170 : memref<1x128xi32, #tpu.memory_space<vmem>> -> memref<128xi32, #tpu.memory_space<vmem>>
      %dma_start3A_172 = tpu.memref_slice %arg5[%mul3A_167] : memref<10240xi32, #tpu.memory_space<hbm>> -> memref<128xi32, #tpu.memory_space<hbm>>
      %dma_start3A_173 = arith.constant 0 : i32
      %dma_start3A_174 = tpu.memref_slice %arg10[%dma_start3A_168, %dma_start3A_173] : memref<40x128xi32, #tpu.memory_space<vmem>> -> memref<1x128xi32, #tpu.memory_space<vmem>>
      %dma_start3A_175 = tpu.memref_squeeze %dma_start3A_174 : memref<1x128xi32, #tpu.memory_space<vmem>> -> memref<128xi32, #tpu.memory_space<vmem>>
      %dma_start3A_176 = tpu.memref_slice %arg5[%mul3A_167] : memref<10240xi32, #tpu.memory_space<hbm>> -> memref<128xi32, #tpu.memory_space<hbm>>
      tpu.enqueue_dma source(%dma_start3A_176 : memref<128xi32, #tpu.memory_space<hbm>>) target(%dma_start3A_175 : memref<128xi32, #tpu.memory_space<vmem>>) target_semaphore(%arg14 : memref<!tpu.dma_semaphore, #tpu.memory_space<semaphore_mem>>)
      %sub3A_177 = arith.constant 2480 : i32
      %sub3A_178 = arith.subi %add3A_36, %sub3A_177 : i32
      %add3A_179 = arith.constant 2 : i32
      %add3A_180 = arith.addi %sub3A_178, %add3A_179 : i32
      %mul3A_181 = arith.constant 128 : i32
      %mul3A_182 = arith.muli %add3A_180, %mul3A_181 : i32
      %dma_start3A_183 = arith.constant 2 : i32
      %dma_start3A_184 = arith.constant 0 : i32
      %dma_start3A_185 = tpu.memref_slice %arg10[%dma_start3A_183, %dma_start3A_184] : memref<40x128xi32, #tpu.memory_space<vmem>> -> memref<1x128xi32, #tpu.memory_space<vmem>>
      %dma_start3A_186 = tpu.memref_squeeze %dma_start3A_185 : memref<1x128xi32, #tpu.memory_space<vmem>> -> memref<128xi32, #tpu.memory_space<vmem>>
      %dma_start3A_187 = tpu.memref_slice %arg5[%mul3A_182] : memref<10240xi32, #tpu.memory_space<hbm>> -> memref<128xi32, #tpu.memory_space<hbm>>
      %dma_start3A_188 = arith.constant 0 : i32
      %dma_start3A_189 = tpu.memref_slice %arg10[%dma_start3A_183, %dma_start3A_188] : memref<40x128xi32, #tpu.memory_space<vmem>> -> memref<1x128xi32, #tpu.memory_space<vmem>>
      %dma_start3A_190 = tpu.memref_squeeze %dma_start3A_189 : memref<1x128xi32, #tpu.memory_space<vmem>> -> memref<128xi32, #tpu.memory_space<vmem>>
      %dma_start3A_191 = tpu.memref_slice %arg5[%mul3A_182] : memref<10240xi32, #tpu.memory_space<hbm>> -> memref<128xi32, #tpu.memory_space<hbm>>
      tpu.enqueue_dma source(%dma_start3A_191 : memref<128xi32, #tpu.memory_space<hbm>>) target(%dma_start3A_190 : memref<128xi32, #tpu.memory_space<vmem>>) target_semaphore(%arg14 : memref<!tpu.dma_semaphore, #tpu.memory_space<semaphore_mem>>)
      %sub3A_192 = arith.constant 2480 : i32
      %sub3A_193 = arith.subi %add3A_36, %sub3A_192 : i32
      %add3A_194 = arith.constant 3 : i32
      %add3A_195 = arith.addi %sub3A_193, %add3A_194 : i32
      %mul3A_196 = arith.constant 128 : i32
      %mul3A_197 = arith.muli %add3A_195, %mul3A_196 : i32
      %dma_start3A_198 = arith.constant 3 : i32
      %dma_start3A_199 = arith.constant 0 : i32
      %dma_start3A_200 = tpu.memref_slice %arg10[%dma_start3A_198, %dma_start3A_199] : memref<40x128xi32, #tpu.memory_space<vmem>> -> memref<1x128xi32, #tpu.memory_space<vmem>>
      %dma_start3A_201 = tpu.memref_squeeze %dma_start3A_200 : memref<1x128xi32, #tpu.memory_space<vmem>> -> memref<128xi32, #tpu.memory_space<vmem>>
      %dma_start3A_202 = tpu.memref_slice %arg5[%mul3A_197] : memref<10240xi32, #tpu.memory_space<hbm>> -> memref<128xi32, #tpu.memory_space<hbm>>
      %dma_start3A_203 = arith.constant 0 : i32
      %dma_start3A_204 = tpu.memref_slice %arg10[%dma_start3A_198, %dma_start3A_203] : memref<40x128xi32, #tpu.memory_space<vmem>> -> memref<1x128xi32, #tpu.memory_space<vmem>>
      %dma_start3A_205 = tpu.memref_squeeze %dma_start3A_204 : memref<1x128xi32, #tpu.memory_space<vmem>> -> memref<128xi32, #tpu.memory_space<vmem>>
      %dma_start3A_206 = tpu.memref_slice %arg5[%mul3A_197] : memref<10240xi32, #tpu.memory_space<hbm>> -> memref<128xi32, #tpu.memory_space<hbm>>
      tpu.enqueue_dma source(%dma_start3A_206 : memref<128xi32, #tpu.memory_space<hbm>>) target(%dma_start3A_205 : memref<128xi32, #tpu.memory_space<vmem>>) target_semaphore(%arg14 : memref<!tpu.dma_semaphore, #tpu.memory_space<semaphore_mem>>)
      %sub3A_207 = arith.constant 2480 : i32
      %sub3A_208 = arith.subi %add3A_36, %sub3A_207 : i32
      %add3A_209 = arith.constant 4 : i32
      %add3A_210 = arith.addi %sub3A_208, %add3A_209 : i32
      %mul3A_211 = arith.constant 128 : i32
      %mul3A_212 = arith.muli %add3A_210, %mul3A_211 : i32
      %dma_start3A_213 = arith.constant 4 : i32
      %dma_start3A_214 = arith.constant 0 : i32
      %dma_start3A_215 = tpu.memref_slice %arg10[%dma_start3A_213, %dma_start3A_214] : memref<40x128xi32, #tpu.memory_space<vmem>> -> memref<1x128xi32, #tpu.memory_space<vmem>>
      %dma_start3A_216 = tpu.memref_squeeze %dma_start3A_215 : memref<1x128xi32, #tpu.memory_space<vmem>> -> memref<128xi32, #tpu.memory_space<vmem>>
      %dma_start3A_217 = tpu.memref_slice %arg5[%mul3A_212] : memref<10240xi32, #tpu.memory_space<hbm>> -> memref<128xi32, #tpu.memory_space<hbm>>
      %dma_start3A_218 = arith.constant 0 : i32
      %dma_start3A_219 = tpu.memref_slice %arg10[%dma_start3A_213, %dma_start3A_218] : memref<40x128xi32, #tpu.memory_space<vmem>> -> memref<1x128xi32, #tpu.memory_space<vmem>>
      %dma_start3A_220 = tpu.memref_squeeze %dma_start3A_219 : memref<1x128xi32, #tpu.memory_space<vmem>> -> memref<128xi32, #tpu.memory_space<vmem>>
      %dma_start3A_221 = tpu.memref_slice %arg5[%mul3A_212] : memref<10240xi32, #tpu.memory_space<hbm>> -> memref<128xi32, #tpu.memory_space<hbm>>
      tpu.enqueue_dma source(%dma_start3A_221 : memref<128xi32, #tpu.memory_space<hbm>>) target(%dma_start3A_220 : memref<128xi32, #tpu.memory_space<vmem>>) target_semaphore(%arg14 : memref<!tpu.dma_semaphore, #tpu.memory_space<semaphore_mem>>)
      %sub3A_222 = arith.constant 2480 : i32
      %sub3A_223 = arith.subi %add3A_36, %sub3A_222 : i32
      %add3A_224 = arith.constant 5 : i32
      %add3A_225 = arith.addi %sub3A_223, %add3A_224 : i32
      %mul3A_226 = arith.constant 128 : i32
      %mul3A_227 = arith.muli %add3A_225, %mul3A_226 : i32
      %dma_start3A_228 = arith.constant 5 : i32
      %dma_start3A_229 = arith.constant 0 : i32
      %dma_start3A_230 = tpu.memref_slice %arg10[%dma_start3A_228, %dma_start3A_229] : memref<40x128xi32, #tpu.memory_space<vmem>> -> memref<1x128xi32, #tpu.memory_space<vmem>>
      %dma_start3A_231 = tpu.memref_squeeze %dma_start3A_230 : memref<1x128xi32, #tpu.memory_space<vmem>> -> memref<128xi32, #tpu.memory_space<vmem>>
      %dma_start3A_232 = tpu.memref_slice %arg5[%mul3A_227] : memref<10240xi32, #tpu.memory_space<hbm>> -> memref<128xi32, #tpu.memory_space<hbm>>
      %dma_start3A_233 = arith.constant 0 : i32
      %dma_start3A_234 = tpu.memref_slice %arg10[%dma_start3A_228, %dma_start3A_233] : memref<40x128xi32, #tpu.memory_space<vmem>> -> memref<1x128xi32, #tpu.memory_space<vmem>>
      %dma_start3A_235 = tpu.memref_squeeze %dma_start3A_234 : memref<1x128xi32, #tpu.memory_space<vmem>> -> memref<128xi32, #tpu.memory_space<vmem>>
      %dma_start3A_236 = tpu.memref_slice %arg5[%mul3A_227] : memref<10240xi32, #tpu.memory_space<hbm>> -> memref<128xi32, #tpu.memory_space<hbm>>
      tpu.enqueue_dma source(%dma_start3A_236 : memref<128xi32, #tpu.memory_space<hbm>>) target(%dma_start3A_235 : memref<128xi32, #tpu.memory_space<vmem>>) target_semaphore(%arg14 : memref<!tpu.dma_semaphore, #tpu.memory_space<semaphore_mem>>)
      %sub3A_237 = arith.constant 2480 : i32
      %sub3A_238 = arith.subi %add3A_36, %sub3A_237 : i32
      %add3A_239 = arith.constant 6 : i32
      %add3A_240 = arith.addi %sub3A_238, %add3A_239 : i32
      %mul3A_241 = arith.constant 128 : i32
      %mul3A_242 = arith.muli %add3A_240, %mul3A_241 : i32
      %dma_start3A_243 = arith.constant 6 : i32
      %dma_start3A_244 = arith.constant 0 : i32
      %dma_start3A_245 = tpu.memref_slice %arg10[%dma_start3A_243, %dma_start3A_244] : memref<40x128xi32, #tpu.memory_space<vmem>> -> memref<1x128xi32, #tpu.memory_space<vmem>>
      %dma_start3A_246 = tpu.memref_squeeze %dma_start3A_245 : memref<1x128xi32, #tpu.memory_space<vmem>> -> memref<128xi32, #tpu.memory_space<vmem>>
      %dma_start3A_247 = tpu.memref_slice %arg5[%mul3A_242] : memref<10240xi32, #tpu.memory_space<hbm>> -> memref<128xi32, #tpu.memory_space<hbm>>
      %dma_start3A_248 = arith.constant 0 : i32
      %dma_start3A_249 = tpu.memref_slice %arg10[%dma_start3A_243, %dma_start3A_248] : memref<40x128xi32, #tpu.memory_space<vmem>> -> memref<1x128xi32, #tpu.memory_space<vmem>>
      %dma_start3A_250 = tpu.memref_squeeze %dma_start3A_249 : memref<1x128xi32, #tpu.memory_space<vmem>> -> memref<128xi32, #tpu.memory_space<vmem>>
      %dma_start3A_251 = tpu.memref_slice %arg5[%mul3A_242] : memref<10240xi32, #tpu.memory_space<hbm>> -> memref<128xi32, #tpu.memory_space<hbm>>
      tpu.enqueue_dma source(%dma_start3A_251 : memref<128xi32, #tpu.memory_space<hbm>>) target(%dma_start3A_250 : memref<128xi32, #tpu.memory_space<vmem>>) target_semaphore(%arg14 : memref<!tpu.dma_semaphore, #tpu.memory_space<semaphore_mem>>)
      %sub3A_252 = arith.constant 2480 : i32
      %sub3A_253 = arith.subi %add3A_36, %sub3A_252 : i32
      %add3A_254 = arith.constant 7 : i32
      %add3A_255 = arith.addi %sub3A_253, %add3A_254 : i32
      %mul3A_256 = arith.constant 128 : i32
      %mul3A_257 = arith.muli %add3A_255, %mul3A_256 : i32
      %dma_start3A_258 = arith.constant 7 : i32
      %dma_start3A_259 = arith.constant 0 : i32
      %dma_start3A_260 = tpu.memref_slice %arg10[%dma_start3A_258, %dma_start3A_259] : memref<40x128xi32, #tpu.memory_space<vmem>> -> memref<1x128xi32, #tpu.memory_space<vmem>>
      %dma_start3A_261 = tpu.memref_squeeze %dma_start3A_260 : memref<1x128xi32, #tpu.memory_space<vmem>> -> memref<128xi32, #tpu.memory_space<vmem>>
      %dma_start3A_262 = tpu.memref_slice %arg5[%mul3A_257] : memref<10240xi32, #tpu.memory_space<hbm>> -> memref<128xi32, #tpu.memory_space<hbm>>
      %dma_start3A_263 = arith.constant 0 : i32
      %dma_start3A_264 = tpu.memref_slice %arg10[%dma_start3A_258, %dma_start3A_263] : memref<40x128xi32, #tpu.memory_space<vmem>> -> memref<1x128xi32, #tpu.memory_space<vmem>>
      %dma_start3A_265 = tpu.memref_squeeze %dma_start3A_264 : memref<1x128xi32, #tpu.memory_space<vmem>> -> memref<128xi32, #tpu.memory_space<vmem>>
      %dma_start3A_266 = tpu.memref_slice %arg5[%mul3A_257] : memref<10240xi32, #tpu.memory_space<hbm>> -> memref<128xi32, #tpu.memory_space<hbm>>
      tpu.enqueue_dma source(%dma_start3A_266 : memref<128xi32, #tpu.memory_space<hbm>>) target(%dma_start3A_265 : memref<128xi32, #tpu.memory_space<vmem>>) target_semaphore(%arg14 : memref<!tpu.dma_semaphore, #tpu.memory_space<semaphore_mem>>)
      %scan3A_267 = arith.constant 0 : i32
      %scan3A_268 = arith.constant 40 : i32
      %scan3A_269 = arith.addi %scan3A_267, %scan3A_268 : i32
      %scan3A_270 = arith.constant 1 : i32
      scf.for %scan3A_272 = %scan3A_267 to %scan3A_269 step %scan3A_270  : i32 {
        %mul3A_273 = arith.constant 1 : i32
        %mul3A_274 = arith.muli %scan3A_272, %mul3A_273 : i32
        %add3A_275 = arith.constant 0 : i32
        %add3A_276 = arith.addi %add3A_275, %mul3A_274 : i32
        %sub3A_277 = arith.constant 2480 : i32
        %sub3A_278 = arith.subi %add3A_36, %sub3A_277 : i32
        %add3A_279 = arith.addi %sub3A_278, %add3A_276 : i32
        %mul3A_280 = arith.constant 128 : i32
        %mul3A_281 = arith.muli %add3A_279, %mul3A_280 : i32
        %dma_wait3A = arith.constant 0 : i32
        %dma_wait3A_282 = tpu.memref_slice %arg10[%add3A_276, %dma_wait3A] : memref<40x128xi32, #tpu.memory_space<vmem>> -> memref<1x128xi32, #tpu.memory_space<vmem>>
        %dma_wait3A_283 = tpu.memref_squeeze %dma_wait3A_282 : memref<1x128xi32, #tpu.memory_space<vmem>> -> memref<128xi32, #tpu.memory_space<vmem>>
        %dma_wait3A_284 = tpu.memref_slice %arg5[%mul3A_281] : memref<10240xi32, #tpu.memory_space<hbm>> -> memref<128xi32, #tpu.memory_space<hbm>>
        %dma_wait3A_285 = arith.constant 0 : i32
        %dma_wait3A_286 = tpu.memref_slice %arg10[%add3A_276, %dma_wait3A_285] : memref<40x128xi32, #tpu.memory_space<vmem>> -> memref<1x128xi32, #tpu.memory_space<vmem>>
        %dma_wait3A_287 = tpu.memref_squeeze %dma_wait3A_286 : memref<1x128xi32, #tpu.memory_space<vmem>> -> memref<128xi32, #tpu.memory_space<vmem>>
        %dma_wait3A_288 = tpu.memref_slice %arg5[%mul3A_281] : memref<10240xi32, #tpu.memory_space<hbm>> -> memref<128xi32, #tpu.memory_space<hbm>>
        tpu.wait_dma2 semaphore(%arg14 : memref<!tpu.dma_semaphore, #tpu.memory_space<semaphore_mem>>) src(%dma_wait3A_288 : memref<128xi32, #tpu.memory_space<hbm>>) dst(%dma_wait3A_287 : memref<128xi32, #tpu.memory_space<vmem>>)
        %add3A_289 = arith.constant 8 : i32
        %add3A_290 = arith.addi %add3A_276, %add3A_289 : i32
        %lt3A_291 = arith.constant 40 : i32
        %lt3A_292 = arith.cmpi slt, %add3A_290, %lt3A_291 : i32
        %convert_element_type3A_293 = arith.extui %lt3A_292 : i1 to i32
        %cond3A_294 = arith.constant 0 : i32
        %cond3A_295 = arith.cmpi ne, %convert_element_type3A_293, %cond3A_294 : i32
        scf.if %cond3A_295 {
          %add3A_296 = arith.constant 8 : i32
          %add3A_297 = arith.addi %add3A_276, %add3A_296 : i32
          %sub3A_298 = arith.constant 2480 : i32
          %sub3A_299 = arith.subi %add3A_36, %sub3A_298 : i32
          %add3A_300 = arith.addi %sub3A_299, %add3A_297 : i32
          %mul3A_301 = arith.constant 128 : i32
          %mul3A_302 = arith.muli %add3A_300, %mul3A_301 : i32
          %add3A_303 = arith.constant 8 : i32
          %add3A_304 = arith.addi %add3A_276, %add3A_303 : i32
          %dma_start3A_305 = arith.constant 0 : i32
          %dma_start3A_306 = tpu.memref_slice %arg10[%add3A_304, %dma_start3A_305] : memref<40x128xi32, #tpu.memory_space<vmem>> -> memref<1x128xi32, #tpu.memory_space<vmem>>
          %dma_start3A_307 = tpu.memref_squeeze %dma_start3A_306 : memref<1x128xi32, #tpu.memory_space<vmem>> -> memref<128xi32, #tpu.memory_space<vmem>>
          %dma_start3A_308 = tpu.memref_slice %arg5[%mul3A_302] : memref<10240xi32, #tpu.memory_space<hbm>> -> memref<128xi32, #tpu.memory_space<hbm>>
          %dma_start3A_309 = arith.constant 0 : i32
          %dma_start3A_310 = tpu.memref_slice %arg10[%add3A_304, %dma_start3A_309] : memref<40x128xi32, #tpu.memory_space<vmem>> -> memref<1x128xi32, #tpu.memory_space<vmem>>
          %dma_start3A_311 = tpu.memref_squeeze %dma_start3A_310 : memref<1x128xi32, #tpu.memory_space<vmem>> -> memref<128xi32, #tpu.memory_space<vmem>>
          %dma_start3A_312 = tpu.memref_slice %arg5[%mul3A_302] : memref<10240xi32, #tpu.memory_space<hbm>> -> memref<128xi32, #tpu.memory_space<hbm>>
          tpu.enqueue_dma source(%dma_start3A_312 : memref<128xi32, #tpu.memory_space<hbm>>) target(%dma_start3A_311 : memref<128xi32, #tpu.memory_space<vmem>>) target_semaphore(%arg14 : memref<!tpu.dma_semaphore, #tpu.memory_space<semaphore_mem>>)
        } else {
        }
      }
      %scan3A_271 = arith.constant 40 : i32
    } else {
    }
    %dma_start3A = arith.constant 0 : i32
    %dma_start3A_56 = arith.constant 0 : i32
    %dma_start3A_57 = arith.constant 0 : i32
    %dma_start3A_58 = arith.constant 0 : i32
    %dma_start3A_59 = tpu.memref_slice %arg11[%dma_start3A_56, %dma_start3A_57, %dma_start3A_58] : memref<2x128x128xf32, #tpu.memory_space<vmem>> -> memref<1x128x128xf32, #tpu.memory_space<vmem>>
    %dma_start3A_60 = tpu.memref_squeeze %dma_start3A_59 : memref<1x128x128xf32, #tpu.memory_space<vmem>> -> memref<128x128xf32, #tpu.memory_space<vmem>>
    %dma_start3A_61 = arith.constant 0 : i32
    %dma_start3A_62 = tpu.memref_slice %arg9[%dma_start3A, %dma_start3A_61] : memref<40x128xi32, #tpu.memory_space<vmem>> -> memref<1x128xi32, #tpu.memory_space<vmem>>
    %dma_start3A_63 = tpu.memref_squeeze %dma_start3A_62 : memref<1x128xi32, #tpu.memory_space<vmem>> -> memref<128xi32, #tpu.memory_space<vmem>>
    %dma_start3A_64 = arith.constant 0 : i32
    %dma_start3A_65 = arith.constant 0 : i32
    %dma_start3A_66 = tpu.memref_slice %arg2[%dma_start3A_64, %dma_start3A_65] : memref<10000x128xf32, #tpu.memory_space<hbm>> -> memref<10000x128xf32, #tpu.memory_space<hbm>>
    tpu.enqueue_indirect_dma source(%dma_start3A_66 : memref<10000x128xf32, #tpu.memory_space<hbm>>) target(%dma_start3A_60 : memref<128x128xf32, #tpu.memory_space<vmem>>) offsets(%dma_start3A_63 : memref<128xi32, #tpu.memory_space<vmem>>) semaphore(%arg13 : memref<!tpu.dma_semaphore, #tpu.memory_space<semaphore_mem>>)
    %scan3A = arith.constant 0 : i32
    %scan3A_67 = arith.constant 20 : i32
    %scan3A_68 = arith.addi %scan3A, %scan3A_67 : i32
    %scan3A_69 = arith.constant 1 : i32
    scf.for %scan3A_148 = %scan3A to %scan3A_68 step %scan3A_69  : i32 {
      %mul3A_149 = arith.constant 2 : i32
      %mul3A_150 = arith.muli %scan3A_148, %mul3A_149 : i32
      %add3A_151 = arith.constant 0 : i32
      %add3A_152 = arith.addi %add3A_151, %mul3A_150 : i32
      %add3A_153 = arith.constant 0 : i32
      %add3A_154 = arith.addi %add3A_152, %add3A_153 : i32
      %dma_wait3A = arith.constant 0 : i32
      %dma_wait3A_155 = arith.constant 0 : i32
      %dma_wait3A_156 = arith.constant 0 : i32
      %dma_wait3A_157 = tpu.memref_slice %arg11[%dma_wait3A, %dma_wait3A_155, %dma_wait3A_156] : memref<2x128x128xf32, #tpu.memory_space<vmem>> -> memref<1x128x128xf32, #tpu.memory_space<vmem>>
      %dma_wait3A_158 = tpu.memref_squeeze %dma_wait3A_157 : memref<1x128x128xf32, #tpu.memory_space<vmem>> -> memref<128x128xf32, #tpu.memory_space<vmem>>
      %dma_wait3A_159 = arith.constant 0 : i32
      %dma_wait3A_160 = tpu.memref_slice %arg9[%add3A_154, %dma_wait3A_159] : memref<40x128xi32, #tpu.memory_space<vmem>> -> memref<1x128xi32, #tpu.memory_space<vmem>>
      %dma_wait3A_161 = tpu.memref_squeeze %dma_wait3A_160 : memref<1x128xi32, #tpu.memory_space<vmem>> -> memref<128xi32, #tpu.memory_space<vmem>>
      %dma_wait3A_162 = arith.constant 0 : i32
      %dma_wait3A_163 = arith.constant 0 : i32
      %dma_wait3A_164 = tpu.memref_slice %arg2[%dma_wait3A_162, %dma_wait3A_163] : memref<10000x128xf32, #tpu.memory_space<hbm>> -> memref<10000x128xf32, #tpu.memory_space<hbm>>
      tpu.wait_indirect_dma semaphore(%arg13 : memref<!tpu.dma_semaphore, #tpu.memory_space<semaphore_mem>>) src(%dma_wait3A_164 : memref<10000x128xf32, #tpu.memory_space<hbm>>) dst(%dma_wait3A_158 : memref<128x128xf32, #tpu.memory_space<vmem>>)
      %add3A_165 = arith.constant 1 : i32
      %add3A_166 = arith.addi %add3A_154, %add3A_165 : i32
      %lt3A_167 = arith.constant 40 : i32
      %lt3A_168 = arith.cmpi slt, %add3A_166, %lt3A_167 : i32
      %convert_element_type3A_169 = arith.extui %lt3A_168 : i1 to i32
      %cond3A_170 = arith.constant 0 : i32
      %cond3A_171 = arith.cmpi ne, %convert_element_type3A_169, %cond3A_170 : i32
      scf.if %cond3A_171 {
        %add3A_194 = arith.constant 1 : i32
        %add3A_195 = arith.addi %add3A_154, %add3A_194 : i32
        %dma_start3A_196 = arith.constant 1 : i32
        %dma_start3A_197 = arith.constant 0 : i32
        %dma_start3A_198 = arith.constant 0 : i32
        %dma_start3A_199 = tpu.memref_slice %arg11[%dma_start3A_196, %dma_start3A_197, %dma_start3A_198] : memref<2x128x128xf32, #tpu.memory_space<vmem>> -> memref<1x128x128xf32, #tpu.memory_space<vmem>>
        %dma_start3A_200 = tpu.memref_squeeze %dma_start3A_199 : memref<1x128x128xf32, #tpu.memory_space<vmem>> -> memref<128x128xf32, #tpu.memory_space<vmem>>
        %dma_start3A_201 = arith.constant 0 : i32
        %dma_start3A_202 = tpu.memref_slice %arg9[%add3A_195, %dma_start3A_201] : memref<40x128xi32, #tpu.memory_space<vmem>> -> memref<1x128xi32, #tpu.memory_space<vmem>>
        %dma_start3A_203 = tpu.memref_squeeze %dma_start3A_202 : memref<1x128xi32, #tpu.memory_space<vmem>> -> memref<128xi32, #tpu.memory_space<vmem>>
        %dma_start3A_204 = arith.constant 0 : i32
        %dma_start3A_205 = arith.constant 0 : i32
        %dma_start3A_206 = tpu.memref_slice %arg2[%dma_start3A_204, %dma_start3A_205] : memref<10000x128xf32, #tpu.memory_space<hbm>> -> memref<10000x128xf32, #tpu.memory_space<hbm>>
        tpu.enqueue_indirect_dma source(%dma_start3A_206 : memref<10000x128xf32, #tpu.memory_space<hbm>>) target(%dma_start3A_200 : memref<128x128xf32, #tpu.memory_space<vmem>>) offsets(%dma_start3A_203 : memref<128xi32, #tpu.memory_space<vmem>>) semaphore(%arg14 : memref<!tpu.dma_semaphore, #tpu.memory_space<semaphore_mem>>)
      } else {
      }
      %run_scoped3A_172 = arith.constant 0 : i32
      "tpu.region"() ({
        %run_scoped3A_194 = tpu.sem_alloc : memref<!tpu.dma_semaphore, #tpu.memory_space<semaphore_mem>>
        %dma_start3A_195 = arith.constant 0 : i32
        %dma_start3A_196 = arith.constant 0 : i32
        %dma_start3A_197 = tpu.memref_slice %arg11[%run_scoped3A_172, %dma_start3A_195, %dma_start3A_196] : memref<2x128x128xf32, #tpu.memory_space<vmem>> -> memref<1x128x128xf32, #tpu.memory_space<vmem>>
        %dma_start3A_198 = tpu.memref_squeeze %dma_start3A_197 : memref<1x128x128xf32, #tpu.memory_space<vmem>> -> memref<128x128xf32, #tpu.memory_space<vmem>>
        %dma_start3A_199 = arith.constant 0 : i32
        %dma_start3A_200 = tpu.memref_slice %arg10[%add3A_154, %dma_start3A_199] : memref<40x128xi32, #tpu.memory_space<vmem>> -> memref<1x128xi32, #tpu.memory_space<vmem>>
        %dma_start3A_201 = tpu.memref_squeeze %dma_start3A_200 : memref<1x128xi32, #tpu.memory_space<vmem>> -> memref<128xi32, #tpu.memory_space<vmem>>
        %dma_start3A_202 = arith.constant 0 : i32
        %dma_start3A_203 = arith.constant 0 : i32
        %dma_start3A_204 = tpu.memref_slice %arg12[%dma_start3A_202, %dma_start3A_203] : memref<10112x128xf32, #tpu.memory_space<vmem_shared>> -> memref<10112x128xf32, #tpu.memory_space<vmem_shared>>
        tpu.enqueue_indirect_dma source(%dma_start3A_198 : memref<128x128xf32, #tpu.memory_space<vmem>>) target(%dma_start3A_204 : memref<10112x128xf32, #tpu.memory_space<vmem_shared>>) offsets(%dma_start3A_201 : memref<128xi32, #tpu.memory_space<vmem>>) semaphore(%run_scoped3A_194 : memref<!tpu.dma_semaphore, #tpu.memory_space<semaphore_mem>>) {add = true}
        %dma_wait3A_205 = arith.constant 0 : i32
        %dma_wait3A_206 = arith.constant 0 : i32
        %dma_wait3A_207 = tpu.memref_slice %arg11[%run_scoped3A_172, %dma_wait3A_205, %dma_wait3A_206] : memref<2x128x128xf32, #tpu.memory_space<vmem>> -> memref<1x128x128xf32, #tpu.memory_space<vmem>>
        %dma_wait3A_208 = tpu.memref_squeeze %dma_wait3A_207 : memref<1x128x128xf32, #tpu.memory_space<vmem>> -> memref<128x128xf32, #tpu.memory_space<vmem>>
        %dma_wait3A_209 = arith.constant 0 : i32
        %dma_wait3A_210 = tpu.memref_slice %arg10[%add3A_154, %dma_wait3A_209] : memref<40x128xi32, #tpu.memory_space<vmem>> -> memref<1x128xi32, #tpu.memory_space<vmem>>
        %dma_wait3A_211 = tpu.memref_squeeze %dma_wait3A_210 : memref<1x128xi32, #tpu.memory_space<vmem>> -> memref<128xi32, #tpu.memory_space<vmem>>
        %dma_wait3A_212 = arith.constant 0 : i32
        %dma_wait3A_213 = arith.constant 0 : i32
        %dma_wait3A_214 = tpu.memref_slice %arg12[%dma_wait3A_212, %dma_wait3A_213] : memref<10112x128xf32, #tpu.memory_space<vmem_shared>> -> memref<10112x128xf32, #tpu.memory_space<vmem_shared>>
        tpu.wait_indirect_dma semaphore(%run_scoped3A_194 : memref<!tpu.dma_semaphore, #tpu.memory_space<semaphore_mem>>) src(%dma_wait3A_208 : memref<128x128xf32, #tpu.memory_space<vmem>>) dst(%dma_wait3A_214 : memref<10112x128xf32, #tpu.memory_space<vmem_shared>>)
        tpu.yield
      }) : () -> ()
      %add3A_173 = arith.constant 1 : i32
      %add3A_174 = arith.addi %add3A_152, %add3A_173 : i32
      %dma_wait3A_175 = arith.constant 1 : i32
      %dma_wait3A_176 = arith.constant 0 : i32
      %dma_wait3A_177 = arith.constant 0 : i32
      %dma_wait3A_178 = tpu.memref_slice %arg11[%dma_wait3A_175, %dma_wait3A_176, %dma_wait3A_177] : memref<2x128x128xf32, #tpu.memory_space<vmem>> -> memref<1x128x128xf32, #tpu.memory_space<vmem>>
      %dma_wait3A_179 = tpu.memref_squeeze %dma_wait3A_178 : memref<1x128x128xf32, #tpu.memory_space<vmem>> -> memref<128x128xf32, #tpu.memory_space<vmem>>
      %dma_wait3A_180 = arith.constant 0 : i32
      %dma_wait3A_181 = tpu.memref_slice %arg9[%add3A_174, %dma_wait3A_180] : memref<40x128xi32, #tpu.memory_space<vmem>> -> memref<1x128xi32, #tpu.memory_space<vmem>>
      %dma_wait3A_182 = tpu.memref_squeeze %dma_wait3A_181 : memref<1x128xi32, #tpu.memory_space<vmem>> -> memref<128xi32, #tpu.memory_space<vmem>>
      %dma_wait3A_183 = arith.constant 0 : i32
      %dma_wait3A_184 = arith.constant 0 : i32
      %dma_wait3A_185 = tpu.memref_slice %arg2[%dma_wait3A_183, %dma_wait3A_184] : memref<10000x128xf32, #tpu.memory_space<hbm>> -> memref<10000x128xf32, #tpu.memory_space<hbm>>
      tpu.wait_indirect_dma semaphore(%arg14 : memref<!tpu.dma_semaphore, #tpu.memory_space<semaphore_mem>>) src(%dma_wait3A_185 : memref<10000x128xf32, #tpu.memory_space<hbm>>) dst(%dma_wait3A_179 : memref<128x128xf32, #tpu.memory_space<vmem>>)
      %add3A_186 = arith.constant 1 : i32
      %add3A_187 = arith.addi %add3A_174, %add3A_186 : i32
      %lt3A_188 = arith.constant 40 : i32
      %lt3A_189 = arith.cmpi slt, %add3A_187, %lt3A_188 : i32
      %convert_element_type3A_190 = arith.extui %lt3A_189 : i1 to i32
      %cond3A_191 = arith.constant 0 : i32
      %cond3A_192 = arith.cmpi ne, %convert_element_type3A_190, %cond3A_191 : i32
      scf.if %cond3A_192 {
        %add3A_194 = arith.constant 1 : i32
        %add3A_195 = arith.addi %add3A_174, %add3A_194 : i32
        %dma_start3A_196 = arith.constant 0 : i32
        %dma_start3A_197 = arith.constant 0 : i32
        %dma_start3A_198 = arith.constant 0 : i32
        %dma_start3A_199 = tpu.memref_slice %arg11[%dma_start3A_196, %dma_start3A_197, %dma_start3A_198] : memref<2x128x128xf32, #tpu.memory_space<vmem>> -> memref<1x128x128xf32, #tpu.memory_space<vmem>>
        %dma_start3A_200 = tpu.memref_squeeze %dma_start3A_199 : memref<1x128x128xf32, #tpu.memory_space<vmem>> -> memref<128x128xf32, #tpu.memory_space<vmem>>
        %dma_start3A_201 = arith.constant 0 : i32
        %dma_start3A_202 = tpu.memref_slice %arg9[%add3A_195, %dma_start3A_201] : memref<40x128xi32, #tpu.memory_space<vmem>> -> memref<1x128xi32, #tpu.memory_space<vmem>>
        %dma_start3A_203 = tpu.memref_squeeze %dma_start3A_202 : memref<1x128xi32, #tpu.memory_space<vmem>> -> memref<128xi32, #tpu.memory_space<vmem>>
        %dma_start3A_204 = arith.constant 0 : i32
        %dma_start3A_205 = arith.constant 0 : i32
        %dma_start3A_206 = tpu.memref_slice %arg2[%dma_start3A_204, %dma_start3A_205] : memref<10000x128xf32, #tpu.memory_space<hbm>> -> memref<10000x128xf32, #tpu.memory_space<hbm>>
        tpu.enqueue_indirect_dma source(%dma_start3A_206 : memref<10000x128xf32, #tpu.memory_space<hbm>>) target(%dma_start3A_200 : memref<128x128xf32, #tpu.memory_space<vmem>>) offsets(%dma_start3A_203 : memref<128xi32, #tpu.memory_space<vmem>>) semaphore(%arg13 : memref<!tpu.dma_semaphore, #tpu.memory_space<semaphore_mem>>)
      } else {
      }
      %run_scoped3A_193 = arith.constant 1 : i32
      "tpu.region"() ({
        %run_scoped3A_194 = tpu.sem_alloc : memref<!tpu.dma_semaphore, #tpu.memory_space<semaphore_mem>>
        %dma_start3A_195 = arith.constant 0 : i32
        %dma_start3A_196 = arith.constant 0 : i32
        %dma_start3A_197 = tpu.memref_slice %arg11[%run_scoped3A_193, %dma_start3A_195, %dma_start3A_196] : memref<2x128x128xf32, #tpu.memory_space<vmem>> -> memref<1x128x128xf32, #tpu.memory_space<vmem>>
        %dma_start3A_198 = tpu.memref_squeeze %dma_start3A_197 : memref<1x128x128xf32, #tpu.memory_space<vmem>> -> memref<128x128xf32, #tpu.memory_space<vmem>>
        %dma_start3A_199 = arith.constant 0 : i32
        %dma_start3A_200 = tpu.memref_slice %arg10[%add3A_174, %dma_start3A_199] : memref<40x128xi32, #tpu.memory_space<vmem>> -> memref<1x128xi32, #tpu.memory_space<vmem>>
        %dma_start3A_201 = tpu.memref_squeeze %dma_start3A_200 : memref<1x128xi32, #tpu.memory_space<vmem>> -> memref<128xi32, #tpu.memory_space<vmem>>
        %dma_start3A_202 = arith.constant 0 : i32
        %dma_start3A_203 = arith.constant 0 : i32
        %dma_start3A_204 = tpu.memref_slice %arg12[%dma_start3A_202, %dma_start3A_203] : memref<10112x128xf32, #tpu.memory_space<vmem_shared>> -> memref<10112x128xf32, #tpu.memory_space<vmem_shared>>
        tpu.enqueue_indirect_dma source(%dma_start3A_198 : memref<128x128xf32, #tpu.memory_space<vmem>>) target(%dma_start3A_204 : memref<10112x128xf32, #tpu.memory_space<vmem_shared>>) offsets(%dma_start3A_201 : memref<128xi32, #tpu.memory_space<vmem>>) semaphore(%run_scoped3A_194 : memref<!tpu.dma_semaphore, #tpu.memory_space<semaphore_mem>>) {add = true}
        %dma_wait3A_205 = arith.constant 0 : i32
        %dma_wait3A_206 = arith.constant 0 : i32
        %dma_wait3A_207 = tpu.memref_slice %arg11[%run_scoped3A_193, %dma_wait3A_205, %dma_wait3A_206] : memref<2x128x128xf32, #tpu.memory_space<vmem>> -> memref<1x128x128xf32, #tpu.memory_space<vmem>>
        %dma_wait3A_208 = tpu.memref_squeeze %dma_wait3A_207 : memref<1x128x128xf32, #tpu.memory_space<vmem>> -> memref<128x128xf32, #tpu.memory_space<vmem>>
        %dma_wait3A_209 = arith.constant 0 : i32
        %dma_wait3A_210 = tpu.memref_slice %arg10[%add3A_174, %dma_wait3A_209] : memref<40x128xi32, #tpu.memory_space<vmem>> -> memref<1x128xi32, #tpu.memory_space<vmem>>
        %dma_wait3A_211 = tpu.memref_squeeze %dma_wait3A_210 : memref<1x128xi32, #tpu.memory_space<vmem>> -> memref<128xi32, #tpu.memory_space<vmem>>
        %dma_wait3A_212 = arith.constant 0 : i32
        %dma_wait3A_213 = arith.constant 0 : i32
        %dma_wait3A_214 = tpu.memref_slice %arg12[%dma_wait3A_212, %dma_wait3A_213] : memref<10112x128xf32, #tpu.memory_space<vmem_shared>> -> memref<10112x128xf32, #tpu.memory_space<vmem_shared>>
        tpu.wait_indirect_dma semaphore(%run_scoped3A_194 : memref<!tpu.dma_semaphore, #tpu.memory_space<semaphore_mem>>) src(%dma_wait3A_208 : memref<128x128xf32, #tpu.memory_space<vmem>>) dst(%dma_wait3A_214 : memref<10112x128xf32, #tpu.memory_space<vmem_shared>>)
        tpu.yield
      }) : () -> ()
    }
    %scan3A_70 = arith.constant 20 : i32
    %mul3A_71 = arith.constant 80 : i32
    %mul3A_72 = arith.muli %add3A, %mul3A_71 : i32
    %add3A_73 = arith.constant 40 : i32
    %add3A_74 = arith.addi %mul3A_72, %add3A_73 : i32
    %lt3A_75 = arith.constant 31 : i32
    %lt3A_76 = arith.cmpi slt, %add3A, %lt3A_75 : i32
    %convert_element_type3A_77 = arith.extui %lt3A_76 : i1 to i32
    %cond3A_78 = arith.constant 0 : i32
    %cond3A_79 = arith.cmpi ne, %convert_element_type3A_77, %cond3A_78 : i32
    scf.if %cond3A_79 {
      %add3A_148 = arith.constant 0 : i32
      %add3A_149 = arith.addi %add3A_74, %add3A_148 : i32
      %dma_start3A_150 = arith.constant 0 : i32
      %dma_start3A_151 = arith.constant 0 : i32
      %dma_start3A_152 = arith.constant 0 : i32
      %dma_start3A_153 = tpu.memref_slice %arg9[%dma_start3A_151, %dma_start3A_152] : memref<40x128xi32, #tpu.memory_space<vmem>> -> memref<1x128xi32, #tpu.memory_space<vmem>>
      %dma_start3A_154 = tpu.memref_squeeze %dma_start3A_153 : memref<1x128xi32, #tpu.memory_space<vmem>> -> memref<128xi32, #tpu.memory_space<vmem>>
      %dma_start3A_155 = arith.constant 0 : i32
      %dma_start3A_156 = tpu.memref_slice %arg3[%add3A_149, %dma_start3A_150, %dma_start3A_155] : memref<2500x2x128xi32, #tpu.memory_space<hbm>> -> memref<1x1x128xi32, #tpu.memory_space<hbm>>
      %dma_start3A_157 = tpu.memref_squeeze %dma_start3A_156 : memref<1x1x128xi32, #tpu.memory_space<hbm>> -> memref<128xi32, #tpu.memory_space<hbm>>
      %dma_start3A_158 = arith.constant 0 : i32
      %dma_start3A_159 = tpu.memref_slice %arg9[%dma_start3A_151, %dma_start3A_158] : memref<40x128xi32, #tpu.memory_space<vmem>> -> memref<1x128xi32, #tpu.memory_space<vmem>>
      %dma_start3A_160 = tpu.memref_squeeze %dma_start3A_159 : memref<1x128xi32, #tpu.memory_space<vmem>> -> memref<128xi32, #tpu.memory_space<vmem>>
      %dma_start3A_161 = arith.constant 0 : i32
      %dma_start3A_162 = tpu.memref_slice %arg3[%add3A_149, %dma_start3A_150, %dma_start3A_161] : memref<2500x2x128xi32, #tpu.memory_space<hbm>> -> memref<1x1x128xi32, #tpu.memory_space<hbm>>
      %dma_start3A_163 = tpu.memref_squeeze %dma_start3A_162 : memref<1x1x128xi32, #tpu.memory_space<hbm>> -> memref<128xi32, #tpu.memory_space<hbm>>
      tpu.enqueue_dma source(%dma_start3A_163 : memref<128xi32, #tpu.memory_space<hbm>>) target(%dma_start3A_160 : memref<128xi32, #tpu.memory_space<vmem>>) target_semaphore(%arg13 : memref<!tpu.dma_semaphore, #tpu.memory_space<semaphore_mem>>)
      %add3A_164 = arith.constant 1 : i32
      %add3A_165 = arith.addi %add3A_74, %add3A_164 : i32
      %dma_start3A_166 = arith.constant 0 : i32
      %dma_start3A_167 = arith.constant 1 : i32
      %dma_start3A_168 = arith.constant 0 : i32
      %dma_start3A_169 = tpu.memref_slice %arg9[%dma_start3A_167, %dma_start3A_168] : memref<40x128xi32, #tpu.memory_space<vmem>> -> memref<1x128xi32, #tpu.memory_space<vmem>>
      %dma_start3A_170 = tpu.memref_squeeze %dma_start3A_169 : memref<1x128xi32, #tpu.memory_space<vmem>> -> memref<128xi32, #tpu.memory_space<vmem>>
      %dma_start3A_171 = arith.constant 0 : i32
      %dma_start3A_172 = tpu.memref_slice %arg3[%add3A_165, %dma_start3A_166, %dma_start3A_171] : memref<2500x2x128xi32, #tpu.memory_space<hbm>> -> memref<1x1x128xi32, #tpu.memory_space<hbm>>
      %dma_start3A_173 = tpu.memref_squeeze %dma_start3A_172 : memref<1x1x128xi32, #tpu.memory_space<hbm>> -> memref<128xi32, #tpu.memory_space<hbm>>
      %dma_start3A_174 = arith.constant 0 : i32
      %dma_start3A_175 = tpu.memref_slice %arg9[%dma_start3A_167, %dma_start3A_174] : memref<40x128xi32, #tpu.memory_space<vmem>> -> memref<1x128xi32, #tpu.memory_space<vmem>>
      %dma_start3A_176 = tpu.memref_squeeze %dma_start3A_175 : memref<1x128xi32, #tpu.memory_space<vmem>> -> memref<128xi32, #tpu.memory_space<vmem>>
      %dma_start3A_177 = arith.constant 0 : i32
      %dma_start3A_178 = tpu.memref_slice %arg3[%add3A_165, %dma_start3A_166, %dma_start3A_177] : memref<2500x2x128xi32, #tpu.memory_space<hbm>> -> memref<1x1x128xi32, #tpu.memory_space<hbm>>
      %dma_start3A_179 = tpu.memref_squeeze %dma_start3A_178 : memref<1x1x128xi32, #tpu.memory_space<hbm>> -> memref<128xi32, #tpu.memory_space<hbm>>
      tpu.enqueue_dma source(%dma_start3A_179 : memref<128xi32, #tpu.memory_space<hbm>>) target(%dma_start3A_176 : memref<128xi32, #tpu.memory_space<vmem>>) target_semaphore(%arg13 : memref<!tpu.dma_semaphore, #tpu.memory_space<semaphore_mem>>)
      %add3A_180 = arith.constant 2 : i32
      %add3A_181 = arith.addi %add3A_74, %add3A_180 : i32
      %dma_start3A_182 = arith.constant 0 : i32
      %dma_start3A_183 = arith.constant 2 : i32
      %dma_start3A_184 = arith.constant 0 : i32
      %dma_start3A_185 = tpu.memref_slice %arg9[%dma_start3A_183, %dma_start3A_184] : memref<40x128xi32, #tpu.memory_space<vmem>> -> memref<1x128xi32, #tpu.memory_space<vmem>>
      %dma_start3A_186 = tpu.memref_squeeze %dma_start3A_185 : memref<1x128xi32, #tpu.memory_space<vmem>> -> memref<128xi32, #tpu.memory_space<vmem>>
      %dma_start3A_187 = arith.constant 0 : i32
      %dma_start3A_188 = tpu.memref_slice %arg3[%add3A_181, %dma_start3A_182, %dma_start3A_187] : memref<2500x2x128xi32, #tpu.memory_space<hbm>> -> memref<1x1x128xi32, #tpu.memory_space<hbm>>
      %dma_start3A_189 = tpu.memref_squeeze %dma_start3A_188 : memref<1x1x128xi32, #tpu.memory_space<hbm>> -> memref<128xi32, #tpu.memory_space<hbm>>
      %dma_start3A_190 = arith.constant 0 : i32
      %dma_start3A_191 = tpu.memref_slice %arg9[%dma_start3A_183, %dma_start3A_190] : memref<40x128xi32, #tpu.memory_space<vmem>> -> memref<1x128xi32, #tpu.memory_space<vmem>>
      %dma_start3A_192 = tpu.memref_squeeze %dma_start3A_191 : memref<1x128xi32, #tpu.memory_space<vmem>> -> memref<128xi32, #tpu.memory_space<vmem>>
      %dma_start3A_193 = arith.constant 0 : i32
      %dma_start3A_194 = tpu.memref_slice %arg3[%add3A_181, %dma_start3A_182, %dma_start3A_193] : memref<2500x2x128xi32, #tpu.memory_space<hbm>> -> memref<1x1x128xi32, #tpu.memory_space<hbm>>
      %dma_start3A_195 = tpu.memref_squeeze %dma_start3A_194 : memref<1x1x128xi32, #tpu.memory_space<hbm>> -> memref<128xi32, #tpu.memory_space<hbm>>
      tpu.enqueue_dma source(%dma_start3A_195 : memref<128xi32, #tpu.memory_space<hbm>>) target(%dma_start3A_192 : memref<128xi32, #tpu.memory_space<vmem>>) target_semaphore(%arg13 : memref<!tpu.dma_semaphore, #tpu.memory_space<semaphore_mem>>)
      %add3A_196 = arith.constant 3 : i32
      %add3A_197 = arith.addi %add3A_74, %add3A_196 : i32
      %dma_start3A_198 = arith.constant 0 : i32
      %dma_start3A_199 = arith.constant 3 : i32
      %dma_start3A_200 = arith.constant 0 : i32
      %dma_start3A_201 = tpu.memref_slice %arg9[%dma_start3A_199, %dma_start3A_200] : memref<40x128xi32, #tpu.memory_space<vmem>> -> memref<1x128xi32, #tpu.memory_space<vmem>>
      %dma_start3A_202 = tpu.memref_squeeze %dma_start3A_201 : memref<1x128xi32, #tpu.memory_space<vmem>> -> memref<128xi32, #tpu.memory_space<vmem>>
      %dma_start3A_203 = arith.constant 0 : i32
      %dma_start3A_204 = tpu.memref_slice %arg3[%add3A_197, %dma_start3A_198, %dma_start3A_203] : memref<2500x2x128xi32, #tpu.memory_space<hbm>> -> memref<1x1x128xi32, #tpu.memory_space<hbm>>
      %dma_start3A_205 = tpu.memref_squeeze %dma_start3A_204 : memref<1x1x128xi32, #tpu.memory_space<hbm>> -> memref<128xi32, #tpu.memory_space<hbm>>
      %dma_start3A_206 = arith.constant 0 : i32
      %dma_start3A_207 = tpu.memref_slice %arg9[%dma_start3A_199, %dma_start3A_206] : memref<40x128xi32, #tpu.memory_space<vmem>> -> memref<1x128xi32, #tpu.memory_space<vmem>>
      %dma_start3A_208 = tpu.memref_squeeze %dma_start3A_207 : memref<1x128xi32, #tpu.memory_space<vmem>> -> memref<128xi32, #tpu.memory_space<vmem>>
      %dma_start3A_209 = arith.constant 0 : i32
      %dma_start3A_210 = tpu.memref_slice %arg3[%add3A_197, %dma_start3A_198, %dma_start3A_209] : memref<2500x2x128xi32, #tpu.memory_space<hbm>> -> memref<1x1x128xi32, #tpu.memory_space<hbm>>
      %dma_start3A_211 = tpu.memref_squeeze %dma_start3A_210 : memref<1x1x128xi32, #tpu.memory_space<hbm>> -> memref<128xi32, #tpu.memory_space<hbm>>
      tpu.enqueue_dma source(%dma_start3A_211 : memref<128xi32, #tpu.memory_space<hbm>>) target(%dma_start3A_208 : memref<128xi32, #tpu.memory_space<vmem>>) target_semaphore(%arg13 : memref<!tpu.dma_semaphore, #tpu.memory_space<semaphore_mem>>)
      %add3A_212 = arith.constant 4 : i32
      %add3A_213 = arith.addi %add3A_74, %add3A_212 : i32
      %dma_start3A_214 = arith.constant 0 : i32
      %dma_start3A_215 = arith.constant 4 : i32
      %dma_start3A_216 = arith.constant 0 : i32
      %dma_start3A_217 = tpu.memref_slice %arg9[%dma_start3A_215, %dma_start3A_216] : memref<40x128xi32, #tpu.memory_space<vmem>> -> memref<1x128xi32, #tpu.memory_space<vmem>>
      %dma_start3A_218 = tpu.memref_squeeze %dma_start3A_217 : memref<1x128xi32, #tpu.memory_space<vmem>> -> memref<128xi32, #tpu.memory_space<vmem>>
      %dma_start3A_219 = arith.constant 0 : i32
      %dma_start3A_220 = tpu.memref_slice %arg3[%add3A_213, %dma_start3A_214, %dma_start3A_219] : memref<2500x2x128xi32, #tpu.memory_space<hbm>> -> memref<1x1x128xi32, #tpu.memory_space<hbm>>
      %dma_start3A_221 = tpu.memref_squeeze %dma_start3A_220 : memref<1x1x128xi32, #tpu.memory_space<hbm>> -> memref<128xi32, #tpu.memory_space<hbm>>
      %dma_start3A_222 = arith.constant 0 : i32
      %dma_start3A_223 = tpu.memref_slice %arg9[%dma_start3A_215, %dma_start3A_222] : memref<40x128xi32, #tpu.memory_space<vmem>> -> memref<1x128xi32, #tpu.memory_space<vmem>>
      %dma_start3A_224 = tpu.memref_squeeze %dma_start3A_223 : memref<1x128xi32, #tpu.memory_space<vmem>> -> memref<128xi32, #tpu.memory_space<vmem>>
      %dma_start3A_225 = arith.constant 0 : i32
      %dma_start3A_226 = tpu.memref_slice %arg3[%add3A_213, %dma_start3A_214, %dma_start3A_225] : memref<2500x2x128xi32, #tpu.memory_space<hbm>> -> memref<1x1x128xi32, #tpu.memory_space<hbm>>
      %dma_start3A_227 = tpu.memref_squeeze %dma_start3A_226 : memref<1x1x128xi32, #tpu.memory_space<hbm>> -> memref<128xi32, #tpu.memory_space<hbm>>
      tpu.enqueue_dma source(%dma_start3A_227 : memref<128xi32, #tpu.memory_space<hbm>>) target(%dma_start3A_224 : memref<128xi32, #tpu.memory_space<vmem>>) target_semaphore(%arg13 : memref<!tpu.dma_semaphore, #tpu.memory_space<semaphore_mem>>)
      %add3A_228 = arith.constant 5 : i32
      %add3A_229 = arith.addi %add3A_74, %add3A_228 : i32
      %dma_start3A_230 = arith.constant 0 : i32
      %dma_start3A_231 = arith.constant 5 : i32
      %dma_start3A_232 = arith.constant 0 : i32
      %dma_start3A_233 = tpu.memref_slice %arg9[%dma_start3A_231, %dma_start3A_232] : memref<40x128xi32, #tpu.memory_space<vmem>> -> memref<1x128xi32, #tpu.memory_space<vmem>>
      %dma_start3A_234 = tpu.memref_squeeze %dma_start3A_233 : memref<1x128xi32, #tpu.memory_space<vmem>> -> memref<128xi32, #tpu.memory_space<vmem>>
      %dma_start3A_235 = arith.constant 0 : i32
      %dma_start3A_236 = tpu.memref_slice %arg3[%add3A_229, %dma_start3A_230, %dma_start3A_235] : memref<2500x2x128xi32, #tpu.memory_space<hbm>> -> memref<1x1x128xi32, #tpu.memory_space<hbm>>
      %dma_start3A_237 = tpu.memref_squeeze %dma_start3A_236 : memref<1x1x128xi32, #tpu.memory_space<hbm>> -> memref<128xi32, #tpu.memory_space<hbm>>
      %dma_start3A_238 = arith.constant 0 : i32
      %dma_start3A_239 = tpu.memref_slice %arg9[%dma_start3A_231, %dma_start3A_238] : memref<40x128xi32, #tpu.memory_space<vmem>> -> memref<1x128xi32, #tpu.memory_space<vmem>>
      %dma_start3A_240 = tpu.memref_squeeze %dma_start3A_239 : memref<1x128xi32, #tpu.memory_space<vmem>> -> memref<128xi32, #tpu.memory_space<vmem>>
      %dma_start3A_241 = arith.constant 0 : i32
      %dma_start3A_242 = tpu.memref_slice %arg3[%add3A_229, %dma_start3A_230, %dma_start3A_241] : memref<2500x2x128xi32, #tpu.memory_space<hbm>> -> memref<1x1x128xi32, #tpu.memory_space<hbm>>
      %dma_start3A_243 = tpu.memref_squeeze %dma_start3A_242 : memref<1x1x128xi32, #tpu.memory_space<hbm>> -> memref<128xi32, #tpu.memory_space<hbm>>
      tpu.enqueue_dma source(%dma_start3A_243 : memref<128xi32, #tpu.memory_space<hbm>>) target(%dma_start3A_240 : memref<128xi32, #tpu.memory_space<vmem>>) target_semaphore(%arg13 : memref<!tpu.dma_semaphore, #tpu.memory_space<semaphore_mem>>)
      %add3A_244 = arith.constant 6 : i32
      %add3A_245 = arith.addi %add3A_74, %add3A_244 : i32
      %dma_start3A_246 = arith.constant 0 : i32
      %dma_start3A_247 = arith.constant 6 : i32
      %dma_start3A_248 = arith.constant 0 : i32
      %dma_start3A_249 = tpu.memref_slice %arg9[%dma_start3A_247, %dma_start3A_248] : memref<40x128xi32, #tpu.memory_space<vmem>> -> memref<1x128xi32, #tpu.memory_space<vmem>>
      %dma_start3A_250 = tpu.memref_squeeze %dma_start3A_249 : memref<1x128xi32, #tpu.memory_space<vmem>> -> memref<128xi32, #tpu.memory_space<vmem>>
      %dma_start3A_251 = arith.constant 0 : i32
      %dma_start3A_252 = tpu.memref_slice %arg3[%add3A_245, %dma_start3A_246, %dma_start3A_251] : memref<2500x2x128xi32, #tpu.memory_space<hbm>> -> memref<1x1x128xi32, #tpu.memory_space<hbm>>
      %dma_start3A_253 = tpu.memref_squeeze %dma_start3A_252 : memref<1x1x128xi32, #tpu.memory_space<hbm>> -> memref<128xi32, #tpu.memory_space<hbm>>
      %dma_start3A_254 = arith.constant 0 : i32
      %dma_start3A_255 = tpu.memref_slice %arg9[%dma_start3A_247, %dma_start3A_254] : memref<40x128xi32, #tpu.memory_space<vmem>> -> memref<1x128xi32, #tpu.memory_space<vmem>>
      %dma_start3A_256 = tpu.memref_squeeze %dma_start3A_255 : memref<1x128xi32, #tpu.memory_space<vmem>> -> memref<128xi32, #tpu.memory_space<vmem>>
      %dma_start3A_257 = arith.constant 0 : i32
      %dma_start3A_258 = tpu.memref_slice %arg3[%add3A_245, %dma_start3A_246, %dma_start3A_257] : memref<2500x2x128xi32, #tpu.memory_space<hbm>> -> memref<1x1x128xi32, #tpu.memory_space<hbm>>
      %dma_start3A_259 = tpu.memref_squeeze %dma_start3A_258 : memref<1x1x128xi32, #tpu.memory_space<hbm>> -> memref<128xi32, #tpu.memory_space<hbm>>
      tpu.enqueue_dma source(%dma_start3A_259 : memref<128xi32, #tpu.memory_space<hbm>>) target(%dma_start3A_256 : memref<128xi32, #tpu.memory_space<vmem>>) target_semaphore(%arg13 : memref<!tpu.dma_semaphore, #tpu.memory_space<semaphore_mem>>)
      %add3A_260 = arith.constant 7 : i32
      %add3A_261 = arith.addi %add3A_74, %add3A_260 : i32
      %dma_start3A_262 = arith.constant 0 : i32
      %dma_start3A_263 = arith.constant 7 : i32
      %dma_start3A_264 = arith.constant 0 : i32
      %dma_start3A_265 = tpu.memref_slice %arg9[%dma_start3A_263, %dma_start3A_264] : memref<40x128xi32, #tpu.memory_space<vmem>> -> memref<1x128xi32, #tpu.memory_space<vmem>>
      %dma_start3A_266 = tpu.memref_squeeze %dma_start3A_265 : memref<1x128xi32, #tpu.memory_space<vmem>> -> memref<128xi32, #tpu.memory_space<vmem>>
      %dma_start3A_267 = arith.constant 0 : i32
      %dma_start3A_268 = tpu.memref_slice %arg3[%add3A_261, %dma_start3A_262, %dma_start3A_267] : memref<2500x2x128xi32, #tpu.memory_space<hbm>> -> memref<1x1x128xi32, #tpu.memory_space<hbm>>
      %dma_start3A_269 = tpu.memref_squeeze %dma_start3A_268 : memref<1x1x128xi32, #tpu.memory_space<hbm>> -> memref<128xi32, #tpu.memory_space<hbm>>
      %dma_start3A_270 = arith.constant 0 : i32
      %dma_start3A_271 = tpu.memref_slice %arg9[%dma_start3A_263, %dma_start3A_270] : memref<40x128xi32, #tpu.memory_space<vmem>> -> memref<1x128xi32, #tpu.memory_space<vmem>>
      %dma_start3A_272 = tpu.memref_squeeze %dma_start3A_271 : memref<1x128xi32, #tpu.memory_space<vmem>> -> memref<128xi32, #tpu.memory_space<vmem>>
      %dma_start3A_273 = arith.constant 0 : i32
      %dma_start3A_274 = tpu.memref_slice %arg3[%add3A_261, %dma_start3A_262, %dma_start3A_273] : memref<2500x2x128xi32, #tpu.memory_space<hbm>> -> memref<1x1x128xi32, #tpu.memory_space<hbm>>
      %dma_start3A_275 = tpu.memref_squeeze %dma_start3A_274 : memref<1x1x128xi32, #tpu.memory_space<hbm>> -> memref<128xi32, #tpu.memory_space<hbm>>
      tpu.enqueue_dma source(%dma_start3A_275 : memref<128xi32, #tpu.memory_space<hbm>>) target(%dma_start3A_272 : memref<128xi32, #tpu.memory_space<vmem>>) target_semaphore(%arg13 : memref<!tpu.dma_semaphore, #tpu.memory_space<semaphore_mem>>)
      %scan3A_276 = arith.constant 0 : i32
      %scan3A_277 = arith.constant 40 : i32
      %scan3A_278 = arith.addi %scan3A_276, %scan3A_277 : i32
      %scan3A_279 = arith.constant 1 : i32
      scf.for %scan3A_281 = %scan3A_276 to %scan3A_278 step %scan3A_279  : i32 {
        %mul3A_282 = arith.constant 1 : i32
        %mul3A_283 = arith.muli %scan3A_281, %mul3A_282 : i32
        %add3A_284 = arith.constant 0 : i32
        %add3A_285 = arith.addi %add3A_284, %mul3A_283 : i32
        %add3A_286 = arith.addi %add3A_74, %add3A_285 : i32
        %dma_wait3A = arith.constant 0 : i32
        %dma_wait3A_287 = arith.constant 0 : i32
        %dma_wait3A_288 = tpu.memref_slice %arg9[%add3A_285, %dma_wait3A_287] : memref<40x128xi32, #tpu.memory_space<vmem>> -> memref<1x128xi32, #tpu.memory_space<vmem>>
        %dma_wait3A_289 = tpu.memref_squeeze %dma_wait3A_288 : memref<1x128xi32, #tpu.memory_space<vmem>> -> memref<128xi32, #tpu.memory_space<vmem>>
        %dma_wait3A_290 = arith.constant 0 : i32
        %dma_wait3A_291 = tpu.memref_slice %arg3[%add3A_286, %dma_wait3A, %dma_wait3A_290] : memref<2500x2x128xi32, #tpu.memory_space<hbm>> -> memref<1x1x128xi32, #tpu.memory_space<hbm>>
        %dma_wait3A_292 = tpu.memref_squeeze %dma_wait3A_291 : memref<1x1x128xi32, #tpu.memory_space<hbm>> -> memref<128xi32, #tpu.memory_space<hbm>>
        %dma_wait3A_293 = arith.constant 0 : i32
        %dma_wait3A_294 = tpu.memref_slice %arg9[%add3A_285, %dma_wait3A_293] : memref<40x128xi32, #tpu.memory_space<vmem>> -> memref<1x128xi32, #tpu.memory_space<vmem>>
        %dma_wait3A_295 = tpu.memref_squeeze %dma_wait3A_294 : memref<1x128xi32, #tpu.memory_space<vmem>> -> memref<128xi32, #tpu.memory_space<vmem>>
        %dma_wait3A_296 = arith.constant 0 : i32
        %dma_wait3A_297 = tpu.memref_slice %arg3[%add3A_286, %dma_wait3A, %dma_wait3A_296] : memref<2500x2x128xi32, #tpu.memory_space<hbm>> -> memref<1x1x128xi32, #tpu.memory_space<hbm>>
        %dma_wait3A_298 = tpu.memref_squeeze %dma_wait3A_297 : memref<1x1x128xi32, #tpu.memory_space<hbm>> -> memref<128xi32, #tpu.memory_space<hbm>>
        tpu.wait_dma2 semaphore(%arg13 : memref<!tpu.dma_semaphore, #tpu.memory_space<semaphore_mem>>) src(%dma_wait3A_298 : memref<128xi32, #tpu.memory_space<hbm>>) dst(%dma_wait3A_295 : memref<128xi32, #tpu.memory_space<vmem>>)
        %add3A_299 = arith.constant 8 : i32
        %add3A_300 = arith.addi %add3A_285, %add3A_299 : i32
        %lt3A_301 = arith.constant 40 : i32
        %lt3A_302 = arith.cmpi slt, %add3A_300, %lt3A_301 : i32
        %convert_element_type3A_303 = arith.extui %lt3A_302 : i1 to i32
        %cond3A_304 = arith.constant 0 : i32
        %cond3A_305 = arith.cmpi ne, %convert_element_type3A_303, %cond3A_304 : i32
        scf.if %cond3A_305 {
          %add3A_306 = arith.constant 8 : i32
          %add3A_307 = arith.addi %add3A_285, %add3A_306 : i32
          %add3A_308 = arith.addi %add3A_74, %add3A_307 : i32
          %add3A_309 = arith.constant 8 : i32
          %add3A_310 = arith.addi %add3A_285, %add3A_309 : i32
          %dma_start3A_311 = arith.constant 0 : i32
          %dma_start3A_312 = arith.constant 0 : i32
          %dma_start3A_313 = tpu.memref_slice %arg9[%add3A_310, %dma_start3A_312] : memref<40x128xi32, #tpu.memory_space<vmem>> -> memref<1x128xi32, #tpu.memory_space<vmem>>
          %dma_start3A_314 = tpu.memref_squeeze %dma_start3A_313 : memref<1x128xi32, #tpu.memory_space<vmem>> -> memref<128xi32, #tpu.memory_space<vmem>>
          %dma_start3A_315 = arith.constant 0 : i32
          %dma_start3A_316 = tpu.memref_slice %arg3[%add3A_308, %dma_start3A_311, %dma_start3A_315] : memref<2500x2x128xi32, #tpu.memory_space<hbm>> -> memref<1x1x128xi32, #tpu.memory_space<hbm>>
          %dma_start3A_317 = tpu.memref_squeeze %dma_start3A_316 : memref<1x1x128xi32, #tpu.memory_space<hbm>> -> memref<128xi32, #tpu.memory_space<hbm>>
          %dma_start3A_318 = arith.constant 0 : i32
          %dma_start3A_319 = tpu.memref_slice %arg9[%add3A_310, %dma_start3A_318] : memref<40x128xi32, #tpu.memory_space<vmem>> -> memref<1x128xi32, #tpu.memory_space<vmem>>
          %dma_start3A_320 = tpu.memref_squeeze %dma_start3A_319 : memref<1x128xi32, #tpu.memory_space<vmem>> -> memref<128xi32, #tpu.memory_space<vmem>>
          %dma_start3A_321 = arith.constant 0 : i32
          %dma_start3A_322 = tpu.memref_slice %arg3[%add3A_308, %dma_start3A_311, %dma_start3A_321] : memref<2500x2x128xi32, #tpu.memory_space<hbm>> -> memref<1x1x128xi32, #tpu.memory_space<hbm>>
          %dma_start3A_323 = tpu.memref_squeeze %dma_start3A_322 : memref<1x1x128xi32, #tpu.memory_space<hbm>> -> memref<128xi32, #tpu.memory_space<hbm>>
          tpu.enqueue_dma source(%dma_start3A_323 : memref<128xi32, #tpu.memory_space<hbm>>) target(%dma_start3A_320 : memref<128xi32, #tpu.memory_space<vmem>>) target_semaphore(%arg13 : memref<!tpu.dma_semaphore, #tpu.memory_space<semaphore_mem>>)
        } else {
        }
      }
      %scan3A_280 = arith.constant 40 : i32
    } else {
    }
    %eq3A_80 = arith.constant 31 : i32
    %eq3A_81 = arith.cmpi eq, %add3A, %eq3A_80 : i32
    %convert_element_type3A_82 = arith.extui %eq3A_81 : i1 to i32
    %cond3A_83 = arith.constant 0 : i32
    %cond3A_84 = arith.cmpi ne, %convert_element_type3A_82, %cond3A_83 : i32
    scf.if %cond3A_84 {
      %sub3A = arith.constant 2480 : i32
      %sub3A_148 = arith.subi %add3A_74, %sub3A : i32
      %add3A_149 = arith.constant 0 : i32
      %add3A_150 = arith.addi %sub3A_148, %add3A_149 : i32
      %mul3A_151 = arith.constant 128 : i32
      %mul3A_152 = arith.muli %add3A_150, %mul3A_151 : i32
      %dma_start3A_153 = arith.constant 0 : i32
      %dma_start3A_154 = arith.constant 0 : i32
      %dma_start3A_155 = tpu.memref_slice %arg9[%dma_start3A_153, %dma_start3A_154] : memref<40x128xi32, #tpu.memory_space<vmem>> -> memref<1x128xi32, #tpu.memory_space<vmem>>
      %dma_start3A_156 = tpu.memref_squeeze %dma_start3A_155 : memref<1x128xi32, #tpu.memory_space<vmem>> -> memref<128xi32, #tpu.memory_space<vmem>>
      %dma_start3A_157 = tpu.memref_slice %arg4[%mul3A_152] : memref<10240xi32, #tpu.memory_space<hbm>> -> memref<128xi32, #tpu.memory_space<hbm>>
      %dma_start3A_158 = arith.constant 0 : i32
      %dma_start3A_159 = tpu.memref_slice %arg9[%dma_start3A_153, %dma_start3A_158] : memref<40x128xi32, #tpu.memory_space<vmem>> -> memref<1x128xi32, #tpu.memory_space<vmem>>
      %dma_start3A_160 = tpu.memref_squeeze %dma_start3A_159 : memref<1x128xi32, #tpu.memory_space<vmem>> -> memref<128xi32, #tpu.memory_space<vmem>>
      %dma_start3A_161 = tpu.memref_slice %arg4[%mul3A_152] : memref<10240xi32, #tpu.memory_space<hbm>> -> memref<128xi32, #tpu.memory_space<hbm>>
      tpu.enqueue_dma source(%dma_start3A_161 : memref<128xi32, #tpu.memory_space<hbm>>) target(%dma_start3A_160 : memref<128xi32, #tpu.memory_space<vmem>>) target_semaphore(%arg13 : memref<!tpu.dma_semaphore, #tpu.memory_space<semaphore_mem>>)
      %sub3A_162 = arith.constant 2480 : i32
      %sub3A_163 = arith.subi %add3A_74, %sub3A_162 : i32
      %add3A_164 = arith.constant 1 : i32
      %add3A_165 = arith.addi %sub3A_163, %add3A_164 : i32
      %mul3A_166 = arith.constant 128 : i32
      %mul3A_167 = arith.muli %add3A_165, %mul3A_166 : i32
      %dma_start3A_168 = arith.constant 1 : i32
      %dma_start3A_169 = arith.constant 0 : i32
      %dma_start3A_170 = tpu.memref_slice %arg9[%dma_start3A_168, %dma_start3A_169] : memref<40x128xi32, #tpu.memory_space<vmem>> -> memref<1x128xi32, #tpu.memory_space<vmem>>
      %dma_start3A_171 = tpu.memref_squeeze %dma_start3A_170 : memref<1x128xi32, #tpu.memory_space<vmem>> -> memref<128xi32, #tpu.memory_space<vmem>>
      %dma_start3A_172 = tpu.memref_slice %arg4[%mul3A_167] : memref<10240xi32, #tpu.memory_space<hbm>> -> memref<128xi32, #tpu.memory_space<hbm>>
      %dma_start3A_173 = arith.constant 0 : i32
      %dma_start3A_174 = tpu.memref_slice %arg9[%dma_start3A_168, %dma_start3A_173] : memref<40x128xi32, #tpu.memory_space<vmem>> -> memref<1x128xi32, #tpu.memory_space<vmem>>
      %dma_start3A_175 = tpu.memref_squeeze %dma_start3A_174 : memref<1x128xi32, #tpu.memory_space<vmem>> -> memref<128xi32, #tpu.memory_space<vmem>>
      %dma_start3A_176 = tpu.memref_slice %arg4[%mul3A_167] : memref<10240xi32, #tpu.memory_space<hbm>> -> memref<128xi32, #tpu.memory_space<hbm>>
      tpu.enqueue_dma source(%dma_start3A_176 : memref<128xi32, #tpu.memory_space<hbm>>) target(%dma_start3A_175 : memref<128xi32, #tpu.memory_space<vmem>>) target_semaphore(%arg13 : memref<!tpu.dma_semaphore, #tpu.memory_space<semaphore_mem>>)
      %sub3A_177 = arith.constant 2480 : i32
      %sub3A_178 = arith.subi %add3A_74, %sub3A_177 : i32
      %add3A_179 = arith.constant 2 : i32
      %add3A_180 = arith.addi %sub3A_178, %add3A_179 : i32
      %mul3A_181 = arith.constant 128 : i32
      %mul3A_182 = arith.muli %add3A_180, %mul3A_181 : i32
      %dma_start3A_183 = arith.constant 2 : i32
      %dma_start3A_184 = arith.constant 0 : i32
      %dma_start3A_185 = tpu.memref_slice %arg9[%dma_start3A_183, %dma_start3A_184] : memref<40x128xi32, #tpu.memory_space<vmem>> -> memref<1x128xi32, #tpu.memory_space<vmem>>
      %dma_start3A_186 = tpu.memref_squeeze %dma_start3A_185 : memref<1x128xi32, #tpu.memory_space<vmem>> -> memref<128xi32, #tpu.memory_space<vmem>>
      %dma_start3A_187 = tpu.memref_slice %arg4[%mul3A_182] : memref<10240xi32, #tpu.memory_space<hbm>> -> memref<128xi32, #tpu.memory_space<hbm>>
      %dma_start3A_188 = arith.constant 0 : i32
      %dma_start3A_189 = tpu.memref_slice %arg9[%dma_start3A_183, %dma_start3A_188] : memref<40x128xi32, #tpu.memory_space<vmem>> -> memref<1x128xi32, #tpu.memory_space<vmem>>
      %dma_start3A_190 = tpu.memref_squeeze %dma_start3A_189 : memref<1x128xi32, #tpu.memory_space<vmem>> -> memref<128xi32, #tpu.memory_space<vmem>>
      %dma_start3A_191 = tpu.memref_slice %arg4[%mul3A_182] : memref<10240xi32, #tpu.memory_space<hbm>> -> memref<128xi32, #tpu.memory_space<hbm>>
      tpu.enqueue_dma source(%dma_start3A_191 : memref<128xi32, #tpu.memory_space<hbm>>) target(%dma_start3A_190 : memref<128xi32, #tpu.memory_space<vmem>>) target_semaphore(%arg13 : memref<!tpu.dma_semaphore, #tpu.memory_space<semaphore_mem>>)
      %sub3A_192 = arith.constant 2480 : i32
      %sub3A_193 = arith.subi %add3A_74, %sub3A_192 : i32
      %add3A_194 = arith.constant 3 : i32
      %add3A_195 = arith.addi %sub3A_193, %add3A_194 : i32
      %mul3A_196 = arith.constant 128 : i32
      %mul3A_197 = arith.muli %add3A_195, %mul3A_196 : i32
      %dma_start3A_198 = arith.constant 3 : i32
      %dma_start3A_199 = arith.constant 0 : i32
      %dma_start3A_200 = tpu.memref_slice %arg9[%dma_start3A_198, %dma_start3A_199] : memref<40x128xi32, #tpu.memory_space<vmem>> -> memref<1x128xi32, #tpu.memory_space<vmem>>
      %dma_start3A_201 = tpu.memref_squeeze %dma_start3A_200 : memref<1x128xi32, #tpu.memory_space<vmem>> -> memref<128xi32, #tpu.memory_space<vmem>>
      %dma_start3A_202 = tpu.memref_slice %arg4[%mul3A_197] : memref<10240xi32, #tpu.memory_space<hbm>> -> memref<128xi32, #tpu.memory_space<hbm>>
      %dma_start3A_203 = arith.constant 0 : i32
      %dma_start3A_204 = tpu.memref_slice %arg9[%dma_start3A_198, %dma_start3A_203] : memref<40x128xi32, #tpu.memory_space<vmem>> -> memref<1x128xi32, #tpu.memory_space<vmem>>
      %dma_start3A_205 = tpu.memref_squeeze %dma_start3A_204 : memref<1x128xi32, #tpu.memory_space<vmem>> -> memref<128xi32, #tpu.memory_space<vmem>>
      %dma_start3A_206 = tpu.memref_slice %arg4[%mul3A_197] : memref<10240xi32, #tpu.memory_space<hbm>> -> memref<128xi32, #tpu.memory_space<hbm>>
      tpu.enqueue_dma source(%dma_start3A_206 : memref<128xi32, #tpu.memory_space<hbm>>) target(%dma_start3A_205 : memref<128xi32, #tpu.memory_space<vmem>>) target_semaphore(%arg13 : memref<!tpu.dma_semaphore, #tpu.memory_space<semaphore_mem>>)
      %sub3A_207 = arith.constant 2480 : i32
      %sub3A_208 = arith.subi %add3A_74, %sub3A_207 : i32
      %add3A_209 = arith.constant 4 : i32
      %add3A_210 = arith.addi %sub3A_208, %add3A_209 : i32
      %mul3A_211 = arith.constant 128 : i32
      %mul3A_212 = arith.muli %add3A_210, %mul3A_211 : i32
      %dma_start3A_213 = arith.constant 4 : i32
      %dma_start3A_214 = arith.constant 0 : i32
      %dma_start3A_215 = tpu.memref_slice %arg9[%dma_start3A_213, %dma_start3A_214] : memref<40x128xi32, #tpu.memory_space<vmem>> -> memref<1x128xi32, #tpu.memory_space<vmem>>
      %dma_start3A_216 = tpu.memref_squeeze %dma_start3A_215 : memref<1x128xi32, #tpu.memory_space<vmem>> -> memref<128xi32, #tpu.memory_space<vmem>>
      %dma_start3A_217 = tpu.memref_slice %arg4[%mul3A_212] : memref<10240xi32, #tpu.memory_space<hbm>> -> memref<128xi32, #tpu.memory_space<hbm>>
      %dma_start3A_218 = arith.constant 0 : i32
      %dma_start3A_219 = tpu.memref_slice %arg9[%dma_start3A_213, %dma_start3A_218] : memref<40x128xi32, #tpu.memory_space<vmem>> -> memref<1x128xi32, #tpu.memory_space<vmem>>
      %dma_start3A_220 = tpu.memref_squeeze %dma_start3A_219 : memref<1x128xi32, #tpu.memory_space<vmem>> -> memref<128xi32, #tpu.memory_space<vmem>>
      %dma_start3A_221 = tpu.memref_slice %arg4[%mul3A_212] : memref<10240xi32, #tpu.memory_space<hbm>> -> memref<128xi32, #tpu.memory_space<hbm>>
      tpu.enqueue_dma source(%dma_start3A_221 : memref<128xi32, #tpu.memory_space<hbm>>) target(%dma_start3A_220 : memref<128xi32, #tpu.memory_space<vmem>>) target_semaphore(%arg13 : memref<!tpu.dma_semaphore, #tpu.memory_space<semaphore_mem>>)
      %sub3A_222 = arith.constant 2480 : i32
      %sub3A_223 = arith.subi %add3A_74, %sub3A_222 : i32
      %add3A_224 = arith.constant 5 : i32
      %add3A_225 = arith.addi %sub3A_223, %add3A_224 : i32
      %mul3A_226 = arith.constant 128 : i32
      %mul3A_227 = arith.muli %add3A_225, %mul3A_226 : i32
      %dma_start3A_228 = arith.constant 5 : i32
      %dma_start3A_229 = arith.constant 0 : i32
      %dma_start3A_230 = tpu.memref_slice %arg9[%dma_start3A_228, %dma_start3A_229] : memref<40x128xi32, #tpu.memory_space<vmem>> -> memref<1x128xi32, #tpu.memory_space<vmem>>
      %dma_start3A_231 = tpu.memref_squeeze %dma_start3A_230 : memref<1x128xi32, #tpu.memory_space<vmem>> -> memref<128xi32, #tpu.memory_space<vmem>>
      %dma_start3A_232 = tpu.memref_slice %arg4[%mul3A_227] : memref<10240xi32, #tpu.memory_space<hbm>> -> memref<128xi32, #tpu.memory_space<hbm>>
      %dma_start3A_233 = arith.constant 0 : i32
      %dma_start3A_234 = tpu.memref_slice %arg9[%dma_start3A_228, %dma_start3A_233] : memref<40x128xi32, #tpu.memory_space<vmem>> -> memref<1x128xi32, #tpu.memory_space<vmem>>
      %dma_start3A_235 = tpu.memref_squeeze %dma_start3A_234 : memref<1x128xi32, #tpu.memory_space<vmem>> -> memref<128xi32, #tpu.memory_space<vmem>>
      %dma_start3A_236 = tpu.memref_slice %arg4[%mul3A_227] : memref<10240xi32, #tpu.memory_space<hbm>> -> memref<128xi32, #tpu.memory_space<hbm>>
      tpu.enqueue_dma source(%dma_start3A_236 : memref<128xi32, #tpu.memory_space<hbm>>) target(%dma_start3A_235 : memref<128xi32, #tpu.memory_space<vmem>>) target_semaphore(%arg13 : memref<!tpu.dma_semaphore, #tpu.memory_space<semaphore_mem>>)
      %sub3A_237 = arith.constant 2480 : i32
      %sub3A_238 = arith.subi %add3A_74, %sub3A_237 : i32
      %add3A_239 = arith.constant 6 : i32
      %add3A_240 = arith.addi %sub3A_238, %add3A_239 : i32
      %mul3A_241 = arith.constant 128 : i32
      %mul3A_242 = arith.muli %add3A_240, %mul3A_241 : i32
      %dma_start3A_243 = arith.constant 6 : i32
      %dma_start3A_244 = arith.constant 0 : i32
      %dma_start3A_245 = tpu.memref_slice %arg9[%dma_start3A_243, %dma_start3A_244] : memref<40x128xi32, #tpu.memory_space<vmem>> -> memref<1x128xi32, #tpu.memory_space<vmem>>
      %dma_start3A_246 = tpu.memref_squeeze %dma_start3A_245 : memref<1x128xi32, #tpu.memory_space<vmem>> -> memref<128xi32, #tpu.memory_space<vmem>>
      %dma_start3A_247 = tpu.memref_slice %arg4[%mul3A_242] : memref<10240xi32, #tpu.memory_space<hbm>> -> memref<128xi32, #tpu.memory_space<hbm>>
      %dma_start3A_248 = arith.constant 0 : i32
      %dma_start3A_249 = tpu.memref_slice %arg9[%dma_start3A_243, %dma_start3A_248] : memref<40x128xi32, #tpu.memory_space<vmem>> -> memref<1x128xi32, #tpu.memory_space<vmem>>
      %dma_start3A_250 = tpu.memref_squeeze %dma_start3A_249 : memref<1x128xi32, #tpu.memory_space<vmem>> -> memref<128xi32, #tpu.memory_space<vmem>>
      %dma_start3A_251 = tpu.memref_slice %arg4[%mul3A_242] : memref<10240xi32, #tpu.memory_space<hbm>> -> memref<128xi32, #tpu.memory_space<hbm>>
      tpu.enqueue_dma source(%dma_start3A_251 : memref<128xi32, #tpu.memory_space<hbm>>) target(%dma_start3A_250 : memref<128xi32, #tpu.memory_space<vmem>>) target_semaphore(%arg13 : memref<!tpu.dma_semaphore, #tpu.memory_space<semaphore_mem>>)
      %sub3A_252 = arith.constant 2480 : i32
      %sub3A_253 = arith.subi %add3A_74, %sub3A_252 : i32
      %add3A_254 = arith.constant 7 : i32
      %add3A_255 = arith.addi %sub3A_253, %add3A_254 : i32
      %mul3A_256 = arith.constant 128 : i32
      %mul3A_257 = arith.muli %add3A_255, %mul3A_256 : i32
      %dma_start3A_258 = arith.constant 7 : i32
      %dma_start3A_259 = arith.constant 0 : i32
      %dma_start3A_260 = tpu.memref_slice %arg9[%dma_start3A_258, %dma_start3A_259] : memref<40x128xi32, #tpu.memory_space<vmem>> -> memref<1x128xi32, #tpu.memory_space<vmem>>
      %dma_start3A_261 = tpu.memref_squeeze %dma_start3A_260 : memref<1x128xi32, #tpu.memory_space<vmem>> -> memref<128xi32, #tpu.memory_space<vmem>>
      %dma_start3A_262 = tpu.memref_slice %arg4[%mul3A_257] : memref<10240xi32, #tpu.memory_space<hbm>> -> memref<128xi32, #tpu.memory_space<hbm>>
      %dma_start3A_263 = arith.constant 0 : i32
      %dma_start3A_264 = tpu.memref_slice %arg9[%dma_start3A_258, %dma_start3A_263] : memref<40x128xi32, #tpu.memory_space<vmem>> -> memref<1x128xi32, #tpu.memory_space<vmem>>
      %dma_start3A_265 = tpu.memref_squeeze %dma_start3A_264 : memref<1x128xi32, #tpu.memory_space<vmem>> -> memref<128xi32, #tpu.memory_space<vmem>>
      %dma_start3A_266 = tpu.memref_slice %arg4[%mul3A_257] : memref<10240xi32, #tpu.memory_space<hbm>> -> memref<128xi32, #tpu.memory_space<hbm>>
      tpu.enqueue_dma source(%dma_start3A_266 : memref<128xi32, #tpu.memory_space<hbm>>) target(%dma_start3A_265 : memref<128xi32, #tpu.memory_space<vmem>>) target_semaphore(%arg13 : memref<!tpu.dma_semaphore, #tpu.memory_space<semaphore_mem>>)
      %scan3A_267 = arith.constant 0 : i32
      %scan3A_268 = arith.constant 40 : i32
      %scan3A_269 = arith.addi %scan3A_267, %scan3A_268 : i32
      %scan3A_270 = arith.constant 1 : i32
      scf.for %scan3A_272 = %scan3A_267 to %scan3A_269 step %scan3A_270  : i32 {
        %mul3A_273 = arith.constant 1 : i32
        %mul3A_274 = arith.muli %scan3A_272, %mul3A_273 : i32
        %add3A_275 = arith.constant 0 : i32
        %add3A_276 = arith.addi %add3A_275, %mul3A_274 : i32
        %sub3A_277 = arith.constant 2480 : i32
        %sub3A_278 = arith.subi %add3A_74, %sub3A_277 : i32
        %add3A_279 = arith.addi %sub3A_278, %add3A_276 : i32
        %mul3A_280 = arith.constant 128 : i32
        %mul3A_281 = arith.muli %add3A_279, %mul3A_280 : i32
        %dma_wait3A = arith.constant 0 : i32
        %dma_wait3A_282 = tpu.memref_slice %arg9[%add3A_276, %dma_wait3A] : memref<40x128xi32, #tpu.memory_space<vmem>> -> memref<1x128xi32, #tpu.memory_space<vmem>>
        %dma_wait3A_283 = tpu.memref_squeeze %dma_wait3A_282 : memref<1x128xi32, #tpu.memory_space<vmem>> -> memref<128xi32, #tpu.memory_space<vmem>>
        %dma_wait3A_284 = tpu.memref_slice %arg4[%mul3A_281] : memref<10240xi32, #tpu.memory_space<hbm>> -> memref<128xi32, #tpu.memory_space<hbm>>
        %dma_wait3A_285 = arith.constant 0 : i32
        %dma_wait3A_286 = tpu.memref_slice %arg9[%add3A_276, %dma_wait3A_285] : memref<40x128xi32, #tpu.memory_space<vmem>> -> memref<1x128xi32, #tpu.memory_space<vmem>>
        %dma_wait3A_287 = tpu.memref_squeeze %dma_wait3A_286 : memref<1x128xi32, #tpu.memory_space<vmem>> -> memref<128xi32, #tpu.memory_space<vmem>>
        %dma_wait3A_288 = tpu.memref_slice %arg4[%mul3A_281] : memref<10240xi32, #tpu.memory_space<hbm>> -> memref<128xi32, #tpu.memory_space<hbm>>
        tpu.wait_dma2 semaphore(%arg13 : memref<!tpu.dma_semaphore, #tpu.memory_space<semaphore_mem>>) src(%dma_wait3A_288 : memref<128xi32, #tpu.memory_space<hbm>>) dst(%dma_wait3A_287 : memref<128xi32, #tpu.memory_space<vmem>>)
        %add3A_289 = arith.constant 8 : i32
        %add3A_290 = arith.addi %add3A_276, %add3A_289 : i32
        %lt3A_291 = arith.constant 40 : i32
        %lt3A_292 = arith.cmpi slt, %add3A_290, %lt3A_291 : i32
        %convert_element_type3A_293 = arith.extui %lt3A_292 : i1 to i32
        %cond3A_294 = arith.constant 0 : i32
        %cond3A_295 = arith.cmpi ne, %convert_element_type3A_293, %cond3A_294 : i32
        scf.if %cond3A_295 {
          %add3A_296 = arith.constant 8 : i32
          %add3A_297 = arith.addi %add3A_276, %add3A_296 : i32
          %sub3A_298 = arith.constant 2480 : i32
          %sub3A_299 = arith.subi %add3A_74, %sub3A_298 : i32
          %add3A_300 = arith.addi %sub3A_299, %add3A_297 : i32
          %mul3A_301 = arith.constant 128 : i32
          %mul3A_302 = arith.muli %add3A_300, %mul3A_301 : i32
          %add3A_303 = arith.constant 8 : i32
          %add3A_304 = arith.addi %add3A_276, %add3A_303 : i32
          %dma_start3A_305 = arith.constant 0 : i32
          %dma_start3A_306 = tpu.memref_slice %arg9[%add3A_304, %dma_start3A_305] : memref<40x128xi32, #tpu.memory_space<vmem>> -> memref<1x128xi32, #tpu.memory_space<vmem>>
          %dma_start3A_307 = tpu.memref_squeeze %dma_start3A_306 : memref<1x128xi32, #tpu.memory_space<vmem>> -> memref<128xi32, #tpu.memory_space<vmem>>
          %dma_start3A_308 = tpu.memref_slice %arg4[%mul3A_302] : memref<10240xi32, #tpu.memory_space<hbm>> -> memref<128xi32, #tpu.memory_space<hbm>>
          %dma_start3A_309 = arith.constant 0 : i32
          %dma_start3A_310 = tpu.memref_slice %arg9[%add3A_304, %dma_start3A_309] : memref<40x128xi32, #tpu.memory_space<vmem>> -> memref<1x128xi32, #tpu.memory_space<vmem>>
          %dma_start3A_311 = tpu.memref_squeeze %dma_start3A_310 : memref<1x128xi32, #tpu.memory_space<vmem>> -> memref<128xi32, #tpu.memory_space<vmem>>
          %dma_start3A_312 = tpu.memref_slice %arg4[%mul3A_302] : memref<10240xi32, #tpu.memory_space<hbm>> -> memref<128xi32, #tpu.memory_space<hbm>>
          tpu.enqueue_dma source(%dma_start3A_312 : memref<128xi32, #tpu.memory_space<hbm>>) target(%dma_start3A_311 : memref<128xi32, #tpu.memory_space<vmem>>) target_semaphore(%arg13 : memref<!tpu.dma_semaphore, #tpu.memory_space<semaphore_mem>>)
        } else {
        }
      }
      %scan3A_271 = arith.constant 40 : i32
    } else {
    }
    %lt3A_85 = arith.constant 31 : i32
    %lt3A_86 = arith.cmpi slt, %add3A, %lt3A_85 : i32
    %convert_element_type3A_87 = arith.extui %lt3A_86 : i1 to i32
    %cond3A_88 = arith.constant 0 : i32
    %cond3A_89 = arith.cmpi ne, %convert_element_type3A_87, %cond3A_88 : i32
    scf.if %cond3A_89 {
      %add3A_148 = arith.constant 0 : i32
      %add3A_149 = arith.addi %add3A_74, %add3A_148 : i32
      %dma_start3A_150 = arith.constant 1 : i32
      %dma_start3A_151 = arith.constant 0 : i32
      %dma_start3A_152 = arith.constant 0 : i32
      %dma_start3A_153 = tpu.memref_slice %arg10[%dma_start3A_151, %dma_start3A_152] : memref<40x128xi32, #tpu.memory_space<vmem>> -> memref<1x128xi32, #tpu.memory_space<vmem>>
      %dma_start3A_154 = tpu.memref_squeeze %dma_start3A_153 : memref<1x128xi32, #tpu.memory_space<vmem>> -> memref<128xi32, #tpu.memory_space<vmem>>
      %dma_start3A_155 = arith.constant 0 : i32
      %dma_start3A_156 = tpu.memref_slice %arg3[%add3A_149, %dma_start3A_150, %dma_start3A_155] : memref<2500x2x128xi32, #tpu.memory_space<hbm>> -> memref<1x1x128xi32, #tpu.memory_space<hbm>>
      %dma_start3A_157 = tpu.memref_squeeze %dma_start3A_156 : memref<1x1x128xi32, #tpu.memory_space<hbm>> -> memref<128xi32, #tpu.memory_space<hbm>>
      %dma_start3A_158 = arith.constant 0 : i32
      %dma_start3A_159 = tpu.memref_slice %arg10[%dma_start3A_151, %dma_start3A_158] : memref<40x128xi32, #tpu.memory_space<vmem>> -> memref<1x128xi32, #tpu.memory_space<vmem>>
      %dma_start3A_160 = tpu.memref_squeeze %dma_start3A_159 : memref<1x128xi32, #tpu.memory_space<vmem>> -> memref<128xi32, #tpu.memory_space<vmem>>
      %dma_start3A_161 = arith.constant 0 : i32
      %dma_start3A_162 = tpu.memref_slice %arg3[%add3A_149, %dma_start3A_150, %dma_start3A_161] : memref<2500x2x128xi32, #tpu.memory_space<hbm>> -> memref<1x1x128xi32, #tpu.memory_space<hbm>>
      %dma_start3A_163 = tpu.memref_squeeze %dma_start3A_162 : memref<1x1x128xi32, #tpu.memory_space<hbm>> -> memref<128xi32, #tpu.memory_space<hbm>>
      tpu.enqueue_dma source(%dma_start3A_163 : memref<128xi32, #tpu.memory_space<hbm>>) target(%dma_start3A_160 : memref<128xi32, #tpu.memory_space<vmem>>) target_semaphore(%arg14 : memref<!tpu.dma_semaphore, #tpu.memory_space<semaphore_mem>>)
      %add3A_164 = arith.constant 1 : i32
      %add3A_165 = arith.addi %add3A_74, %add3A_164 : i32
      %dma_start3A_166 = arith.constant 1 : i32
      %dma_start3A_167 = arith.constant 1 : i32
      %dma_start3A_168 = arith.constant 0 : i32
      %dma_start3A_169 = tpu.memref_slice %arg10[%dma_start3A_167, %dma_start3A_168] : memref<40x128xi32, #tpu.memory_space<vmem>> -> memref<1x128xi32, #tpu.memory_space<vmem>>
      %dma_start3A_170 = tpu.memref_squeeze %dma_start3A_169 : memref<1x128xi32, #tpu.memory_space<vmem>> -> memref<128xi32, #tpu.memory_space<vmem>>
      %dma_start3A_171 = arith.constant 0 : i32
      %dma_start3A_172 = tpu.memref_slice %arg3[%add3A_165, %dma_start3A_166, %dma_start3A_171] : memref<2500x2x128xi32, #tpu.memory_space<hbm>> -> memref<1x1x128xi32, #tpu.memory_space<hbm>>
      %dma_start3A_173 = tpu.memref_squeeze %dma_start3A_172 : memref<1x1x128xi32, #tpu.memory_space<hbm>> -> memref<128xi32, #tpu.memory_space<hbm>>
      %dma_start3A_174 = arith.constant 0 : i32
      %dma_start3A_175 = tpu.memref_slice %arg10[%dma_start3A_167, %dma_start3A_174] : memref<40x128xi32, #tpu.memory_space<vmem>> -> memref<1x128xi32, #tpu.memory_space<vmem>>
      %dma_start3A_176 = tpu.memref_squeeze %dma_start3A_175 : memref<1x128xi32, #tpu.memory_space<vmem>> -> memref<128xi32, #tpu.memory_space<vmem>>
      %dma_start3A_177 = arith.constant 0 : i32
      %dma_start3A_178 = tpu.memref_slice %arg3[%add3A_165, %dma_start3A_166, %dma_start3A_177] : memref<2500x2x128xi32, #tpu.memory_space<hbm>> -> memref<1x1x128xi32, #tpu.memory_space<hbm>>
      %dma_start3A_179 = tpu.memref_squeeze %dma_start3A_178 : memref<1x1x128xi32, #tpu.memory_space<hbm>> -> memref<128xi32, #tpu.memory_space<hbm>>
      tpu.enqueue_dma source(%dma_start3A_179 : memref<128xi32, #tpu.memory_space<hbm>>) target(%dma_start3A_176 : memref<128xi32, #tpu.memory_space<vmem>>) target_semaphore(%arg14 : memref<!tpu.dma_semaphore, #tpu.memory_space<semaphore_mem>>)
      %add3A_180 = arith.constant 2 : i32
      %add3A_181 = arith.addi %add3A_74, %add3A_180 : i32
      %dma_start3A_182 = arith.constant 1 : i32
      %dma_start3A_183 = arith.constant 2 : i32
      %dma_start3A_184 = arith.constant 0 : i32
      %dma_start3A_185 = tpu.memref_slice %arg10[%dma_start3A_183, %dma_start3A_184] : memref<40x128xi32, #tpu.memory_space<vmem>> -> memref<1x128xi32, #tpu.memory_space<vmem>>
      %dma_start3A_186 = tpu.memref_squeeze %dma_start3A_185 : memref<1x128xi32, #tpu.memory_space<vmem>> -> memref<128xi32, #tpu.memory_space<vmem>>
      %dma_start3A_187 = arith.constant 0 : i32
      %dma_start3A_188 = tpu.memref_slice %arg3[%add3A_181, %dma_start3A_182, %dma_start3A_187] : memref<2500x2x128xi32, #tpu.memory_space<hbm>> -> memref<1x1x128xi32, #tpu.memory_space<hbm>>
      %dma_start3A_189 = tpu.memref_squeeze %dma_start3A_188 : memref<1x1x128xi32, #tpu.memory_space<hbm>> -> memref<128xi32, #tpu.memory_space<hbm>>
      %dma_start3A_190 = arith.constant 0 : i32
      %dma_start3A_191 = tpu.memref_slice %arg10[%dma_start3A_183, %dma_start3A_190] : memref<40x128xi32, #tpu.memory_space<vmem>> -> memref<1x128xi32, #tpu.memory_space<vmem>>
      %dma_start3A_192 = tpu.memref_squeeze %dma_start3A_191 : memref<1x128xi32, #tpu.memory_space<vmem>> -> memref<128xi32, #tpu.memory_space<vmem>>
      %dma_start3A_193 = arith.constant 0 : i32
      %dma_start3A_194 = tpu.memref_slice %arg3[%add3A_181, %dma_start3A_182, %dma_start3A_193] : memref<2500x2x128xi32, #tpu.memory_space<hbm>> -> memref<1x1x128xi32, #tpu.memory_space<hbm>>
      %dma_start3A_195 = tpu.memref_squeeze %dma_start3A_194 : memref<1x1x128xi32, #tpu.memory_space<hbm>> -> memref<128xi32, #tpu.memory_space<hbm>>
      tpu.enqueue_dma source(%dma_start3A_195 : memref<128xi32, #tpu.memory_space<hbm>>) target(%dma_start3A_192 : memref<128xi32, #tpu.memory_space<vmem>>) target_semaphore(%arg14 : memref<!tpu.dma_semaphore, #tpu.memory_space<semaphore_mem>>)
      %add3A_196 = arith.constant 3 : i32
      %add3A_197 = arith.addi %add3A_74, %add3A_196 : i32
      %dma_start3A_198 = arith.constant 1 : i32
      %dma_start3A_199 = arith.constant 3 : i32
      %dma_start3A_200 = arith.constant 0 : i32
      %dma_start3A_201 = tpu.memref_slice %arg10[%dma_start3A_199, %dma_start3A_200] : memref<40x128xi32, #tpu.memory_space<vmem>> -> memref<1x128xi32, #tpu.memory_space<vmem>>
      %dma_start3A_202 = tpu.memref_squeeze %dma_start3A_201 : memref<1x128xi32, #tpu.memory_space<vmem>> -> memref<128xi32, #tpu.memory_space<vmem>>
      %dma_start3A_203 = arith.constant 0 : i32
      %dma_start3A_204 = tpu.memref_slice %arg3[%add3A_197, %dma_start3A_198, %dma_start3A_203] : memref<2500x2x128xi32, #tpu.memory_space<hbm>> -> memref<1x1x128xi32, #tpu.memory_space<hbm>>
      %dma_start3A_205 = tpu.memref_squeeze %dma_start3A_204 : memref<1x1x128xi32, #tpu.memory_space<hbm>> -> memref<128xi32, #tpu.memory_space<hbm>>
      %dma_start3A_206 = arith.constant 0 : i32
      %dma_start3A_207 = tpu.memref_slice %arg10[%dma_start3A_199, %dma_start3A_206] : memref<40x128xi32, #tpu.memory_space<vmem>> -> memref<1x128xi32, #tpu.memory_space<vmem>>
      %dma_start3A_208 = tpu.memref_squeeze %dma_start3A_207 : memref<1x128xi32, #tpu.memory_space<vmem>> -> memref<128xi32, #tpu.memory_space<vmem>>
      %dma_start3A_209 = arith.constant 0 : i32
      %dma_start3A_210 = tpu.memref_slice %arg3[%add3A_197, %dma_start3A_198, %dma_start3A_209] : memref<2500x2x128xi32, #tpu.memory_space<hbm>> -> memref<1x1x128xi32, #tpu.memory_space<hbm>>
      %dma_start3A_211 = tpu.memref_squeeze %dma_start3A_210 : memref<1x1x128xi32, #tpu.memory_space<hbm>> -> memref<128xi32, #tpu.memory_space<hbm>>
      tpu.enqueue_dma source(%dma_start3A_211 : memref<128xi32, #tpu.memory_space<hbm>>) target(%dma_start3A_208 : memref<128xi32, #tpu.memory_space<vmem>>) target_semaphore(%arg14 : memref<!tpu.dma_semaphore, #tpu.memory_space<semaphore_mem>>)
      %add3A_212 = arith.constant 4 : i32
      %add3A_213 = arith.addi %add3A_74, %add3A_212 : i32
      %dma_start3A_214 = arith.constant 1 : i32
      %dma_start3A_215 = arith.constant 4 : i32
      %dma_start3A_216 = arith.constant 0 : i32
      %dma_start3A_217 = tpu.memref_slice %arg10[%dma_start3A_215, %dma_start3A_216] : memref<40x128xi32, #tpu.memory_space<vmem>> -> memref<1x128xi32, #tpu.memory_space<vmem>>
      %dma_start3A_218 = tpu.memref_squeeze %dma_start3A_217 : memref<1x128xi32, #tpu.memory_space<vmem>> -> memref<128xi32, #tpu.memory_space<vmem>>
      %dma_start3A_219 = arith.constant 0 : i32
      %dma_start3A_220 = tpu.memref_slice %arg3[%add3A_213, %dma_start3A_214, %dma_start3A_219] : memref<2500x2x128xi32, #tpu.memory_space<hbm>> -> memref<1x1x128xi32, #tpu.memory_space<hbm>>
      %dma_start3A_221 = tpu.memref_squeeze %dma_start3A_220 : memref<1x1x128xi32, #tpu.memory_space<hbm>> -> memref<128xi32, #tpu.memory_space<hbm>>
      %dma_start3A_222 = arith.constant 0 : i32
      %dma_start3A_223 = tpu.memref_slice %arg10[%dma_start3A_215, %dma_start3A_222] : memref<40x128xi32, #tpu.memory_space<vmem>> -> memref<1x128xi32, #tpu.memory_space<vmem>>
      %dma_start3A_224 = tpu.memref_squeeze %dma_start3A_223 : memref<1x128xi32, #tpu.memory_space<vmem>> -> memref<128xi32, #tpu.memory_space<vmem>>
      %dma_start3A_225 = arith.constant 0 : i32
      %dma_start3A_226 = tpu.memref_slice %arg3[%add3A_213, %dma_start3A_214, %dma_start3A_225] : memref<2500x2x128xi32, #tpu.memory_space<hbm>> -> memref<1x1x128xi32, #tpu.memory_space<hbm>>
      %dma_start3A_227 = tpu.memref_squeeze %dma_start3A_226 : memref<1x1x128xi32, #tpu.memory_space<hbm>> -> memref<128xi32, #tpu.memory_space<hbm>>
      tpu.enqueue_dma source(%dma_start3A_227 : memref<128xi32, #tpu.memory_space<hbm>>) target(%dma_start3A_224 : memref<128xi32, #tpu.memory_space<vmem>>) target_semaphore(%arg14 : memref<!tpu.dma_semaphore, #tpu.memory_space<semaphore_mem>>)
      %add3A_228 = arith.constant 5 : i32
      %add3A_229 = arith.addi %add3A_74, %add3A_228 : i32
      %dma_start3A_230 = arith.constant 1 : i32
      %dma_start3A_231 = arith.constant 5 : i32
      %dma_start3A_232 = arith.constant 0 : i32
      %dma_start3A_233 = tpu.memref_slice %arg10[%dma_start3A_231, %dma_start3A_232] : memref<40x128xi32, #tpu.memory_space<vmem>> -> memref<1x128xi32, #tpu.memory_space<vmem>>
      %dma_start3A_234 = tpu.memref_squeeze %dma_start3A_233 : memref<1x128xi32, #tpu.memory_space<vmem>> -> memref<128xi32, #tpu.memory_space<vmem>>
      %dma_start3A_235 = arith.constant 0 : i32
      %dma_start3A_236 = tpu.memref_slice %arg3[%add3A_229, %dma_start3A_230, %dma_start3A_235] : memref<2500x2x128xi32, #tpu.memory_space<hbm>> -> memref<1x1x128xi32, #tpu.memory_space<hbm>>
      %dma_start3A_237 = tpu.memref_squeeze %dma_start3A_236 : memref<1x1x128xi32, #tpu.memory_space<hbm>> -> memref<128xi32, #tpu.memory_space<hbm>>
      %dma_start3A_238 = arith.constant 0 : i32
      %dma_start3A_239 = tpu.memref_slice %arg10[%dma_start3A_231, %dma_start3A_238] : memref<40x128xi32, #tpu.memory_space<vmem>> -> memref<1x128xi32, #tpu.memory_space<vmem>>
      %dma_start3A_240 = tpu.memref_squeeze %dma_start3A_239 : memref<1x128xi32, #tpu.memory_space<vmem>> -> memref<128xi32, #tpu.memory_space<vmem>>
      %dma_start3A_241 = arith.constant 0 : i32
      %dma_start3A_242 = tpu.memref_slice %arg3[%add3A_229, %dma_start3A_230, %dma_start3A_241] : memref<2500x2x128xi32, #tpu.memory_space<hbm>> -> memref<1x1x128xi32, #tpu.memory_space<hbm>>
      %dma_start3A_243 = tpu.memref_squeeze %dma_start3A_242 : memref<1x1x128xi32, #tpu.memory_space<hbm>> -> memref<128xi32, #tpu.memory_space<hbm>>
      tpu.enqueue_dma source(%dma_start3A_243 : memref<128xi32, #tpu.memory_space<hbm>>) target(%dma_start3A_240 : memref<128xi32, #tpu.memory_space<vmem>>) target_semaphore(%arg14 : memref<!tpu.dma_semaphore, #tpu.memory_space<semaphore_mem>>)
      %add3A_244 = arith.constant 6 : i32
      %add3A_245 = arith.addi %add3A_74, %add3A_244 : i32
      %dma_start3A_246 = arith.constant 1 : i32
      %dma_start3A_247 = arith.constant 6 : i32
      %dma_start3A_248 = arith.constant 0 : i32
      %dma_start3A_249 = tpu.memref_slice %arg10[%dma_start3A_247, %dma_start3A_248] : memref<40x128xi32, #tpu.memory_space<vmem>> -> memref<1x128xi32, #tpu.memory_space<vmem>>
      %dma_start3A_250 = tpu.memref_squeeze %dma_start3A_249 : memref<1x128xi32, #tpu.memory_space<vmem>> -> memref<128xi32, #tpu.memory_space<vmem>>
      %dma_start3A_251 = arith.constant 0 : i32
      %dma_start3A_252 = tpu.memref_slice %arg3[%add3A_245, %dma_start3A_246, %dma_start3A_251] : memref<2500x2x128xi32, #tpu.memory_space<hbm>> -> memref<1x1x128xi32, #tpu.memory_space<hbm>>
      %dma_start3A_253 = tpu.memref_squeeze %dma_start3A_252 : memref<1x1x128xi32, #tpu.memory_space<hbm>> -> memref<128xi32, #tpu.memory_space<hbm>>
      %dma_start3A_254 = arith.constant 0 : i32
      %dma_start3A_255 = tpu.memref_slice %arg10[%dma_start3A_247, %dma_start3A_254] : memref<40x128xi32, #tpu.memory_space<vmem>> -> memref<1x128xi32, #tpu.memory_space<vmem>>
      %dma_start3A_256 = tpu.memref_squeeze %dma_start3A_255 : memref<1x128xi32, #tpu.memory_space<vmem>> -> memref<128xi32, #tpu.memory_space<vmem>>
      %dma_start3A_257 = arith.constant 0 : i32
      %dma_start3A_258 = tpu.memref_slice %arg3[%add3A_245, %dma_start3A_246, %dma_start3A_257] : memref<2500x2x128xi32, #tpu.memory_space<hbm>> -> memref<1x1x128xi32, #tpu.memory_space<hbm>>
      %dma_start3A_259 = tpu.memref_squeeze %dma_start3A_258 : memref<1x1x128xi32, #tpu.memory_space<hbm>> -> memref<128xi32, #tpu.memory_space<hbm>>
      tpu.enqueue_dma source(%dma_start3A_259 : memref<128xi32, #tpu.memory_space<hbm>>) target(%dma_start3A_256 : memref<128xi32, #tpu.memory_space<vmem>>) target_semaphore(%arg14 : memref<!tpu.dma_semaphore, #tpu.memory_space<semaphore_mem>>)
      %add3A_260 = arith.constant 7 : i32
      %add3A_261 = arith.addi %add3A_74, %add3A_260 : i32
      %dma_start3A_262 = arith.constant 1 : i32
      %dma_start3A_263 = arith.constant 7 : i32
      %dma_start3A_264 = arith.constant 0 : i32
      %dma_start3A_265 = tpu.memref_slice %arg10[%dma_start3A_263, %dma_start3A_264] : memref<40x128xi32, #tpu.memory_space<vmem>> -> memref<1x128xi32, #tpu.memory_space<vmem>>
      %dma_start3A_266 = tpu.memref_squeeze %dma_start3A_265 : memref<1x128xi32, #tpu.memory_space<vmem>> -> memref<128xi32, #tpu.memory_space<vmem>>
      %dma_start3A_267 = arith.constant 0 : i32
      %dma_start3A_268 = tpu.memref_slice %arg3[%add3A_261, %dma_start3A_262, %dma_start3A_267] : memref<2500x2x128xi32, #tpu.memory_space<hbm>> -> memref<1x1x128xi32, #tpu.memory_space<hbm>>
      %dma_start3A_269 = tpu.memref_squeeze %dma_start3A_268 : memref<1x1x128xi32, #tpu.memory_space<hbm>> -> memref<128xi32, #tpu.memory_space<hbm>>
      %dma_start3A_270 = arith.constant 0 : i32
      %dma_start3A_271 = tpu.memref_slice %arg10[%dma_start3A_263, %dma_start3A_270] : memref<40x128xi32, #tpu.memory_space<vmem>> -> memref<1x128xi32, #tpu.memory_space<vmem>>
      %dma_start3A_272 = tpu.memref_squeeze %dma_start3A_271 : memref<1x128xi32, #tpu.memory_space<vmem>> -> memref<128xi32, #tpu.memory_space<vmem>>
      %dma_start3A_273 = arith.constant 0 : i32
      %dma_start3A_274 = tpu.memref_slice %arg3[%add3A_261, %dma_start3A_262, %dma_start3A_273] : memref<2500x2x128xi32, #tpu.memory_space<hbm>> -> memref<1x1x128xi32, #tpu.memory_space<hbm>>
      %dma_start3A_275 = tpu.memref_squeeze %dma_start3A_274 : memref<1x1x128xi32, #tpu.memory_space<hbm>> -> memref<128xi32, #tpu.memory_space<hbm>>
      tpu.enqueue_dma source(%dma_start3A_275 : memref<128xi32, #tpu.memory_space<hbm>>) target(%dma_start3A_272 : memref<128xi32, #tpu.memory_space<vmem>>) target_semaphore(%arg14 : memref<!tpu.dma_semaphore, #tpu.memory_space<semaphore_mem>>)
      %scan3A_276 = arith.constant 0 : i32
      %scan3A_277 = arith.constant 40 : i32
      %scan3A_278 = arith.addi %scan3A_276, %scan3A_277 : i32
      %scan3A_279 = arith.constant 1 : i32
      scf.for %scan3A_281 = %scan3A_276 to %scan3A_278 step %scan3A_279  : i32 {
        %mul3A_282 = arith.constant 1 : i32
        %mul3A_283 = arith.muli %scan3A_281, %mul3A_282 : i32
        %add3A_284 = arith.constant 0 : i32
        %add3A_285 = arith.addi %add3A_284, %mul3A_283 : i32
        %add3A_286 = arith.addi %add3A_74, %add3A_285 : i32
        %dma_wait3A = arith.constant 1 : i32
        %dma_wait3A_287 = arith.constant 0 : i32
        %dma_wait3A_288 = tpu.memref_slice %arg10[%add3A_285, %dma_wait3A_287] : memref<40x128xi32, #tpu.memory_space<vmem>> -> memref<1x128xi32, #tpu.memory_space<vmem>>
        %dma_wait3A_289 = tpu.memref_squeeze %dma_wait3A_288 : memref<1x128xi32, #tpu.memory_space<vmem>> -> memref<128xi32, #tpu.memory_space<vmem>>
        %dma_wait3A_290 = arith.constant 0 : i32
        %dma_wait3A_291 = tpu.memref_slice %arg3[%add3A_286, %dma_wait3A, %dma_wait3A_290] : memref<2500x2x128xi32, #tpu.memory_space<hbm>> -> memref<1x1x128xi32, #tpu.memory_space<hbm>>
        %dma_wait3A_292 = tpu.memref_squeeze %dma_wait3A_291 : memref<1x1x128xi32, #tpu.memory_space<hbm>> -> memref<128xi32, #tpu.memory_space<hbm>>
        %dma_wait3A_293 = arith.constant 0 : i32
        %dma_wait3A_294 = tpu.memref_slice %arg10[%add3A_285, %dma_wait3A_293] : memref<40x128xi32, #tpu.memory_space<vmem>> -> memref<1x128xi32, #tpu.memory_space<vmem>>
        %dma_wait3A_295 = tpu.memref_squeeze %dma_wait3A_294 : memref<1x128xi32, #tpu.memory_space<vmem>> -> memref<128xi32, #tpu.memory_space<vmem>>
        %dma_wait3A_296 = arith.constant 0 : i32
        %dma_wait3A_297 = tpu.memref_slice %arg3[%add3A_286, %dma_wait3A, %dma_wait3A_296] : memref<2500x2x128xi32, #tpu.memory_space<hbm>> -> memref<1x1x128xi32, #tpu.memory_space<hbm>>
        %dma_wait3A_298 = tpu.memref_squeeze %dma_wait3A_297 : memref<1x1x128xi32, #tpu.memory_space<hbm>> -> memref<128xi32, #tpu.memory_space<hbm>>
        tpu.wait_dma2 semaphore(%arg14 : memref<!tpu.dma_semaphore, #tpu.memory_space<semaphore_mem>>) src(%dma_wait3A_298 : memref<128xi32, #tpu.memory_space<hbm>>) dst(%dma_wait3A_295 : memref<128xi32, #tpu.memory_space<vmem>>)
        %add3A_299 = arith.constant 8 : i32
        %add3A_300 = arith.addi %add3A_285, %add3A_299 : i32
        %lt3A_301 = arith.constant 40 : i32
        %lt3A_302 = arith.cmpi slt, %add3A_300, %lt3A_301 : i32
        %convert_element_type3A_303 = arith.extui %lt3A_302 : i1 to i32
        %cond3A_304 = arith.constant 0 : i32
        %cond3A_305 = arith.cmpi ne, %convert_element_type3A_303, %cond3A_304 : i32
        scf.if %cond3A_305 {
          %add3A_306 = arith.constant 8 : i32
          %add3A_307 = arith.addi %add3A_285, %add3A_306 : i32
          %add3A_308 = arith.addi %add3A_74, %add3A_307 : i32
          %add3A_309 = arith.constant 8 : i32
          %add3A_310 = arith.addi %add3A_285, %add3A_309 : i32
          %dma_start3A_311 = arith.constant 1 : i32
          %dma_start3A_312 = arith.constant 0 : i32
          %dma_start3A_313 = tpu.memref_slice %arg10[%add3A_310, %dma_start3A_312] : memref<40x128xi32, #tpu.memory_space<vmem>> -> memref<1x128xi32, #tpu.memory_space<vmem>>
          %dma_start3A_314 = tpu.memref_squeeze %dma_start3A_313 : memref<1x128xi32, #tpu.memory_space<vmem>> -> memref<128xi32, #tpu.memory_space<vmem>>
          %dma_start3A_315 = arith.constant 0 : i32
          %dma_start3A_316 = tpu.memref_slice %arg3[%add3A_308, %dma_start3A_311, %dma_start3A_315] : memref<2500x2x128xi32, #tpu.memory_space<hbm>> -> memref<1x1x128xi32, #tpu.memory_space<hbm>>
          %dma_start3A_317 = tpu.memref_squeeze %dma_start3A_316 : memref<1x1x128xi32, #tpu.memory_space<hbm>> -> memref<128xi32, #tpu.memory_space<hbm>>
          %dma_start3A_318 = arith.constant 0 : i32
          %dma_start3A_319 = tpu.memref_slice %arg10[%add3A_310, %dma_start3A_318] : memref<40x128xi32, #tpu.memory_space<vmem>> -> memref<1x128xi32, #tpu.memory_space<vmem>>
          %dma_start3A_320 = tpu.memref_squeeze %dma_start3A_319 : memref<1x128xi32, #tpu.memory_space<vmem>> -> memref<128xi32, #tpu.memory_space<vmem>>
          %dma_start3A_321 = arith.constant 0 : i32
          %dma_start3A_322 = tpu.memref_slice %arg3[%add3A_308, %dma_start3A_311, %dma_start3A_321] : memref<2500x2x128xi32, #tpu.memory_space<hbm>> -> memref<1x1x128xi32, #tpu.memory_space<hbm>>
          %dma_start3A_323 = tpu.memref_squeeze %dma_start3A_322 : memref<1x1x128xi32, #tpu.memory_space<hbm>> -> memref<128xi32, #tpu.memory_space<hbm>>
          tpu.enqueue_dma source(%dma_start3A_323 : memref<128xi32, #tpu.memory_space<hbm>>) target(%dma_start3A_320 : memref<128xi32, #tpu.memory_space<vmem>>) target_semaphore(%arg14 : memref<!tpu.dma_semaphore, #tpu.memory_space<semaphore_mem>>)
        } else {
        }
      }
      %scan3A_280 = arith.constant 40 : i32
    } else {
    }
    %eq3A_90 = arith.constant 31 : i32
    %eq3A_91 = arith.cmpi eq, %add3A, %eq3A_90 : i32
    %convert_element_type3A_92 = arith.extui %eq3A_91 : i1 to i32
    %cond3A_93 = arith.constant 0 : i32
    %cond3A_94 = arith.cmpi ne, %convert_element_type3A_92, %cond3A_93 : i32
    scf.if %cond3A_94 {
      %sub3A = arith.constant 2480 : i32
      %sub3A_148 = arith.subi %add3A_74, %sub3A : i32
      %add3A_149 = arith.constant 0 : i32
      %add3A_150 = arith.addi %sub3A_148, %add3A_149 : i32
      %mul3A_151 = arith.constant 128 : i32
      %mul3A_152 = arith.muli %add3A_150, %mul3A_151 : i32
      %dma_start3A_153 = arith.constant 0 : i32
      %dma_start3A_154 = arith.constant 0 : i32
      %dma_start3A_155 = tpu.memref_slice %arg10[%dma_start3A_153, %dma_start3A_154] : memref<40x128xi32, #tpu.memory_space<vmem>> -> memref<1x128xi32, #tpu.memory_space<vmem>>
      %dma_start3A_156 = tpu.memref_squeeze %dma_start3A_155 : memref<1x128xi32, #tpu.memory_space<vmem>> -> memref<128xi32, #tpu.memory_space<vmem>>
      %dma_start3A_157 = tpu.memref_slice %arg5[%mul3A_152] : memref<10240xi32, #tpu.memory_space<hbm>> -> memref<128xi32, #tpu.memory_space<hbm>>
      %dma_start3A_158 = arith.constant 0 : i32
      %dma_start3A_159 = tpu.memref_slice %arg10[%dma_start3A_153, %dma_start3A_158] : memref<40x128xi32, #tpu.memory_space<vmem>> -> memref<1x128xi32, #tpu.memory_space<vmem>>
      %dma_start3A_160 = tpu.memref_squeeze %dma_start3A_159 : memref<1x128xi32, #tpu.memory_space<vmem>> -> memref<128xi32, #tpu.memory_space<vmem>>
      %dma_start3A_161 = tpu.memref_slice %arg5[%mul3A_152] : memref<10240xi32, #tpu.memory_space<hbm>> -> memref<128xi32, #tpu.memory_space<hbm>>
      tpu.enqueue_dma source(%dma_start3A_161 : memref<128xi32, #tpu.memory_space<hbm>>) target(%dma_start3A_160 : memref<128xi32, #tpu.memory_space<vmem>>) target_semaphore(%arg14 : memref<!tpu.dma_semaphore, #tpu.memory_space<semaphore_mem>>)
      %sub3A_162 = arith.constant 2480 : i32
      %sub3A_163 = arith.subi %add3A_74, %sub3A_162 : i32
      %add3A_164 = arith.constant 1 : i32
      %add3A_165 = arith.addi %sub3A_163, %add3A_164 : i32
      %mul3A_166 = arith.constant 128 : i32
      %mul3A_167 = arith.muli %add3A_165, %mul3A_166 : i32
      %dma_start3A_168 = arith.constant 1 : i32
      %dma_start3A_169 = arith.constant 0 : i32
      %dma_start3A_170 = tpu.memref_slice %arg10[%dma_start3A_168, %dma_start3A_169] : memref<40x128xi32, #tpu.memory_space<vmem>> -> memref<1x128xi32, #tpu.memory_space<vmem>>
      %dma_start3A_171 = tpu.memref_squeeze %dma_start3A_170 : memref<1x128xi32, #tpu.memory_space<vmem>> -> memref<128xi32, #tpu.memory_space<vmem>>
      %dma_start3A_172 = tpu.memref_slice %arg5[%mul3A_167] : memref<10240xi32, #tpu.memory_space<hbm>> -> memref<128xi32, #tpu.memory_space<hbm>>
      %dma_start3A_173 = arith.constant 0 : i32
      %dma_start3A_174 = tpu.memref_slice %arg10[%dma_start3A_168, %dma_start3A_173] : memref<40x128xi32, #tpu.memory_space<vmem>> -> memref<1x128xi32, #tpu.memory_space<vmem>>
      %dma_start3A_175 = tpu.memref_squeeze %dma_start3A_174 : memref<1x128xi32, #tpu.memory_space<vmem>> -> memref<128xi32, #tpu.memory_space<vmem>>
      %dma_start3A_176 = tpu.memref_slice %arg5[%mul3A_167] : memref<10240xi32, #tpu.memory_space<hbm>> -> memref<128xi32, #tpu.memory_space<hbm>>
      tpu.enqueue_dma source(%dma_start3A_176 : memref<128xi32, #tpu.memory_space<hbm>>) target(%dma_start3A_175 : memref<128xi32, #tpu.memory_space<vmem>>) target_semaphore(%arg14 : memref<!tpu.dma_semaphore, #tpu.memory_space<semaphore_mem>>)
      %sub3A_177 = arith.constant 2480 : i32
      %sub3A_178 = arith.subi %add3A_74, %sub3A_177 : i32
      %add3A_179 = arith.constant 2 : i32
      %add3A_180 = arith.addi %sub3A_178, %add3A_179 : i32
      %mul3A_181 = arith.constant 128 : i32
      %mul3A_182 = arith.muli %add3A_180, %mul3A_181 : i32
      %dma_start3A_183 = arith.constant 2 : i32
      %dma_start3A_184 = arith.constant 0 : i32
      %dma_start3A_185 = tpu.memref_slice %arg10[%dma_start3A_183, %dma_start3A_184] : memref<40x128xi32, #tpu.memory_space<vmem>> -> memref<1x128xi32, #tpu.memory_space<vmem>>
      %dma_start3A_186 = tpu.memref_squeeze %dma_start3A_185 : memref<1x128xi32, #tpu.memory_space<vmem>> -> memref<128xi32, #tpu.memory_space<vmem>>
      %dma_start3A_187 = tpu.memref_slice %arg5[%mul3A_182] : memref<10240xi32, #tpu.memory_space<hbm>> -> memref<128xi32, #tpu.memory_space<hbm>>
      %dma_start3A_188 = arith.constant 0 : i32
      %dma_start3A_189 = tpu.memref_slice %arg10[%dma_start3A_183, %dma_start3A_188] : memref<40x128xi32, #tpu.memory_space<vmem>> -> memref<1x128xi32, #tpu.memory_space<vmem>>
      %dma_start3A_190 = tpu.memref_squeeze %dma_start3A_189 : memref<1x128xi32, #tpu.memory_space<vmem>> -> memref<128xi32, #tpu.memory_space<vmem>>
      %dma_start3A_191 = tpu.memref_slice %arg5[%mul3A_182] : memref<10240xi32, #tpu.memory_space<hbm>> -> memref<128xi32, #tpu.memory_space<hbm>>
      tpu.enqueue_dma source(%dma_start3A_191 : memref<128xi32, #tpu.memory_space<hbm>>) target(%dma_start3A_190 : memref<128xi32, #tpu.memory_space<vmem>>) target_semaphore(%arg14 : memref<!tpu.dma_semaphore, #tpu.memory_space<semaphore_mem>>)
      %sub3A_192 = arith.constant 2480 : i32
      %sub3A_193 = arith.subi %add3A_74, %sub3A_192 : i32
      %add3A_194 = arith.constant 3 : i32
      %add3A_195 = arith.addi %sub3A_193, %add3A_194 : i32
      %mul3A_196 = arith.constant 128 : i32
      %mul3A_197 = arith.muli %add3A_195, %mul3A_196 : i32
      %dma_start3A_198 = arith.constant 3 : i32
      %dma_start3A_199 = arith.constant 0 : i32
      %dma_start3A_200 = tpu.memref_slice %arg10[%dma_start3A_198, %dma_start3A_199] : memref<40x128xi32, #tpu.memory_space<vmem>> -> memref<1x128xi32, #tpu.memory_space<vmem>>
      %dma_start3A_201 = tpu.memref_squeeze %dma_start3A_200 : memref<1x128xi32, #tpu.memory_space<vmem>> -> memref<128xi32, #tpu.memory_space<vmem>>
      %dma_start3A_202 = tpu.memref_slice %arg5[%mul3A_197] : memref<10240xi32, #tpu.memory_space<hbm>> -> memref<128xi32, #tpu.memory_space<hbm>>
      %dma_start3A_203 = arith.constant 0 : i32
      %dma_start3A_204 = tpu.memref_slice %arg10[%dma_start3A_198, %dma_start3A_203] : memref<40x128xi32, #tpu.memory_space<vmem>> -> memref<1x128xi32, #tpu.memory_space<vmem>>
      %dma_start3A_205 = tpu.memref_squeeze %dma_start3A_204 : memref<1x128xi32, #tpu.memory_space<vmem>> -> memref<128xi32, #tpu.memory_space<vmem>>
      %dma_start3A_206 = tpu.memref_slice %arg5[%mul3A_197] : memref<10240xi32, #tpu.memory_space<hbm>> -> memref<128xi32, #tpu.memory_space<hbm>>
      tpu.enqueue_dma source(%dma_start3A_206 : memref<128xi32, #tpu.memory_space<hbm>>) target(%dma_start3A_205 : memref<128xi32, #tpu.memory_space<vmem>>) target_semaphore(%arg14 : memref<!tpu.dma_semaphore, #tpu.memory_space<semaphore_mem>>)
      %sub3A_207 = arith.constant 2480 : i32
      %sub3A_208 = arith.subi %add3A_74, %sub3A_207 : i32
      %add3A_209 = arith.constant 4 : i32
      %add3A_210 = arith.addi %sub3A_208, %add3A_209 : i32
      %mul3A_211 = arith.constant 128 : i32
      %mul3A_212 = arith.muli %add3A_210, %mul3A_211 : i32
      %dma_start3A_213 = arith.constant 4 : i32
      %dma_start3A_214 = arith.constant 0 : i32
      %dma_start3A_215 = tpu.memref_slice %arg10[%dma_start3A_213, %dma_start3A_214] : memref<40x128xi32, #tpu.memory_space<vmem>> -> memref<1x128xi32, #tpu.memory_space<vmem>>
      %dma_start3A_216 = tpu.memref_squeeze %dma_start3A_215 : memref<1x128xi32, #tpu.memory_space<vmem>> -> memref<128xi32, #tpu.memory_space<vmem>>
      %dma_start3A_217 = tpu.memref_slice %arg5[%mul3A_212] : memref<10240xi32, #tpu.memory_space<hbm>> -> memref<128xi32, #tpu.memory_space<hbm>>
      %dma_start3A_218 = arith.constant 0 : i32
      %dma_start3A_219 = tpu.memref_slice %arg10[%dma_start3A_213, %dma_start3A_218] : memref<40x128xi32, #tpu.memory_space<vmem>> -> memref<1x128xi32, #tpu.memory_space<vmem>>
      %dma_start3A_220 = tpu.memref_squeeze %dma_start3A_219 : memref<1x128xi32, #tpu.memory_space<vmem>> -> memref<128xi32, #tpu.memory_space<vmem>>
      %dma_start3A_221 = tpu.memref_slice %arg5[%mul3A_212] : memref<10240xi32, #tpu.memory_space<hbm>> -> memref<128xi32, #tpu.memory_space<hbm>>
      tpu.enqueue_dma source(%dma_start3A_221 : memref<128xi32, #tpu.memory_space<hbm>>) target(%dma_start3A_220 : memref<128xi32, #tpu.memory_space<vmem>>) target_semaphore(%arg14 : memref<!tpu.dma_semaphore, #tpu.memory_space<semaphore_mem>>)
      %sub3A_222 = arith.constant 2480 : i32
      %sub3A_223 = arith.subi %add3A_74, %sub3A_222 : i32
      %add3A_224 = arith.constant 5 : i32
      %add3A_225 = arith.addi %sub3A_223, %add3A_224 : i32
      %mul3A_226 = arith.constant 128 : i32
      %mul3A_227 = arith.muli %add3A_225, %mul3A_226 : i32
      %dma_start3A_228 = arith.constant 5 : i32
      %dma_start3A_229 = arith.constant 0 : i32
      %dma_start3A_230 = tpu.memref_slice %arg10[%dma_start3A_228, %dma_start3A_229] : memref<40x128xi32, #tpu.memory_space<vmem>> -> memref<1x128xi32, #tpu.memory_space<vmem>>
      %dma_start3A_231 = tpu.memref_squeeze %dma_start3A_230 : memref<1x128xi32, #tpu.memory_space<vmem>> -> memref<128xi32, #tpu.memory_space<vmem>>
      %dma_start3A_232 = tpu.memref_slice %arg5[%mul3A_227] : memref<10240xi32, #tpu.memory_space<hbm>> -> memref<128xi32, #tpu.memory_space<hbm>>
      %dma_start3A_233 = arith.constant 0 : i32
      %dma_start3A_234 = tpu.memref_slice %arg10[%dma_start3A_228, %dma_start3A_233] : memref<40x128xi32, #tpu.memory_space<vmem>> -> memref<1x128xi32, #tpu.memory_space<vmem>>
      %dma_start3A_235 = tpu.memref_squeeze %dma_start3A_234 : memref<1x128xi32, #tpu.memory_space<vmem>> -> memref<128xi32, #tpu.memory_space<vmem>>
      %dma_start3A_236 = tpu.memref_slice %arg5[%mul3A_227] : memref<10240xi32, #tpu.memory_space<hbm>> -> memref<128xi32, #tpu.memory_space<hbm>>
      tpu.enqueue_dma source(%dma_start3A_236 : memref<128xi32, #tpu.memory_space<hbm>>) target(%dma_start3A_235 : memref<128xi32, #tpu.memory_space<vmem>>) target_semaphore(%arg14 : memref<!tpu.dma_semaphore, #tpu.memory_space<semaphore_mem>>)
      %sub3A_237 = arith.constant 2480 : i32
      %sub3A_238 = arith.subi %add3A_74, %sub3A_237 : i32
      %add3A_239 = arith.constant 6 : i32
      %add3A_240 = arith.addi %sub3A_238, %add3A_239 : i32
      %mul3A_241 = arith.constant 128 : i32
      %mul3A_242 = arith.muli %add3A_240, %mul3A_241 : i32
      %dma_start3A_243 = arith.constant 6 : i32
      %dma_start3A_244 = arith.constant 0 : i32
      %dma_start3A_245 = tpu.memref_slice %arg10[%dma_start3A_243, %dma_start3A_244] : memref<40x128xi32, #tpu.memory_space<vmem>> -> memref<1x128xi32, #tpu.memory_space<vmem>>
      %dma_start3A_246 = tpu.memref_squeeze %dma_start3A_245 : memref<1x128xi32, #tpu.memory_space<vmem>> -> memref<128xi32, #tpu.memory_space<vmem>>
      %dma_start3A_247 = tpu.memref_slice %arg5[%mul3A_242] : memref<10240xi32, #tpu.memory_space<hbm>> -> memref<128xi32, #tpu.memory_space<hbm>>
      %dma_start3A_248 = arith.constant 0 : i32
      %dma_start3A_249 = tpu.memref_slice %arg10[%dma_start3A_243, %dma_start3A_248] : memref<40x128xi32, #tpu.memory_space<vmem>> -> memref<1x128xi32, #tpu.memory_space<vmem>>
      %dma_start3A_250 = tpu.memref_squeeze %dma_start3A_249 : memref<1x128xi32, #tpu.memory_space<vmem>> -> memref<128xi32, #tpu.memory_space<vmem>>
      %dma_start3A_251 = tpu.memref_slice %arg5[%mul3A_242] : memref<10240xi32, #tpu.memory_space<hbm>> -> memref<128xi32, #tpu.memory_space<hbm>>
      tpu.enqueue_dma source(%dma_start3A_251 : memref<128xi32, #tpu.memory_space<hbm>>) target(%dma_start3A_250 : memref<128xi32, #tpu.memory_space<vmem>>) target_semaphore(%arg14 : memref<!tpu.dma_semaphore, #tpu.memory_space<semaphore_mem>>)
      %sub3A_252 = arith.constant 2480 : i32
      %sub3A_253 = arith.subi %add3A_74, %sub3A_252 : i32
      %add3A_254 = arith.constant 7 : i32
      %add3A_255 = arith.addi %sub3A_253, %add3A_254 : i32
      %mul3A_256 = arith.constant 128 : i32
      %mul3A_257 = arith.muli %add3A_255, %mul3A_256 : i32
      %dma_start3A_258 = arith.constant 7 : i32
      %dma_start3A_259 = arith.constant 0 : i32
      %dma_start3A_260 = tpu.memref_slice %arg10[%dma_start3A_258, %dma_start3A_259] : memref<40x128xi32, #tpu.memory_space<vmem>> -> memref<1x128xi32, #tpu.memory_space<vmem>>
      %dma_start3A_261 = tpu.memref_squeeze %dma_start3A_260 : memref<1x128xi32, #tpu.memory_space<vmem>> -> memref<128xi32, #tpu.memory_space<vmem>>
      %dma_start3A_262 = tpu.memref_slice %arg5[%mul3A_257] : memref<10240xi32, #tpu.memory_space<hbm>> -> memref<128xi32, #tpu.memory_space<hbm>>
      %dma_start3A_263 = arith.constant 0 : i32
      %dma_start3A_264 = tpu.memref_slice %arg10[%dma_start3A_258, %dma_start3A_263] : memref<40x128xi32, #tpu.memory_space<vmem>> -> memref<1x128xi32, #tpu.memory_space<vmem>>
      %dma_start3A_265 = tpu.memref_squeeze %dma_start3A_264 : memref<1x128xi32, #tpu.memory_space<vmem>> -> memref<128xi32, #tpu.memory_space<vmem>>
      %dma_start3A_266 = tpu.memref_slice %arg5[%mul3A_257] : memref<10240xi32, #tpu.memory_space<hbm>> -> memref<128xi32, #tpu.memory_space<hbm>>
      tpu.enqueue_dma source(%dma_start3A_266 : memref<128xi32, #tpu.memory_space<hbm>>) target(%dma_start3A_265 : memref<128xi32, #tpu.memory_space<vmem>>) target_semaphore(%arg14 : memref<!tpu.dma_semaphore, #tpu.memory_space<semaphore_mem>>)
      %scan3A_267 = arith.constant 0 : i32
      %scan3A_268 = arith.constant 40 : i32
      %scan3A_269 = arith.addi %scan3A_267, %scan3A_268 : i32
      %scan3A_270 = arith.constant 1 : i32
      scf.for %scan3A_272 = %scan3A_267 to %scan3A_269 step %scan3A_270  : i32 {
        %mul3A_273 = arith.constant 1 : i32
        %mul3A_274 = arith.muli %scan3A_272, %mul3A_273 : i32
        %add3A_275 = arith.constant 0 : i32
        %add3A_276 = arith.addi %add3A_275, %mul3A_274 : i32
        %sub3A_277 = arith.constant 2480 : i32
        %sub3A_278 = arith.subi %add3A_74, %sub3A_277 : i32
        %add3A_279 = arith.addi %sub3A_278, %add3A_276 : i32
        %mul3A_280 = arith.constant 128 : i32
        %mul3A_281 = arith.muli %add3A_279, %mul3A_280 : i32
        %dma_wait3A = arith.constant 0 : i32
        %dma_wait3A_282 = tpu.memref_slice %arg10[%add3A_276, %dma_wait3A] : memref<40x128xi32, #tpu.memory_space<vmem>> -> memref<1x128xi32, #tpu.memory_space<vmem>>
        %dma_wait3A_283 = tpu.memref_squeeze %dma_wait3A_282 : memref<1x128xi32, #tpu.memory_space<vmem>> -> memref<128xi32, #tpu.memory_space<vmem>>
        %dma_wait3A_284 = tpu.memref_slice %arg5[%mul3A_281] : memref<10240xi32, #tpu.memory_space<hbm>> -> memref<128xi32, #tpu.memory_space<hbm>>
        %dma_wait3A_285 = arith.constant 0 : i32
        %dma_wait3A_286 = tpu.memref_slice %arg10[%add3A_276, %dma_wait3A_285] : memref<40x128xi32, #tpu.memory_space<vmem>> -> memref<1x128xi32, #tpu.memory_space<vmem>>
        %dma_wait3A_287 = tpu.memref_squeeze %dma_wait3A_286 : memref<1x128xi32, #tpu.memory_space<vmem>> -> memref<128xi32, #tpu.memory_space<vmem>>
        %dma_wait3A_288 = tpu.memref_slice %arg5[%mul3A_281] : memref<10240xi32, #tpu.memory_space<hbm>> -> memref<128xi32, #tpu.memory_space<hbm>>
        tpu.wait_dma2 semaphore(%arg14 : memref<!tpu.dma_semaphore, #tpu.memory_space<semaphore_mem>>) src(%dma_wait3A_288 : memref<128xi32, #tpu.memory_space<hbm>>) dst(%dma_wait3A_287 : memref<128xi32, #tpu.memory_space<vmem>>)
        %add3A_289 = arith.constant 8 : i32
        %add3A_290 = arith.addi %add3A_276, %add3A_289 : i32
        %lt3A_291 = arith.constant 40 : i32
        %lt3A_292 = arith.cmpi slt, %add3A_290, %lt3A_291 : i32
        %convert_element_type3A_293 = arith.extui %lt3A_292 : i1 to i32
        %cond3A_294 = arith.constant 0 : i32
        %cond3A_295 = arith.cmpi ne, %convert_element_type3A_293, %cond3A_294 : i32
        scf.if %cond3A_295 {
          %add3A_296 = arith.constant 8 : i32
          %add3A_297 = arith.addi %add3A_276, %add3A_296 : i32
          %sub3A_298 = arith.constant 2480 : i32
          %sub3A_299 = arith.subi %add3A_74, %sub3A_298 : i32
          %add3A_300 = arith.addi %sub3A_299, %add3A_297 : i32
          %mul3A_301 = arith.constant 128 : i32
          %mul3A_302 = arith.muli %add3A_300, %mul3A_301 : i32
          %add3A_303 = arith.constant 8 : i32
          %add3A_304 = arith.addi %add3A_276, %add3A_303 : i32
          %dma_start3A_305 = arith.constant 0 : i32
          %dma_start3A_306 = tpu.memref_slice %arg10[%add3A_304, %dma_start3A_305] : memref<40x128xi32, #tpu.memory_space<vmem>> -> memref<1x128xi32, #tpu.memory_space<vmem>>
          %dma_start3A_307 = tpu.memref_squeeze %dma_start3A_306 : memref<1x128xi32, #tpu.memory_space<vmem>> -> memref<128xi32, #tpu.memory_space<vmem>>
          %dma_start3A_308 = tpu.memref_slice %arg5[%mul3A_302] : memref<10240xi32, #tpu.memory_space<hbm>> -> memref<128xi32, #tpu.memory_space<hbm>>
          %dma_start3A_309 = arith.constant 0 : i32
          %dma_start3A_310 = tpu.memref_slice %arg10[%add3A_304, %dma_start3A_309] : memref<40x128xi32, #tpu.memory_space<vmem>> -> memref<1x128xi32, #tpu.memory_space<vmem>>
          %dma_start3A_311 = tpu.memref_squeeze %dma_start3A_310 : memref<1x128xi32, #tpu.memory_space<vmem>> -> memref<128xi32, #tpu.memory_space<vmem>>
          %dma_start3A_312 = tpu.memref_slice %arg5[%mul3A_302] : memref<10240xi32, #tpu.memory_space<hbm>> -> memref<128xi32, #tpu.memory_space<hbm>>
          tpu.enqueue_dma source(%dma_start3A_312 : memref<128xi32, #tpu.memory_space<hbm>>) target(%dma_start3A_311 : memref<128xi32, #tpu.memory_space<vmem>>) target_semaphore(%arg14 : memref<!tpu.dma_semaphore, #tpu.memory_space<semaphore_mem>>)
        } else {
        }
      }
      %scan3A_271 = arith.constant 40 : i32
    } else {
    }
    %dma_start3A_95 = arith.constant 0 : i32
    %dma_start3A_96 = arith.constant 0 : i32
    %dma_start3A_97 = arith.constant 0 : i32
    %dma_start3A_98 = arith.constant 0 : i32
    %dma_start3A_99 = tpu.memref_slice %arg11[%dma_start3A_96, %dma_start3A_97, %dma_start3A_98] : memref<2x128x128xf32, #tpu.memory_space<vmem>> -> memref<1x128x128xf32, #tpu.memory_space<vmem>>
    %dma_start3A_100 = tpu.memref_squeeze %dma_start3A_99 : memref<1x128x128xf32, #tpu.memory_space<vmem>> -> memref<128x128xf32, #tpu.memory_space<vmem>>
    %dma_start3A_101 = arith.constant 0 : i32
    %dma_start3A_102 = tpu.memref_slice %arg9[%dma_start3A_95, %dma_start3A_101] : memref<40x128xi32, #tpu.memory_space<vmem>> -> memref<1x128xi32, #tpu.memory_space<vmem>>
    %dma_start3A_103 = tpu.memref_squeeze %dma_start3A_102 : memref<1x128xi32, #tpu.memory_space<vmem>> -> memref<128xi32, #tpu.memory_space<vmem>>
    %dma_start3A_104 = arith.constant 0 : i32
    %dma_start3A_105 = arith.constant 0 : i32
    %dma_start3A_106 = tpu.memref_slice %arg2[%dma_start3A_104, %dma_start3A_105] : memref<10000x128xf32, #tpu.memory_space<hbm>> -> memref<10000x128xf32, #tpu.memory_space<hbm>>
    tpu.enqueue_indirect_dma source(%dma_start3A_106 : memref<10000x128xf32, #tpu.memory_space<hbm>>) target(%dma_start3A_100 : memref<128x128xf32, #tpu.memory_space<vmem>>) offsets(%dma_start3A_103 : memref<128xi32, #tpu.memory_space<vmem>>) semaphore(%arg13 : memref<!tpu.dma_semaphore, #tpu.memory_space<semaphore_mem>>)
    %scan3A_107 = arith.constant 0 : i32
    %scan3A_108 = arith.constant 20 : i32
    %scan3A_109 = arith.addi %scan3A_107, %scan3A_108 : i32
    %scan3A_110 = arith.constant 1 : i32
    scf.for %scan3A_148 = %scan3A_107 to %scan3A_109 step %scan3A_110  : i32 {
      %mul3A_149 = arith.constant 2 : i32
      %mul3A_150 = arith.muli %scan3A_148, %mul3A_149 : i32
      %add3A_151 = arith.constant 0 : i32
      %add3A_152 = arith.addi %add3A_151, %mul3A_150 : i32
      %add3A_153 = arith.constant 0 : i32
      %add3A_154 = arith.addi %add3A_152, %add3A_153 : i32
      %dma_wait3A = arith.constant 0 : i32
      %dma_wait3A_155 = arith.constant 0 : i32
      %dma_wait3A_156 = arith.constant 0 : i32
      %dma_wait3A_157 = tpu.memref_slice %arg11[%dma_wait3A, %dma_wait3A_155, %dma_wait3A_156] : memref<2x128x128xf32, #tpu.memory_space<vmem>> -> memref<1x128x128xf32, #tpu.memory_space<vmem>>
      %dma_wait3A_158 = tpu.memref_squeeze %dma_wait3A_157 : memref<1x128x128xf32, #tpu.memory_space<vmem>> -> memref<128x128xf32, #tpu.memory_space<vmem>>
      %dma_wait3A_159 = arith.constant 0 : i32
      %dma_wait3A_160 = tpu.memref_slice %arg9[%add3A_154, %dma_wait3A_159] : memref<40x128xi32, #tpu.memory_space<vmem>> -> memref<1x128xi32, #tpu.memory_space<vmem>>
      %dma_wait3A_161 = tpu.memref_squeeze %dma_wait3A_160 : memref<1x128xi32, #tpu.memory_space<vmem>> -> memref<128xi32, #tpu.memory_space<vmem>>
      %dma_wait3A_162 = arith.constant 0 : i32
      %dma_wait3A_163 = arith.constant 0 : i32
      %dma_wait3A_164 = tpu.memref_slice %arg2[%dma_wait3A_162, %dma_wait3A_163] : memref<10000x128xf32, #tpu.memory_space<hbm>> -> memref<10000x128xf32, #tpu.memory_space<hbm>>
      tpu.wait_indirect_dma semaphore(%arg13 : memref<!tpu.dma_semaphore, #tpu.memory_space<semaphore_mem>>) src(%dma_wait3A_164 : memref<10000x128xf32, #tpu.memory_space<hbm>>) dst(%dma_wait3A_158 : memref<128x128xf32, #tpu.memory_space<vmem>>)
      %add3A_165 = arith.constant 1 : i32
      %add3A_166 = arith.addi %add3A_154, %add3A_165 : i32
      %lt3A_167 = arith.constant 40 : i32
      %lt3A_168 = arith.cmpi slt, %add3A_166, %lt3A_167 : i32
      %convert_element_type3A_169 = arith.extui %lt3A_168 : i1 to i32
      %cond3A_170 = arith.constant 0 : i32
      %cond3A_171 = arith.cmpi ne, %convert_element_type3A_169, %cond3A_170 : i32
      scf.if %cond3A_171 {
        %add3A_194 = arith.constant 1 : i32
        %add3A_195 = arith.addi %add3A_154, %add3A_194 : i32
        %dma_start3A_196 = arith.constant 1 : i32
        %dma_start3A_197 = arith.constant 0 : i32
        %dma_start3A_198 = arith.constant 0 : i32
        %dma_start3A_199 = tpu.memref_slice %arg11[%dma_start3A_196, %dma_start3A_197, %dma_start3A_198] : memref<2x128x128xf32, #tpu.memory_space<vmem>> -> memref<1x128x128xf32, #tpu.memory_space<vmem>>
        %dma_start3A_200 = tpu.memref_squeeze %dma_start3A_199 : memref<1x128x128xf32, #tpu.memory_space<vmem>> -> memref<128x128xf32, #tpu.memory_space<vmem>>
        %dma_start3A_201 = arith.constant 0 : i32
        %dma_start3A_202 = tpu.memref_slice %arg9[%add3A_195, %dma_start3A_201] : memref<40x128xi32, #tpu.memory_space<vmem>> -> memref<1x128xi32, #tpu.memory_space<vmem>>
        %dma_start3A_203 = tpu.memref_squeeze %dma_start3A_202 : memref<1x128xi32, #tpu.memory_space<vmem>> -> memref<128xi32, #tpu.memory_space<vmem>>
        %dma_start3A_204 = arith.constant 0 : i32
        %dma_start3A_205 = arith.constant 0 : i32
        %dma_start3A_206 = tpu.memref_slice %arg2[%dma_start3A_204, %dma_start3A_205] : memref<10000x128xf32, #tpu.memory_space<hbm>> -> memref<10000x128xf32, #tpu.memory_space<hbm>>
        tpu.enqueue_indirect_dma source(%dma_start3A_206 : memref<10000x128xf32, #tpu.memory_space<hbm>>) target(%dma_start3A_200 : memref<128x128xf32, #tpu.memory_space<vmem>>) offsets(%dma_start3A_203 : memref<128xi32, #tpu.memory_space<vmem>>) semaphore(%arg14 : memref<!tpu.dma_semaphore, #tpu.memory_space<semaphore_mem>>)
      } else {
      }
      %run_scoped3A_172 = arith.constant 0 : i32
      "tpu.region"() ({
        %run_scoped3A_194 = tpu.sem_alloc : memref<!tpu.dma_semaphore, #tpu.memory_space<semaphore_mem>>
        %dma_start3A_195 = arith.constant 0 : i32
        %dma_start3A_196 = arith.constant 0 : i32
        %dma_start3A_197 = tpu.memref_slice %arg11[%run_scoped3A_172, %dma_start3A_195, %dma_start3A_196] : memref<2x128x128xf32, #tpu.memory_space<vmem>> -> memref<1x128x128xf32, #tpu.memory_space<vmem>>
        %dma_start3A_198 = tpu.memref_squeeze %dma_start3A_197 : memref<1x128x128xf32, #tpu.memory_space<vmem>> -> memref<128x128xf32, #tpu.memory_space<vmem>>
        %dma_start3A_199 = arith.constant 0 : i32
        %dma_start3A_200 = tpu.memref_slice %arg10[%add3A_154, %dma_start3A_199] : memref<40x128xi32, #tpu.memory_space<vmem>> -> memref<1x128xi32, #tpu.memory_space<vmem>>
        %dma_start3A_201 = tpu.memref_squeeze %dma_start3A_200 : memref<1x128xi32, #tpu.memory_space<vmem>> -> memref<128xi32, #tpu.memory_space<vmem>>
        %dma_start3A_202 = arith.constant 0 : i32
        %dma_start3A_203 = arith.constant 0 : i32
        %dma_start3A_204 = tpu.memref_slice %arg12[%dma_start3A_202, %dma_start3A_203] : memref<10112x128xf32, #tpu.memory_space<vmem_shared>> -> memref<10112x128xf32, #tpu.memory_space<vmem_shared>>
        tpu.enqueue_indirect_dma source(%dma_start3A_198 : memref<128x128xf32, #tpu.memory_space<vmem>>) target(%dma_start3A_204 : memref<10112x128xf32, #tpu.memory_space<vmem_shared>>) offsets(%dma_start3A_201 : memref<128xi32, #tpu.memory_space<vmem>>) semaphore(%run_scoped3A_194 : memref<!tpu.dma_semaphore, #tpu.memory_space<semaphore_mem>>) {add = true}
        %dma_wait3A_205 = arith.constant 0 : i32
        %dma_wait3A_206 = arith.constant 0 : i32
        %dma_wait3A_207 = tpu.memref_slice %arg11[%run_scoped3A_172, %dma_wait3A_205, %dma_wait3A_206] : memref<2x128x128xf32, #tpu.memory_space<vmem>> -> memref<1x128x128xf32, #tpu.memory_space<vmem>>
        %dma_wait3A_208 = tpu.memref_squeeze %dma_wait3A_207 : memref<1x128x128xf32, #tpu.memory_space<vmem>> -> memref<128x128xf32, #tpu.memory_space<vmem>>
        %dma_wait3A_209 = arith.constant 0 : i32
        %dma_wait3A_210 = tpu.memref_slice %arg10[%add3A_154, %dma_wait3A_209] : memref<40x128xi32, #tpu.memory_space<vmem>> -> memref<1x128xi32, #tpu.memory_space<vmem>>
        %dma_wait3A_211 = tpu.memref_squeeze %dma_wait3A_210 : memref<1x128xi32, #tpu.memory_space<vmem>> -> memref<128xi32, #tpu.memory_space<vmem>>
        %dma_wait3A_212 = arith.constant 0 : i32
        %dma_wait3A_213 = arith.constant 0 : i32
        %dma_wait3A_214 = tpu.memref_slice %arg12[%dma_wait3A_212, %dma_wait3A_213] : memref<10112x128xf32, #tpu.memory_space<vmem_shared>> -> memref<10112x128xf32, #tpu.memory_space<vmem_shared>>
        tpu.wait_indirect_dma semaphore(%run_scoped3A_194 : memref<!tpu.dma_semaphore, #tpu.memory_space<semaphore_mem>>) src(%dma_wait3A_208 : memref<128x128xf32, #tpu.memory_space<vmem>>) dst(%dma_wait3A_214 : memref<10112x128xf32, #tpu.memory_space<vmem_shared>>)
        tpu.yield
      }) : () -> ()
      %add3A_173 = arith.constant 1 : i32
      %add3A_174 = arith.addi %add3A_152, %add3A_173 : i32
      %dma_wait3A_175 = arith.constant 1 : i32
      %dma_wait3A_176 = arith.constant 0 : i32
      %dma_wait3A_177 = arith.constant 0 : i32
      %dma_wait3A_178 = tpu.memref_slice %arg11[%dma_wait3A_175, %dma_wait3A_176, %dma_wait3A_177] : memref<2x128x128xf32, #tpu.memory_space<vmem>> -> memref<1x128x128xf32, #tpu.memory_space<vmem>>
      %dma_wait3A_179 = tpu.memref_squeeze %dma_wait3A_178 : memref<1x128x128xf32, #tpu.memory_space<vmem>> -> memref<128x128xf32, #tpu.memory_space<vmem>>
      %dma_wait3A_180 = arith.constant 0 : i32
      %dma_wait3A_181 = tpu.memref_slice %arg9[%add3A_174, %dma_wait3A_180] : memref<40x128xi32, #tpu.memory_space<vmem>> -> memref<1x128xi32, #tpu.memory_space<vmem>>
      %dma_wait3A_182 = tpu.memref_squeeze %dma_wait3A_181 : memref<1x128xi32, #tpu.memory_space<vmem>> -> memref<128xi32, #tpu.memory_space<vmem>>
      %dma_wait3A_183 = arith.constant 0 : i32
      %dma_wait3A_184 = arith.constant 0 : i32
      %dma_wait3A_185 = tpu.memref_slice %arg2[%dma_wait3A_183, %dma_wait3A_184] : memref<10000x128xf32, #tpu.memory_space<hbm>> -> memref<10000x128xf32, #tpu.memory_space<hbm>>
      tpu.wait_indirect_dma semaphore(%arg14 : memref<!tpu.dma_semaphore, #tpu.memory_space<semaphore_mem>>) src(%dma_wait3A_185 : memref<10000x128xf32, #tpu.memory_space<hbm>>) dst(%dma_wait3A_179 : memref<128x128xf32, #tpu.memory_space<vmem>>)
      %add3A_186 = arith.constant 1 : i32
      %add3A_187 = arith.addi %add3A_174, %add3A_186 : i32
      %lt3A_188 = arith.constant 40 : i32
      %lt3A_189 = arith.cmpi slt, %add3A_187, %lt3A_188 : i32
      %convert_element_type3A_190 = arith.extui %lt3A_189 : i1 to i32
      %cond3A_191 = arith.constant 0 : i32
      %cond3A_192 = arith.cmpi ne, %convert_element_type3A_190, %cond3A_191 : i32
      scf.if %cond3A_192 {
        %add3A_194 = arith.constant 1 : i32
        %add3A_195 = arith.addi %add3A_174, %add3A_194 : i32
        %dma_start3A_196 = arith.constant 0 : i32
        %dma_start3A_197 = arith.constant 0 : i32
        %dma_start3A_198 = arith.constant 0 : i32
        %dma_start3A_199 = tpu.memref_slice %arg11[%dma_start3A_196, %dma_start3A_197, %dma_start3A_198] : memref<2x128x128xf32, #tpu.memory_space<vmem>> -> memref<1x128x128xf32, #tpu.memory_space<vmem>>
        %dma_start3A_200 = tpu.memref_squeeze %dma_start3A_199 : memref<1x128x128xf32, #tpu.memory_space<vmem>> -> memref<128x128xf32, #tpu.memory_space<vmem>>
        %dma_start3A_201 = arith.constant 0 : i32
        %dma_start3A_202 = tpu.memref_slice %arg9[%add3A_195, %dma_start3A_201] : memref<40x128xi32, #tpu.memory_space<vmem>> -> memref<1x128xi32, #tpu.memory_space<vmem>>
        %dma_start3A_203 = tpu.memref_squeeze %dma_start3A_202 : memref<1x128xi32, #tpu.memory_space<vmem>> -> memref<128xi32, #tpu.memory_space<vmem>>
        %dma_start3A_204 = arith.constant 0 : i32
        %dma_start3A_205 = arith.constant 0 : i32
        %dma_start3A_206 = tpu.memref_slice %arg2[%dma_start3A_204, %dma_start3A_205] : memref<10000x128xf32, #tpu.memory_space<hbm>> -> memref<10000x128xf32, #tpu.memory_space<hbm>>
        tpu.enqueue_indirect_dma source(%dma_start3A_206 : memref<10000x128xf32, #tpu.memory_space<hbm>>) target(%dma_start3A_200 : memref<128x128xf32, #tpu.memory_space<vmem>>) offsets(%dma_start3A_203 : memref<128xi32, #tpu.memory_space<vmem>>) semaphore(%arg13 : memref<!tpu.dma_semaphore, #tpu.memory_space<semaphore_mem>>)
      } else {
      }
      %run_scoped3A_193 = arith.constant 1 : i32
      "tpu.region"() ({
        %run_scoped3A_194 = tpu.sem_alloc : memref<!tpu.dma_semaphore, #tpu.memory_space<semaphore_mem>>
        %dma_start3A_195 = arith.constant 0 : i32
        %dma_start3A_196 = arith.constant 0 : i32
        %dma_start3A_197 = tpu.memref_slice %arg11[%run_scoped3A_193, %dma_start3A_195, %dma_start3A_196] : memref<2x128x128xf32, #tpu.memory_space<vmem>> -> memref<1x128x128xf32, #tpu.memory_space<vmem>>
        %dma_start3A_198 = tpu.memref_squeeze %dma_start3A_197 : memref<1x128x128xf32, #tpu.memory_space<vmem>> -> memref<128x128xf32, #tpu.memory_space<vmem>>
        %dma_start3A_199 = arith.constant 0 : i32
        %dma_start3A_200 = tpu.memref_slice %arg10[%add3A_174, %dma_start3A_199] : memref<40x128xi32, #tpu.memory_space<vmem>> -> memref<1x128xi32, #tpu.memory_space<vmem>>
        %dma_start3A_201 = tpu.memref_squeeze %dma_start3A_200 : memref<1x128xi32, #tpu.memory_space<vmem>> -> memref<128xi32, #tpu.memory_space<vmem>>
        %dma_start3A_202 = arith.constant 0 : i32
        %dma_start3A_203 = arith.constant 0 : i32
        %dma_start3A_204 = tpu.memref_slice %arg12[%dma_start3A_202, %dma_start3A_203] : memref<10112x128xf32, #tpu.memory_space<vmem_shared>> -> memref<10112x128xf32, #tpu.memory_space<vmem_shared>>
        tpu.enqueue_indirect_dma source(%dma_start3A_198 : memref<128x128xf32, #tpu.memory_space<vmem>>) target(%dma_start3A_204 : memref<10112x128xf32, #tpu.memory_space<vmem_shared>>) offsets(%dma_start3A_201 : memref<128xi32, #tpu.memory_space<vmem>>) semaphore(%run_scoped3A_194 : memref<!tpu.dma_semaphore, #tpu.memory_space<semaphore_mem>>) {add = true}
        %dma_wait3A_205 = arith.constant 0 : i32
        %dma_wait3A_206 = arith.constant 0 : i32
        %dma_wait3A_207 = tpu.memref_slice %arg11[%run_scoped3A_193, %dma_wait3A_205, %dma_wait3A_206] : memref<2x128x128xf32, #tpu.memory_space<vmem>> -> memref<1x128x128xf32, #tpu.memory_space<vmem>>
        %dma_wait3A_208 = tpu.memref_squeeze %dma_wait3A_207 : memref<1x128x128xf32, #tpu.memory_space<vmem>> -> memref<128x128xf32, #tpu.memory_space<vmem>>
        %dma_wait3A_209 = arith.constant 0 : i32
        %dma_wait3A_210 = tpu.memref_slice %arg10[%add3A_174, %dma_wait3A_209] : memref<40x128xi32, #tpu.memory_space<vmem>> -> memref<1x128xi32, #tpu.memory_space<vmem>>
        %dma_wait3A_211 = tpu.memref_squeeze %dma_wait3A_210 : memref<1x128xi32, #tpu.memory_space<vmem>> -> memref<128xi32, #tpu.memory_space<vmem>>
        %dma_wait3A_212 = arith.constant 0 : i32
        %dma_wait3A_213 = arith.constant 0 : i32
        %dma_wait3A_214 = tpu.memref_slice %arg12[%dma_wait3A_212, %dma_wait3A_213] : memref<10112x128xf32, #tpu.memory_space<vmem_shared>> -> memref<10112x128xf32, #tpu.memory_space<vmem_shared>>
        tpu.wait_indirect_dma semaphore(%run_scoped3A_194 : memref<!tpu.dma_semaphore, #tpu.memory_space<semaphore_mem>>) src(%dma_wait3A_208 : memref<128x128xf32, #tpu.memory_space<vmem>>) dst(%dma_wait3A_214 : memref<10112x128xf32, #tpu.memory_space<vmem_shared>>)
        tpu.yield
      }) : () -> ()
    }
    %scan3A_111 = arith.constant 20 : i32
    %barrier3A_112 = arith.constant 0 : index
    tpu.barrier barrier_id(%barrier3A_112)
    %add3A_113 = arith.constant 0 : i32
    %add3A_114 = arith.addi %add3A_113, %arg1 : i32
    %lt3A_115 = arith.constant 79 : i32
    %lt3A_116 = arith.cmpi slt, %add3A_114, %lt3A_115 : i32
    %convert_element_type3A_117 = arith.extui %lt3A_116 : i1 to i32
    %cond3A_118 = arith.constant 0 : i32
    %cond3A_119 = arith.cmpi ne, %convert_element_type3A_117, %cond3A_118 : i32
    scf.if %cond3A_119 {
      %mul3A_148 = arith.constant 128 : i32
      %mul3A_149 = arith.muli %add3A_114, %mul3A_148 : i32
      %eq3A_150 = arith.constant 0 : i32
      %eq3A_151 = arith.cmpi eq, %arg0, %eq3A_150 : i32
      %convert_element_type3A_152 = arith.extui %eq3A_151 : i1 to i32
      %cond3A_153 = arith.constant 0 : i32
      %cond3A_154 = arith.cmpi ne, %convert_element_type3A_152, %cond3A_153 : i32
      scf.if %cond3A_154 {
        "tpu.region"() ({
          %run_scoped3A_160 = tpu.sem_alloc : memref<!tpu.dma_semaphore, #tpu.memory_space<semaphore_mem>>
          %dma_start3A_161 = arith.constant 0 : i32
          %dma_start3A_162 = tpu.memref_slice %arg7[%mul3A_149, %dma_start3A_161] : memref<10112x128xf32, #tpu.memory_space<hbm>> -> memref<128x128xf32, #tpu.memory_space<hbm>>
          %dma_start3A_163 = arith.constant 0 : i32
          %dma_start3A_164 = tpu.memref_slice %arg12[%mul3A_149, %dma_start3A_163] : memref<10112x128xf32, #tpu.memory_space<vmem_shared>> -> memref<128x128xf32, #tpu.memory_space<vmem_shared>>
          tpu.enqueue_dma source(%dma_start3A_164 : memref<128x128xf32, #tpu.memory_space<vmem_shared>>) target(%dma_start3A_162 : memref<128x128xf32, #tpu.memory_space<hbm>>) target_semaphore(%run_scoped3A_160 : memref<!tpu.dma_semaphore, #tpu.memory_space<semaphore_mem>>)
          %dma_wait3A = arith.constant 0 : i32
          %dma_wait3A_165 = tpu.memref_slice %arg7[%mul3A_149, %dma_wait3A] : memref<10112x128xf32, #tpu.memory_space<hbm>> -> memref<128x128xf32, #tpu.memory_space<hbm>>
          %dma_wait3A_166 = arith.constant 0 : i32
          %dma_wait3A_167 = tpu.memref_slice %arg12[%mul3A_149, %dma_wait3A_166] : memref<10112x128xf32, #tpu.memory_space<vmem_shared>> -> memref<128x128xf32, #tpu.memory_space<vmem_shared>>
          tpu.wait_dma2 semaphore(%run_scoped3A_160 : memref<!tpu.dma_semaphore, #tpu.memory_space<semaphore_mem>>) src(%dma_wait3A_167 : memref<128x128xf32, #tpu.memory_space<vmem_shared>>) dst(%dma_wait3A_165 : memref<128x128xf32, #tpu.memory_space<hbm>>)
          tpu.yield
        }) : () -> ()
      } else {
      }
      %eq3A_155 = arith.constant 1 : i32
      %eq3A_156 = arith.cmpi eq, %arg0, %eq3A_155 : i32
      %convert_element_type3A_157 = arith.extui %eq3A_156 : i1 to i32
      %cond3A_158 = arith.constant 0 : i32
      %cond3A_159 = arith.cmpi ne, %convert_element_type3A_157, %cond3A_158 : i32
      scf.if %cond3A_159 {
        "tpu.region"() ({
          %run_scoped3A_160 = tpu.sem_alloc : memref<!tpu.dma_semaphore, #tpu.memory_space<semaphore_mem>>
          %dma_start3A_161 = arith.constant 0 : i32
          %dma_start3A_162 = tpu.memref_slice %arg8[%mul3A_149, %dma_start3A_161] : memref<10112x128xf32, #tpu.memory_space<hbm>> -> memref<128x128xf32, #tpu.memory_space<hbm>>
          %dma_start3A_163 = arith.constant 0 : i32
          %dma_start3A_164 = tpu.memref_slice %arg12[%mul3A_149, %dma_start3A_163] : memref<10112x128xf32, #tpu.memory_space<vmem_shared>> -> memref<128x128xf32, #tpu.memory_space<vmem_shared>>
          tpu.enqueue_dma source(%dma_start3A_164 : memref<128x128xf32, #tpu.memory_space<vmem_shared>>) target(%dma_start3A_162 : memref<128x128xf32, #tpu.memory_space<hbm>>) target_semaphore(%run_scoped3A_160 : memref<!tpu.dma_semaphore, #tpu.memory_space<semaphore_mem>>)
          %dma_wait3A = arith.constant 0 : i32
          %dma_wait3A_165 = tpu.memref_slice %arg8[%mul3A_149, %dma_wait3A] : memref<10112x128xf32, #tpu.memory_space<hbm>> -> memref<128x128xf32, #tpu.memory_space<hbm>>
          %dma_wait3A_166 = arith.constant 0 : i32
          %dma_wait3A_167 = tpu.memref_slice %arg12[%mul3A_149, %dma_wait3A_166] : memref<10112x128xf32, #tpu.memory_space<vmem_shared>> -> memref<128x128xf32, #tpu.memory_space<vmem_shared>>
          tpu.wait_dma2 semaphore(%run_scoped3A_160 : memref<!tpu.dma_semaphore, #tpu.memory_space<semaphore_mem>>) src(%dma_wait3A_167 : memref<128x128xf32, #tpu.memory_space<vmem_shared>>) dst(%dma_wait3A_165 : memref<128x128xf32, #tpu.memory_space<hbm>>)
          tpu.yield
        }) : () -> ()
      } else {
      }
    } else {
    }
    %add3A_120 = arith.constant 16 : i32
    %add3A_121 = arith.addi %add3A_120, %arg1 : i32
    %lt3A_122 = arith.constant 79 : i32
    %lt3A_123 = arith.cmpi slt, %add3A_121, %lt3A_122 : i32
    %convert_element_type3A_124 = arith.extui %lt3A_123 : i1 to i32
    %cond3A_125 = arith.constant 0 : i32
    %cond3A_126 = arith.cmpi ne, %convert_element_type3A_124, %cond3A_125 : i32
    scf.if %cond3A_126 {
      %mul3A_148 = arith.constant 128 : i32
      %mul3A_149 = arith.muli %add3A_121, %mul3A_148 : i32
      %eq3A_150 = arith.constant 0 : i32
      %eq3A_151 = arith.cmpi eq, %arg0, %eq3A_150 : i32
      %convert_element_type3A_152 = arith.extui %eq3A_151 : i1 to i32
      %cond3A_153 = arith.constant 0 : i32
      %cond3A_154 = arith.cmpi ne, %convert_element_type3A_152, %cond3A_153 : i32
      scf.if %cond3A_154 {
        "tpu.region"() ({
          %run_scoped3A_160 = tpu.sem_alloc : memref<!tpu.dma_semaphore, #tpu.memory_space<semaphore_mem>>
          %dma_start3A_161 = arith.constant 0 : i32
          %dma_start3A_162 = tpu.memref_slice %arg7[%mul3A_149, %dma_start3A_161] : memref<10112x128xf32, #tpu.memory_space<hbm>> -> memref<128x128xf32, #tpu.memory_space<hbm>>
          %dma_start3A_163 = arith.constant 0 : i32
          %dma_start3A_164 = tpu.memref_slice %arg12[%mul3A_149, %dma_start3A_163] : memref<10112x128xf32, #tpu.memory_space<vmem_shared>> -> memref<128x128xf32, #tpu.memory_space<vmem_shared>>
          tpu.enqueue_dma source(%dma_start3A_164 : memref<128x128xf32, #tpu.memory_space<vmem_shared>>) target(%dma_start3A_162 : memref<128x128xf32, #tpu.memory_space<hbm>>) target_semaphore(%run_scoped3A_160 : memref<!tpu.dma_semaphore, #tpu.memory_space<semaphore_mem>>)
          %dma_wait3A = arith.constant 0 : i32
          %dma_wait3A_165 = tpu.memref_slice %arg7[%mul3A_149, %dma_wait3A] : memref<10112x128xf32, #tpu.memory_space<hbm>> -> memref<128x128xf32, #tpu.memory_space<hbm>>
          %dma_wait3A_166 = arith.constant 0 : i32
          %dma_wait3A_167 = tpu.memref_slice %arg12[%mul3A_149, %dma_wait3A_166] : memref<10112x128xf32, #tpu.memory_space<vmem_shared>> -> memref<128x128xf32, #tpu.memory_space<vmem_shared>>
          tpu.wait_dma2 semaphore(%run_scoped3A_160 : memref<!tpu.dma_semaphore, #tpu.memory_space<semaphore_mem>>) src(%dma_wait3A_167 : memref<128x128xf32, #tpu.memory_space<vmem_shared>>) dst(%dma_wait3A_165 : memref<128x128xf32, #tpu.memory_space<hbm>>)
          tpu.yield
        }) : () -> ()
      } else {
      }
      %eq3A_155 = arith.constant 1 : i32
      %eq3A_156 = arith.cmpi eq, %arg0, %eq3A_155 : i32
      %convert_element_type3A_157 = arith.extui %eq3A_156 : i1 to i32
      %cond3A_158 = arith.constant 0 : i32
      %cond3A_159 = arith.cmpi ne, %convert_element_type3A_157, %cond3A_158 : i32
      scf.if %cond3A_159 {
        "tpu.region"() ({
          %run_scoped3A_160 = tpu.sem_alloc : memref<!tpu.dma_semaphore, #tpu.memory_space<semaphore_mem>>
          %dma_start3A_161 = arith.constant 0 : i32
          %dma_start3A_162 = tpu.memref_slice %arg8[%mul3A_149, %dma_start3A_161] : memref<10112x128xf32, #tpu.memory_space<hbm>> -> memref<128x128xf32, #tpu.memory_space<hbm>>
          %dma_start3A_163 = arith.constant 0 : i32
          %dma_start3A_164 = tpu.memref_slice %arg12[%mul3A_149, %dma_start3A_163] : memref<10112x128xf32, #tpu.memory_space<vmem_shared>> -> memref<128x128xf32, #tpu.memory_space<vmem_shared>>
          tpu.enqueue_dma source(%dma_start3A_164 : memref<128x128xf32, #tpu.memory_space<vmem_shared>>) target(%dma_start3A_162 : memref<128x128xf32, #tpu.memory_space<hbm>>) target_semaphore(%run_scoped3A_160 : memref<!tpu.dma_semaphore, #tpu.memory_space<semaphore_mem>>)
          %dma_wait3A = arith.constant 0 : i32
          %dma_wait3A_165 = tpu.memref_slice %arg8[%mul3A_149, %dma_wait3A] : memref<10112x128xf32, #tpu.memory_space<hbm>> -> memref<128x128xf32, #tpu.memory_space<hbm>>
          %dma_wait3A_166 = arith.constant 0 : i32
          %dma_wait3A_167 = tpu.memref_slice %arg12[%mul3A_149, %dma_wait3A_166] : memref<10112x128xf32, #tpu.memory_space<vmem_shared>> -> memref<128x128xf32, #tpu.memory_space<vmem_shared>>
          tpu.wait_dma2 semaphore(%run_scoped3A_160 : memref<!tpu.dma_semaphore, #tpu.memory_space<semaphore_mem>>) src(%dma_wait3A_167 : memref<128x128xf32, #tpu.memory_space<vmem_shared>>) dst(%dma_wait3A_165 : memref<128x128xf32, #tpu.memory_space<hbm>>)
          tpu.yield
        }) : () -> ()
      } else {
      }
    } else {
    }
    %add3A_127 = arith.constant 32 : i32
    %add3A_128 = arith.addi %add3A_127, %arg1 : i32
    %lt3A_129 = arith.constant 79 : i32
    %lt3A_130 = arith.cmpi slt, %add3A_128, %lt3A_129 : i32
    %convert_element_type3A_131 = arith.extui %lt3A_130 : i1 to i32
    %cond3A_132 = arith.constant 0 : i32
    %cond3A_133 = arith.cmpi ne, %convert_element_type3A_131, %cond3A_132 : i32
    scf.if %cond3A_133 {
      %mul3A_148 = arith.constant 128 : i32
      %mul3A_149 = arith.muli %add3A_128, %mul3A_148 : i32
      %eq3A_150 = arith.constant 0 : i32
      %eq3A_151 = arith.cmpi eq, %arg0, %eq3A_150 : i32
      %convert_element_type3A_152 = arith.extui %eq3A_151 : i1 to i32
      %cond3A_153 = arith.constant 0 : i32
      %cond3A_154 = arith.cmpi ne, %convert_element_type3A_152, %cond3A_153 : i32
      scf.if %cond3A_154 {
        "tpu.region"() ({
          %run_scoped3A_160 = tpu.sem_alloc : memref<!tpu.dma_semaphore, #tpu.memory_space<semaphore_mem>>
          %dma_start3A_161 = arith.constant 0 : i32
          %dma_start3A_162 = tpu.memref_slice %arg7[%mul3A_149, %dma_start3A_161] : memref<10112x128xf32, #tpu.memory_space<hbm>> -> memref<128x128xf32, #tpu.memory_space<hbm>>
          %dma_start3A_163 = arith.constant 0 : i32
          %dma_start3A_164 = tpu.memref_slice %arg12[%mul3A_149, %dma_start3A_163] : memref<10112x128xf32, #tpu.memory_space<vmem_shared>> -> memref<128x128xf32, #tpu.memory_space<vmem_shared>>
          tpu.enqueue_dma source(%dma_start3A_164 : memref<128x128xf32, #tpu.memory_space<vmem_shared>>) target(%dma_start3A_162 : memref<128x128xf32, #tpu.memory_space<hbm>>) target_semaphore(%run_scoped3A_160 : memref<!tpu.dma_semaphore, #tpu.memory_space<semaphore_mem>>)
          %dma_wait3A = arith.constant 0 : i32
          %dma_wait3A_165 = tpu.memref_slice %arg7[%mul3A_149, %dma_wait3A] : memref<10112x128xf32, #tpu.memory_space<hbm>> -> memref<128x128xf32, #tpu.memory_space<hbm>>
          %dma_wait3A_166 = arith.constant 0 : i32
          %dma_wait3A_167 = tpu.memref_slice %arg12[%mul3A_149, %dma_wait3A_166] : memref<10112x128xf32, #tpu.memory_space<vmem_shared>> -> memref<128x128xf32, #tpu.memory_space<vmem_shared>>
          tpu.wait_dma2 semaphore(%run_scoped3A_160 : memref<!tpu.dma_semaphore, #tpu.memory_space<semaphore_mem>>) src(%dma_wait3A_167 : memref<128x128xf32, #tpu.memory_space<vmem_shared>>) dst(%dma_wait3A_165 : memref<128x128xf32, #tpu.memory_space<hbm>>)
          tpu.yield
        }) : () -> ()
      } else {
      }
      %eq3A_155 = arith.constant 1 : i32
      %eq3A_156 = arith.cmpi eq, %arg0, %eq3A_155 : i32
      %convert_element_type3A_157 = arith.extui %eq3A_156 : i1 to i32
      %cond3A_158 = arith.constant 0 : i32
      %cond3A_159 = arith.cmpi ne, %convert_element_type3A_157, %cond3A_158 : i32
      scf.if %cond3A_159 {
        "tpu.region"() ({
          %run_scoped3A_160 = tpu.sem_alloc : memref<!tpu.dma_semaphore, #tpu.memory_space<semaphore_mem>>
          %dma_start3A_161 = arith.constant 0 : i32
          %dma_start3A_162 = tpu.memref_slice %arg8[%mul3A_149, %dma_start3A_161] : memref<10112x128xf32, #tpu.memory_space<hbm>> -> memref<128x128xf32, #tpu.memory_space<hbm>>
          %dma_start3A_163 = arith.constant 0 : i32
          %dma_start3A_164 = tpu.memref_slice %arg12[%mul3A_149, %dma_start3A_163] : memref<10112x128xf32, #tpu.memory_space<vmem_shared>> -> memref<128x128xf32, #tpu.memory_space<vmem_shared>>
          tpu.enqueue_dma source(%dma_start3A_164 : memref<128x128xf32, #tpu.memory_space<vmem_shared>>) target(%dma_start3A_162 : memref<128x128xf32, #tpu.memory_space<hbm>>) target_semaphore(%run_scoped3A_160 : memref<!tpu.dma_semaphore, #tpu.memory_space<semaphore_mem>>)
          %dma_wait3A = arith.constant 0 : i32
          %dma_wait3A_165 = tpu.memref_slice %arg8[%mul3A_149, %dma_wait3A] : memref<10112x128xf32, #tpu.memory_space<hbm>> -> memref<128x128xf32, #tpu.memory_space<hbm>>
          %dma_wait3A_166 = arith.constant 0 : i32
          %dma_wait3A_167 = tpu.memref_slice %arg12[%mul3A_149, %dma_wait3A_166] : memref<10112x128xf32, #tpu.memory_space<vmem_shared>> -> memref<128x128xf32, #tpu.memory_space<vmem_shared>>
          tpu.wait_dma2 semaphore(%run_scoped3A_160 : memref<!tpu.dma_semaphore, #tpu.memory_space<semaphore_mem>>) src(%dma_wait3A_167 : memref<128x128xf32, #tpu.memory_space<vmem_shared>>) dst(%dma_wait3A_165 : memref<128x128xf32, #tpu.memory_space<hbm>>)
          tpu.yield
        }) : () -> ()
      } else {
      }
    } else {
    }
    %add3A_134 = arith.constant 48 : i32
    %add3A_135 = arith.addi %add3A_134, %arg1 : i32
    %lt3A_136 = arith.constant 79 : i32
    %lt3A_137 = arith.cmpi slt, %add3A_135, %lt3A_136 : i32
    %convert_element_type3A_138 = arith.extui %lt3A_137 : i1 to i32
    %cond3A_139 = arith.constant 0 : i32
    %cond3A_140 = arith.cmpi ne, %convert_element_type3A_138, %cond3A_139 : i32
    scf.if %cond3A_140 {
      %mul3A_148 = arith.constant 128 : i32
      %mul3A_149 = arith.muli %add3A_135, %mul3A_148 : i32
      %eq3A_150 = arith.constant 0 : i32
      %eq3A_151 = arith.cmpi eq, %arg0, %eq3A_150 : i32
      %convert_element_type3A_152 = arith.extui %eq3A_151 : i1 to i32
      %cond3A_153 = arith.constant 0 : i32
      %cond3A_154 = arith.cmpi ne, %convert_element_type3A_152, %cond3A_153 : i32
      scf.if %cond3A_154 {
        "tpu.region"() ({
          %run_scoped3A_160 = tpu.sem_alloc : memref<!tpu.dma_semaphore, #tpu.memory_space<semaphore_mem>>
          %dma_start3A_161 = arith.constant 0 : i32
          %dma_start3A_162 = tpu.memref_slice %arg7[%mul3A_149, %dma_start3A_161] : memref<10112x128xf32, #tpu.memory_space<hbm>> -> memref<128x128xf32, #tpu.memory_space<hbm>>
          %dma_start3A_163 = arith.constant 0 : i32
          %dma_start3A_164 = tpu.memref_slice %arg12[%mul3A_149, %dma_start3A_163] : memref<10112x128xf32, #tpu.memory_space<vmem_shared>> -> memref<128x128xf32, #tpu.memory_space<vmem_shared>>
          tpu.enqueue_dma source(%dma_start3A_164 : memref<128x128xf32, #tpu.memory_space<vmem_shared>>) target(%dma_start3A_162 : memref<128x128xf32, #tpu.memory_space<hbm>>) target_semaphore(%run_scoped3A_160 : memref<!tpu.dma_semaphore, #tpu.memory_space<semaphore_mem>>)
          %dma_wait3A = arith.constant 0 : i32
          %dma_wait3A_165 = tpu.memref_slice %arg7[%mul3A_149, %dma_wait3A] : memref<10112x128xf32, #tpu.memory_space<hbm>> -> memref<128x128xf32, #tpu.memory_space<hbm>>
          %dma_wait3A_166 = arith.constant 0 : i32
          %dma_wait3A_167 = tpu.memref_slice %arg12[%mul3A_149, %dma_wait3A_166] : memref<10112x128xf32, #tpu.memory_space<vmem_shared>> -> memref<128x128xf32, #tpu.memory_space<vmem_shared>>
          tpu.wait_dma2 semaphore(%run_scoped3A_160 : memref<!tpu.dma_semaphore, #tpu.memory_space<semaphore_mem>>) src(%dma_wait3A_167 : memref<128x128xf32, #tpu.memory_space<vmem_shared>>) dst(%dma_wait3A_165 : memref<128x128xf32, #tpu.memory_space<hbm>>)
          tpu.yield
        }) : () -> ()
      } else {
      }
      %eq3A_155 = arith.constant 1 : i32
      %eq3A_156 = arith.cmpi eq, %arg0, %eq3A_155 : i32
      %convert_element_type3A_157 = arith.extui %eq3A_156 : i1 to i32
      %cond3A_158 = arith.constant 0 : i32
      %cond3A_159 = arith.cmpi ne, %convert_element_type3A_157, %cond3A_158 : i32
      scf.if %cond3A_159 {
        "tpu.region"() ({
          %run_scoped3A_160 = tpu.sem_alloc : memref<!tpu.dma_semaphore, #tpu.memory_space<semaphore_mem>>
          %dma_start3A_161 = arith.constant 0 : i32
          %dma_start3A_162 = tpu.memref_slice %arg8[%mul3A_149, %dma_start3A_161] : memref<10112x128xf32, #tpu.memory_space<hbm>> -> memref<128x128xf32, #tpu.memory_space<hbm>>
          %dma_start3A_163 = arith.constant 0 : i32
          %dma_start3A_164 = tpu.memref_slice %arg12[%mul3A_149, %dma_start3A_163] : memref<10112x128xf32, #tpu.memory_space<vmem_shared>> -> memref<128x128xf32, #tpu.memory_space<vmem_shared>>
          tpu.enqueue_dma source(%dma_start3A_164 : memref<128x128xf32, #tpu.memory_space<vmem_shared>>) target(%dma_start3A_162 : memref<128x128xf32, #tpu.memory_space<hbm>>) target_semaphore(%run_scoped3A_160 : memref<!tpu.dma_semaphore, #tpu.memory_space<semaphore_mem>>)
          %dma_wait3A = arith.constant 0 : i32
          %dma_wait3A_165 = tpu.memref_slice %arg8[%mul3A_149, %dma_wait3A] : memref<10112x128xf32, #tpu.memory_space<hbm>> -> memref<128x128xf32, #tpu.memory_space<hbm>>
          %dma_wait3A_166 = arith.constant 0 : i32
          %dma_wait3A_167 = tpu.memref_slice %arg12[%mul3A_149, %dma_wait3A_166] : memref<10112x128xf32, #tpu.memory_space<vmem_shared>> -> memref<128x128xf32, #tpu.memory_space<vmem_shared>>
          tpu.wait_dma2 semaphore(%run_scoped3A_160 : memref<!tpu.dma_semaphore, #tpu.memory_space<semaphore_mem>>) src(%dma_wait3A_167 : memref<128x128xf32, #tpu.memory_space<vmem_shared>>) dst(%dma_wait3A_165 : memref<128x128xf32, #tpu.memory_space<hbm>>)
          tpu.yield
        }) : () -> ()
      } else {
      }
    } else {
    }
    %add3A_141 = arith.constant 64 : i32
    %add3A_142 = arith.addi %add3A_141, %arg1 : i32
    %lt3A_143 = arith.constant 79 : i32
    %lt3A_144 = arith.cmpi slt, %add3A_142, %lt3A_143 : i32
    %convert_element_type3A_145 = arith.extui %lt3A_144 : i1 to i32
    %cond3A_146 = arith.constant 0 : i32
    %cond3A_147 = arith.cmpi ne, %convert_element_type3A_145, %cond3A_146 : i32
    scf.if %cond3A_147 {
      %mul3A_148 = arith.constant 128 : i32
      %mul3A_149 = arith.muli %add3A_142, %mul3A_148 : i32
      %eq3A_150 = arith.constant 0 : i32
      %eq3A_151 = arith.cmpi eq, %arg0, %eq3A_150 : i32
      %convert_element_type3A_152 = arith.extui %eq3A_151 : i1 to i32
      %cond3A_153 = arith.constant 0 : i32
      %cond3A_154 = arith.cmpi ne, %convert_element_type3A_152, %cond3A_153 : i32
      scf.if %cond3A_154 {
        "tpu.region"() ({
          %run_scoped3A_160 = tpu.sem_alloc : memref<!tpu.dma_semaphore, #tpu.memory_space<semaphore_mem>>
          %dma_start3A_161 = arith.constant 0 : i32
          %dma_start3A_162 = tpu.memref_slice %arg7[%mul3A_149, %dma_start3A_161] : memref<10112x128xf32, #tpu.memory_space<hbm>> -> memref<128x128xf32, #tpu.memory_space<hbm>>
          %dma_start3A_163 = arith.constant 0 : i32
          %dma_start3A_164 = tpu.memref_slice %arg12[%mul3A_149, %dma_start3A_163] : memref<10112x128xf32, #tpu.memory_space<vmem_shared>> -> memref<128x128xf32, #tpu.memory_space<vmem_shared>>
          tpu.enqueue_dma source(%dma_start3A_164 : memref<128x128xf32, #tpu.memory_space<vmem_shared>>) target(%dma_start3A_162 : memref<128x128xf32, #tpu.memory_space<hbm>>) target_semaphore(%run_scoped3A_160 : memref<!tpu.dma_semaphore, #tpu.memory_space<semaphore_mem>>)
          %dma_wait3A = arith.constant 0 : i32
          %dma_wait3A_165 = tpu.memref_slice %arg7[%mul3A_149, %dma_wait3A] : memref<10112x128xf32, #tpu.memory_space<hbm>> -> memref<128x128xf32, #tpu.memory_space<hbm>>
          %dma_wait3A_166 = arith.constant 0 : i32
          %dma_wait3A_167 = tpu.memref_slice %arg12[%mul3A_149, %dma_wait3A_166] : memref<10112x128xf32, #tpu.memory_space<vmem_shared>> -> memref<128x128xf32, #tpu.memory_space<vmem_shared>>
          tpu.wait_dma2 semaphore(%run_scoped3A_160 : memref<!tpu.dma_semaphore, #tpu.memory_space<semaphore_mem>>) src(%dma_wait3A_167 : memref<128x128xf32, #tpu.memory_space<vmem_shared>>) dst(%dma_wait3A_165 : memref<128x128xf32, #tpu.memory_space<hbm>>)
          tpu.yield
        }) : () -> ()
      } else {
      }
      %eq3A_155 = arith.constant 1 : i32
      %eq3A_156 = arith.cmpi eq, %arg0, %eq3A_155 : i32
      %convert_element_type3A_157 = arith.extui %eq3A_156 : i1 to i32
      %cond3A_158 = arith.constant 0 : i32
      %cond3A_159 = arith.cmpi ne, %convert_element_type3A_157, %cond3A_158 : i32
      scf.if %cond3A_159 {
        "tpu.region"() ({
          %run_scoped3A_160 = tpu.sem_alloc : memref<!tpu.dma_semaphore, #tpu.memory_space<semaphore_mem>>
          %dma_start3A_161 = arith.constant 0 : i32
          %dma_start3A_162 = tpu.memref_slice %arg8[%mul3A_149, %dma_start3A_161] : memref<10112x128xf32, #tpu.memory_space<hbm>> -> memref<128x128xf32, #tpu.memory_space<hbm>>
          %dma_start3A_163 = arith.constant 0 : i32
          %dma_start3A_164 = tpu.memref_slice %arg12[%mul3A_149, %dma_start3A_163] : memref<10112x128xf32, #tpu.memory_space<vmem_shared>> -> memref<128x128xf32, #tpu.memory_space<vmem_shared>>
          tpu.enqueue_dma source(%dma_start3A_164 : memref<128x128xf32, #tpu.memory_space<vmem_shared>>) target(%dma_start3A_162 : memref<128x128xf32, #tpu.memory_space<hbm>>) target_semaphore(%run_scoped3A_160 : memref<!tpu.dma_semaphore, #tpu.memory_space<semaphore_mem>>)
          %dma_wait3A = arith.constant 0 : i32
          %dma_wait3A_165 = tpu.memref_slice %arg8[%mul3A_149, %dma_wait3A] : memref<10112x128xf32, #tpu.memory_space<hbm>> -> memref<128x128xf32, #tpu.memory_space<hbm>>
          %dma_wait3A_166 = arith.constant 0 : i32
          %dma_wait3A_167 = tpu.memref_slice %arg12[%mul3A_149, %dma_wait3A_166] : memref<10112x128xf32, #tpu.memory_space<vmem_shared>> -> memref<128x128xf32, #tpu.memory_space<vmem_shared>>
          tpu.wait_dma2 semaphore(%run_scoped3A_160 : memref<!tpu.dma_semaphore, #tpu.memory_space<semaphore_mem>>) src(%dma_wait3A_167 : memref<128x128xf32, #tpu.memory_space<vmem_shared>>) dst(%dma_wait3A_165 : memref<128x128xf32, #tpu.memory_space<hbm>>)
          tpu.yield
        }) : () -> ()
      } else {
      }
    } else {
    }
    return
  }
}

module attributes {stable_mosaic.version = 14 : i64} {
  func.func @_mm_body(%arg0: i32, %arg1: memref<1000x128xf32, #tpu.memory_space<vmem>>, %arg2: memref<128x128xf32, #tpu.memory_space<vmem>>, %arg3: memref<1x128xf32, #tpu.memory_space<vmem>>, %arg4: memref<1000x16xf32, #tpu.memory_space<vmem>>, %arg5: memref<1000x16xf32, #tpu.memory_space<vmem>>, %arg6: memref<1000x128xf32, #tpu.memory_space<vmem>>) attributes {dimension_semantics = [#tpu.dimension_semantics<arbitrary>], iteration_bounds = array<i64: 10>, scalar_prefetch = 0 : i64, scratch_operands = 0 : i64, tpu.core_type = #tpu.core_type<tc>, window_params = [{transform_indices = @transform_0, window_bounds = array<i64: 1000, 128>}, {pipeline_mode = #tpu.pipeline_mode<synchronous>, transform_indices = @transform_1, window_bounds = array<i64: 128, 128>}, {pipeline_mode = #tpu.pipeline_mode<synchronous>, transform_indices = @transform_2, window_bounds = array<i64: 1, 128>}, {transform_indices = @transform_3, window_bounds = array<i64: 1000, 16>}, {transform_indices = @transform_4, window_bounds = array<i64: 1000, 16>}, {transform_indices = @transform_5, window_bounds = array<i64: 1000, 128>}]} {
    %get3A = arith.constant 0 : index
    %get3A_0 = arith.constant 0 : index
    %get3A_1 = vector.load %arg4[%get3A, %get3A_0] : memref<1000x16xf32, #tpu.memory_space<vmem>>, vector<1000x16xf32>
    %slice3A = vector.extract_strided_slice %get3A_1 {offsets = [0, 0], sizes = [1000, 1], strides = [1, 1]} : vector<1000x16xf32> to vector<1000x1xf32>
    %get3A_2 = arith.constant 0 : index
    %get3A_3 = arith.constant 0 : index
    %get3A_4 = vector.load %arg5[%get3A_2, %get3A_3] : memref<1000x16xf32, #tpu.memory_space<vmem>>, vector<1000x16xf32>
    %slice3A_5 = vector.extract_strided_slice %get3A_4 {offsets = [0, 0], sizes = [1000, 1], strides = [1, 1]} : vector<1000x16xf32> to vector<1000x1xf32>
    %add3A = arith.addf %slice3A, %slice3A_5 : vector<1000x1xf32>
    %add3A_6 = arith.constant 1.000000e+00 : f32
    %add3A_7 = vector.broadcast %add3A_6 : f32 to vector<1000x1xf32>
    %add3A_8 = arith.addf %add3A, %add3A_7 : vector<1000x1xf32>
    %rsqrt3A = math.rsqrt %add3A_8 : vector<1000x1xf32>
    %get3A_9 = arith.constant 0 : index
    %get3A_10 = arith.constant 0 : index
    %get3A_11 = vector.load %arg1[%get3A_9, %get3A_10] : memref<1000x128xf32, #tpu.memory_space<vmem>>, vector<1000x128xf32>
    %get3A_12 = arith.constant 0 : index
    %get3A_13 = arith.constant 0 : index
    %get3A_14 = vector.load %arg2[%get3A_12, %get3A_13] : memref<128x128xf32, #tpu.memory_space<vmem>>, vector<128x128xf32>
    %dot_general3A = arith.constant dense<0.000000e+00> : vector<1000x128xf32>
    %dot_general3A_15 = tpu.matmul %get3A_11, %get3A_14, %dot_general3A {dimension_numbers = #tpu.dot_dimension_numbers<[1], [1], [0], [0], [0, 0, 1, 0], [], []>, transpose_lhs_hint = false} : vector<1000x128xf32>, vector<128x128xf32>, vector<1000x128xf32> -> vector<1000x128xf32>
    %get3A_16 = arith.constant 0 : index
    %get3A_17 = arith.constant 0 : index
    %get3A_18 = vector.load %arg3[%get3A_16, %get3A_17] : memref<1x128xf32, #tpu.memory_space<vmem>>, vector<1x128xf32>
    %add3A_19 = vector.broadcast %get3A_18 : vector<1x128xf32> to vector<1000x128xf32>
    %add3A_20 = arith.addf %dot_general3A_15, %add3A_19 : vector<1000x128xf32>
    %mul3A = vector.broadcast %rsqrt3A : vector<1000x1xf32> to vector<1000x128xf32>
    %mul3A_21 = arith.mulf %add3A_20, %mul3A : vector<1000x128xf32>
    %swap3A = arith.constant 0 : index
    %swap3A_22 = arith.constant 0 : index
    %swap3A_23 = vector.load %arg6[%swap3A, %swap3A_22] : memref<1000x128xf32, #tpu.memory_space<vmem>>, vector<1000x128xf32>
    tpu.vector_store %arg6[%swap3A, %swap3A_22], %mul3A_21 {strides = array<i32>} : memref<1000x128xf32, #tpu.memory_space<vmem>>, vector<1000x128xf32>,
    return
  }
  func.func @transform_0(%arg0: i32) -> (i32, i32) {
    %c0_i32 = arith.constant 0 : i32
    %c0_i32_0 = arith.constant 0 : i32
    return %arg0, %c0_i32 : i32, i32
  }
  func.func @transform_1(%arg0: i32) -> (i32, i32) {
    %c0_i32 = arith.constant 0 : i32
    %c0_i32_0 = arith.constant 0 : i32
    %c0_i32_1 = arith.constant 0 : i32
    return %c0_i32, %c0_i32_0 : i32, i32
  }
  func.func @transform_2(%arg0: i32) -> (i32, i32) {
    %c0_i32 = arith.constant 0 : i32
    %c0_i32_0 = arith.constant 0 : i32
    %c0_i32_1 = arith.constant 0 : i32
    return %c0_i32, %c0_i32_0 : i32, i32
  }
  func.func @transform_3(%arg0: i32) -> (i32, i32) {
    %c0_i32 = arith.constant 0 : i32
    %c0_i32_0 = arith.constant 0 : i32
    return %arg0, %c0_i32 : i32, i32
  }
  func.func @transform_4(%arg0: i32) -> (i32, i32) {
    %c0_i32 = arith.constant 0 : i32
    %c0_i32_0 = arith.constant 0 : i32
    return %arg0, %c0_i32 : i32, i32
  }
  func.func @transform_5(%arg0: i32) -> (i32, i32) {
    %c0_i32 = arith.constant 0 : i32
    %c0_i32_0 = arith.constant 0 : i32
    return %arg0, %c0_i32 : i32, i32
  }
}

module attributes {stable_mosaic.version = 14 : i64} {
  func.func @_fin_body(%arg0: i32, %arg1: memref<1000x128xf32, #tpu.memory_space<vmem>>, %arg2: memref<1000x128xf32, #tpu.memory_space<vmem>>, %arg3: memref<1000x128xf32, #tpu.memory_space<vmem>>, %arg4: memref<1000x16xf32, #tpu.memory_space<vmem>>, %arg5: memref<1000x16xf32, #tpu.memory_space<vmem>>, %arg6: memref<1000x128xf32, #tpu.memory_space<vmem>>) attributes {dimension_semantics = [#tpu.dimension_semantics<arbitrary>], iteration_bounds = array<i64: 10>, scalar_prefetch = 0 : i64, scratch_operands = 0 : i64, tpu.core_type = #tpu.core_type<tc>, window_params = [{transform_indices = @transform_0, window_bounds = array<i64: 1000, 128>}, {transform_indices = @transform_1, window_bounds = array<i64: 1000, 128>}, {transform_indices = @transform_2, window_bounds = array<i64: 1000, 128>}, {transform_indices = @transform_3, window_bounds = array<i64: 1000, 16>}, {transform_indices = @transform_4, window_bounds = array<i64: 1000, 16>}, {transform_indices = @transform_5, window_bounds = array<i64: 1000, 128>}]} {
    %get3A = arith.constant 0 : index
    %get3A_0 = arith.constant 0 : index
    %get3A_1 = vector.load %arg4[%get3A, %get3A_0] : memref<1000x16xf32, #tpu.memory_space<vmem>>, vector<1000x16xf32>
    %slice3A = vector.extract_strided_slice %get3A_1 {offsets = [0, 0], sizes = [1000, 1], strides = [1, 1]} : vector<1000x16xf32> to vector<1000x1xf32>
    %get3A_2 = arith.constant 0 : index
    %get3A_3 = arith.constant 0 : index
    %get3A_4 = vector.load %arg5[%get3A_2, %get3A_3] : memref<1000x16xf32, #tpu.memory_space<vmem>>, vector<1000x16xf32>
    %slice3A_5 = vector.extract_strided_slice %get3A_4 {offsets = [0, 0], sizes = [1000, 1], strides = [1, 1]} : vector<1000x16xf32> to vector<1000x1xf32>
    %add3A = arith.addf %slice3A, %slice3A_5 : vector<1000x1xf32>
    %add3A_6 = arith.constant 1.000000e+00 : f32
    %add3A_7 = vector.broadcast %add3A_6 : f32 to vector<1000x1xf32>
    %add3A_8 = arith.addf %add3A, %add3A_7 : vector<1000x1xf32>
    %rsqrt3A = math.rsqrt %add3A_8 : vector<1000x1xf32>
    %get3A_9 = arith.constant 0 : index
    %get3A_10 = arith.constant 0 : index
    %get3A_11 = vector.load %arg1[%get3A_9, %get3A_10] : memref<1000x128xf32, #tpu.memory_space<vmem>>, vector<1000x128xf32>
    %get3A_12 = arith.constant 0 : index
    %get3A_13 = arith.constant 0 : index
    %get3A_14 = vector.load %arg2[%get3A_12, %get3A_13] : memref<1000x128xf32, #tpu.memory_space<vmem>>, vector<1000x128xf32>
    %add3A_15 = arith.addf %get3A_11, %get3A_14 : vector<1000x128xf32>
    %get3A_16 = arith.constant 0 : index
    %get3A_17 = arith.constant 0 : index
    %get3A_18 = vector.load %arg3[%get3A_16, %get3A_17] : memref<1000x128xf32, #tpu.memory_space<vmem>>, vector<1000x128xf32>
    %add3A_19 = arith.addf %add3A_15, %get3A_18 : vector<1000x128xf32>
    %mul3A = vector.broadcast %rsqrt3A : vector<1000x1xf32> to vector<1000x128xf32>
    %mul3A_20 = arith.mulf %add3A_19, %mul3A : vector<1000x128xf32>
    %max3A = arith.constant 0.000000e+00 : f32
    %max3A_21 = vector.broadcast %max3A : f32 to vector<1000x128xf32>
    %max3A_22 = arith.maximumf %mul3A_20, %max3A_21 : vector<1000x128xf32>
    %swap3A = arith.constant 0 : index
    %swap3A_23 = arith.constant 0 : index
    %swap3A_24 = vector.load %arg6[%swap3A, %swap3A_23] : memref<1000x128xf32, #tpu.memory_space<vmem>>, vector<1000x128xf32>
    tpu.vector_store %arg6[%swap3A, %swap3A_23], %max3A_22 {strides = array<i32>} : memref<1000x128xf32, #tpu.memory_space<vmem>>, vector<1000x128xf32>,
    return
  }
  func.func @transform_0(%arg0: i32) -> (i32, i32) {
    %c0_i32 = arith.constant 0 : i32
    %c0_i32_0 = arith.constant 0 : i32
    return %arg0, %c0_i32 : i32, i32
  }
  func.func @transform_1(%arg0: i32) -> (i32, i32) {
    %c0_i32 = arith.constant 0 : i32
    %c0_i32_0 = arith.constant 0 : i32
    return %arg0, %c0_i32 : i32, i32
  }
  func.func @transform_2(%arg0: i32) -> (i32, i32) {
    %c0_i32 = arith.constant 0 : i32
    %c0_i32_0 = arith.constant 0 : i32
    return %arg0, %c0_i32 : i32, i32
  }
  func.func @transform_3(%arg0: i32) -> (i32, i32) {
    %c0_i32 = arith.constant 0 : i32
    %c0_i32_0 = arith.constant 0 : i32
    return %arg0, %c0_i32 : i32, i32
  }
  func.func @transform_4(%arg0: i32) -> (i32, i32) {
    %c0_i32 = arith.constant 0 : i32
    %c0_i32_0 = arith.constant 0 : i32
    return %arg0, %c0_i32 : i32, i32
  }
  func.func @transform_5(%arg0: i32) -> (i32, i32) {
    %c0_i32 = arith.constant 0 : i32
    %c0_i32_0 = arith.constant 0 : i32
    return %arg0, %c0_i32 : i32, i32
  }
}

</mosaic_0001>

<sc_bundles>
// kernel: kernel.6.cloned.1.call-start
scs
__scs_entry_jumppad:
0x0: {  	(pc) =	sbr.rel $0x88, $3  }
0x1: {  	(tag) =	ssettag $0x0;
	lr =	simm.s32 $0x1  }
0x2: {  	[smem:$0x3F9D] =	sst lr;
	_ =	strace $0xD0000000  }
0x3: {  	_ = 	snop  }
0x4: {  	_ = 	snop  }
0x5: {  	_ = 	snop  }
0x6: {  	_ = 	snop  }
0x7: {  	_ = 	snop  }
__scs_overlays_trampoline_lowered:
0x8: {  	[smem:$0x3FAC] =	sst s0  }
0x9: {  	[smem:$0x3FAD] =	sst s1  }
0xa: {  	[smem:$0x3FAE] =	sst s2  }
0xb: {  	[smem:$0x3FAF] =	sst s3  }
0xc: {  	[smem:$0x3FB0] =	sst s4  }
0xd: {  	[smem:$0x3FB1] =	sst s5  }
0xe: {  	[smem:$0x3FB2] =	sst s6  }
0xf: {  	[smem:$0x3FB3] =	sst s7  }
0x10: {  	[smem:$0x3FB4] =	sst s8  }
0x11: {  	[smem:$0x3FB5] =	sst s9;
	s0 =	simm.s32 @!p0 $0x0  }
0x12: {  	s1 =	sld [smem:$0x3F9B];
	s0 =	simm.s32 @p0 $0x1  }
0x13: {  	[smem:$0x3FB6] =	sst s0;
	s0 =	simm.s32 @!p1 $0x0  }
0x14: {  	s2 =	sld [smem:$0x3F9A];
	s0 =	simm.s32 @p1 $0x1  }
0x15: {  	[smem:$0x3FB7] =	sst s0;
	s0 =	simm.s32 @!p2 $0x0  }
0x16: {  	s3 =	sld [smem:$0x3FDB];
	s0 =	simm.s32 @p2 $0x1  }
0x17: {  	s4 =	simm.s32 $0x1BF5;
	[smem:$0x3FB9] =	sst s0  }
0x18: {  	s0 =	sld [smem:$0x3F9C];
	_ =	swait.ge [sflag:s4], $0x0  }
0x19: {  	s7 =	sld [smem:$0x3F9D]  }
0x1a: {  	s8 =	sadd.s32 $0xFFFFE003, lr  }
0x1b: {  	s9 =	sadd.s32 $0xFFFFFEF7, lr;
	s5 =	simm.s32 $0xFFFFFFFF;
	p2 =	slt.u32 s8, $0xFFFFF086  }
0x1c: {  	p1 =	slt.u32 s9, $0xF7A;
	s5 =	simm.s32 @!p2 $0x0  }
0x1d: {  	s5 =	simm.s32 @p1 $0x1;
	p0 =	seq.s32 s7, s2  }
0x1e: {  	s7 =	smul.u32 @!p0 $0xF7A, s2;
	p2 =	seq.s32 @!p0 s5, $0x0  }
0x1f: {  	s9 =	smul.u32 $0xF7A, s1;
	s8 =	simm.s32 @!p0 $0x1BF5;
	p2 =	por !p2, p0  }
0x20: {  	[sflag:s8] =	ssyncset.s32 @!p0 $0xFFFFF086;
	s6 =	sadd.s32 @!p0 s3, s7;
	s7 =	simm.s32 @!p0 $0x108  }
0x21: {  	s3 =	sadd.s32 s3, s9;
	s6 =	sadd.s32 @!p0 $0x88, s6;
	s7 =	simm.s32 @p2 $0x1082  }
0x22: {  	[simem:s7], [sflag:s8] =	dma.local @!p0 [hbm:s6], $0xF7A  }
0x23: {  	s9 =	sor.u32 $0xD0000000, s2;
	s6 =	simm.s32 $0x108;
	_ =	swait.ge @!p0 [sflag:s8], $0x0  }
0x24: {  	s3 =	sadd.s32 $0x88, s3;
	s6 =	simm.s32 @!p1 $0x1082;
	[sflag:s4] =	ssyncset.s32 $0xFFFFF086  }
0x25: {  	[simem:s6], [sflag:s4] =	dma.local [hbm:s3], $0xF7A  }
0x26: {  	[smem:$0x3F9D] =	sst s1;
	(tag) =	ssettag s2;
	_ =	strace s9  }
0x27: {  	s1 =	sld [smem:$0x3FAD]  }
0x28: {  	s2 =	sld [smem:$0x3FAE]  }
0x29: {  	s4 =	sld [smem:$0x3FB0]  }
0x2a: {  	p0 =	seq.s32 s5, $0x0;
	s5 =	sld [smem:$0x3FB1]  }
0x2b: {  	s6 =	sld [smem:$0x3FB2]  }
0x2c: {  	s7 =	sld [smem:$0x3FB3]  }
0x2d: {  	s3 =	simm.s32 $0x108;
	s8 =	sld [smem:$0x3FB4]  }
0x2e: {  	s3 =	simm.s32 @!p0 $0x1082;
	s9 =	sld [smem:$0x3FB5]  }
0x2f: {  	lr =	sadd.s32 s0, s3;
	s0 =	sld [smem:$0x3FAC]  }
0x30: {  	s3 =	sld [smem:$0x3FAF]  }
0x31: {  	[smem:$0x3FB8] =	sst s10  }
0x32: {  	s10 =	sld [smem:$0x3FB6];
	_ =	sdelay $0x3  }
0x33: {  	p0 =	seq.s32 s10, $0x1;
	s10 =	sld [smem:$0x3FB8];
	_ =	sdelay $0x3  }
0x34: {  	[smem:$0x3FB8] =	sst s10  }
0x35: {  	s10 =	sld [smem:$0x3FB7];
	_ =	sdelay $0x3  }
0x36: {  	p1 =	seq.s32 s10, $0x1;
	s10 =	sld [smem:$0x3FB8];
	_ =	sdelay $0x3  }
0x37: {  	[smem:$0x3FB8] =	sst s10  }
0x38: {  	s10 =	sld [smem:$0x3FB9]  }
0x39: {  	_ = 	snop;
	(pc) =	sbr.ind lr, $3  }
0x3a: {  	_ = 	snop  }
0x3b: {  	_ = 	snop  }
0x3c: {  	p2 =	seq.s32 s10, $0x1;
	s10 =	sld [smem:$0x3FB8]  }
0x3d: {  	_ =	shalt  }
0x3e: {  	_ =	shalt  }
0x3f: {  	_ =	shalt  }
0x40: {  	_ =	shalt  }
0x41: {  	_ =	shalt  }
0x42: {  	_ =	shalt  }
0x43: {  	_ =	shalt  }
0x44: {  	_ =	shalt  }
0x45: {  	_ =	shalt  }
0x46: {  	_ =	shalt  }
0x47: {  	_ =	shalt  }
0x48: {  	_ =	shalt  }
0x49: {  	_ =	shalt  }
0x4a: {  	_ =	shalt  }
0x4b: {  	_ =	shalt  }
0x4c: {  	_ =	shalt  }
0x4d: {  	_ =	shalt  }
0x4e: {  	_ =	shalt  }
0x4f: {  	_ =	shalt  }
0x50: {  	_ =	shalt  }
0x51: {  	_ =	shalt  }
0x52: {  	_ =	shalt  }
0x53: {  	_ =	shalt  }
0x54: {  	_ =	shalt  }
0x55: {  	_ =	shalt  }
0x56: {  	_ =	shalt  }
0x57: {  	_ =	shalt  }
0x58: {  	_ =	shalt  }
0x59: {  	_ =	shalt  }
0x5a: {  	_ =	shalt  }
0x5b: {  	_ =	shalt  }
0x5c: {  	_ =	shalt  }
0x5d: {  	_ =	shalt  }
0x5e: {  	_ =	shalt  }
0x5f: {  	_ =	shalt  }
0x60: {  	_ =	shalt  }
0x61: {  	_ =	shalt  }
0x62: {  	_ =	shalt  }
0x63: {  	_ =	shalt  }
0x64: {  	_ =	shalt  }
0x65: {  	_ =	shalt  }
0x66: {  	_ =	shalt  }
0x67: {  	_ =	shalt  }
0x68: {  	_ =	shalt  }
0x69: {  	_ =	shalt  }
0x6a: {  	_ =	shalt  }
0x6b: {  	_ =	shalt  }
0x6c: {  	_ =	shalt  }
0x6d: {  	_ =	shalt  }
0x6e: {  	_ =	shalt  }
0x6f: {  	_ =	shalt  }
0x70: {  	_ =	shalt  }
0x71: {  	_ =	shalt  }
0x72: {  	_ =	shalt  }
0x73: {  	_ =	shalt  }
0x74: {  	_ =	shalt  }
0x75: {  	_ =	shalt  }
0x76: {  	_ =	shalt  }
0x77: {  	_ =	shalt  }
0x78: {  	_ =	shalt  }
0x79: {  	_ =	shalt  }
0x7a: {  	_ =	shalt  }
0x7b: {  	_ =	shalt  }
0x7c: {  	_ =	shalt  }
0x7d: {  	_ =	shalt  }
0x7e: {  	_ =	shalt  }
0x7f: {  	_ =	shalt  }
0x80: {  	_ =	shalt  }
0x81: {  	_ =	shalt  }
0x82: {  	_ =	shalt  }
0x83: {  	_ =	shalt  }
0x84: {  	_ =	shalt  }
0x85: {  	_ =	shalt  }
0x86: {  	_ =	shalt  }
0x87: {  	_ =	shalt  }
.Lfunc_end0:
.L_simem_size_0:
called_computation_lowered:
.L_overlay_start_0:
0x88: {  	s2 =	sld [smem:$0x3FD9]  }
0x89: {  	s3 =	sld [smem:$0x3FFE];
	_ =	sdelay $0x1  }
0x8a: {  	s1 =	srdreg.scid  }
0x8b: {  	s0 =	sand.u32 $0x1, s1  }
0x8c: {  	s17 =	sshll.u32 s0, $0xA;
	s2 =	sadd.s32 s3, s2  }
0x8d: {  	s2 =	sadd.s32 s2, s17  }
0x8e: {  	[smem:$0x3FC4] =	sst s2  }
0x8f: {  	_ = 	snop  }
0x90: {  	s2 =	sld [smem:$0x3FC8]  }
0x91: {  	s18 =	sld [smem:$0x3FD0];
	(tm) =	ssettm $0x1  }
0x92: {  	s4 =	sld [smem:$0x3FFB];
	_ =	sdelay $0x3  }
0x93: {  	_ =	strace s4  }
0x94: {  	s4 =	sld [smem:$0x3FFC];
	_ =	sdelay $0x3  }
0x95: {  	_ =	strace s4  }
0x96: {  	s4 =	sld [smem:$0x3FFD];
	_ =	sdelay $0x3  }
0x97: {  	_ =	strace s4  }
0x98: {  	_ =	strace $0x8FFFFFFF  }
0x99: {  	s19 =	sld [smem:$0x3FDB];
	_ =	sdelay $0x1  }
0x9a: {  	s5 =	simm.s32 $_scs_section_size  }
0x9b: {  	s6 =	simm.s32 $_size__tile_overlayer_lowered;
	s7 =	simm.s32 $_tile_overlayer_lowered  }
0x9c: {  	s22 =	simm.s32 $0x1BFF;
	s21 =	sshll.u32 s7, $0x1;
	s4 =	sadd.s32 s5, s19  }
0x9d: {  	s8 =	simm.s32 $0x0;
	s20 =	sshll.u32 s6, $0x1;
	s6 =	sadd.s32 s21, s4  }
0x9e: {  	[timem:s8], [sflag:s22] =	dma.local [hbm:s6], s20  }
0x9f: {  	_ =	swait.ge [sflag:s22], s20  }
0xa0: {  	s5 =	ssub.s32 $0x0, s20;
	[sflag:s22] =	ssyncset.done $0x0  }
0xa1: {  	[sflag:s22] =	ssyncadd.s32 s5;
	_ =	sdelay $0x1  }
0xa2: {  	s23 =	simm.s32 $0x1B8B  }
0xa3: {  	_ =	swait.ge [sflag:s23], $0x1  }
0xa4: {  	[sflag:s23] =	ssyncset.done $0x0  }
0xa5: {  	s25 =	simm.s32 $0x1B8E;
	s24 =	sld [smem:$0x3FFE];
	[sflag:s23] =	ssyncadd.s32 $0xFFFFFFFF  }
0xa6: {  	s26 =	simm.s32 $execute0_lowered;
	[smem:$0x3FD2] =	sst s25  }
0xa7: {  	s6 =	sshll.u32 s26, $0x1;
	_ =	strace $0x80000046;
	[dreg:$0x1] =	wrdreg $0xFFFFFFFF  }
0xa8: {  	s28 =	simm.s32 $_size_execute0_lowered;
	s4 =	sadd.s32 s4, s6;
	[dreg:$0x0] =	wrdreg $0x0  }
0xa9: {  	s6 =	sshll.u32 s28, $0x1;
	[dreg:$0x2] =	wrdreg s4  }
0xaa: {  	[dreg:$0x3] =	wrdreg s6  }
0xab: {  	[dreg:$0x4] =	wrdreg $0xC0  }
0xac: {  	_ =	task [dreg:s8], $0x5FFFF  }
0xad: {  	[dreg:$0x1] =	wrdreg $0xFFFFFFFF  }
0xae: {  	[dreg:$0x0] =	wrdreg $0x60  }
0xaf: {  	[dreg:$0x2] =	wrdreg s2  }
0xb0: {  	[dreg:$0x3] =	wrdreg s24  }
0xb1: {  	[dreg:$0x4] =	wrdreg s18  }
0xb2: {  	[dreg:$0x5] =	wrdreg $0xA8000  }
0xb3: {  	[dreg:$0x6] =	wrdreg $0x9  }
0xb4: {  	_ =	task.clear_ibuf [dreg:s8], $0x7FFFF;
	_ =	strace $0x90000046  }
0xb5: {  	s29 =	simm.s32 $0x9;
	_ =	strace $0x80000048  }
0xb6: {  	_ =	swait.ge [sflag:s29], $0x1  }
0xb7: {  	[sflag:s29] =	ssyncadd.s32 $0xFFFFFFFF  }
0xb8: {  	_ =	strace $0x90000048  }
0xb9: {  	_ =	sfence  }
0xba: {  	s30 =	sld [smem:$0x0];
	_ =	sdelay $0x2  }
0xbb: {  	s31 =	sshll.u32 s1, $0xD;
	s1 =	sshrl.u32 s1, $0x2  }
0xbc: {  	s3 =	sand.u32 $0x4000, s31;
	s1 =	sadd.s32 s1, s30  }
0xbd: {  	s0 =	sor.u32 s3, s0;
	s1 =	sshll.u32 s1, $0x11  }
0xbe: {  	s0 =	sor.u32 s1, s0  }
0xbf: {  	s0 =	sadd.s32 $0x8F2B, s0  }
0xc0: {  	[sflag:s0] =	ssyncadd.remote.s32 $0x1  }
0xc1: {  	_ =	sfence.sel $0xFFFF  }
0xc2: {  	[dreg:$0x0] =	wrdreg $0xFFFFFFFF;
	(pc) =	sbr.abs _section_cstart, $3  }
0xc3: {  	[dreg:$0x1] =	wrdreg $0xFFFFFFFF  }
0xc4: {  	_ =	task.clear_ibuf [dreg:s8], $0x2FFFF;
	_ =	strace $0x9FFFFFFF  }
0xc5: {  	(tm) =	ssettm $0x7FFFFFFF  }
tec
execute0_lowered:
.L_overlay_start_1:
0x0: {  	(tag) =	ssettag $0x1  }
0x1: {  	s1 =	rddreg [dreg:$0x0]  }
0x2: {  	s0 =	rddreg [dreg:$0x1]  }
0x3: {  	s19 =	rddreg [dreg:$0x2]  }
0x4: {  	s2 =	srdreg.scid;
	s3 =	rddreg [dreg:$0x3]  }
0x5: {  	s13 =	stileid.u32;
	s4 =	simm.s32 $0x0;
	s28 =	simm.s32 $0x2  }
0x6: {  	s29 =	simm.s32 $0x2800;
	s2 =	sand.u32 $0x1, s2;
	[smem:$0x7FF] =	sst s4  }
0x7: {  	s12 =	sadd.s32 $0x2800, s0;
	s22 =	sshll.u32 s13, $0xE;
	s23 =	sor.u32 $0x10, s13  }
0x8: {  	s26 =	sor.u32 $0x30, s13;
	s31 =	sor.u32 $0x40, s13;
	s5 =	sshll.u32 s2, $0x4  }
0x9: {  	_ =	strace $0x80000047;
	s7 =	ssub.s32 $0x2, s2;
	s10 =	smul.u32 $0xA000, s2  }
0xa: {  	p0 =	seq.s32 s2, $0x1;
	s2 =	sshll.u32 s31, $0xB;
	s5 =	sor.u32 s13, s5  }
0xb: {  	[dreg:$0x5] =	wrdreg s12;
	s8 =	sshrl.u32 s7, $0x1;
	s6 =	smul.u32 $0xA00, s5  }
0xc: {  	[dreg:$0xe] =	wrdreg s2;
	s7 =	ssub.s32 s7, s8;
	s8 =	sshll.u32 s26, $0xB  }
0xd: {  	s6 =	sadd.s32 s6, s1;
	s1 =	sadd.s32 s10, s1;
	s10 =	sadd.s32 s12, s8  }
0xe: {  	s9 =	sor.u32 $0x20, s13;
	s14 =	sadd.s32 $0x10, s6;
	[dreg:$0x15] =	wrdreg s10  }
0xf: {  	s11 =	smul.u32 $0xA00, s13;
	s15 =	sadd.s32 $0x30, s6;
	[dreg:$0x6] =	wrdreg s14  }
0x10: {  	p2 =	seq.s32 s13, $0xF;
	s16 =	sadd.s32 $0x50, s6;
	[dreg:$0x7] =	wrdreg s15  }
0x11: {  	s24 =	sshll.u32 s23, $0xE;
	s17 =	sadd.s32 $0x70, s6;
	[dreg:$0x8] =	wrdreg s16  }
0x12: {  	s25 =	sshll.u32 s9, $0xE;
	s18 =	sadd.s32 $0x90, s6;
	[dreg:$0x9] =	wrdreg s17  }
0x13: {  	s2 =	simm.s32 $0x6800;
	s20 =	sadd.s32 $0xB0, s6;
	[dreg:$0xa] =	wrdreg s18  }
0x14: {  	p1 =	seq.s32 s5, $0x1F;
	s21 =	sadd.s32 $0xD0, s6;
	[dreg:$0xb] =	wrdreg s20  }
0x15: {  	s30 =	smax.u32 s7, $0x1;
	s6 =	sadd.s32 $0xF0, s6;
	[dreg:$0xc] =	wrdreg s21  }
0x16: {  	[dreg:$0xd] =	wrdreg s6;
	s14 =	sadd.s32 s22, s3;
	s15 =	sadd.s32 s24, s3  }
0x17: {  	s18 =	sshll.u32 s26, $0xE;
	s21 =	sshll.u32 s23, $0xB;
	s23 =	sshll.u32 s13, $0xB  }
0x18: {  	s20 =	sshll.u32 s31, $0xE;
	s22 =	sshll.u32 s9, $0xB;
	s24 =	sadd.s32 s12, s23  }
0x19: {  	s17 =	sadd.s32 s18, s3;
	s26 =	sadd.s32 s12, s21;
	[dreg:$0xf] =	wrdreg s24  }
0x1a: {  	s18 =	sadd.s32 s20, s3;
	s5 =	sadd.s32 s12, s22;
	[dreg:$0x11] =	wrdreg s26  }
0x1b: {  	s20 =	sadd.s32 $0x2A000, s0;
	s12 =	sadd.s32 $0x1C00, s0;
	[dreg:$0x13] =	wrdreg s5  }
0x1c: {  	s16 =	sadd.s32 s25, s3;
	s25 =	sadd.s32 s20, s23;
	[dreg:$0x17] =	wrdreg s12  }
0x1d: {  	s7 =	simm.s32 $0x0;
	s31 =	sadd.s32 s20, s21;
	[dreg:$0x10] =	wrdreg s25  }
0x1e: {  	s1 =	sadd.s32 s11, s1;
	s9 =	sadd.s32 s20, s22;
	[dreg:$0x12] =	wrdreg s31  }
0x1f: {  	s1 =	sadd.s32 $0x110, s1;
	s11 =	sadd.s32 s20, s8;
	[dreg:$0x14] =	wrdreg s9  }
0x20: {  	s13 =	sadd.s32 $0x800, s19;
	s21 =	sadd.s32 $0x1C10, s0;
	[dreg:$0x16] =	wrdreg s11  }
0x21: {  	s19 =	simm.s32 $0x80;
	s22 =	sadd.s32 $0x1C20, s0;
	[dreg:$0x18] =	wrdreg s21  }
0x22: {  	s6 =	simm.s32 $0x1;
	s23 =	sadd.s32 $0x1C30, s0;
	[dreg:$0x19] =	wrdreg s22  }
0x23: {  	s24 =	sadd.s32 $0x1C40, s0;
	s26 =	sadd.s32 $0x1C60, s0;
	[dreg:$0x1a] =	wrdreg s23  }
.Ltmp0:
0x24: {  	s12 =	sadd.s32 $0x1C80, s0;
	[dreg:$0x1b] =	wrdreg s24;
	(pc) =	sbr.rel .LBB2_1-.Ltmp0, $4  }
0x25: {  	s25 =	sadd.s32 $0x1C50, s0;
	[dreg:$0x1d] =	wrdreg s26;
	s31 =	sadd.s32 $0x1C70, s0  }
0x26: {  	s21 =	simm.s32 $0x100;
	s22 =	simm.s32 $0x180;
	s23 =	simm.s32 $0x200  }
0x27: {  	s24 =	simm.s32 $0x280;
	s26 =	simm.s32 $0x380;
	[dreg:$0x1c] =	wrdreg s25  }
0x28: {  	s0 =	simm.s32 $0x3;
	[dreg:$0x1e] =	wrdreg s31;
	s25 =	simm.s32 $0x300  }
.LBB2_13:
0x29: {  	s9 =	rddreg [dreg:$0xe]  }
0x2a: {  	s31 =	sshrl.u32 s18, $0x3;
	s5 =	sadd.s32 s5, s9  }
0x2b: {  	[hbm:s5], [sflag:s8] =	dma.local [spmem:s31], $0x800  }
0x2c: {  	_ =	swait.ge [sflag:s0], $0x800  }
0x2d: {  	[sflag:s0] =	ssyncset.done $0x0  }
0x2e: {  	[sflag:s0] =	ssyncadd.s32 $0xFFFFF800  }
.LBB2_14:
0x2f: {  	s7 =	sadd.s32 $0x1, s7  }
0x30: {  	p3 =	sne.s32 s7, s30  }
.Ltmp1:
0x31: {  	_ = 	snop;
	(pc) =	sbr.rel @!p3 .LBB2_15-.Ltmp1, $1  }
0x32: {  	_ =	sdelay $0x3  }
.LBB2_1:
.Ltmp2:
0x33: {  	(pc) =	sbr.rel @!p1 .LBB2_2-.Ltmp2, $2  }
0x34: {  	_ =	sdelay $0x2  }
0x35: {  	s5 =	simm.s32 $0x0  }
0x36: {  	s8 =	rddreg [dreg:$0x17]  }
0x37: {  	[tilespmem:s5], [sflag:$0x2] =	stream.linear.gather [hbm4b:s8+s5], $0x80, $0x38;
	[tilespmem:$0xCF80] =	vst v63  }
0x38: {  	s11 =	rddreg [dreg:$0x18]  }
0x39: {  	[tilespmem:s19], [sflag:$0x2] =	stream.linear.gather [hbm4b:s11+s5], $0x80, $0x38;
	[tilespmem:$0xCF80] =	vst v63  }
0x3a: {  	s9 =	rddreg [dreg:$0x19]  }
0x3b: {  	[tilespmem:s21], [sflag:$0x2] =	stream.linear.gather [hbm4b:s9+s5], $0x80, $0x38;
	[tilespmem:$0xCF80] =	vst v63  }
0x3c: {  	s10 =	rddreg [dreg:$0x1a]  }
0x3d: {  	[tilespmem:s22], [sflag:$0x2] =	stream.linear.gather [hbm4b:s10+s5], $0x80, $0x38;
	[tilespmem:$0xCF80] =	vst v63  }
0x3e: {  	s11 =	rddreg [dreg:$0x1b]  }
0x3f: {  	[tilespmem:s23], [sflag:$0x2] =	stream.linear.gather [hbm4b:s11+s5], $0x80, $0x38;
	[tilespmem:$0xCF80] =	vst v63  }
0x40: {  	s9 =	rddreg [dreg:$0x1c]  }
0x41: {  	[tilespmem:s24], [sflag:$0x2] =	stream.linear.gather [hbm4b:s9+s5], $0x80, $0x38;
	[tilespmem:$0xCF80] =	vst v63  }
0x42: {  	s10 =	rddreg [dreg:$0x1d]  }
0x43: {  	[tilespmem:s25], [sflag:$0x2] =	stream.linear.gather [hbm4b:s10+s5], $0x80, $0x38;
	[tilespmem:$0xCF80] =	vst v63  }
0x44: {  	p3 =	por $0x0, $0x0;
	s11 =	rddreg [dreg:$0x1e]  }
0x45: {  	[tilespmem:s26], [sflag:$0x2] =	stream.linear.gather [hbm4b:s11+s5], $0x80, $0x38;
	[tilespmem:$0xCF80] =	vst v63  }
0x46: {  	s31 =	smov.u32 s12;
	s8 =	simm.s32 $0x1;
	_ =	swait.ge [sflag:s28], $0x80  }
0x47: {  	s9 =	simm.s32 $0x400;
	s10 =	simm.s32 $0x480;
	[sflag:s28] =	ssyncset.done $0x0  }
0x48: {  	s5 =	simm.s32 @!p3 $0x0;
	s11 =	sadd.s32 $0x10, s12;
	[sflag:s28] =	ssyncadd.s32 $0xFFFFFF80  }
.LBB2_6:
0x49: {  	[tilespmem:s9], [sflag:$0x2] =	stream.linear.gather @!p3 [hbm4b:s31+s5], $0x80, $0x38;
	[tilespmem:$0xCF80] =	vst v63  }
0x4a: {  	s5 =	smov.u32 s8;
	s8 =	sadd.s32 $0x1, s8  }
0x4b: {  	p4 =	sne.s32 s8, $0x50  }
.Ltmp3:
0x4c: {  	(pc) =	sbr.rel @p4 .LBB2_6-.Ltmp3, $4  }
0x4d: {  	s9 =	smov.u32 s10;
	s31 =	smov.u32 s11  }
0x4e: {  	_ =	swait.ge [sflag:s28], $0x80  }
0x4f: {  	s10 =	sadd.s32 $0x80, s10;
	p3 =	sgt.u32 s5, $0x47;
	[sflag:s28] =	ssyncset.done $0x0  }
0x50: {  	s11 =	sadd.s32 $0x10, s11;
	s5 =	simm.s32 @!p3 $0x0;
	[sflag:s28] =	ssyncadd.s32 $0xFFFFFF80  }
.Ltmp4:
0x51: {  	(pc) =	sbr.rel .LBB2_8-.Ltmp4, $2  }
0x52: {  	_ =	sdelay $0x2  }
0x53: {  	[tilespmem:s9], [sflag:$0x2] =	stream.linear.gather @!p3 [hbm4b:s31+s5], $0x80, $0x38;
	[tilespmem:$0xCF80] =	vst v63  }
.LBB2_2:
0x54: {  	s8 =	rddreg [dreg:$0x6]  }
0x55: {  	[tilespmem:s5], [sflag:$0x2] =	stream.linear.gather [hbm4b:s8+s5], $0x80, $0x38;
	[tilespmem:$0xCF80] =	vst v63  }
0x56: {  	s11 =	rddreg [dreg:$0x7]  }
0x57: {  	[tilespmem:s19], [sflag:$0x2] =	stream.linear.gather [hbm4b:s11+s5], $0x80, $0x38;
	[tilespmem:$0xCF80] =	vst v63  }
0x58: {  	s9 =	rddreg [dreg:$0x8]  }
0x59: {  	[tilespmem:s21], [sflag:$0x2] =	stream.linear.gather [hbm4b:s9+s5], $0x80, $0x38;
	[tilespmem:$0xCF80] =	vst v63  }
0x5a: {  	s10 =	rddreg [dreg:$0x9]  }
0x5b: {  	[tilespmem:s22], [sflag:$0x2] =	stream.linear.gather [hbm4b:s10+s5], $0x80, $0x38;
	[tilespmem:$0xCF80] =	vst v63  }
0x5c: {  	s11 =	rddreg [dreg:$0xa]  }
0x5d: {  	[tilespmem:s23], [sflag:$0x2] =	stream.linear.gather [hbm4b:s11+s5], $0x80, $0x38;
	[tilespmem:$0xCF80] =	vst v63  }
0x5e: {  	s9 =	rddreg [dreg:$0xb]  }
0x5f: {  	[tilespmem:s24], [sflag:$0x2] =	stream.linear.gather [hbm4b:s9+s5], $0x80, $0x38;
	[tilespmem:$0xCF80] =	vst v63  }
0x60: {  	s10 =	rddreg [dreg:$0xc]  }
0x61: {  	[tilespmem:s25], [sflag:$0x2] =	stream.linear.gather [hbm4b:s10+s5], $0x80, $0x38;
	[tilespmem:$0xCF80] =	vst v63  }
0x62: {  	p3 =	por $0x0, $0x0;
	s11 =	rddreg [dreg:$0xd]  }
0x63: {  	[tilespmem:s26], [sflag:$0x2] =	stream.linear.gather [hbm4b:s11+s5], $0x80, $0x38;
	[tilespmem:$0xCF80] =	vst v63  }
0x64: {  	s31 =	smov.u32 s1;
	s8 =	simm.s32 $0x1;
	_ =	swait.ge [sflag:s28], $0x80  }
0x65: {  	s9 =	simm.s32 $0x400;
	s10 =	simm.s32 $0x480;
	[sflag:s28] =	ssyncset.done $0x0  }
0x66: {  	s5 =	simm.s32 @!p3 $0x0;
	s11 =	sadd.s32 $0x20, s1;
	[sflag:s28] =	ssyncadd.s32 $0xFFFFFF80  }
.LBB2_3:
0x67: {  	[tilespmem:s9], [sflag:$0x2] =	stream.linear.gather @!p3 [hbm4b:s31+s5], $0x80, $0x38;
	[tilespmem:$0xCF80] =	vst v63  }
0x68: {  	s5 =	smov.u32 s8;
	s8 =	sadd.s32 $0x1, s8  }
0x69: {  	p4 =	seq.s32 s8, $0x50  }
.Ltmp5:
0x6a: {  	(pc) =	sbr.rel @!p4 .LBB2_3-.Ltmp5, $4  }
0x6b: {  	s9 =	smov.u32 s10;
	s31 =	smov.u32 s11  }
0x6c: {  	_ =	swait.ge [sflag:s28], $0x80  }
0x6d: {  	s10 =	sadd.s32 $0x80, s10;
	p3 =	sgt.u32 s5, $0x47;
	[sflag:s28] =	ssyncset.done $0x0  }
0x6e: {  	s11 =	sadd.s32 $0x20, s11;
	s5 =	simm.s32 @!p3 $0x0;
	[sflag:s28] =	ssyncadd.s32 $0xFFFFFF80  }
0x6f: {  	[tilespmem:s9], [sflag:$0x2] =	stream.linear.gather @!p3 [hbm4b:s31+s5], $0x80, $0x38;
	[tilespmem:$0xCF80] =	vst v63  }
.LBB2_8:
0x70: {  	s5 =	rddreg [dreg:$0x2]  }
0x71: {  	[tilespmem:s29], [sflag:$0x3] =	stream.linear.gather [hbm4b:s5+s4], $0x4000, $0x38;
	[tilespmem:$0xCF80] =	vst v63  }
0x72: {  	_ =	swait.ge [sflag:s0], $0x4000  }
0x73: {  	[sflag:s0] =	ssyncset.done $0x0  }
0x74: {  	[sflag:s0] =	ssyncadd.s32 $0xFFFFC000  }
0x75: {  	[tilespmem:s2], [sflag:$0x3] =	stream.linear.gather [hbm4b:s13+s4], $0x4000, $0x38;
	[tilespmem:$0xCF80] =	vst v63  }
0x76: {  	_ =	swait.ge [sflag:s0], $0x4000  }
0x77: {  	[sflag:s0] =	ssyncset.done $0x0  }
0x78: {  	[sflag:s0] =	ssyncadd.s32 $0xFFFFC000  }
0x79: {  	[spmem:s14] =	stream.linear.scatter [tilespmem:s2], [sflag:$0x3], $0x4000, $0x38;
	[tilespmem:$0xCF80] =	vst v63  }
0x7a: {  	_ =	swait.ge [sflag:s0], $0x4000  }
0x7b: {  	[sflag:s0] =	ssyncset.done $0x0  }
0x7c: {  	[sflag:s0] =	ssyncadd.s32 $0xFFFFC000  }
0x7d: {  	[spmem:s15] =	stream.linear.scatter [tilespmem:s2], [sflag:$0x3], $0x4000, $0x38;
	[tilespmem:$0xCF80] =	vst v63  }
0x7e: {  	_ =	swait.ge [sflag:s0], $0x4000  }
0x7f: {  	[sflag:s0] =	ssyncset.done $0x0  }
0x80: {  	[sflag:s0] =	ssyncadd.s32 $0xFFFFC000  }
0x81: {  	[spmem:s16] =	stream.linear.scatter [tilespmem:s2], [sflag:$0x3], $0x4000, $0x38;
	[tilespmem:$0xCF80] =	vst v63  }
0x82: {  	_ =	swait.ge [sflag:s0], $0x4000  }
0x83: {  	[sflag:s0] =	ssyncset.done $0x0  }
0x84: {  	[sflag:s0] =	ssyncadd.s32 $0xFFFFC000  }
0x85: {  	[spmem:s17] =	stream.linear.scatter [tilespmem:s2], [sflag:$0x3], $0x4000, $0x38;
	[tilespmem:$0xCF80] =	vst v63  }
0x86: {  	_ =	swait.ge [sflag:s0], $0x4000  }
0x87: {  	[sflag:s0] =	ssyncset.done $0x0  }
0x88: {  	s5 =	simm.s32 @!p2 $0x6800;
	[sflag:s0] =	ssyncadd.s32 $0xFFFFC000  }
0x89: {  	[spmem:s18] =	stream.linear.scatter @!p2 [tilespmem:s5], [sflag:$0x3], $0x4000, $0x38;
	[tilespmem:$0xCF80] =	vst v63  }
0x8a: {  	s5 =	simm.s32 @!p2 $0x3  }
0x8b: {  	_ =	swait.ge @!p2 [sflag:s5], $0x4000  }
0x8c: {  	[sflag:s5] =	ssyncset.done @!p2 $0x0  }
0x8d: {  	[sflag:s5] =	ssyncadd.s32 @!p2 $0xFFFFC000  }
0x8e: {  	s31 =	simm.s32 $0x0;
	[bflag:$0x0] =	sbarrier.arrive $0xFFFF  }
0x8f: {  	[spmem:s3] =	stream.indirect.scatter.add.f32 [tilespmem:s29], [sflag:$0x1], $0x10, s31, s19, $0xb8;
	[tilespmem:$0xCF80] =	vst v63  }
0x90: {  	_ = 	snop  }
0x91: {  	[spmem:s3] =	stream.indirect.scatter.add.f32 [tilespmem:s29], [sflag:$0x1], $0x10, s19, s19, $0xb8;
	[tilespmem:$0xCF80] =	vst v63  }
0x92: {  	_ = 	snop  }
0x93: {  	[spmem:s3] =	stream.indirect.scatter.add.f32 [tilespmem:s29], [sflag:$0x1], $0x10, s21, s19, $0xb8;
	[tilespmem:$0xCF80] =	vst v63  }
0x94: {  	_ = 	snop  }
0x95: {  	[spmem:s3] =	stream.indirect.scatter.add.f32 [tilespmem:s29], [sflag:$0x1], $0x10, s22, s19, $0xb8;
	[tilespmem:$0xCF80] =	vst v63  }
0x96: {  	_ = 	snop  }
0x97: {  	[spmem:s3] =	stream.indirect.scatter.add.f32 [tilespmem:s29], [sflag:$0x1], $0x10, s23, s19, $0xb8;
	[tilespmem:$0xCF80] =	vst v63  }
0x98: {  	_ = 	snop  }
0x99: {  	[spmem:s3] =	stream.indirect.scatter.add.f32 [tilespmem:s29], [sflag:$0x1], $0x10, s24, s19, $0xb8;
	[tilespmem:$0xCF80] =	vst v63  }
0x9a: {  	_ = 	snop  }
0x9b: {  	[spmem:s3] =	stream.indirect.scatter.add.f32 [tilespmem:s29], [sflag:$0x1], $0x10, s25, s19, $0xb8;
	[tilespmem:$0xCF80] =	vst v63  }
0x9c: {  	_ = 	snop  }
0x9d: {  	[spmem:s3] =	stream.indirect.scatter.add.f32 [tilespmem:s29], [sflag:$0x1], $0x10, s26, s19, $0xb8;
	[tilespmem:$0xCF80] =	vst v63  }
0x9e: {  	s9 =	simm.s32 $0x400;
	s8 =	simm.s32 $0x1;
	_ =	swait.ge [sflag:s6], $0x800  }
0x9f: {  	p3 =	por $0x0, $0x0;
	s10 =	simm.s32 $0x480;
	[sflag:s6] =	ssyncset.done $0x0  }
0xa0: {  	s11 =	simm.s32 @!p3 $0x2800;
	s5 =	simm.s32 @!p3 $0x80;
	[sflag:s6] =	ssyncadd.s32 $0xFFFFF800  }
.LBB2_9:
0xa1: {  	[spmem:s3] =	stream.indirect.scatter.add.f32 @!p3 [tilespmem:s11], [sflag:$0x1], $0x10, s9, s5, $0xb8;
	[tilespmem:$0xCF80] =	vst v63  }
0xa2: {  	s5 =	smov.u32 s8;
	s8 =	sadd.s32 $0x1, s8  }
0xa3: {  	p4 =	sne.s32 s8, $0x50  }
.Ltmp6:
0xa4: {  	(pc) =	sbr.rel @p4 .LBB2_9-.Ltmp6, $4  }
0xa5: {  	s9 =	smov.u32 s10  }
0xa6: {  	_ =	swait.ge [sflag:s6], $0x800  }
0xa7: {  	s10 =	sadd.s32 $0x80, s10;
	p3 =	sgt.u32 s5, $0x47;
	[sflag:s6] =	ssyncset.done $0x0  }
0xa8: {  	s5 =	simm.s32 @!p3 $0x80;
	s11 =	simm.s32 @!p3 $0x2800;
	[sflag:s6] =	ssyncadd.s32 $0xFFFFF800  }
.Ltmp7:
0xa9: {  	(pc) =	sbr.rel @!p0 .LBB2_11-.Ltmp7, $4  }
0xaa: {  	[spmem:s3] =	stream.indirect.scatter.add.f32 @!p3 [tilespmem:s11], [sflag:$0x1], $0x10, s9, s5, $0xb8;
	[tilespmem:$0xCF80] =	vst v63  }
0xab: {  	s31 =	stileid.u32  }
0xac: {  	s9 =	sshll.u32 s31, $0x6;
	[bflag:$0x0] =	sbarrier.arrive $0xFFFF  }
0xad: {  	s5 =	sshrl.u32 s14, $0x3;
	s8 =	sor.u32 $0x1C03, s9  }
0xae: {  	s8 =	sor.u32 $0x1C03, s9;
	s10 =	rddreg [dreg:$0x10]  }
0xaf: {  	[hbm:s10], [sflag:s8] =	dma.local [spmem:s5], $0x800  }
0xb0: {  	_ =	swait.ge [sflag:s0], $0x800  }
0xb1: {  	[sflag:s0] =	ssyncset.done $0x0  }
0xb2: {  	s11 =	sshrl.u32 s15, $0x3;
	s31 =	rddreg [dreg:$0x12];
	[sflag:s0] =	ssyncadd.s32 $0xFFFFF800  }
0xb3: {  	[hbm:s31], [sflag:s8] =	dma.local [spmem:s11], $0x800  }
0xb4: {  	_ =	swait.ge [sflag:s0], $0x800  }
0xb5: {  	[sflag:s0] =	ssyncset.done $0x0  }
0xb6: {  	s9 =	sshrl.u32 s16, $0x3;
	s10 =	rddreg [dreg:$0x14];
	[sflag:s0] =	ssyncadd.s32 $0xFFFFF800  }
0xb7: {  	[hbm:s10], [sflag:s8] =	dma.local [spmem:s9], $0x800  }
0xb8: {  	_ =	swait.ge [sflag:s0], $0x800  }
0xb9: {  	[sflag:s0] =	ssyncset.done $0x0  }
0xba: {  	s11 =	sshrl.u32 s17, $0x3;
	s31 =	rddreg [dreg:$0x16];
	[sflag:s0] =	ssyncadd.s32 $0xFFFFF800  }
0xbb: {  	[hbm:s31], [sflag:s8] =	dma.local [spmem:s11], $0x800  }
.Ltmp8:
0xbc: {  	_ = 	snop;
	(pc) =	sbr.rel @p2 .LBB2_14-.Ltmp8, $4  }
.Ltmp9:
0xbd: {  	_ = 	snop;
	(pc) =	sbr.rel @!p2 .LBB2_13-.Ltmp9, $4  }
0xbe: {  	_ =	swait.ge [sflag:s0], $0x800  }
0xbf: {  	[sflag:s0] =	ssyncset.done $0x0  }
0xc0: {  	s5 =	smov.u32 s20;
	[sflag:s0] =	ssyncadd.s32 $0xFFFFF800  }
0xc1: {  	_ = 	snop  }
.LBB2_11:
0xc2: {  	s9 =	rddreg [dreg:$0xf]  }
0xc3: {  	[hbm:s9], [sflag:s8] =	dma.local [spmem:s5], $0x800  }
0xc4: {  	_ =	swait.ge [sflag:s0], $0x800  }
0xc5: {  	[sflag:s0] =	ssyncset.done $0x0  }
0xc6: {  	s11 =	sshrl.u32 s15, $0x3;
	s31 =	rddreg [dreg:$0x11];
	[sflag:s0] =	ssyncadd.s32 $0xFFFFF800  }
0xc7: {  	[hbm:s31], [sflag:s8] =	dma.local [spmem:s11], $0x800  }
0xc8: {  	_ =	swait.ge [sflag:s0], $0x800  }
0xc9: {  	[sflag:s0] =	ssyncset.done $0x0  }
0xca: {  	s9 =	sshrl.u32 s16, $0x3;
	s10 =	rddreg [dreg:$0x13];
	[sflag:s0] =	ssyncadd.s32 $0xFFFFF800  }
0xcb: {  	[hbm:s10], [sflag:s8] =	dma.local [spmem:s9], $0x800  }
0xcc: {  	_ =	swait.ge [sflag:s0], $0x800  }
0xcd: {  	[sflag:s0] =	ssyncset.done $0x0  }
0xce: {  	s11 =	sshrl.u32 s17, $0x3;
	s31 =	rddreg [dreg:$0x15];
	[sflag:s0] =	ssyncadd.s32 $0xFFFFF800  }
0xcf: {  	[hbm:s31], [sflag:s8] =	dma.local [spmem:s11], $0x800  }
.Ltmp10:
0xd0: {  	_ = 	snop;
	(pc) =	sbr.rel @p2 .LBB2_14-.Ltmp10, $4  }
.Ltmp11:
0xd1: {  	_ = 	snop;
	(pc) =	sbr.rel @!p2 .LBB2_13-.Ltmp11, $4  }
0xd2: {  	_ =	swait.ge [sflag:s0], $0x800  }
0xd3: {  	[sflag:s0] =	ssyncset.done $0x0  }
0xd4: {  	s5 =	rddreg [dreg:$0x5];
	[sflag:s0] =	ssyncadd.s32 $0xFFFFF800  }
0xd5: {  	_ = 	snop  }
.LBB2_15:
0xd6: {  	_ =	sfence.sel $0x180000  }
0xd7: {  	[bflag:$0x0] =	sbarrier.arrive $0xFFFF  }
0xd8: {  	_ =	strace $0x90000047  }
0xd9: {  	s0 =	stileid.u32;
	[bflag:$0x2] =	sbarrier.arrive $0xFFFF  }
0xda: {  	p0 =	sne.s32 s0, $0x0;
	s0 =	rddreg [dreg:$0x4]  }
0xdb: {  	s0 =	sadd.s32 @!p0 $0x100000, s0  }
0xdc: {  	[sflag:s0] =	ssyncadd.tile.s32 @!p0 $0x1;
	_ =	shalt  }
.Lfunc_end2:
_tile_overlayer_lowered:
.L_overlay_start_2:
0xdd: {  	(tag) =	ssettag $0x2  }
0xde: {  	s0 =	rddreg [dreg:$0x0];
	s2 =	stileid.u32  }
0xdf: {  	s1 =	rddreg [dreg:$0x1];
	p0 =	sne.s32 s2, $0x0  }
0xe0: {  	s3 =	rddreg [dreg:$0x2];
	[bflag:$0x3] =	sbarrier.arrive $0xFFFF;
	s2 =	simm.s32 @!p0 $0x1C03  }
0xe1: {  	[timem:s3], [sflag:s2] =	dma.local @!p0 [hbm:s0], s1  }
0xe2: {  	s0 =	simm.s32 @!p0 $0x3  }
0xe3: {  	_ =	swait.ge @!p0 [sflag:s0], s1  }
0xe4: {  	s1 =	ssub.s32 @!p0 $0x0, s1;
	[sflag:s0] =	ssyncset.done @!p0 $0x0  }
0xe5: {  	[sflag:s0] =	ssyncadd.s32 @!p0 s1  }
0xe6: {  	[bflag:$0x3] =	sbarrier.arrive $0xFFFF  }
0xe7: {  	_ =	shalt  }

// kernel: kernel.9.cloned.1.call-start
scs
__scs_entry_jumppad:
0x0: {  	(pc) =	sbr.rel $0x88, $3  }
0x1: {  	(tag) =	ssettag $0x0;
	lr =	simm.s32 $0x1  }
0x2: {  	[smem:$0x3F9D] =	sst lr;
	_ =	strace $0xD0000000  }
0x3: {  	_ = 	snop  }
0x4: {  	_ = 	snop  }
0x5: {  	_ = 	snop  }
0x6: {  	_ = 	snop  }
0x7: {  	_ = 	snop  }
__scs_overlays_trampoline_lowered:
0x8: {  	[smem:$0x3FAC] =	sst s0  }
0x9: {  	[smem:$0x3FAD] =	sst s1  }
0xa: {  	[smem:$0x3FAE] =	sst s2  }
0xb: {  	[smem:$0x3FAF] =	sst s3  }
0xc: {  	[smem:$0x3FB0] =	sst s4  }
0xd: {  	[smem:$0x3FB1] =	sst s5  }
0xe: {  	[smem:$0x3FB2] =	sst s6  }
0xf: {  	[smem:$0x3FB3] =	sst s7  }
0x10: {  	[smem:$0x3FB4] =	sst s8  }
0x11: {  	[smem:$0x3FB5] =	sst s9;
	s0 =	simm.s32 @!p0 $0x0  }
0x12: {  	s1 =	sld [smem:$0x3F9B];
	s0 =	simm.s32 @p0 $0x1  }
0x13: {  	[smem:$0x3FB6] =	sst s0;
	s0 =	simm.s32 @!p1 $0x0  }
0x14: {  	s2 =	sld [smem:$0x3F9A];
	s0 =	simm.s32 @p1 $0x1  }
0x15: {  	[smem:$0x3FB7] =	sst s0;
	s0 =	simm.s32 @!p2 $0x0  }
0x16: {  	s3 =	sld [smem:$0x3FDB];
	s0 =	simm.s32 @p2 $0x1  }
0x17: {  	s4 =	simm.s32 $0x1BF5;
	[smem:$0x3FB9] =	sst s0  }
0x18: {  	s0 =	sld [smem:$0x3F9C];
	_ =	swait.ge [sflag:s4], $0x0  }
0x19: {  	s7 =	sld [smem:$0x3F9D]  }
0x1a: {  	s8 =	sadd.s32 $0xFFFFE003, lr  }
0x1b: {  	s9 =	sadd.s32 $0xFFFFFEF7, lr;
	s5 =	simm.s32 $0xFFFFFFFF;
	p2 =	slt.u32 s8, $0xFFFFF086  }
0x1c: {  	p1 =	slt.u32 s9, $0xF7A;
	s5 =	simm.s32 @!p2 $0x0  }
0x1d: {  	s5 =	simm.s32 @p1 $0x1;
	p0 =	seq.s32 s7, s2  }
0x1e: {  	s7 =	smul.u32 @!p0 $0xF7A, s2;
	p2 =	seq.s32 @!p0 s5, $0x0  }
0x1f: {  	s9 =	smul.u32 $0xF7A, s1;
	s8 =	simm.s32 @!p0 $0x1BF5;
	p2 =	por !p2, p0  }
0x20: {  	[sflag:s8] =	ssyncset.s32 @!p0 $0xFFFFF086;
	s6 =	sadd.s32 @!p0 s3, s7;
	s7 =	simm.s32 @!p0 $0x108  }
0x21: {  	s3 =	sadd.s32 s3, s9;
	s6 =	sadd.s32 @!p0 $0x88, s6;
	s7 =	simm.s32 @p2 $0x1082  }
0x22: {  	[simem:s7], [sflag:s8] =	dma.local @!p0 [hbm:s6], $0xF7A  }
0x23: {  	s9 =	sor.u32 $0xD0000000, s2;
	s6 =	simm.s32 $0x108;
	_ =	swait.ge @!p0 [sflag:s8], $0x0  }
0x24: {  	s3 =	sadd.s32 $0x88, s3;
	s6 =	simm.s32 @!p1 $0x1082;
	[sflag:s4] =	ssyncset.s32 $0xFFFFF086  }
0x25: {  	[simem:s6], [sflag:s4] =	dma.local [hbm:s3], $0xF7A  }
0x26: {  	[smem:$0x3F9D] =	sst s1;
	(tag) =	ssettag s2;
	_ =	strace s9  }
0x27: {  	s1 =	sld [smem:$0x3FAD]  }
0x28: {  	s2 =	sld [smem:$0x3FAE]  }
0x29: {  	s4 =	sld [smem:$0x3FB0]  }
0x2a: {  	p0 =	seq.s32 s5, $0x0;
	s5 =	sld [smem:$0x3FB1]  }
0x2b: {  	s6 =	sld [smem:$0x3FB2]  }
0x2c: {  	s7 =	sld [smem:$0x3FB3]  }
0x2d: {  	s3 =	simm.s32 $0x108;
	s8 =	sld [smem:$0x3FB4]  }
0x2e: {  	s3 =	simm.s32 @!p0 $0x1082;
	s9 =	sld [smem:$0x3FB5]  }
0x2f: {  	lr =	sadd.s32 s0, s3;
	s0 =	sld [smem:$0x3FAC]  }
0x30: {  	s3 =	sld [smem:$0x3FAF]  }
0x31: {  	[smem:$0x3FB8] =	sst s10  }
0x32: {  	s10 =	sld [smem:$0x3FB6];
	_ =	sdelay $0x3  }
0x33: {  	p0 =	seq.s32 s10, $0x1;
	s10 =	sld [smem:$0x3FB8];
	_ =	sdelay $0x3  }
0x34: {  	[smem:$0x3FB8] =	sst s10  }
0x35: {  	s10 =	sld [smem:$0x3FB7];
	_ =	sdelay $0x3  }
0x36: {  	p1 =	seq.s32 s10, $0x1;
	s10 =	sld [smem:$0x3FB8];
	_ =	sdelay $0x3  }
0x37: {  	[smem:$0x3FB8] =	sst s10  }
0x38: {  	s10 =	sld [smem:$0x3FB9]  }
0x39: {  	_ = 	snop;
	(pc) =	sbr.ind lr, $3  }
0x3a: {  	_ = 	snop  }
0x3b: {  	_ = 	snop  }
0x3c: {  	p2 =	seq.s32 s10, $0x1;
	s10 =	sld [smem:$0x3FB8]  }
0x3d: {  	_ =	shalt  }
0x3e: {  	_ =	shalt  }
0x3f: {  	_ =	shalt  }
0x40: {  	_ =	shalt  }
0x41: {  	_ =	shalt  }
0x42: {  	_ =	shalt  }
0x43: {  	_ =	shalt  }
0x44: {  	_ =	shalt  }
0x45: {  	_ =	shalt  }
0x46: {  	_ =	shalt  }
0x47: {  	_ =	shalt  }
0x48: {  	_ =	shalt  }
0x49: {  	_ =	shalt  }
0x4a: {  	_ =	shalt  }
0x4b: {  	_ =	shalt  }
0x4c: {  	_ =	shalt  }
0x4d: {  	_ =	shalt  }
0x4e: {  	_ =	shalt  }
0x4f: {  	_ =	shalt  }
0x50: {  	_ =	shalt  }
0x51: {  	_ =	shalt  }
0x52: {  	_ =	shalt  }
0x53: {  	_ =	shalt  }
0x54: {  	_ =	shalt  }
0x55: {  	_ =	shalt  }
0x56: {  	_ =	shalt  }
0x57: {  	_ =	shalt  }
0x58: {  	_ =	shalt  }
0x59: {  	_ =	shalt  }
0x5a: {  	_ =	shalt  }
0x5b: {  	_ =	shalt  }
0x5c: {  	_ =	shalt  }
0x5d: {  	_ =	shalt  }
0x5e: {  	_ =	shalt  }
0x5f: {  	_ =	shalt  }
0x60: {  	_ =	shalt  }
0x61: {  	_ =	shalt  }
0x62: {  	_ =	shalt  }
0x63: {  	_ =	shalt  }
0x64: {  	_ =	shalt  }
0x65: {  	_ =	shalt  }
0x66: {  	_ =	shalt  }
0x67: {  	_ =	shalt  }
0x68: {  	_ =	shalt  }
0x69: {  	_ =	shalt  }
0x6a: {  	_ =	shalt  }
0x6b: {  	_ =	shalt  }
0x6c: {  	_ =	shalt  }
0x6d: {  	_ =	shalt  }
0x6e: {  	_ =	shalt  }
0x6f: {  	_ =	shalt  }
0x70: {  	_ =	shalt  }
0x71: {  	_ =	shalt  }
0x72: {  	_ =	shalt  }
0x73: {  	_ =	shalt  }
0x74: {  	_ =	shalt  }
0x75: {  	_ =	shalt  }
0x76: {  	_ =	shalt  }
0x77: {  	_ =	shalt  }
0x78: {  	_ =	shalt  }
0x79: {  	_ =	shalt  }
0x7a: {  	_ =	shalt  }
0x7b: {  	_ =	shalt  }
0x7c: {  	_ =	shalt  }
0x7d: {  	_ =	shalt  }
0x7e: {  	_ =	shalt  }
0x7f: {  	_ =	shalt  }
0x80: {  	_ =	shalt  }
0x81: {  	_ =	shalt  }
0x82: {  	_ =	shalt  }
0x83: {  	_ =	shalt  }
0x84: {  	_ =	shalt  }
0x85: {  	_ =	shalt  }
0x86: {  	_ =	shalt  }
0x87: {  	_ =	shalt  }
.Lfunc_end0:
.L_simem_size_0:
called_computation.1_lowered:
.L_overlay_start_0:
0x88: {  	s2 =	sld [smem:$0x3FD9]  }
0x89: {  	s3 =	sld [smem:$0x3FFE];
	_ =	sdelay $0x1  }
0x8a: {  	s1 =	srdreg.scid  }
0x8b: {  	s0 =	sand.u32 $0x1, s1  }
0x8c: {  	s17 =	sshll.u32 s0, $0xA;
	s2 =	sadd.s32 s3, s2  }
0x8d: {  	s2 =	sadd.s32 s2, s17  }
0x8e: {  	[smem:$0x3FC4] =	sst s2  }
0x8f: {  	_ = 	snop  }
0x90: {  	s2 =	sld [smem:$0x3FC8]  }
0x91: {  	s18 =	sld [smem:$0x3FD0];
	(tm) =	ssettm $0x1  }
0x92: {  	s4 =	sld [smem:$0x3FFB];
	_ =	sdelay $0x3  }
0x93: {  	_ =	strace s4  }
0x94: {  	s4 =	sld [smem:$0x3FFC];
	_ =	sdelay $0x3  }
0x95: {  	_ =	strace s4  }
0x96: {  	s4 =	sld [smem:$0x3FFD];
	_ =	sdelay $0x3  }
0x97: {  	_ =	strace s4  }
0x98: {  	_ =	strace $0x8FFFFFFF  }
0x99: {  	s19 =	sld [smem:$0x3FDB];
	_ =	sdelay $0x1  }
0x9a: {  	s5 =	simm.s32 $_scs_section_size  }
0x9b: {  	s6 =	simm.s32 $_size__tile_overlayer_lowered;
	s7 =	simm.s32 $_tile_overlayer_lowered  }
0x9c: {  	s22 =	simm.s32 $0x1BFF;
	s21 =	sshll.u32 s7, $0x1;
	s4 =	sadd.s32 s5, s19  }
0x9d: {  	s8 =	simm.s32 $0x0;
	s20 =	sshll.u32 s6, $0x1;
	s6 =	sadd.s32 s21, s4  }
0x9e: {  	[timem:s8], [sflag:s22] =	dma.local [hbm:s6], s20  }
0x9f: {  	_ =	swait.ge [sflag:s22], s20  }
0xa0: {  	s5 =	ssub.s32 $0x0, s20;
	[sflag:s22] =	ssyncset.done $0x0  }
0xa1: {  	[sflag:s22] =	ssyncadd.s32 s5;
	_ =	sdelay $0x1  }
0xa2: {  	s23 =	simm.s32 $0x1B8B  }
0xa3: {  	_ =	swait.ge [sflag:s23], $0x1  }
0xa4: {  	[sflag:s23] =	ssyncset.done $0x0  }
0xa5: {  	s25 =	simm.s32 $0x1B8E;
	s24 =	sld [smem:$0x3FFE];
	[sflag:s23] =	ssyncadd.s32 $0xFFFFFFFF  }
0xa6: {  	s26 =	simm.s32 $execute0_lowered;
	[smem:$0x3FD2] =	sst s25  }
0xa7: {  	s6 =	sshll.u32 s26, $0x1;
	_ =	strace $0x80000049;
	[dreg:$0x1] =	wrdreg $0xFFFFFFFF  }
0xa8: {  	s28 =	simm.s32 $_size_execute0_lowered;
	s4 =	sadd.s32 s4, s6;
	[dreg:$0x0] =	wrdreg $0x0  }
0xa9: {  	s6 =	sshll.u32 s28, $0x1;
	[dreg:$0x2] =	wrdreg s4  }
0xaa: {  	[dreg:$0x3] =	wrdreg s6  }
0xab: {  	[dreg:$0x4] =	wrdreg $0xC0  }
0xac: {  	_ =	task [dreg:s8], $0x5FFFF  }
0xad: {  	[dreg:$0x1] =	wrdreg $0xFFFFFFFF  }
0xae: {  	[dreg:$0x0] =	wrdreg $0x60  }
0xaf: {  	[dreg:$0x2] =	wrdreg s18  }
0xb0: {  	[dreg:$0x3] =	wrdreg s2  }
0xb1: {  	[dreg:$0x4] =	wrdreg s24  }
0xb2: {  	[dreg:$0x5] =	wrdreg $0xA8000  }
0xb3: {  	[dreg:$0x6] =	wrdreg $0x9  }
0xb4: {  	_ =	task.clear_ibuf [dreg:s8], $0x7FFFF;
	_ =	strace $0x90000049  }
0xb5: {  	s29 =	simm.s32 $0x9;
	_ =	strace $0x8000004B  }
0xb6: {  	_ =	swait.ge [sflag:s29], $0x1  }
0xb7: {  	[sflag:s29] =	ssyncadd.s32 $0xFFFFFFFF  }
0xb8: {  	_ =	strace $0x9000004B  }
0xb9: {  	_ =	sfence  }
0xba: {  	s30 =	sld [smem:$0x0];
	_ =	sdelay $0x2  }
0xbb: {  	s31 =	sshll.u32 s1, $0xD;
	s1 =	sshrl.u32 s1, $0x2  }
0xbc: {  	s3 =	sand.u32 $0x4000, s31;
	s1 =	sadd.s32 s1, s30  }
0xbd: {  	s0 =	sor.u32 s3, s0;
	s1 =	sshll.u32 s1, $0x11  }
0xbe: {  	s0 =	sor.u32 s1, s0  }
0xbf: {  	s0 =	sadd.s32 $0x8F2B, s0  }
0xc0: {  	[sflag:s0] =	ssyncadd.remote.s32 $0x1  }
0xc1: {  	_ =	sfence.sel $0xFFFF  }
0xc2: {  	[dreg:$0x0] =	wrdreg $0xFFFFFFFF;
	(pc) =	sbr.abs _section_cstart, $3  }
0xc3: {  	[dreg:$0x1] =	wrdreg $0xFFFFFFFF  }
0xc4: {  	_ =	task.clear_ibuf [dreg:s8], $0x2FFFF;
	_ =	strace $0x9FFFFFFF  }
0xc5: {  	(tm) =	ssettm $0x7FFFFFFF  }
tec
execute0_lowered:
.L_overlay_start_1:
0x0: {  	(tag) =	ssettag $0x1  }
0x1: {  	s1 =	rddreg [dreg:$0x0]  }
0x2: {  	s3 =	rddreg [dreg:$0x1]  }
0x3: {  	s0 =	rddreg [dreg:$0x2]  }
0x4: {  	s2 =	rddreg [dreg:$0x3];
	s4 =	srdreg.scid  }
0x5: {  	s5 =	simm.s32 $0x0;
	s20 =	stileid.u32;
	s4 =	sand.u32 $0x1, s4  }
0x6: {  	[smem:$0x7FF] =	sst s5;
	s24 =	sshll.u32 s20, $0xE;
	s12 =	sor.u32 $0x10, s20  }
0x7: {  	s15 =	sor.u32 $0x40, s20;
	s17 =	sadd.s32 $0x10, s3;
	s23 =	sshll.u32 s4, $0x4  }
0x8: {  	s22 =	ssub.s32 $0x2, s4;
	_ =	strace $0x8000004A;
	s11 =	sor.u32 s20, s23  }
0x9: {  	s5 =	sadd.s32 s24, s2;
	s25 =	sshll.u32 s12, $0xE;
	s16 =	smul.u32 $0xA00, s11  }
0xa: {  	s9 =	sshll.u32 s15, $0xE;
	s15 =	sshll.u32 s15, $0xB;
	s6 =	sshrl.u32 s22, $0x1  }
0xb: {  	[dreg:$0x19] =	wrdreg s15;
	s18 =	smul.u32 $0x5000, s11;
	s19 =	sadd.s32 s16, s17  }
0xc: {  	s21 =	sadd.s32 s3, s16;
	s16 =	sadd.s32 $0x500, s16;
	[dreg:$0x6] =	wrdreg s19  }
0xd: {  	s18 =	sshrl.u32 s18, $0x3;
	s26 =	sadd.s32 s3, s16;
	[dreg:$0x5] =	wrdreg s21  }
0xe: {  	s18 =	sadd.s32 s3, s18;
	s16 =	sadd.s32 s16, s17;
	[dreg:$0x7] =	wrdreg s26  }
0xf: {  	s10 =	ssub.s32 s22, s6;
	[dreg:$0x8] =	wrdreg s16;
	s24 =	sadd.s32 $0x520, s18  }
0x10: {  	s6 =	sadd.s32 s25, s2;
	s25 =	sadd.s32 $0x540, s18;
	[dreg:$0x9] =	wrdreg s24  }
0x11: {  	s26 =	sadd.s32 $0x560, s18;
	[dreg:$0xa] =	wrdreg s25  }
0x12: {  	p1 =	seq.s32 s11, $0x1F;
	s11 =	sadd.s32 $0x580, s18;
	[dreg:$0xb] =	wrdreg s26  }
0x13: {  	s16 =	sadd.s32 $0x5A0, s18;
	[dreg:$0xc] =	wrdreg s11  }
0x14: {  	s22 =	smul.u32 $0xA000, s4;
	s17 =	sadd.s32 $0x5C0, s18;
	[dreg:$0xd] =	wrdreg s16  }
0x15: {  	s23 =	smul.u32 $0xA00, s20;
	s19 =	sadd.s32 $0x5E0, s18;
	[dreg:$0xe] =	wrdreg s17  }
0x16: {  	s3 =	sadd.s32 s22, s3;
	s22 =	sadd.s32 $0x530, s18;
	[dreg:$0xf] =	wrdreg s19  }
0x17: {  	s3 =	sadd.s32 s23, s3;
	s23 =	sadd.s32 $0x550, s18;
	[dreg:$0x10] =	wrdreg s22  }
0x18: {  	[dreg:$0x11] =	wrdreg s23;
	s24 =	sadd.s32 $0x570, s18  }
0x19: {  	s25 =	sadd.s32 $0x590, s18;
	[dreg:$0x12] =	wrdreg s24  }
0x1a: {  	s26 =	sadd.s32 $0x5B0, s18;
	[dreg:$0x13] =	wrdreg s25  }
0x1b: {  	s11 =	sadd.s32 $0x5D0, s18;
	[dreg:$0x14] =	wrdreg s26  }
0x1c: {  	s13 =	sor.u32 $0x20, s20;
	s16 =	sadd.s32 $0x5F0, s18;
	[dreg:$0x15] =	wrdreg s11  }
0x1d: {  	s14 =	sor.u32 $0x30, s20;
	s22 =	sadd.s32 $0x51800, s0;
	[dreg:$0x16] =	wrdreg s16  }
0x1e: {  	s8 =	sshll.u32 s14, $0xE;
	s23 =	sadd.s32 $0x79000, s0;
	[dreg:$0x17] =	wrdreg s22  }
0x1f: {  	s17 =	sshll.u32 s12, $0xB;
	s12 =	sadd.s32 $0x2220, s0;
	[dreg:$0x18] =	wrdreg s23  }
0x20: {  	s19 =	sshll.u32 s14, $0xB;
	s14 =	sadd.s32 $0x2240, s0;
	[smem:$0x7CF] =	sst s12  }
0x21: {  	p0 =	seq.s32 s4, $0x1;
	s26 =	sadd.s32 s22, s17;
	[smem:$0x7D1] =	sst s14  }
0x22: {  	s18 =	sshll.u32 s13, $0xB;
	s4 =	sadd.s32 s23, s17;
	[dreg:$0x1c] =	wrdreg s26  }
0x23: {  	s15 =	sadd.s32 s22, s18;
	[dreg:$0x1d] =	wrdreg s4  }
0x24: {  	s17 =	sadd.s32 s23, s18;
	[dreg:$0x1e] =	wrdreg s15  }
0x25: {  	s18 =	sadd.s32 s22, s19;
	[dreg:$0x1f] =	wrdreg s17  }
0x26: {  	s19 =	sadd.s32 s23, s19;
	[smem:$0x7C4] =	sst s18  }
0x27: {  	s11 =	sadd.s32 $0x2210, s0;
	[smem:$0x7C5] =	sst s19  }
0x28: {  	s16 =	sadd.s32 $0x2260, s0;
	[smem:$0x7CE] =	sst s11  }
0x29: {  	s12 =	sadd.s32 $0x24B0, s0;
	[smem:$0x7D3] =	sst s16  }
0x2a: {  	p2 =	seq.s32 s20, $0xF;
	s14 =	sadd.s32 $0x24D0, s0;
	[smem:$0x7DF] =	sst s12  }
0x2b: {  	s24 =	sshll.u32 s20, $0xB;
	s20 =	sadd.s32 $0x50, s21;
	[smem:$0x7E1] =	sst s14  }
0x2c: {  	s25 =	sadd.s32 s22, s24;
	[smem:$0x7F8] =	sst s20  }
0x2d: {  	s7 =	sshll.u32 s13, $0xE;
	s13 =	sadd.s32 s23, s24;
	[dreg:$0x1a] =	wrdreg s25  }
0x2e: {  	s22 =	smax.u32 s10, $0x1;
	[dreg:$0x1b] =	wrdreg s13  }
0x2f: {  	s23 =	sadd.s32 $0x100, s3;
	[smem:$0x7C6] =	sst s22  }
0x30: {  	s24 =	sadd.s32 $0x110, s3;
	[smem:$0x7C7] =	sst s23  }
0x31: {  	s26 =	sadd.s32 $0x2200, s0;
	[smem:$0x7C8] =	sst s24  }
0x32: {  	s4 =	sadd.s32 $0x1C00, s0;
	[smem:$0x7CB] =	sst s26  }
0x33: {  	s10 =	sadd.s32 $0x2800, s0;
	[smem:$0x7CC] =	sst s4  }
0x34: {  	s15 =	sadd.s32 $0x2250, s0;
	[smem:$0x7CD] =	sst s10  }
0x35: {  	s17 =	sadd.s32 $0x2270, s0;
	[smem:$0x7D2] =	sst s15  }
0x36: {  	s18 =	sadd.s32 $0x1C10, s0;
	[smem:$0x7D4] =	sst s17  }
0x37: {  	s19 =	sadd.s32 $0x1C20, s0;
	[smem:$0x7D5] =	sst s18  }
0x38: {  	s11 =	sadd.s32 $0x24A0, s0;
	[smem:$0x7D6] =	sst s19  }
0x39: {  	s16 =	sadd.s32 $0x24F0, s0;
	[smem:$0x7DE] =	sst s11  }
0x3a: {  	s12 =	sadd.s32 $0x20, s21;
	[smem:$0x7E3] =	sst s16  }
0x3b: {  	s14 =	sadd.s32 $0x60, s21;
	[smem:$0x7F0] =	sst s12  }
0x3c: {  	s25 =	sadd.s32 $0x600, s3;
	[smem:$0x7F2] =	sst s14  }
0x3d: {  	s3 =	sadd.s32 $0x610, s3;
	[smem:$0x7C9] =	sst s25  }
0x3e: {  	s13 =	sadd.s32 $0x2230, s0;
	[smem:$0x7CA] =	sst s3  }
0x3f: {  	s22 =	sadd.s32 $0x1C30, s0;
	[smem:$0x7D0] =	sst s13  }
0x40: {  	s23 =	sadd.s32 $0x1C40, s0;
	[smem:$0x7D7] =	sst s22  }
0x41: {  	s24 =	sadd.s32 $0x1C50, s0;
	[smem:$0x7D8] =	sst s23  }
0x42: {  	s26 =	sadd.s32 $0x1C70, s0;
	[smem:$0x7D9] =	sst s24  }
0x43: {  	s4 =	sadd.s32 $0x2480, s0;
	[smem:$0x7DB] =	sst s26  }
0x44: {  	s10 =	sadd.s32 $0x2490, s0;
	[smem:$0x7DC] =	sst s4  }
0x45: {  	s15 =	sadd.s32 $0x24E0, s0;
	[smem:$0x7DD] =	sst s10  }
0x46: {  	s17 =	sadd.s32 $0x1E80, s0;
	[smem:$0x7E2] =	sst s15  }
0x47: {  	s18 =	sadd.s32 $0x1E90, s0;
	[smem:$0x7E4] =	sst s17  }
0x48: {  	s19 =	sadd.s32 $0x1EA0, s0;
	[smem:$0x7E5] =	sst s18  }
0x49: {  	s11 =	sadd.s32 $0x2500, s0;
	[smem:$0x7E6] =	sst s19  }
0x4a: {  	s16 =	sadd.s32 $0xA0, s21;
	[smem:$0x7EE] =	sst s11  }
0x4b: {  	s29 =	simm.s32 $0x1480;
	s25 =	sadd.s32 $0x1C60, s0;
	[smem:$0x7F4] =	sst s16  }
0x4c: {  	s30 =	simm.s32 $0x1500;
	s13 =	sadd.s32 $0x24C0, s0;
	[smem:$0x7DA] =	sst s25  }
0x4d: {  	s28 =	simm.s32 $0x1380;
	s22 =	sadd.s32 $0x1EB0, s0;
	[smem:$0x7E0] =	sst s13  }
0x4e: {  	s31 =	simm.s32 $0x2700;
	s23 =	sadd.s32 $0x1EC0, s0;
	[smem:$0x7E7] =	sst s22  }
0x4f: {  	s7 =	sadd.s32 s7, s2;
	s24 =	sadd.s32 $0x1ED0, s0;
	[smem:$0x7E8] =	sst s23  }
0x50: {  	s8 =	sadd.s32 s8, s2;
	s26 =	sadd.s32 $0x1EF0, s0;
	[smem:$0x7E9] =	sst s24  }
0x51: {  	s9 =	sadd.s32 s9, s2;
	s4 =	sadd.s32 $0x2280, s0;
	[smem:$0x7EB] =	sst s26  }
0x52: {  	s20 =	simm.s32 $0x2;
	s10 =	sadd.s32 $0x1C80, s0;
	[smem:$0x7EC] =	sst s4  }
0x53: {  	s14 =	simm.s32 $0x1;
	s15 =	sadd.s32 $0x80, s21;
	[smem:$0x7ED] =	sst s10  }
0x54: {  	s17 =	sadd.s32 $0xC0, s21;
	s18 =	sadd.s32 $0xE0, s21;
	[smem:$0x7F3] =	sst s15  }
0x55: {  	s19 =	sadd.s32 $0x30, s21;
	s16 =	simm.s32 $0x3;
	[smem:$0x7F5] =	sst s17  }
0x56: {  	s3 =	simm.s32 $0x0;
	s25 =	sadd.s32 $0x1EE0, s0;
	[smem:$0x7F6] =	sst s18  }
0x57: {  	s0 =	sadd.s32 $0x1F00, s0;
	s13 =	sadd.s32 $0x40, s21;
	[smem:$0x7F7] =	sst s19  }
0x58: {  	s22 =	sadd.s32 $0x70, s21;
	s23 =	sadd.s32 $0x90, s21;
	[smem:$0x7EA] =	sst s25  }
0x59: {  	s24 =	sadd.s32 $0xB0, s21;
	s26 =	sadd.s32 $0xF0, s21;
	[smem:$0x7EF] =	sst s0  }
0x5a: {  	s15 =	simm.s32 $0x2800;
	s4 =	simm.s32 $0x1400;
	[smem:$0x7F1] =	sst s13  }
.Ltmp0:
0x5b: {  	s10 =	simm.s32 $0x1580;
	[smem:$0x7F9] =	sst s22;
	(pc) =	sbr.rel .LBB2_1-.Ltmp0, $4  }
0x5c: {  	s17 =	simm.s32 $0x1600;
	s18 =	simm.s32 $0x1700;
	[smem:$0x7FA] =	sst s23  }
0x5d: {  	s19 =	simm.s32 $0x1780;
	[smem:$0x7FB] =	sst s24;
	s25 =	sadd.s32 $0xD0, s21  }
0x5e: {  	[smem:$0x7FD] =	sst s26;
	s22 =	simm.s32 $0x80;
	s24 =	simm.s32 $0x1680  }
0x5f: {  	s21 =	simm.s32 $0x6800;
	s0 =	simm.s32 $0x2780;
	[smem:$0x7FC] =	sst s25  }
.LBB2_30:
0x60: {  	s12 =	rddreg [dreg:$0x19]  }
0x61: {  	s26 =	sshrl.u32 s9, $0x3;
	s11 =	sadd.s32 s11, s12  }
0x62: {  	[hbm:s11], [sflag:s23] =	dma.local [spmem:s26], $0x800  }
0x63: {  	_ =	swait.ge [sflag:s16], $0x800  }
0x64: {  	[sflag:s16] =	ssyncset.done $0x0  }
0x65: {  	[sflag:s16] =	ssyncadd.s32 $0xFFFFF800  }
.LBB2_31:
0x66: {  	s11 =	sld [smem:$0x7C6];
	_ =	sdelay $0x1  }
0x67: {  	s3 =	sadd.s32 $0x1, s3  }
0x68: {  	p3 =	sne.s32 s3, s11  }
.Ltmp1:
0x69: {  	_ = 	snop;
	(pc) =	sbr.rel @!p3 .LBB2_32-.Ltmp1, $1  }
0x6a: {  	_ =	sdelay $0x3  }
.LBB2_1:
0x6b: {  	s12 =	sld [smem:$0x7CD];
	_ =	sdelay $0x1  }
0x6c: {  	s11 =	simm.s32 $0x0  }
0x6d: {  	[tilespmem:s15], [sflag:$0x3] =	stream.linear.gather [hbm4b:s12+s11], $0x4000, $0x38;
	[tilespmem:$0x1E400] =	vst v63  }
0x6e: {  	_ =	swait.ge [sflag:s16], $0x4000  }
0x6f: {  	[sflag:s16] =	ssyncset.done $0x0  }
0x70: {  	[sflag:s16] =	ssyncadd.s32 $0xFFFFC000  }
0x71: {  	[spmem:s5] =	stream.linear.scatter [tilespmem:s15], [sflag:$0x3], $0x4000, $0x38;
	[tilespmem:$0x1E400] =	vst v63  }
0x72: {  	_ =	swait.ge [sflag:s16], $0x4000  }
0x73: {  	[sflag:s16] =	ssyncset.done $0x0  }
0x74: {  	[sflag:s16] =	ssyncadd.s32 $0xFFFFC000  }
0x75: {  	[spmem:s6] =	stream.linear.scatter [tilespmem:s15], [sflag:$0x3], $0x4000, $0x38;
	[tilespmem:$0x1E400] =	vst v63  }
0x76: {  	_ =	swait.ge [sflag:s16], $0x4000  }
0x77: {  	[sflag:s16] =	ssyncset.done $0x0  }
0x78: {  	[sflag:s16] =	ssyncadd.s32 $0xFFFFC000  }
0x79: {  	[spmem:s7] =	stream.linear.scatter [tilespmem:s15], [sflag:$0x3], $0x4000, $0x38;
	[tilespmem:$0x1E400] =	vst v63  }
0x7a: {  	_ =	swait.ge [sflag:s16], $0x4000  }
0x7b: {  	[sflag:s16] =	ssyncset.done $0x0  }
0x7c: {  	[sflag:s16] =	ssyncadd.s32 $0xFFFFC000  }
0x7d: {  	[spmem:s8] =	stream.linear.scatter [tilespmem:s15], [sflag:$0x3], $0x4000, $0x38;
	[tilespmem:$0x1E400] =	vst v63  }
0x7e: {  	_ =	swait.ge [sflag:s16], $0x4000  }
0x7f: {  	[sflag:s16] =	ssyncset.done $0x0  }
0x80: {  	s11 =	simm.s32 @!p2 $0x2800;
	[sflag:s16] =	ssyncadd.s32 $0xFFFFC000  }
0x81: {  	[spmem:s9] =	stream.linear.scatter @!p2 [tilespmem:s11], [sflag:$0x3], $0x4000, $0x38;
	[tilespmem:$0x1E400] =	vst v63  }
0x82: {  	s11 =	simm.s32 @!p2 $0x3  }
.Ltmp2:
0x83: {  	_ =	swait.ge @!p2 [sflag:s11], $0x4000;
	(pc) =	sbr.rel @!p1 .LBB2_2-.Ltmp2, $4  }
0x84: {  	[sflag:s11] =	ssyncset.done @!p2 $0x0  }
0x85: {  	[sflag:s11] =	ssyncadd.s32 @!p2 $0xFFFFC000  }
0x86: {  	[bflag:$0x0] =	sbarrier.arrive $0xFFFF  }
0x87: {  	s11 =	simm.s32 $0x0  }
0x88: {  	s12 =	sld [smem:$0x7CB];
	_ =	sdelay $0x1  }
0x89: {  	s13 =	sld [smem:$0x7CE]  }
0x8a: {  	[tilespmem:s11], [sflag:$0x1] =	stream.linear.gather [hbm4b:s12+s11], $0x80, $0x38;
	[tilespmem:$0x1E400] =	vst v63  }
0x8b: {  	s23 =	sld [smem:$0x7CF]  }
0x8c: {  	[tilespmem:s22], [sflag:$0x1] =	stream.linear.gather [hbm4b:s13+s11], $0x80, $0x38;
	[tilespmem:$0x1E400] =	vst v63  }
0x8d: {  	s25 =	sld [smem:$0x7D0];
	s13 =	simm.s32 $0x100  }
0x8e: {  	[tilespmem:s13], [sflag:$0x1] =	stream.linear.gather [hbm4b:s23+s11], $0x80, $0x38;
	[tilespmem:$0x1E400] =	vst v63  }
0x8f: {  	s26 =	simm.s32 $0x180;
	s13 =	sld [smem:$0x7D1]  }
0x90: {  	[tilespmem:s26], [sflag:$0x1] =	stream.linear.gather [hbm4b:s25+s11], $0x80, $0x38;
	[tilespmem:$0x1E400] =	vst v63  }
0x91: {  	s23 =	simm.s32 $0x200;
	s25 =	sld [smem:$0x7D2]  }
0x92: {  	[tilespmem:s23], [sflag:$0x1] =	stream.linear.gather [hbm4b:s13+s11], $0x80, $0x38;
	[tilespmem:$0x1E400] =	vst v63  }
0x93: {  	s26 =	simm.s32 $0x280;
	s13 =	sld [smem:$0x7D3]  }
0x94: {  	[tilespmem:s26], [sflag:$0x1] =	stream.linear.gather [hbm4b:s25+s11], $0x80, $0x38;
	[tilespmem:$0x1E400] =	vst v63  }
0x95: {  	s23 =	simm.s32 $0x300;
	s25 =	sld [smem:$0x7D4]  }
0x96: {  	[tilespmem:s23], [sflag:$0x1] =	stream.linear.gather [hbm4b:s13+s11], $0x80, $0x38;
	[tilespmem:$0x1E400] =	vst v63  }
0x97: {  	s26 =	simm.s32 $0x380  }
0x98: {  	[tilespmem:s26], [sflag:$0x1] =	stream.linear.gather [hbm4b:s25+s11], $0x80, $0x38;
	[tilespmem:$0x1E400] =	vst v63  }
0x99: {  	_ =	swait.ge [sflag:s14], $0x80  }
0x9a: {  	s12 =	sld [smem:$0x7EC]  }
0x9b: {  	p3 =	por $0x0, $0x0;
	s23 =	simm.s32 $0x1  }
0x9c: {  	s13 =	simm.s32 @!p3 $0x0;
	s25 =	simm.s32 $0x400;
	[sflag:s14] =	ssyncset.done $0x0  }
0x9d: {  	s26 =	simm.s32 $0x480;
	[sflag:s14] =	ssyncadd.s32 $0xFFFFFF80;
	s11 =	sadd.s32 $0x10, s12  }
.LBB2_8:
0x9e: {  	[tilespmem:s25], [sflag:$0x1] =	stream.linear.gather @!p3 [hbm4b:s12+s13], $0x80, $0x38;
	[tilespmem:$0x1E400] =	vst v63  }
0x9f: {  	s13 =	smov.u32 s23;
	s23 =	sadd.s32 $0x1, s23  }
0xa0: {  	p4 =	seq.s32 s23, $0x28  }
.Ltmp3:
0xa1: {  	(pc) =	sbr.rel @!p4 .LBB2_8-.Ltmp3, $4  }
0xa2: {  	s25 =	smov.u32 s26;
	s12 =	smov.u32 s11  }
0xa3: {  	_ =	swait.ge [sflag:s14], $0x80  }
0xa4: {  	s26 =	sadd.s32 $0x80, s26;
	p3 =	sgt.u32 s13, $0x1F;
	[sflag:s14] =	ssyncset.done $0x0  }
0xa5: {  	s11 =	sadd.s32 $0x10, s11;
	s13 =	simm.s32 @!p3 $0x0;
	[sflag:s14] =	ssyncadd.s32 $0xFFFFFF80  }
0xa6: {  	[tilespmem:s25], [sflag:$0x1] =	stream.linear.gather @!p3 [hbm4b:s12+s13], $0x80, $0x38;
	[tilespmem:$0x1E400] =	vst v63  }
0xa7: {  	s13 =	sld [smem:$0x7CC];
	_ =	sdelay $0x1  }
0xa8: {  	s11 =	simm.s32 $0x0;
	s23 =	sld [smem:$0x7D5]  }
0xa9: {  	[tilespmem:s4], [sflag:$0x2] =	stream.linear.gather [hbm4b:s13+s11], $0x80, $0x38;
	[tilespmem:$0x1E400] =	vst v63  }
0xaa: {  	s25 =	sld [smem:$0x7D6]  }
0xab: {  	[tilespmem:s29], [sflag:$0x2] =	stream.linear.gather [hbm4b:s23+s11], $0x80, $0x38;
	[tilespmem:$0x1E400] =	vst v63  }
0xac: {  	s26 =	sld [smem:$0x7D7]  }
0xad: {  	[tilespmem:s30], [sflag:$0x2] =	stream.linear.gather [hbm4b:s25+s11], $0x80, $0x38;
	[tilespmem:$0x1E400] =	vst v63  }
0xae: {  	s13 =	sld [smem:$0x7D8]  }
0xaf: {  	[tilespmem:s10], [sflag:$0x2] =	stream.linear.gather [hbm4b:s26+s11], $0x80, $0x38;
	[tilespmem:$0x1E400] =	vst v63  }
0xb0: {  	s23 =	sld [smem:$0x7D9]  }
0xb1: {  	[tilespmem:s17], [sflag:$0x2] =	stream.linear.gather [hbm4b:s13+s11], $0x80, $0x38;
	[tilespmem:$0x1E400] =	vst v63  }
0xb2: {  	s25 =	sld [smem:$0x7DA]  }
0xb3: {  	[tilespmem:s24], [sflag:$0x2] =	stream.linear.gather [hbm4b:s23+s11], $0x80, $0x38;
	[tilespmem:$0x1E400] =	vst v63  }
0xb4: {  	s26 =	sld [smem:$0x7DB]  }
0xb5: {  	[tilespmem:s18], [sflag:$0x2] =	stream.linear.gather [hbm4b:s25+s11], $0x80, $0x38;
	[tilespmem:$0x1E400] =	vst v63  }
0xb6: {  	_ = 	snop  }
0xb7: {  	[tilespmem:s19], [sflag:$0x2] =	stream.linear.gather [hbm4b:s26+s11], $0x80, $0x38;
	[tilespmem:$0x1E400] =	vst v63  }
0xb8: {  	_ =	swait.ge [sflag:s20], $0x80  }
0xb9: {  	p3 =	por $0x0, $0x0;
	s12 =	sld [smem:$0x7ED]  }
0xba: {  	s13 =	simm.s32 @!p3 $0x0  }
0xbb: {  	s23 =	simm.s32 $0x1;
	s25 =	simm.s32 $0x1800;
	[sflag:s20] =	ssyncset.done $0x0  }
0xbc: {  	s26 =	simm.s32 $0x1880;
	[sflag:s20] =	ssyncadd.s32 $0xFFFFFF80;
	s11 =	sadd.s32 $0x10, s12  }
.LBB2_10:
0xbd: {  	[tilespmem:s25], [sflag:$0x2] =	stream.linear.gather @!p3 [hbm4b:s12+s13], $0x80, $0x38;
	[tilespmem:$0x1E400] =	vst v63  }
0xbe: {  	s13 =	smov.u32 s23;
	s23 =	sadd.s32 $0x1, s23  }
0xbf: {  	p4 =	sne.s32 s23, $0x28  }
.Ltmp4:
0xc0: {  	(pc) =	sbr.rel @p4 .LBB2_10-.Ltmp4, $4  }
0xc1: {  	s25 =	smov.u32 s26;
	s12 =	smov.u32 s11  }
0xc2: {  	_ =	swait.ge [sflag:s20], $0x80  }
0xc3: {  	s26 =	sadd.s32 $0x80, s26;
	p3 =	sgt.u32 s13, $0x1F;
	[sflag:s20] =	ssyncset.done $0x0  }
0xc4: {  	s11 =	sadd.s32 $0x10, s11;
	s13 =	simm.s32 @!p3 $0x0;
	[sflag:s20] =	ssyncadd.s32 $0xFFFFFF80  }
.Ltmp5:
0xc5: {  	(pc) =	sbr.rel .LBB2_12-.Ltmp5, $2  }
0xc6: {  	_ =	sdelay $0x2  }
0xc7: {  	[tilespmem:s25], [sflag:$0x2] =	stream.linear.gather @!p3 [hbm4b:s12+s13], $0x80, $0x38;
	[tilespmem:$0x1E400] =	vst v63  }
.LBB2_2:
0xc8: {  	s12 =	rddreg [dreg:$0x5]  }
0xc9: {  	s13 =	sld [smem:$0x7F0]  }
0xca: {  	[tilespmem:s11], [sflag:$0x1] =	stream.linear.gather [hbm4b:s12+s11], $0x80, $0x38;
	[tilespmem:$0x1E400] =	vst v63  }
0xcb: {  	s23 =	sld [smem:$0x7F1]  }
0xcc: {  	[tilespmem:s22], [sflag:$0x1] =	stream.linear.gather [hbm4b:s13+s11], $0x80, $0x38;
	[tilespmem:$0x1E400] =	vst v63  }
0xcd: {  	s25 =	sld [smem:$0x7F2];
	s13 =	simm.s32 $0x100  }
0xce: {  	[tilespmem:s13], [sflag:$0x1] =	stream.linear.gather [hbm4b:s23+s11], $0x80, $0x38;
	[tilespmem:$0x1E400] =	vst v63  }
0xcf: {  	s26 =	simm.s32 $0x180;
	s13 =	sld [smem:$0x7F3]  }
0xd0: {  	[tilespmem:s26], [sflag:$0x1] =	stream.linear.gather [hbm4b:s25+s11], $0x80, $0x38;
	[tilespmem:$0x1E400] =	vst v63  }
0xd1: {  	s23 =	simm.s32 $0x200;
	s25 =	sld [smem:$0x7F4]  }
0xd2: {  	[tilespmem:s23], [sflag:$0x1] =	stream.linear.gather [hbm4b:s13+s11], $0x80, $0x38;
	[tilespmem:$0x1E400] =	vst v63  }
0xd3: {  	s26 =	simm.s32 $0x280;
	s13 =	sld [smem:$0x7F5]  }
0xd4: {  	[tilespmem:s26], [sflag:$0x1] =	stream.linear.gather [hbm4b:s25+s11], $0x80, $0x38;
	[tilespmem:$0x1E400] =	vst v63  }
0xd5: {  	s23 =	simm.s32 $0x300;
	s25 =	sld [smem:$0x7F6]  }
0xd6: {  	[tilespmem:s23], [sflag:$0x1] =	stream.linear.gather [hbm4b:s13+s11], $0x80, $0x38;
	[tilespmem:$0x1E400] =	vst v63  }
0xd7: {  	s26 =	simm.s32 $0x380  }
0xd8: {  	[tilespmem:s26], [sflag:$0x1] =	stream.linear.gather [hbm4b:s25+s11], $0x80, $0x38;
	[tilespmem:$0x1E400] =	vst v63  }
0xd9: {  	_ =	swait.ge [sflag:s14], $0x80  }
0xda: {  	s12 =	sld [smem:$0x7C7]  }
0xdb: {  	p3 =	por $0x0, $0x0;
	s23 =	simm.s32 $0x1  }
0xdc: {  	s13 =	simm.s32 @!p3 $0x0;
	s25 =	simm.s32 $0x400;
	[sflag:s14] =	ssyncset.done $0x0  }
0xdd: {  	s26 =	simm.s32 $0x480;
	[sflag:s14] =	ssyncadd.s32 $0xFFFFFF80;
	s11 =	sadd.s32 $0x20, s12  }
.LBB2_3:
0xde: {  	[tilespmem:s25], [sflag:$0x1] =	stream.linear.gather @!p3 [hbm4b:s12+s13], $0x80, $0x38;
	[tilespmem:$0x1E400] =	vst v63  }
0xdf: {  	s13 =	smov.u32 s23;
	s23 =	sadd.s32 $0x1, s23  }
0xe0: {  	p4 =	seq.s32 s23, $0x28  }
.Ltmp6:
0xe1: {  	(pc) =	sbr.rel @!p4 .LBB2_3-.Ltmp6, $4  }
0xe2: {  	s25 =	smov.u32 s26;
	s12 =	smov.u32 s11  }
0xe3: {  	_ =	swait.ge [sflag:s14], $0x80  }
0xe4: {  	s26 =	sadd.s32 $0x80, s26;
	p3 =	sgt.u32 s13, $0x1F;
	[sflag:s14] =	ssyncset.done $0x0  }
0xe5: {  	s11 =	sadd.s32 $0x20, s11;
	s13 =	simm.s32 @!p3 $0x0;
	[sflag:s14] =	ssyncadd.s32 $0xFFFFFF80  }
0xe6: {  	[tilespmem:s25], [sflag:$0x1] =	stream.linear.gather @!p3 [hbm4b:s12+s13], $0x80, $0x38;
	[tilespmem:$0x1E400] =	vst v63  }
0xe7: {  	s13 =	rddreg [dreg:$0x6]  }
0xe8: {  	s11 =	simm.s32 $0x0;
	s23 =	sld [smem:$0x7F7]  }
0xe9: {  	[tilespmem:s4], [sflag:$0x2] =	stream.linear.gather [hbm4b:s13+s11], $0x80, $0x38;
	[tilespmem:$0x1E400] =	vst v63  }
0xea: {  	s25 =	sld [smem:$0x7F8]  }
0xeb: {  	[tilespmem:s29], [sflag:$0x2] =	stream.linear.gather [hbm4b:s23+s11], $0x80, $0x38;
	[tilespmem:$0x1E400] =	vst v63  }
0xec: {  	s26 =	sld [smem:$0x7F9]  }
0xed: {  	[tilespmem:s30], [sflag:$0x2] =	stream.linear.gather [hbm4b:s25+s11], $0x80, $0x38;
	[tilespmem:$0x1E400] =	vst v63  }
0xee: {  	s13 =	sld [smem:$0x7FA]  }
0xef: {  	[tilespmem:s10], [sflag:$0x2] =	stream.linear.gather [hbm4b:s26+s11], $0x80, $0x38;
	[tilespmem:$0x1E400] =	vst v63  }
0xf0: {  	s23 =	sld [smem:$0x7FB]  }
0xf1: {  	[tilespmem:s17], [sflag:$0x2] =	stream.linear.gather [hbm4b:s13+s11], $0x80, $0x38;
	[tilespmem:$0x1E400] =	vst v63  }
0xf2: {  	s25 =	sld [smem:$0x7FC]  }
0xf3: {  	[tilespmem:s24], [sflag:$0x2] =	stream.linear.gather [hbm4b:s23+s11], $0x80, $0x38;
	[tilespmem:$0x1E400] =	vst v63  }
0xf4: {  	s26 =	sld [smem:$0x7FD]  }
0xf5: {  	[tilespmem:s18], [sflag:$0x2] =	stream.linear.gather [hbm4b:s25+s11], $0x80, $0x38;
	[tilespmem:$0x1E400] =	vst v63  }
0xf6: {  	_ = 	snop  }
0xf7: {  	[tilespmem:s19], [sflag:$0x2] =	stream.linear.gather [hbm4b:s26+s11], $0x80, $0x38;
	[tilespmem:$0x1E400] =	vst v63  }
0xf8: {  	_ =	swait.ge [sflag:s20], $0x80  }
0xf9: {  	p3 =	por $0x0, $0x0;
	s12 =	sld [smem:$0x7C8]  }
0xfa: {  	s13 =	simm.s32 @!p3 $0x0  }
0xfb: {  	s23 =	simm.s32 $0x1;
	s25 =	simm.s32 $0x1800;
	[sflag:s20] =	ssyncset.done $0x0  }
0xfc: {  	s26 =	simm.s32 $0x1880;
	[sflag:s20] =	ssyncadd.s32 $0xFFFFFF80;
	s11 =	sadd.s32 $0x20, s12  }
.LBB2_5:
0xfd: {  	[tilespmem:s25], [sflag:$0x2] =	stream.linear.gather @!p3 [hbm4b:s12+s13], $0x80, $0x38;
	[tilespmem:$0x1E400] =	vst v63  }
0xfe: {  	s13 =	smov.u32 s23;
	s23 =	sadd.s32 $0x1, s23  }
0xff: {  	p4 =	seq.s32 s23, $0x28  }
.Ltmp7:
0x100: {  	(pc) =	sbr.rel @!p4 .LBB2_5-.Ltmp7, $4  }
0x101: {  	s25 =	smov.u32 s26;
	s12 =	smov.u32 s11  }
0x102: {  	_ =	swait.ge [sflag:s20], $0x80  }
0x103: {  	s26 =	sadd.s32 $0x80, s26;
	p3 =	sgt.u32 s13, $0x1F;
	[sflag:s20] =	ssyncset.done $0x0  }
0x104: {  	s11 =	sadd.s32 $0x20, s11;
	s13 =	simm.s32 @!p3 $0x0;
	[sflag:s20] =	ssyncadd.s32 $0xFFFFFF80  }
0x105: {  	[tilespmem:s25], [sflag:$0x2] =	stream.linear.gather @!p3 [hbm4b:s12+s13], $0x80, $0x38;
	[tilespmem:$0x1E400] =	vst v63  }
.LBB2_12:
0x106: {  	s11 =	simm.s32 $0x0  }
0x107: {  	[tilespmem:s15], [sflag:$0x1] =	stream.indirect.gather [hbm4b:s1+s22], $0x80, s11, s22, $0xb8;
	[tilespmem:$0x1E400] =	vst v63  }
0x108: {  	_ =	swait.ge [sflag:s14], $0x4000  }
0x109: {  	[sflag:s14] =	ssyncset.done $0x0  }
0x10a: {  	s13 =	simm.s32 $0x80;
	[sflag:s14] =	ssyncadd.s32 $0xFFFFC000  }
0x10b: {  	[tilespmem:s21], [sflag:$0x2] =	stream.indirect.gather [hbm4b:s1+s22], $0x80, s13, s22, $0xb8;
	[tilespmem:$0x1E400] =	vst v63  }
0x10c: {  	s23 =	simm.s32 $0x1400  }
0x10d: {  	[spmem:s2] =	stream.indirect.scatter.add.f32 [tilespmem:s15], [sflag:$0x3], $0x80, s23, s22, $0xb8;
	[tilespmem:$0x1E400] =	vst v63  }
0x10e: {  	_ =	swait.ge [sflag:s16], $0x4000  }
0x10f: {  	[sflag:s16] =	ssyncset.done $0x0  }
0x110: {  	[sflag:s16] =	ssyncadd.s32 $0xFFFFC000  }
0x111: {  	_ =	swait.ge [sflag:s20], $0x4000  }
0x112: {  	[sflag:s20] =	ssyncset.done $0x0  }
0x113: {  	s25 =	simm.s32 $0x100;
	[sflag:s20] =	ssyncadd.s32 $0xFFFFC000  }
0x114: {  	[tilespmem:s15], [sflag:$0x1] =	stream.indirect.gather [hbm4b:s1+s22], $0x80, s25, s22, $0xb8;
	[tilespmem:$0x1E400] =	vst v63  }
0x115: {  	s26 =	simm.s32 $0x1480  }
0x116: {  	[spmem:s2] =	stream.indirect.scatter.add.f32 [tilespmem:s21], [sflag:$0x3], $0x80, s26, s22, $0xb8;
	[tilespmem:$0x1E400] =	vst v63  }
0x117: {  	_ =	swait.ge [sflag:s16], $0x4000  }
0x118: {  	s23 =	simm.s32 $0x400;
	[sflag:s16] =	ssyncset.done $0x0  }
.LBB2_13:
0x119: {  	p3 =	sne.s32 s23, $0x4800  }
0x11a: {  	[sflag:s16] =	ssyncadd.s32 $0xFFFFC000;
	s11 =	smov.u32 s23;
	s23 =	sadd.s32 $0x400, s23  }
0x11b: {  	_ = 	snop  }
0x11c: {  	_ =	swait.ge [sflag:s14], $0x4000  }
0x11d: {  	s11 =	sshra.s32 s11, $0x2;
	[sflag:s14] =	ssyncset.done $0x0  }
0x11e: {  	s12 =	sadd.s32 $0x80, s11;
	[sflag:s14] =	ssyncadd.s32 $0xFFFFC000  }
0x11f: {  	[tilespmem:s21], [sflag:$0x2] =	stream.indirect.gather [hbm4b:s1+s22], $0x80, s12, s22, $0xb8;
	[tilespmem:$0x1E400] =	vst v63  }
0x120: {  	s12 =	sadd.s32 $0x1400, s11  }
0x121: {  	[spmem:s2] =	stream.indirect.scatter.add.f32 [tilespmem:s15], [sflag:$0x3], $0x80, s12, s22, $0xb8;
	[tilespmem:$0x1E400] =	vst v63  }
0x122: {  	_ =	swait.ge [sflag:s16], $0x4000  }
0x123: {  	[sflag:s16] =	ssyncset.done $0x0  }
0x124: {  	[sflag:s16] =	ssyncadd.s32 $0xFFFFC000  }
0x125: {  	_ =	swait.ge [sflag:s20], $0x4000  }
0x126: {  	[sflag:s20] =	ssyncset.done $0x0  }
0x127: {  	s12 =	sadd.s32 $0x100, s11;
	[sflag:s20] =	ssyncadd.s32 $0xFFFFC000  }
0x128: {  	[tilespmem:s15], [sflag:$0x1] =	stream.indirect.gather [hbm4b:s1+s22], $0x80, s12, s22, $0xb8;
	[tilespmem:$0x1E400] =	vst v63  }
.Ltmp8:
0x129: {  	_ = 	snop;
	(pc) =	sbr.rel @p3 .LBB2_13-.Ltmp8, $4  }
0x12a: {  	s11 =	sadd.s32 $0x1480, s11  }
0x12b: {  	[spmem:s2] =	stream.indirect.scatter.add.f32 [tilespmem:s21], [sflag:$0x3], $0x80, s11, s22, $0xb8;
	[tilespmem:$0x1E400] =	vst v63  }
0x12c: {  	_ =	swait.ge [sflag:s16], $0x4000  }
0x12d: {  	[sflag:s16] =	ssyncset.done $0x0  }
0x12e: {  	[sflag:s16] =	ssyncadd.s32 $0xFFFFC000  }
0x12f: {  	_ =	swait.ge [sflag:s14], $0x4000  }
0x130: {  	[sflag:s14] =	ssyncset.done $0x0  }
0x131: {  	[sflag:s14] =	ssyncadd.s32 $0xFFFFC000  }
0x132: {  	[tilespmem:s21], [sflag:$0x2] =	stream.indirect.gather [hbm4b:s1+s22], $0x80, s28, s22, $0xb8;
	[tilespmem:$0x1E400] =	vst v63  }
0x133: {  	_ = 	snop  }
0x134: {  	[spmem:s2] =	stream.indirect.scatter.add.f32 [tilespmem:s15], [sflag:$0x3], $0x80, s31, s22, $0xb8;
	[tilespmem:$0x1E400] =	vst v63  }
0x135: {  	_ =	swait.ge [sflag:s16], $0x4000  }
0x136: {  	[sflag:s16] =	ssyncset.done $0x0  }
0x137: {  	[sflag:s16] =	ssyncadd.s32 $0xFFFFC000  }
0x138: {  	_ =	swait.ge [sflag:s20], $0x4000  }
0x139: {  	[sflag:s20] =	ssyncset.done $0x0  }
.Ltmp9:
0x13a: {  	[sflag:s20] =	ssyncadd.s32 $0xFFFFC000;
	(pc) =	sbr.rel @!p1 .LBB2_15-.Ltmp9, $4  }
0x13b: {  	[spmem:s2] =	stream.indirect.scatter.add.f32 [tilespmem:s21], [sflag:$0x3], $0x80, s0, s22, $0xb8;
	[tilespmem:$0x1E400] =	vst v63  }
0x13c: {  	_ =	swait.ge [sflag:s16], $0x4000  }
0x13d: {  	[sflag:s16] =	ssyncset.done $0x0  }
0x13e: {  	s11 =	simm.s32 $0x0;
	[sflag:s16] =	ssyncadd.s32 $0xFFFFC000  }
0x13f: {  	s12 =	sld [smem:$0x7DC];
	_ =	sdelay $0x1  }
0x140: {  	s13 =	sld [smem:$0x7DD]  }
0x141: {  	[tilespmem:s11], [sflag:$0x1] =	stream.linear.gather [hbm4b:s12+s11], $0x80, $0x38;
	[tilespmem:$0x1E400] =	vst v63  }
0x142: {  	s23 =	sld [smem:$0x7DE]  }
0x143: {  	[tilespmem:s22], [sflag:$0x1] =	stream.linear.gather [hbm4b:s13+s11], $0x80, $0x38;
	[tilespmem:$0x1E400] =	vst v63  }
0x144: {  	s25 =	sld [smem:$0x7DF];
	s13 =	simm.s32 $0x100  }
0x145: {  	[tilespmem:s13], [sflag:$0x1] =	stream.linear.gather [hbm4b:s23+s11], $0x80, $0x38;
	[tilespmem:$0x1E400] =	vst v63  }
0x146: {  	s26 =	simm.s32 $0x180;
	s13 =	sld [smem:$0x7E0]  }
0x147: {  	[tilespmem:s26], [sflag:$0x1] =	stream.linear.gather [hbm4b:s25+s11], $0x80, $0x38;
	[tilespmem:$0x1E400] =	vst v63  }
0x148: {  	s23 =	simm.s32 $0x200;
	s25 =	sld [smem:$0x7E1]  }
0x149: {  	[tilespmem:s23], [sflag:$0x1] =	stream.linear.gather [hbm4b:s13+s11], $0x80, $0x38;
	[tilespmem:$0x1E400] =	vst v63  }
0x14a: {  	s26 =	simm.s32 $0x280;
	s13 =	sld [smem:$0x7E2]  }
0x14b: {  	[tilespmem:s26], [sflag:$0x1] =	stream.linear.gather [hbm4b:s25+s11], $0x80, $0x38;
	[tilespmem:$0x1E400] =	vst v63  }
0x14c: {  	s23 =	simm.s32 $0x300;
	s25 =	sld [smem:$0x7E3]  }
0x14d: {  	[tilespmem:s23], [sflag:$0x1] =	stream.linear.gather [hbm4b:s13+s11], $0x80, $0x38;
	[tilespmem:$0x1E400] =	vst v63  }
0x14e: {  	s26 =	simm.s32 $0x380  }
0x14f: {  	[tilespmem:s26], [sflag:$0x1] =	stream.linear.gather [hbm4b:s25+s11], $0x80, $0x38;
	[tilespmem:$0x1E400] =	vst v63  }
0x150: {  	_ =	swait.ge [sflag:s14], $0x80  }
0x151: {  	s12 =	sld [smem:$0x7EE]  }
0x152: {  	p3 =	por $0x0, $0x0;
	s23 =	simm.s32 $0x1  }
0x153: {  	s13 =	simm.s32 @!p3 $0x0;
	s25 =	simm.s32 $0x400;
	[sflag:s14] =	ssyncset.done $0x0  }
0x154: {  	s26 =	simm.s32 $0x480;
	[sflag:s14] =	ssyncadd.s32 $0xFFFFFF80;
	s11 =	sadd.s32 $0x10, s12  }
.LBB2_21:
0x155: {  	[tilespmem:s25], [sflag:$0x1] =	stream.linear.gather @!p3 [hbm4b:s12+s13], $0x80, $0x38;
	[tilespmem:$0x1E400] =	vst v63  }
0x156: {  	s13 =	smov.u32 s23;
	s23 =	sadd.s32 $0x1, s23  }
0x157: {  	p4 =	seq.s32 s23, $0x28  }
.Ltmp10:
0x158: {  	(pc) =	sbr.rel @!p4 .LBB2_21-.Ltmp10, $4  }
0x159: {  	s25 =	smov.u32 s26;
	s12 =	smov.u32 s11  }
0x15a: {  	_ =	swait.ge [sflag:s14], $0x80  }
0x15b: {  	s26 =	sadd.s32 $0x80, s26;
	p3 =	sgt.u32 s13, $0x1F;
	[sflag:s14] =	ssyncset.done $0x0  }
0x15c: {  	s11 =	sadd.s32 $0x10, s11;
	s13 =	simm.s32 @!p3 $0x0;
	[sflag:s14] =	ssyncadd.s32 $0xFFFFFF80  }
0x15d: {  	[tilespmem:s25], [sflag:$0x1] =	stream.linear.gather @!p3 [hbm4b:s12+s13], $0x80, $0x38;
	[tilespmem:$0x1E400] =	vst v63  }
0x15e: {  	s13 =	sld [smem:$0x7E4];
	_ =	sdelay $0x1  }
0x15f: {  	s11 =	simm.s32 $0x0;
	s23 =	sld [smem:$0x7E5]  }
0x160: {  	[tilespmem:s4], [sflag:$0x2] =	stream.linear.gather [hbm4b:s13+s11], $0x80, $0x38;
	[tilespmem:$0x1E400] =	vst v63  }
0x161: {  	s25 =	sld [smem:$0x7E6]  }
0x162: {  	[tilespmem:s29], [sflag:$0x2] =	stream.linear.gather [hbm4b:s23+s11], $0x80, $0x38;
	[tilespmem:$0x1E400] =	vst v63  }
0x163: {  	s26 =	sld [smem:$0x7E7]  }
0x164: {  	[tilespmem:s30], [sflag:$0x2] =	stream.linear.gather [hbm4b:s25+s11], $0x80, $0x38;
	[tilespmem:$0x1E400] =	vst v63  }
0x165: {  	s13 =	sld [smem:$0x7E8]  }
0x166: {  	[tilespmem:s10], [sflag:$0x2] =	stream.linear.gather [hbm4b:s26+s11], $0x80, $0x38;
	[tilespmem:$0x1E400] =	vst v63  }
0x167: {  	s23 =	sld [smem:$0x7E9]  }
0x168: {  	[tilespmem:s17], [sflag:$0x2] =	stream.linear.gather [hbm4b:s13+s11], $0x80, $0x38;
	[tilespmem:$0x1E400] =	vst v63  }
0x169: {  	s25 =	sld [smem:$0x7EA]  }
0x16a: {  	[tilespmem:s24], [sflag:$0x2] =	stream.linear.gather [hbm4b:s23+s11], $0x80, $0x38;
	[tilespmem:$0x1E400] =	vst v63  }
0x16b: {  	s26 =	sld [smem:$0x7EB]  }
0x16c: {  	[tilespmem:s18], [sflag:$0x2] =	stream.linear.gather [hbm4b:s25+s11], $0x80, $0x38;
	[tilespmem:$0x1E400] =	vst v63  }
0x16d: {  	_ = 	snop  }
0x16e: {  	[tilespmem:s19], [sflag:$0x2] =	stream.linear.gather [hbm4b:s26+s11], $0x80, $0x38;
	[tilespmem:$0x1E400] =	vst v63  }
0x16f: {  	_ =	swait.ge [sflag:s20], $0x80  }
0x170: {  	p3 =	por $0x0, $0x0;
	s12 =	sld [smem:$0x7EF]  }
0x171: {  	s13 =	simm.s32 @!p3 $0x0  }
0x172: {  	s23 =	simm.s32 $0x1;
	s25 =	simm.s32 $0x1800;
	[sflag:s20] =	ssyncset.done $0x0  }
0x173: {  	s26 =	simm.s32 $0x1880;
	[sflag:s20] =	ssyncadd.s32 $0xFFFFFF80;
	s11 =	sadd.s32 $0x10, s12  }
.LBB2_23:
0x174: {  	[tilespmem:s25], [sflag:$0x2] =	stream.linear.gather @!p3 [hbm4b:s12+s13], $0x80, $0x38;
	[tilespmem:$0x1E400] =	vst v63  }
0x175: {  	s13 =	smov.u32 s23;
	s23 =	sadd.s32 $0x1, s23  }
0x176: {  	p4 =	sne.s32 s23, $0x28  }
.Ltmp11:
0x177: {  	(pc) =	sbr.rel @p4 .LBB2_23-.Ltmp11, $4  }
0x178: {  	s25 =	smov.u32 s26;
	s12 =	smov.u32 s11  }
0x179: {  	_ =	swait.ge [sflag:s20], $0x80  }
0x17a: {  	s26 =	sadd.s32 $0x80, s26;
	p3 =	sgt.u32 s13, $0x1F;
	[sflag:s20] =	ssyncset.done $0x0  }
0x17b: {  	s11 =	sadd.s32 $0x10, s11;
	s13 =	simm.s32 @!p3 $0x0;
	[sflag:s20] =	ssyncadd.s32 $0xFFFFFF80  }
.Ltmp12:
0x17c: {  	(pc) =	sbr.rel .LBB2_25-.Ltmp12, $2  }
0x17d: {  	_ =	sdelay $0x2  }
0x17e: {  	[tilespmem:s25], [sflag:$0x2] =	stream.linear.gather @!p3 [hbm4b:s12+s13], $0x80, $0x38;
	[tilespmem:$0x1E400] =	vst v63  }
.LBB2_15:
0x17f: {  	s12 =	rddreg [dreg:$0x7]  }
0x180: {  	[tilespmem:s11], [sflag:$0x1] =	stream.linear.gather [hbm4b:s12+s11], $0x80, $0x38;
	[tilespmem:$0x1E400] =	vst v63  }
0x181: {  	s13 =	rddreg [dreg:$0x9]  }
0x182: {  	[tilespmem:s22], [sflag:$0x1] =	stream.linear.gather [hbm4b:s13+s11], $0x80, $0x38;
	[tilespmem:$0x1E400] =	vst v63  }
0x183: {  	s23 =	rddreg [dreg:$0xa];
	s13 =	simm.s32 $0x100  }
0x184: {  	[tilespmem:s13], [sflag:$0x1] =	stream.linear.gather [hbm4b:s23+s11], $0x80, $0x38;
	[tilespmem:$0x1E400] =	vst v63  }
0x185: {  	s25 =	rddreg [dreg:$0xb];
	s26 =	simm.s32 $0x180  }
0x186: {  	[tilespmem:s26], [sflag:$0x1] =	stream.linear.gather [hbm4b:s25+s11], $0x80, $0x38;
	[tilespmem:$0x1E400] =	vst v63  }
0x187: {  	s13 =	rddreg [dreg:$0xc];
	s23 =	simm.s32 $0x200  }
0x188: {  	[tilespmem:s23], [sflag:$0x1] =	stream.linear.gather [hbm4b:s13+s11], $0x80, $0x38;
	[tilespmem:$0x1E400] =	vst v63  }
0x189: {  	s25 =	rddreg [dreg:$0xd];
	s26 =	simm.s32 $0x280  }
0x18a: {  	[tilespmem:s26], [sflag:$0x1] =	stream.linear.gather [hbm4b:s25+s11], $0x80, $0x38;
	[tilespmem:$0x1E400] =	vst v63  }
0x18b: {  	s13 =	rddreg [dreg:$0xe];
	s23 =	simm.s32 $0x300  }
0x18c: {  	[tilespmem:s23], [sflag:$0x1] =	stream.linear.gather [hbm4b:s13+s11], $0x80, $0x38;
	[tilespmem:$0x1E400] =	vst v63  }
0x18d: {  	s25 =	rddreg [dreg:$0xf];
	s26 =	simm.s32 $0x380  }
0x18e: {  	[tilespmem:s26], [sflag:$0x1] =	stream.linear.gather [hbm4b:s25+s11], $0x80, $0x38;
	[tilespmem:$0x1E400] =	vst v63  }
0x18f: {  	_ =	swait.ge [sflag:s14], $0x80  }
0x190: {  	s12 =	sld [smem:$0x7C9]  }
0x191: {  	p3 =	por $0x0, $0x0;
	s23 =	simm.s32 $0x1  }
0x192: {  	s13 =	simm.s32 @!p3 $0x0;
	s25 =	simm.s32 $0x400;
	[sflag:s14] =	ssyncset.done $0x0  }
0x193: {  	s26 =	simm.s32 $0x480;
	[sflag:s14] =	ssyncadd.s32 $0xFFFFFF80;
	s11 =	sadd.s32 $0x20, s12  }
.LBB2_16:
0x194: {  	[tilespmem:s25], [sflag:$0x1] =	stream.linear.gather @!p3 [hbm4b:s12+s13], $0x80, $0x38;
	[tilespmem:$0x1E400] =	vst v63  }
0x195: {  	s13 =	smov.u32 s23;
	s23 =	sadd.s32 $0x1, s23  }
0x196: {  	p4 =	seq.s32 s23, $0x28  }
.Ltmp13:
0x197: {  	(pc) =	sbr.rel @!p4 .LBB2_16-.Ltmp13, $4  }
0x198: {  	s25 =	smov.u32 s26;
	s12 =	smov.u32 s11  }
0x199: {  	_ =	swait.ge [sflag:s14], $0x80  }
0x19a: {  	s26 =	sadd.s32 $0x80, s26;
	p3 =	sgt.u32 s13, $0x1F;
	[sflag:s14] =	ssyncset.done $0x0  }
0x19b: {  	s11 =	sadd.s32 $0x20, s11;
	s13 =	simm.s32 @!p3 $0x0;
	[sflag:s14] =	ssyncadd.s32 $0xFFFFFF80  }
0x19c: {  	[tilespmem:s25], [sflag:$0x1] =	stream.linear.gather @!p3 [hbm4b:s12+s13], $0x80, $0x38;
	[tilespmem:$0x1E400] =	vst v63  }
0x19d: {  	s11 =	simm.s32 $0x0;
	s13 =	rddreg [dreg:$0x8]  }
0x19e: {  	[tilespmem:s4], [sflag:$0x2] =	stream.linear.gather [hbm4b:s13+s11], $0x80, $0x38;
	[tilespmem:$0x1E400] =	vst v63  }
0x19f: {  	s23 =	rddreg [dreg:$0x10]  }
0x1a0: {  	[tilespmem:s29], [sflag:$0x2] =	stream.linear.gather [hbm4b:s23+s11], $0x80, $0x38;
	[tilespmem:$0x1E400] =	vst v63  }
0x1a1: {  	s25 =	rddreg [dreg:$0x11]  }
0x1a2: {  	[tilespmem:s30], [sflag:$0x2] =	stream.linear.gather [hbm4b:s25+s11], $0x80, $0x38;
	[tilespmem:$0x1E400] =	vst v63  }
0x1a3: {  	s26 =	rddreg [dreg:$0x12]  }
0x1a4: {  	[tilespmem:s10], [sflag:$0x2] =	stream.linear.gather [hbm4b:s26+s11], $0x80, $0x38;
	[tilespmem:$0x1E400] =	vst v63  }
0x1a5: {  	s13 =	rddreg [dreg:$0x13]  }
0x1a6: {  	[tilespmem:s17], [sflag:$0x2] =	stream.linear.gather [hbm4b:s13+s11], $0x80, $0x38;
	[tilespmem:$0x1E400] =	vst v63  }
0x1a7: {  	s23 =	rddreg [dreg:$0x14]  }
0x1a8: {  	[tilespmem:s24], [sflag:$0x2] =	stream.linear.gather [hbm4b:s23+s11], $0x80, $0x38;
	[tilespmem:$0x1E400] =	vst v63  }
0x1a9: {  	s25 =	rddreg [dreg:$0x15]  }
0x1aa: {  	[tilespmem:s18], [sflag:$0x2] =	stream.linear.gather [hbm4b:s25+s11], $0x80, $0x38;
	[tilespmem:$0x1E400] =	vst v63  }
0x1ab: {  	s26 =	rddreg [dreg:$0x16]  }
0x1ac: {  	[tilespmem:s19], [sflag:$0x2] =	stream.linear.gather [hbm4b:s26+s11], $0x80, $0x38;
	[tilespmem:$0x1E400] =	vst v63  }
0x1ad: {  	_ =	swait.ge [sflag:s20], $0x80  }
0x1ae: {  	p3 =	por $0x0, $0x0;
	s12 =	sld [smem:$0x7CA]  }
0x1af: {  	s13 =	simm.s32 @!p3 $0x0  }
0x1b0: {  	s23 =	simm.s32 $0x1;
	s25 =	simm.s32 $0x1800;
	[sflag:s20] =	ssyncset.done $0x0  }
0x1b1: {  	s26 =	simm.s32 $0x1880;
	[sflag:s20] =	ssyncadd.s32 $0xFFFFFF80;
	s11 =	sadd.s32 $0x20, s12  }
.LBB2_18:
0x1b2: {  	[tilespmem:s25], [sflag:$0x2] =	stream.linear.gather @!p3 [hbm4b:s12+s13], $0x80, $0x38;
	[tilespmem:$0x1E400] =	vst v63  }
0x1b3: {  	s13 =	smov.u32 s23;
	s23 =	sadd.s32 $0x1, s23  }
0x1b4: {  	p4 =	seq.s32 s23, $0x28  }
.Ltmp14:
0x1b5: {  	(pc) =	sbr.rel @!p4 .LBB2_18-.Ltmp14, $4  }
0x1b6: {  	s25 =	smov.u32 s26;
	s12 =	smov.u32 s11  }
0x1b7: {  	_ =	swait.ge [sflag:s20], $0x80  }
0x1b8: {  	s26 =	sadd.s32 $0x80, s26;
	p3 =	sgt.u32 s13, $0x1F;
	[sflag:s20] =	ssyncset.done $0x0  }
0x1b9: {  	s11 =	sadd.s32 $0x20, s11;
	s13 =	simm.s32 @!p3 $0x0;
	[sflag:s20] =	ssyncadd.s32 $0xFFFFFF80  }
0x1ba: {  	[tilespmem:s25], [sflag:$0x2] =	stream.linear.gather @!p3 [hbm4b:s12+s13], $0x80, $0x38;
	[tilespmem:$0x1E400] =	vst v63  }
.LBB2_25:
0x1bb: {  	s11 =	simm.s32 $0x0  }
0x1bc: {  	[tilespmem:s15], [sflag:$0x1] =	stream.indirect.gather [hbm4b:s1+s22], $0x80, s11, s22, $0xb8;
	[tilespmem:$0x1E400] =	vst v63  }
0x1bd: {  	_ =	swait.ge [sflag:s14], $0x4000  }
0x1be: {  	[sflag:s14] =	ssyncset.done $0x0  }
0x1bf: {  	s13 =	simm.s32 $0x80;
	[sflag:s14] =	ssyncadd.s32 $0xFFFFC000  }
0x1c0: {  	[tilespmem:s21], [sflag:$0x2] =	stream.indirect.gather [hbm4b:s1+s22], $0x80, s13, s22, $0xb8;
	[tilespmem:$0x1E400] =	vst v63  }
0x1c1: {  	s23 =	simm.s32 $0x1400  }
0x1c2: {  	[spmem:s2] =	stream.indirect.scatter.add.f32 [tilespmem:s15], [sflag:$0x3], $0x80, s23, s22, $0xb8;
	[tilespmem:$0x1E400] =	vst v63  }
0x1c3: {  	_ =	swait.ge [sflag:s16], $0x4000  }
0x1c4: {  	[sflag:s16] =	ssyncset.done $0x0  }
0x1c5: {  	[sflag:s16] =	ssyncadd.s32 $0xFFFFC000  }
0x1c6: {  	_ =	swait.ge [sflag:s20], $0x4000  }
0x1c7: {  	[sflag:s20] =	ssyncset.done $0x0  }
0x1c8: {  	s25 =	simm.s32 $0x100;
	[sflag:s20] =	ssyncadd.s32 $0xFFFFC000  }
0x1c9: {  	[tilespmem:s15], [sflag:$0x1] =	stream.indirect.gather [hbm4b:s1+s22], $0x80, s25, s22, $0xb8;
	[tilespmem:$0x1E400] =	vst v63  }
0x1ca: {  	s26 =	simm.s32 $0x1480  }
0x1cb: {  	[spmem:s2] =	stream.indirect.scatter.add.f32 [tilespmem:s21], [sflag:$0x3], $0x80, s26, s22, $0xb8;
	[tilespmem:$0x1E400] =	vst v63  }
0x1cc: {  	_ =	swait.ge [sflag:s16], $0x4000  }
0x1cd: {  	s23 =	simm.s32 $0x400;
	[sflag:s16] =	ssyncset.done $0x0  }
.LBB2_26:
0x1ce: {  	p3 =	sne.s32 s23, $0x4800  }
0x1cf: {  	[sflag:s16] =	ssyncadd.s32 $0xFFFFC000;
	s11 =	smov.u32 s23;
	s23 =	sadd.s32 $0x400, s23  }
0x1d0: {  	_ = 	snop  }
0x1d1: {  	_ =	swait.ge [sflag:s14], $0x4000  }
0x1d2: {  	s11 =	sshra.s32 s11, $0x2;
	[sflag:s14] =	ssyncset.done $0x0  }
0x1d3: {  	s12 =	sadd.s32 $0x80, s11;
	[sflag:s14] =	ssyncadd.s32 $0xFFFFC000  }
0x1d4: {  	[tilespmem:s21], [sflag:$0x2] =	stream.indirect.gather [hbm4b:s1+s22], $0x80, s12, s22, $0xb8;
	[tilespmem:$0x1E400] =	vst v63  }
0x1d5: {  	s12 =	sadd.s32 $0x1400, s11  }
0x1d6: {  	[spmem:s2] =	stream.indirect.scatter.add.f32 [tilespmem:s15], [sflag:$0x3], $0x80, s12, s22, $0xb8;
	[tilespmem:$0x1E400] =	vst v63  }
0x1d7: {  	_ =	swait.ge [sflag:s16], $0x4000  }
0x1d8: {  	[sflag:s16] =	ssyncset.done $0x0  }
0x1d9: {  	[sflag:s16] =	ssyncadd.s32 $0xFFFFC000  }
0x1da: {  	_ =	swait.ge [sflag:s20], $0x4000  }
0x1db: {  	[sflag:s20] =	ssyncset.done $0x0  }
0x1dc: {  	s12 =	sadd.s32 $0x100, s11;
	[sflag:s20] =	ssyncadd.s32 $0xFFFFC000  }
0x1dd: {  	[tilespmem:s15], [sflag:$0x1] =	stream.indirect.gather [hbm4b:s1+s22], $0x80, s12, s22, $0xb8;
	[tilespmem:$0x1E400] =	vst v63  }
.Ltmp15:
0x1de: {  	_ = 	snop;
	(pc) =	sbr.rel @p3 .LBB2_26-.Ltmp15, $4  }
0x1df: {  	s11 =	sadd.s32 $0x1480, s11  }
0x1e0: {  	[spmem:s2] =	stream.indirect.scatter.add.f32 [tilespmem:s21], [sflag:$0x3], $0x80, s11, s22, $0xb8;
	[tilespmem:$0x1E400] =	vst v63  }
0x1e1: {  	_ =	swait.ge [sflag:s16], $0x4000  }
0x1e2: {  	[sflag:s16] =	ssyncset.done $0x0  }
0x1e3: {  	[sflag:s16] =	ssyncadd.s32 $0xFFFFC000  }
0x1e4: {  	_ =	swait.ge [sflag:s14], $0x4000  }
0x1e5: {  	[sflag:s14] =	ssyncset.done $0x0  }
0x1e6: {  	[sflag:s14] =	ssyncadd.s32 $0xFFFFC000  }
0x1e7: {  	[tilespmem:s21], [sflag:$0x2] =	stream.indirect.gather [hbm4b:s1+s22], $0x80, s28, s22, $0xb8;
	[tilespmem:$0x1E400] =	vst v63  }
0x1e8: {  	_ = 	snop  }
0x1e9: {  	[spmem:s2] =	stream.indirect.scatter.add.f32 [tilespmem:s15], [sflag:$0x3], $0x80, s31, s22, $0xb8;
	[tilespmem:$0x1E400] =	vst v63  }
0x1ea: {  	_ =	swait.ge [sflag:s16], $0x4000  }
0x1eb: {  	[sflag:s16] =	ssyncset.done $0x0  }
0x1ec: {  	[sflag:s16] =	ssyncadd.s32 $0xFFFFC000  }
0x1ed: {  	_ =	swait.ge [sflag:s20], $0x4000  }
0x1ee: {  	[sflag:s20] =	ssyncset.done $0x0  }
0x1ef: {  	[sflag:s20] =	ssyncadd.s32 $0xFFFFC000  }
0x1f0: {  	[spmem:s2] =	stream.indirect.scatter.add.f32 [tilespmem:s21], [sflag:$0x3], $0x80, s0, s22, $0xb8;
	[tilespmem:$0x1E400] =	vst v63  }
.Ltmp16:
0x1f1: {  	_ =	swait.ge [sflag:s16], $0x4000;
	(pc) =	sbr.rel @!p0 .LBB2_28-.Ltmp16, $4  }
0x1f2: {  	[sflag:s16] =	ssyncset.done $0x0  }
0x1f3: {  	s11 =	stileid.u32;
	[sflag:s16] =	ssyncadd.s32 $0xFFFFC000  }
0x1f4: {  	s12 =	sshll.u32 s11, $0x6;
	[bflag:$0x0] =	sbarrier.arrive $0xFFFF  }
0x1f5: {  	s11 =	sshrl.u32 s5, $0x3;
	s23 =	sor.u32 $0x1C03, s12  }
0x1f6: {  	s23 =	sor.u32 $0x1C03, s12;
	s13 =	rddreg [dreg:$0x1b]  }
0x1f7: {  	[hbm:s13], [sflag:s23] =	dma.local [spmem:s11], $0x800  }
0x1f8: {  	_ =	swait.ge [sflag:s16], $0x800  }
0x1f9: {  	[sflag:s16] =	ssyncset.done $0x0  }
0x1fa: {  	s25 =	sshrl.u32 s6, $0x3;
	s26 =	rddreg [dreg:$0x1d];
	[sflag:s16] =	ssyncadd.s32 $0xFFFFF800  }
0x1fb: {  	[hbm:s26], [sflag:s23] =	dma.local [spmem:s25], $0x800  }
0x1fc: {  	_ =	swait.ge [sflag:s16], $0x800  }
0x1fd: {  	[sflag:s16] =	ssyncset.done $0x0  }
0x1fe: {  	s12 =	sshrl.u32 s7, $0x3;
	s13 =	rddreg [dreg:$0x1f];
	[sflag:s16] =	ssyncadd.s32 $0xFFFFF800  }
0x1ff: {  	[hbm:s13], [sflag:s23] =	dma.local [spmem:s12], $0x800  }
0x200: {  	_ =	swait.ge [sflag:s16], $0x800  }
0x201: {  	s26 =	sld [smem:$0x7C5]  }
0x202: {  	[sflag:s16] =	ssyncset.done $0x0  }
0x203: {  	s25 =	sshrl.u32 s8, $0x3;
	[sflag:s16] =	ssyncadd.s32 $0xFFFFF800  }
0x204: {  	[hbm:s26], [sflag:s23] =	dma.local [spmem:s25], $0x800  }
.Ltmp17:
0x205: {  	_ = 	snop;
	(pc) =	sbr.rel @p2 .LBB2_31-.Ltmp17, $4  }
.Ltmp18:
0x206: {  	_ = 	snop;
	(pc) =	sbr.rel @!p2 .LBB2_30-.Ltmp18, $4  }
0x207: {  	_ =	swait.ge [sflag:s16], $0x800  }
0x208: {  	[sflag:s16] =	ssyncset.done $0x0  }
0x209: {  	s11 =	rddreg [dreg:$0x18];
	[sflag:s16] =	ssyncadd.s32 $0xFFFFF800  }
0x20a: {  	_ = 	snop  }
.LBB2_28:
0x20b: {  	s12 =	rddreg [dreg:$0x1a]  }
0x20c: {  	[hbm:s12], [sflag:s23] =	dma.local [spmem:s11], $0x800  }
0x20d: {  	_ =	swait.ge [sflag:s16], $0x800  }
0x20e: {  	[sflag:s16] =	ssyncset.done $0x0  }
0x20f: {  	s25 =	sshrl.u32 s6, $0x3;
	s26 =	rddreg [dreg:$0x1c];
	[sflag:s16] =	ssyncadd.s32 $0xFFFFF800  }
0x210: {  	[hbm:s26], [sflag:s23] =	dma.local [spmem:s25], $0x800  }
0x211: {  	_ =	swait.ge [sflag:s16], $0x800  }
0x212: {  	[sflag:s16] =	ssyncset.done $0x0  }
0x213: {  	s12 =	sshrl.u32 s7, $0x3;
	s13 =	rddreg [dreg:$0x1e];
	[sflag:s16] =	ssyncadd.s32 $0xFFFFF800  }
0x214: {  	[hbm:s13], [sflag:s23] =	dma.local [spmem:s12], $0x800  }
0x215: {  	_ =	swait.ge [sflag:s16], $0x800  }
0x216: {  	s26 =	sld [smem:$0x7C4]  }
0x217: {  	[sflag:s16] =	ssyncset.done $0x0  }
0x218: {  	s25 =	sshrl.u32 s8, $0x3;
	[sflag:s16] =	ssyncadd.s32 $0xFFFFF800  }
0x219: {  	[hbm:s26], [sflag:s23] =	dma.local [spmem:s25], $0x800  }
.Ltmp19:
0x21a: {  	_ = 	snop;
	(pc) =	sbr.rel @p2 .LBB2_31-.Ltmp19, $4  }
.Ltmp20:
0x21b: {  	_ = 	snop;
	(pc) =	sbr.rel @!p2 .LBB2_30-.Ltmp20, $4  }
0x21c: {  	_ =	swait.ge [sflag:s16], $0x800  }
0x21d: {  	[sflag:s16] =	ssyncset.done $0x0  }
0x21e: {  	s11 =	rddreg [dreg:$0x17];
	[sflag:s16] =	ssyncadd.s32 $0xFFFFF800  }
0x21f: {  	_ = 	snop  }
.LBB2_32:
0x220: {  	_ =	sfence.sel $0x180000  }
0x221: {  	[bflag:$0x0] =	sbarrier.arrive $0xFFFF  }
0x222: {  	_ =	strace $0x9000004A  }
0x223: {  	s0 =	stileid.u32;
	[bflag:$0x2] =	sbarrier.arrive $0xFFFF  }
0x224: {  	p0 =	sne.s32 s0, $0x0;
	s0 =	rddreg [dreg:$0x4]  }
0x225: {  	s0 =	sadd.s32 @!p0 $0x100000, s0  }
0x226: {  	[sflag:s0] =	ssyncadd.tile.s32 @!p0 $0x1;
	_ =	shalt  }
.Lfunc_end2:
_tile_overlayer_lowered:
.L_overlay_start_2:
0x227: {  	(tag) =	ssettag $0x2  }
0x228: {  	s0 =	rddreg [dreg:$0x0];
	s2 =	stileid.u32  }
0x229: {  	s1 =	rddreg [dreg:$0x1];
	p0 =	sne.s32 s2, $0x0  }
0x22a: {  	s3 =	rddreg [dreg:$0x2];
	[bflag:$0x3] =	sbarrier.arrive $0xFFFF;
	s2 =	simm.s32 @!p0 $0x1C03  }
0x22b: {  	[timem:s3], [sflag:s2] =	dma.local @!p0 [hbm:s0], s1  }
0x22c: {  	s0 =	simm.s32 @!p0 $0x3  }
0x22d: {  	_ =	swait.ge @!p0 [sflag:s0], s1  }
0x22e: {  	s1 =	ssub.s32 @!p0 $0x0, s1;
	[sflag:s0] =	ssyncset.done @!p0 $0x0  }
0x22f: {  	[sflag:s0] =	ssyncadd.s32 @!p0 s1  }
0x230: {  	[bflag:$0x3] =	sbarrier.arrive $0xFFFF  }
0x231: {  	_ =	shalt  }

</sc_bundles>
